<compile_context>
chip_gen: v7x
topology: tpu7x:2x2x1
jax: 0.10.2.dev20260603
libtpu: 0.0.44.dev20260713+nightly
codegen_flags: <defaults>
</compile_context>

<pallas_src>
import functools

import jax
import jax.numpy as jnp
from jax import lax
from jax.experimental import pallas as pl
from jax.experimental.pallas import tpu as pltpu
from jax.experimental.pallas import tpu_sc as plsc

P = 32
E = 50000
F = 1600000
M = 64
N = 65536
PE1 = P * E + 1

VR = F // 128

NC = 2
NS = 16
NW = NC * NS
QPW = N // NW
CH = 64
NCHUNK = QPW // CH
LANES = 16
NG = CH // LANES
PO_OFF = 128 * 128

_MESH = plsc.VectorSubcoreMesh(core_axis_name="c", subcore_axis_name="s")
_PARAMS = pltpu.CompilerParams(needs_layout_passes=False)


def _sc_offsets(preds32, bounds32, dirs32, ps_off32, po_off32):
    @functools.partial(
        pl.kernel,
        out_type=[
            jax.ShapeDtypeStruct((N,), jnp.int32),
            jax.ShapeDtypeStruct((N,), jnp.int32),
        ],
        mesh=_MESH,
        compiler_params=_PARAMS,
        scratch_types=[
            pltpu.VMEM((QPW,), jnp.int32),
            pltpu.VMEM((QPW,), jnp.int32),
            pltpu.VMEM((QPW,), jnp.int32),
            pltpu.VMEM((QPW,), jnp.int32),
            pltpu.VMEM((QPW,), jnp.int32),
            pltpu.VMEM((2 * CH,), jnp.int32),
            pltpu.VMEM((2 * CH,), jnp.int32),
            pltpu.VMEM((2 * CH,), jnp.int32),
            pltpu.VMEM((2 * CH,), jnp.int32),
            pltpu.VMEM((2 * CH,), jnp.int32),
            pltpu.VMEM((2 * CH,), jnp.int32),
            pltpu.SemaphoreType.DMA,
            pltpu.SemaphoreType.DMA,
        ],
    )
    def body(p_hbm, b_hbm, d_hbm, pso_hbm, poo_hbm, st_hbm, cnt_hbm,
             pv, bv, dv, st_acc, cnt_acc,
             idx0, idx1, sops0, sops1, sopo0, sopo1, sem0, sem1):
        wid = lax.axis_index("s") * NC + lax.axis_index("c")
        qw = wid * jnp.int32(QPW)
        pltpu.sync_copy(p_hbm.at[pl.ds(qw, QPW)], pv)
        pltpu.sync_copy(b_hbm.at[pl.ds(qw, QPW)], bv)
        pltpu.sync_copy(d_hbm.at[pl.ds(qw, QPW)], dv)
        idx = (idx0, idx1)
        sops = (sops0, sops1)
        sopo = (sopo0, sopo1)
        sem = (sem0, sem1)

        def issue(c, par):
            cb = c * jnp.int32(CH)
            for g in range(NG):
                s = pl.ds(cb + g * LANES, LANES)
                k = pv[s] * jnp.int32(E) + bv[s]
                idx[par][pl.ds(g * LANES, LANES)] = k
                idx[par][pl.ds(CH + g * LANES, LANES)] = k + jnp.int32(1)
            pltpu.async_copy(pso_hbm.at[idx[par]], sops[par], sem[par])
            pltpu.async_copy(poo_hbm.at[idx[par]], sopo[par], sem[par])

        def wait(par):
            pltpu.make_async_copy(pso_hbm.at[idx[par]], sops[par],
                                  sem[par]).wait()
            pltpu.make_async_copy(poo_hbm.at[idx[par]], sopo[par],
                                  sem[par]).wait()

        def consume(c, par):
            cb = c * jnp.int32(CH)
            for g in range(NG):
                sl = pl.ds(g * LANES, LANES)
                sh = pl.ds(CH + g * LANES, LANES)
                dmask = dv[pl.ds(cb + g * LANES, LANES)] != jnp.int32(0)
                st = jnp.where(dmask, sopo[par][sl], sops[par][sl])
                en = jnp.where(dmask, sopo[par][sh], sops[par][sh])
                cnt = jnp.minimum(jnp.maximum(en - st, jnp.int32(0)),
                                  jnp.int32(M))
                st_acc[pl.ds(cb + g * LANES, LANES)] = st
                cnt_acc[pl.ds(cb + g * LANES, LANES)] = cnt

        issue(jnp.int32(0), 0)

        def pipe(i, carry):
            c0 = jnp.int32(2) * i
            c1 = c0 + jnp.int32(1)
            issue(c1, 1)
            wait(0)
            consume(c0, 0)

            @pl.when(c1 + jnp.int32(1) < jnp.int32(NCHUNK))
            def _():
                issue(c1 + jnp.int32(1), 0)

            wait(1)
            consume(c1, 1)
            return carry

        lax.fori_loop(jnp.int32(0), jnp.int32(NCHUNK // 2), pipe,
                      jnp.int32(0))
        pltpu.sync_copy(st_acc, st_hbm.at[pl.ds(qw, QPW)])
        pltpu.sync_copy(cnt_acc, cnt_hbm.at[pl.ds(qw, QPW)])

    return body(preds32, bounds32, dirs32, ps_off32, po_off32)


def _sc_rows(dirs32, starts, psv, pov):
    @functools.partial(
        pl.kernel,
        out_type=jax.ShapeDtypeStruct((M, N), jnp.int32),
        mesh=_MESH,
        compiler_params=_PARAMS,
        scratch_types=[
            pltpu.VMEM((QPW,), jnp.int32),
            pltpu.VMEM((QPW,), jnp.int32),
            pltpu.VMEM((2 * CH,), jnp.int32),
            pltpu.VMEM((2 * CH,), jnp.int32),
            pltpu.VMEM((CH,), jnp.int32),
            pltpu.VMEM((CH,), jnp.int32),
            pltpu.VMEM((CH,), jnp.int32),
            pltpu.VMEM((CH,), jnp.int32),
            pltpu.VMEM((4 * CH, 2 * M), jnp.int32),
            pltpu.VMEM((4 * CH, 2 * M), jnp.int32),
            pltpu.VMEM((M, 2 * CH), jnp.int32),
            pltpu.SemaphoreType.DMA,
            pltpu.SemaphoreType.DMA,
        ],
    )
    def body(d_hbm, st_hbm, psv_hbm, pov_hbm, cand_hbm,
             dv, stv, rows0, rows1, addr0, addr1, alim0, alim1,
             bufs0, bufs1, out_v, semr0, semr1):
        wid = lax.axis_index("s") * NC + lax.axis_index("c")
        qw = wid * jnp.int32(QPW)
        pltpu.sync_copy(d_hbm.at[pl.ds(qw, QPW)], dv)
        pltpu.sync_copy(st_hbm.at[pl.ds(qw, QPW)], stv)
        iota = lax.iota(jnp.int32, LANES)
        rows = (rows0, rows1)
        addr = (addr0, addr1)
        alim = (alim0, alim1)
        bufs = (bufs0, bufs1)
        semr = (semr0, semr1)

        def compute(c, par):
            cb = c * jnp.int32(CH)
            for g in range(NG):
                sl = pl.ds(g * LANES, LANES)
                dmask = dv[pl.ds(cb + g * LANES, LANES)] != jnp.int32(0)
                st = stv[pl.ds(cb + g * LANES, LANES)]
                stc = jnp.minimum(st, jnp.int32(F - 1))
                r0 = lax.shift_right_logical(stc, jnp.int32(7))
                r0c = jnp.minimum(r0, jnp.int32(VR - 2))
                lq = iota + jnp.int32(g * LANES)
                plsc.store_scatter(rows[par], [jnp.int32(2) * lq], r0c)
                plsc.store_scatter(rows[par],
                                   [jnp.int32(2) * lq + jnp.int32(1)],
                                   r0c + jnp.int32(1))
                base = (jnp.where(dmask, jnp.int32(PO_OFF), jnp.int32(0))
                        + lq * jnp.int32(4 * M)
                        - jnp.int32(128) * r0c)
                addr[par][sl] = base + stc
                alim[par][sl] = base + jnp.int32(F - 1)

        def issue_rows(par):
            pltpu.async_copy(psv_hbm.at[rows[par]],
                             bufs[par].at[pl.ds(0, 2 * CH)], semr[par])
            pltpu.async_copy(pov_hbm.at[rows[par]],
                             bufs[par].at[pl.ds(2 * CH, 2 * CH)], semr[par])

        def wait_rows(par):
            pltpu.make_async_copy(psv_hbm.at[rows[par]],
                                  bufs[par].at[pl.ds(0, 2 * CH)],
                                  semr[par]).wait()
            pltpu.make_async_copy(pov_hbm.at[rows[par]],
                                  bufs[par].at[pl.ds(2 * CH, 2 * CH)],
                                  semr[par]).wait()

        def extract(par, colhalf):
            b = bufs[par]
            for g in range(NG):
                lqo = iota + jnp.int32(g * LANES + colhalf * CH)
                al = alim[par][pl.ds(g * LANES, LANES)]

                def jl(j, acc):
                    a, cj = acc
                    r = lax.shift_right_logical(a, jnp.int32(7))
                    col = lax.bitwise_and(a, jnp.int32(127))
                    vals = plsc.load_gather(b, [r, col])
                    plsc.store_scatter(out_v, [cj, lqo], vals)
                    return (jnp.minimum(a + jnp.int32(1), al),
                            cj + jnp.int32(1))

                lax.fori_loop(0, M, jl,
                              (addr[par][pl.ds(g * LANES, LANES)],
                               jnp.zeros((LANES,), jnp.int32)),
                              unroll=8)

        def out_dma(c_low):
            start = pl.multiple_of(qw + c_low * jnp.int32(CH), 2 * CH)
            pltpu.sync_copy(out_v, cand_hbm.at[:, pl.ds(start, 2 * CH)])

        compute(jnp.int32(0), 0)
        issue_rows(0)

        def pipe(i, carry):
            c0 = jnp.int32(2) * i
            c1 = c0 + jnp.int32(1)
            compute(c1, 1)
            issue_rows(1)

            @pl.when(i > jnp.int32(0))
            def _():
                out_dma(c0 - jnp.int32(2))

            wait_rows(0)
            extract(0, 0)

            @pl.when(c1 + jnp.int32(1) < jnp.int32(NCHUNK))
            def _():
                compute(c1 + jnp.int32(1), 0)
                issue_rows(0)

            wait_rows(1)
            extract(1, 1)
            return carry

        lax.fori_loop(jnp.int32(0), jnp.int32(NCHUNK // 2), pipe,
                      jnp.int32(0))
        out_dma(jnp.int32(NCHUNK - 2))

    return body(dirs32, starts, psv, pov)


def kernel(preds, bound_args, direction, ps_sorted_objs, ps_offsets,
           po_sorted_subjs, po_offsets):
    p32 = preds.astype(jnp.int32)
    b32 = bound_args.astype(jnp.int32)
    d32 = direction.astype(jnp.int32)
    pso32 = ps_offsets.astype(jnp.int32)
    poo32 = po_offsets.astype(jnp.int32)
    starts, counts = _sc_offsets(p32, b32, d32, pso32, poo32)
    psv = ps_sorted_objs.astype(jnp.int32).reshape(VR, 128)
    pov = po_sorted_subjs.astype(jnp.int32).reshape(VR, 128)
    candT = _sc_rows(d32, starts, psv, pov)
    candidates = candT.T.astype(jnp.uint32).astype(jnp.int64)
    valid = jnp.arange(M, dtype=jnp.int32)[None, :] < counts[:, None]
    return candidates, valid

# --- scband reference (transcript-rebuilt; emitter-appended) ---
"""Pipeline reference for scband-block-sparse-fact-index-16346645528845 (READ-ONLY COPY).

The authoritative reference and input builder live on the scoring server;
editing this copy changes nothing except your own understanding.
"""

import jax, jax.numpy as jnp
import numpy as np

jax.config.update("jax_enable_x64", True)

P = 32          # num_predicates
E = 50000       # num_entities
F = 1600000     # num facts
M = 64          # max_facts_per_query
N = 65536       # number of enumerate queries
PACK_BASE = max(50000, 50001) + 2  # constant_no=50000, padding_idx=50001


def setup_inputs(seed: int = 0) -> dict:
    key = jax.random.key(seed)
    k1, k2, k3, k4, k5, k6 = jax.random.split(key, 6)
    # facts_idx columns: [pred, subj, obj]
    f_preds = jax.random.randint(k1, (F,), 0, P, dtype=jnp.int64)
    f_subjs = jax.random.randint(k2, (F,), 0, E, dtype=jnp.int64)
    f_objs = jax.random.randint(k3, (F,), 0, E, dtype=jnp.int64)
    # constructor: sort facts by packed 64-bit hash
    hashes = (f_preds * PACK_BASE + f_subjs) * PACK_BASE + f_objs
    order = jnp.argsort(hashes)
    f_preds = f_preds[order]
    f_subjs = f_subjs[order]
    f_objs = f_objs[order]
    # _build_inverted_indices: (pred,subj)->objs table
    ps_keys = f_preds * E + f_subjs
    ps_idx = jnp.argsort(ps_keys)
    ps_sorted_keys = ps_keys[ps_idx]
    ps_sorted_objs = f_objs[ps_idx]
    ps_offsets = jnp.cumsum(
        jnp.zeros((P * E + 1,), dtype=jnp.int64).at[ps_sorted_keys + 1].add(1)
    )
    # (pred,obj)->subjs table
    po_keys = f_preds * E + f_objs
    po_idx = jnp.argsort(po_keys)
    po_sorted_keys = po_keys[po_idx]
    po_sorted_subjs = f_subjs[po_idx]
    po_offsets = jnp.cumsum(
        jnp.zeros((P * E + 1,), dtype=jnp.int64).at[po_sorted_keys + 1].add(1)
    )
    # forward (enumerate) query args
    preds = jax.random.randint(k4, (N,), 0, P, dtype=jnp.int64)
    bound_args = jax.random.randint(k5, (N,), 0, E, dtype=jnp.int64)
    direction = jax.random.randint(k6, (N,), 0, 2, dtype=jnp.int64)
    return {
        "preds": preds,
        "bound_args": bound_args,
        "direction": direction,
        "ps_sorted_objs": ps_sorted_objs,
        "ps_offsets": ps_offsets,
        "po_sorted_subjs": po_sorted_subjs,
        "po_offsets": po_offsets,
    }


def reference(preds, bound_args, direction, ps_sorted_objs, ps_offsets, po_sorted_subjs, po_offsets):
    # Faithful port of InvertedFactIndex.enumerate (BlockSparseFactIndex falls
    # back to this offset-table path since dense [P,E,K] exceeds max_memory_mb).
    n = preds.shape[0]
    keys = preds * E + bound_args
    starts_ps = ps_offsets[keys]
    counts_ps = jnp.clip(ps_offsets[keys + 1] - starts_ps, 0, M)
    starts_po = po_offsets[keys]
    counts_po = jnp.clip(po_offsets[keys + 1] - starts_po, 0, M)
    is_obj = direction == 0
    starts = jnp.where(is_obj, starts_ps, starts_po)
    counts = jnp.where(is_obj, counts_ps, counts_po)
    pos = jnp.broadcast_to(jnp.arange(M, dtype=jnp.int64)[None, :], (n, M))
    valid = pos < counts[:, None]
    cap = max(ps_sorted_objs.shape[0], po_sorted_subjs.shape[0]) - 1
    gi = jnp.clip(starts[:, None] + pos, 0, cap)
    gi_ps = jnp.clip(gi, 0, ps_sorted_objs.shape[0] - 1)
    gi_po = jnp.clip(gi, 0, po_sorted_subjs.shape[0] - 1)
    vals_obj = ps_sorted_objs[gi_ps]
    vals_subj = po_sorted_subjs[gi_po]
    candidates = jnp.where(is_obj[:, None], vals_obj, vals_subj)
    return candidates, valid

if __name__ == "__main__":
    import jax
    _d = setup_inputs()
    print(jax.jit(kernel)(*tuple(_d.values())))

</pallas_src>

<mosaic_0001>
#map = affine_map<(d0, d1) -> (0)>
module attributes {stable_mosaic.version = 14 : i64} {
  func.func @body(%arg0: i32, %arg1: i32, %arg2: memref<65536xi32, #tpu.memory_space<hbm>>, %arg3: memref<65536xi32, #tpu.memory_space<hbm>>, %arg4: memref<65536xi32, #tpu.memory_space<hbm>>, %arg5: memref<1600001xi32, #tpu.memory_space<hbm>>, %arg6: memref<1600001xi32, #tpu.memory_space<hbm>>, %arg7: memref<65536xi32, #tpu.memory_space<hbm>>, %arg8: memref<65536xi32, #tpu.memory_space<hbm>>, %arg9: memref<2048xi32, #tpu.memory_space<vmem>>, %arg10: memref<2048xi32, #tpu.memory_space<vmem>>, %arg11: memref<2048xi32, #tpu.memory_space<vmem>>, %arg12: memref<2048xi32, #tpu.memory_space<vmem>>, %arg13: memref<2048xi32, #tpu.memory_space<vmem>>, %arg14: memref<128xi32, #tpu.memory_space<vmem>>, %arg15: memref<128xi32, #tpu.memory_space<vmem>>, %arg16: memref<128xi32, #tpu.memory_space<vmem>>, %arg17: memref<128xi32, #tpu.memory_space<vmem>>, %arg18: memref<128xi32, #tpu.memory_space<vmem>>, %arg19: memref<128xi32, #tpu.memory_space<vmem>>, %arg20: memref<!tpu.dma_semaphore, #tpu.memory_space<semaphore_mem>>, %arg21: memref<!tpu.dma_semaphore, #tpu.memory_space<semaphore_mem>>) attributes {dimension_semantics = [#tpu.dimension_semantics<core_parallel>, #tpu.dimension_semantics<subcore_parallel>], iteration_bounds = array<i64: 2, 16>, scalar_prefetch = 0 : i64, scratch_operands = 13 : i64, tpu.core_type = #tpu.core_type<sc_vector_subcore>, window_params = [{transform_indices = #map}, {transform_indices = #map}, {transform_indices = #map}, {transform_indices = #map}, {transform_indices = #map}, {transform_indices = #map}, {transform_indices = #map}]} {
    %mul3A = arith.constant 2 : i32
    %mul3A_0 = arith.muli %arg1, %mul3A : i32
    %add3A = arith.addi %mul3A_0, %arg0 : i32
    %mul3A_1 = arith.constant 2048 : i32
    %mul3A_2 = arith.muli %add3A, %mul3A_1 : i32
    "tpu.region"() ({
      %run_scoped3A = tpu.sem_alloc : memref<!tpu.dma_semaphore, #tpu.memory_space<semaphore_mem>>
      %dma_start3A_85 = tpu.memref_slice %arg2[%mul3A_2] : memref<65536xi32, #tpu.memory_space<hbm>> -> memref<2048xi32, #tpu.memory_space<hbm>>
      %dma_start3A_86 = tpu.memref_slice %arg2[%mul3A_2] : memref<65536xi32, #tpu.memory_space<hbm>> -> memref<2048xi32, #tpu.memory_space<hbm>>
      tpu.enqueue_dma source(%dma_start3A_86 : memref<2048xi32, #tpu.memory_space<hbm>>) target(%arg9 : memref<2048xi32, #tpu.memory_space<vmem>>) target_semaphore(%run_scoped3A : memref<!tpu.dma_semaphore, #tpu.memory_space<semaphore_mem>>)
      %dma_wait3A = tpu.memref_slice %arg2[%mul3A_2] : memref<65536xi32, #tpu.memory_space<hbm>> -> memref<2048xi32, #tpu.memory_space<hbm>>
      %dma_wait3A_87 = tpu.memref_slice %arg2[%mul3A_2] : memref<65536xi32, #tpu.memory_space<hbm>> -> memref<2048xi32, #tpu.memory_space<hbm>>
      tpu.wait_dma2 semaphore(%run_scoped3A : memref<!tpu.dma_semaphore, #tpu.memory_space<semaphore_mem>>) src(%dma_wait3A_87 : memref<2048xi32, #tpu.memory_space<hbm>>) dst(%arg9 : memref<2048xi32, #tpu.memory_space<vmem>>)
      tpu.yield
    }) : () -> ()
    "tpu.region"() ({
      %run_scoped3A = tpu.sem_alloc : memref<!tpu.dma_semaphore, #tpu.memory_space<semaphore_mem>>
      %dma_start3A_85 = tpu.memref_slice %arg3[%mul3A_2] : memref<65536xi32, #tpu.memory_space<hbm>> -> memref<2048xi32, #tpu.memory_space<hbm>>
      %dma_start3A_86 = tpu.memref_slice %arg3[%mul3A_2] : memref<65536xi32, #tpu.memory_space<hbm>> -> memref<2048xi32, #tpu.memory_space<hbm>>
      tpu.enqueue_dma source(%dma_start3A_86 : memref<2048xi32, #tpu.memory_space<hbm>>) target(%arg10 : memref<2048xi32, #tpu.memory_space<vmem>>) target_semaphore(%run_scoped3A : memref<!tpu.dma_semaphore, #tpu.memory_space<semaphore_mem>>)
      %dma_wait3A = tpu.memref_slice %arg3[%mul3A_2] : memref<65536xi32, #tpu.memory_space<hbm>> -> memref<2048xi32, #tpu.memory_space<hbm>>
      %dma_wait3A_87 = tpu.memref_slice %arg3[%mul3A_2] : memref<65536xi32, #tpu.memory_space<hbm>> -> memref<2048xi32, #tpu.memory_space<hbm>>
      tpu.wait_dma2 semaphore(%run_scoped3A : memref<!tpu.dma_semaphore, #tpu.memory_space<semaphore_mem>>) src(%dma_wait3A_87 : memref<2048xi32, #tpu.memory_space<hbm>>) dst(%arg10 : memref<2048xi32, #tpu.memory_space<vmem>>)
      tpu.yield
    }) : () -> ()
    "tpu.region"() ({
      %run_scoped3A = tpu.sem_alloc : memref<!tpu.dma_semaphore, #tpu.memory_space<semaphore_mem>>
      %dma_start3A_85 = tpu.memref_slice %arg4[%mul3A_2] : memref<65536xi32, #tpu.memory_space<hbm>> -> memref<2048xi32, #tpu.memory_space<hbm>>
      %dma_start3A_86 = tpu.memref_slice %arg4[%mul3A_2] : memref<65536xi32, #tpu.memory_space<hbm>> -> memref<2048xi32, #tpu.memory_space<hbm>>
      tpu.enqueue_dma source(%dma_start3A_86 : memref<2048xi32, #tpu.memory_space<hbm>>) target(%arg11 : memref<2048xi32, #tpu.memory_space<vmem>>) target_semaphore(%run_scoped3A : memref<!tpu.dma_semaphore, #tpu.memory_space<semaphore_mem>>)
      %dma_wait3A = tpu.memref_slice %arg4[%mul3A_2] : memref<65536xi32, #tpu.memory_space<hbm>> -> memref<2048xi32, #tpu.memory_space<hbm>>
      %dma_wait3A_87 = tpu.memref_slice %arg4[%mul3A_2] : memref<65536xi32, #tpu.memory_space<hbm>> -> memref<2048xi32, #tpu.memory_space<hbm>>
      tpu.wait_dma2 semaphore(%run_scoped3A : memref<!tpu.dma_semaphore, #tpu.memory_space<semaphore_mem>>) src(%dma_wait3A_87 : memref<2048xi32, #tpu.memory_space<hbm>>) dst(%arg11 : memref<2048xi32, #tpu.memory_space<vmem>>)
      tpu.yield
    }) : () -> ()
    %mul3A_3 = arith.constant 0 : i32
    %mul3A_4 = arith.constant 64 : i32
    %mul3A_5 = arith.muli %mul3A_3, %mul3A_4 : i32
    %add3A_6 = arith.constant 0 : i32
    %add3A_7 = arith.addi %mul3A_5, %add3A_6 : i32
    %get3A = arith.index_cast %add3A_7 : i32 to index
    %get3A_8 = tpu.vector_load %arg9[%get3A] {strides = array<i32>} : memref<2048xi32, #tpu.memory_space<vmem>>, vector<16xi32>,
    %mul3A_9 = arith.constant 50000 : i32
    %mul3A_10 = vector.broadcast %mul3A_9 : i32 to vector<16xi32>
    %mul3A_11 = arith.muli %get3A_8, %mul3A_10 : vector<16xi32>
    %get3A_12 = arith.index_cast %add3A_7 : i32 to index
    %get3A_13 = tpu.vector_load %arg10[%get3A_12] {strides = array<i32>} : memref<2048xi32, #tpu.memory_space<vmem>>, vector<16xi32>,
    %add3A_14 = arith.addi %mul3A_11, %get3A_13 : vector<16xi32>
    %swap3A = arith.constant 0 : index
    %swap3A_15 = tpu.vector_load %arg14[%swap3A] {strides = array<i32>} : memref<128xi32, #tpu.memory_space<vmem>>, vector<16xi32>,
    tpu.vector_store %arg14[%swap3A], %add3A_14 {strides = array<i32>} : memref<128xi32, #tpu.memory_space<vmem>>, vector<16xi32>,
    %add3A_16 = arith.constant 1 : i32
    %add3A_17 = vector.broadcast %add3A_16 : i32 to vector<16xi32>
    %add3A_18 = arith.addi %add3A_14, %add3A_17 : vector<16xi32>
    %swap3A_19 = arith.constant 64 : index
    %swap3A_20 = tpu.vector_load %arg14[%swap3A_19] {strides = array<i32>} : memref<128xi32, #tpu.memory_space<vmem>>, vector<16xi32>,
    tpu.vector_store %arg14[%swap3A_19], %add3A_18 {strides = array<i32>} : memref<128xi32, #tpu.memory_space<vmem>>, vector<16xi32>,
    %add3A_21 = arith.constant 16 : i32
    %add3A_22 = arith.addi %mul3A_5, %add3A_21 : i32
    %get3A_23 = arith.index_cast %add3A_22 : i32 to index
    %get3A_24 = tpu.vector_load %arg9[%get3A_23] {strides = array<i32>} : memref<2048xi32, #tpu.memory_space<vmem>>, vector<16xi32>,
    %mul3A_25 = arith.constant 50000 : i32
    %mul3A_26 = vector.broadcast %mul3A_25 : i32 to vector<16xi32>
    %mul3A_27 = arith.muli %get3A_24, %mul3A_26 : vector<16xi32>
    %get3A_28 = arith.index_cast %add3A_22 : i32 to index
    %get3A_29 = tpu.vector_load %arg10[%get3A_28] {strides = array<i32>} : memref<2048xi32, #tpu.memory_space<vmem>>, vector<16xi32>,
    %add3A_30 = arith.addi %mul3A_27, %get3A_29 : vector<16xi32>
    %swap3A_31 = arith.constant 16 : index
    %swap3A_32 = tpu.vector_load %arg14[%swap3A_31] {strides = array<i32>} : memref<128xi32, #tpu.memory_space<vmem>>, vector<16xi32>,
    tpu.vector_store %arg14[%swap3A_31], %add3A_30 {strides = array<i32>} : memref<128xi32, #tpu.memory_space<vmem>>, vector<16xi32>,
    %add3A_33 = arith.constant 1 : i32
    %add3A_34 = vector.broadcast %add3A_33 : i32 to vector<16xi32>
    %add3A_35 = arith.addi %add3A_30, %add3A_34 : vector<16xi32>
    %swap3A_36 = arith.constant 80 : index
    %swap3A_37 = tpu.vector_load %arg14[%swap3A_36] {strides = array<i32>} : memref<128xi32, #tpu.memory_space<vmem>>, vector<16xi32>,
    tpu.vector_store %arg14[%swap3A_36], %add3A_35 {strides = array<i32>} : memref<128xi32, #tpu.memory_space<vmem>>, vector<16xi32>,
    %add3A_38 = arith.constant 32 : i32
    %add3A_39 = arith.addi %mul3A_5, %add3A_38 : i32
    %get3A_40 = arith.index_cast %add3A_39 : i32 to index
    %get3A_41 = tpu.vector_load %arg9[%get3A_40] {strides = array<i32>} : memref<2048xi32, #tpu.memory_space<vmem>>, vector<16xi32>,
    %mul3A_42 = arith.constant 50000 : i32
    %mul3A_43 = vector.broadcast %mul3A_42 : i32 to vector<16xi32>
    %mul3A_44 = arith.muli %get3A_41, %mul3A_43 : vector<16xi32>
    %get3A_45 = arith.index_cast %add3A_39 : i32 to index
    %get3A_46 = tpu.vector_load %arg10[%get3A_45] {strides = array<i32>} : memref<2048xi32, #tpu.memory_space<vmem>>, vector<16xi32>,
    %add3A_47 = arith.addi %mul3A_44, %get3A_46 : vector<16xi32>
    %swap3A_48 = arith.constant 32 : index
    %swap3A_49 = tpu.vector_load %arg14[%swap3A_48] {strides = array<i32>} : memref<128xi32, #tpu.memory_space<vmem>>, vector<16xi32>,
    tpu.vector_store %arg14[%swap3A_48], %add3A_47 {strides = array<i32>} : memref<128xi32, #tpu.memory_space<vmem>>, vector<16xi32>,
    %add3A_50 = arith.constant 1 : i32
    %add3A_51 = vector.broadcast %add3A_50 : i32 to vector<16xi32>
    %add3A_52 = arith.addi %add3A_47, %add3A_51 : vector<16xi32>
    %swap3A_53 = arith.constant 96 : index
    %swap3A_54 = tpu.vector_load %arg14[%swap3A_53] {strides = array<i32>} : memref<128xi32, #tpu.memory_space<vmem>>, vector<16xi32>,
    tpu.vector_store %arg14[%swap3A_53], %add3A_52 {strides = array<i32>} : memref<128xi32, #tpu.memory_space<vmem>>, vector<16xi32>,
    %add3A_55 = arith.constant 48 : i32
    %add3A_56 = arith.addi %mul3A_5, %add3A_55 : i32
    %get3A_57 = arith.index_cast %add3A_56 : i32 to index
    %get3A_58 = tpu.vector_load %arg9[%get3A_57] {strides = array<i32>} : memref<2048xi32, #tpu.memory_space<vmem>>, vector<16xi32>,
    %mul3A_59 = arith.constant 50000 : i32
    %mul3A_60 = vector.broadcast %mul3A_59 : i32 to vector<16xi32>
    %mul3A_61 = arith.muli %get3A_58, %mul3A_60 : vector<16xi32>
    %get3A_62 = arith.index_cast %add3A_56 : i32 to index
    %get3A_63 = tpu.vector_load %arg10[%get3A_62] {strides = array<i32>} : memref<2048xi32, #tpu.memory_space<vmem>>, vector<16xi32>,
    %add3A_64 = arith.addi %mul3A_61, %get3A_63 : vector<16xi32>
    %swap3A_65 = arith.constant 48 : index
    %swap3A_66 = tpu.vector_load %arg14[%swap3A_65] {strides = array<i32>} : memref<128xi32, #tpu.memory_space<vmem>>, vector<16xi32>,
    tpu.vector_store %arg14[%swap3A_65], %add3A_64 {strides = array<i32>} : memref<128xi32, #tpu.memory_space<vmem>>, vector<16xi32>,
    %add3A_67 = arith.constant 1 : i32
    %add3A_68 = vector.broadcast %add3A_67 : i32 to vector<16xi32>
    %add3A_69 = arith.addi %add3A_64, %add3A_68 : vector<16xi32>
    %swap3A_70 = arith.constant 112 : index
    %swap3A_71 = tpu.vector_load %arg14[%swap3A_70] {strides = array<i32>} : memref<128xi32, #tpu.memory_space<vmem>>, vector<16xi32>,
    tpu.vector_store %arg14[%swap3A_70], %add3A_69 {strides = array<i32>} : memref<128xi32, #tpu.memory_space<vmem>>, vector<16xi32>,
    %dma_start3A = arith.constant 0 : i32
    %dma_start3A_72 = tpu.memref_slice %arg5[%dma_start3A] : memref<1600001xi32, #tpu.memory_space<hbm>> -> memref<1600001xi32, #tpu.memory_space<hbm>>
    tpu.enqueue_indirect_dma source(%dma_start3A_72 : memref<1600001xi32, #tpu.memory_space<hbm>>) target(%arg16 : memref<128xi32, #tpu.memory_space<vmem>>) offsets(%arg14 : memref<128xi32, #tpu.memory_space<vmem>>) semaphore(%arg20 : memref<!tpu.dma_semaphore, #tpu.memory_space<semaphore_mem>>)
    %dma_start3A_73 = arith.constant 0 : i32
    %dma_start3A_74 = tpu.memref_slice %arg6[%dma_start3A_73] : memref<1600001xi32, #tpu.memory_space<hbm>> -> memref<1600001xi32, #tpu.memory_space<hbm>>
    tpu.enqueue_indirect_dma source(%dma_start3A_74 : memref<1600001xi32, #tpu.memory_space<hbm>>) target(%arg18 : memref<128xi32, #tpu.memory_space<vmem>>) offsets(%arg14 : memref<128xi32, #tpu.memory_space<vmem>>) semaphore(%arg20 : memref<!tpu.dma_semaphore, #tpu.memory_space<semaphore_mem>>)
    %while3A = arith.constant 0 : i32
    %while3A_75 = arith.constant 0 : i32
    %while3A_76 = arith.constant 16 : i32
    %while3A_77 = arith.subi %while3A_76, %while3A_75 : i32
    %while3A_78 = arith.addi %while3A_75, %while3A_77 : i32
    %while3A_79 = arith.constant 1 : i32
    %while3A_80 = arith.divsi %while3A_77, %while3A_79 : i32
    %while3A_81 = arith.muli %while3A_80, %while3A_79 : i32
    %while3A_82 = arith.addi %while3A_75, %while3A_81 : i32
    %while3A_83 = arith.constant 1 : i32
    scf.for %while3A_85 = %while3A_75 to %while3A_82 step %while3A_83  : i32 {
      %mul3A_86 = arith.constant 2 : i32
      %mul3A_87 = arith.muli %mul3A_86, %while3A_85 : i32
      %add3A_88 = arith.constant 1 : i32
      %add3A_89 = arith.addi %mul3A_87, %add3A_88 : i32
      %mul3A_90 = arith.constant 64 : i32
      %mul3A_91 = arith.muli %add3A_89, %mul3A_90 : i32
      %add3A_92 = arith.constant 0 : i32
      %add3A_93 = arith.addi %mul3A_91, %add3A_92 : i32
      %get3A_94 = arith.index_cast %add3A_93 : i32 to index
      %get3A_95 = tpu.vector_load %arg9[%get3A_94] {strides = array<i32>} : memref<2048xi32, #tpu.memory_space<vmem>>, vector<16xi32>,
      %mul3A_96 = arith.constant 50000 : i32
      %mul3A_97 = vector.broadcast %mul3A_96 : i32 to vector<16xi32>
      %mul3A_98 = arith.muli %get3A_95, %mul3A_97 : vector<16xi32>
      %get3A_99 = arith.index_cast %add3A_93 : i32 to index
      %get3A_100 = tpu.vector_load %arg10[%get3A_99] {strides = array<i32>} : memref<2048xi32, #tpu.memory_space<vmem>>, vector<16xi32>,
      %add3A_101 = arith.addi %mul3A_98, %get3A_100 : vector<16xi32>
      %swap3A_102 = arith.constant 0 : index
      %swap3A_103 = tpu.vector_load %arg15[%swap3A_102] {strides = array<i32>} : memref<128xi32, #tpu.memory_space<vmem>>, vector<16xi32>,
      tpu.vector_store %arg15[%swap3A_102], %add3A_101 {strides = array<i32>} : memref<128xi32, #tpu.memory_space<vmem>>, vector<16xi32>,
      %add3A_104 = arith.constant 1 : i32
      %add3A_105 = vector.broadcast %add3A_104 : i32 to vector<16xi32>
      %add3A_106 = arith.addi %add3A_101, %add3A_105 : vector<16xi32>
      %swap3A_107 = arith.constant 64 : index
      %swap3A_108 = tpu.vector_load %arg15[%swap3A_107] {strides = array<i32>} : memref<128xi32, #tpu.memory_space<vmem>>, vector<16xi32>,
      tpu.vector_store %arg15[%swap3A_107], %add3A_106 {strides = array<i32>} : memref<128xi32, #tpu.memory_space<vmem>>, vector<16xi32>,
      %add3A_109 = arith.constant 16 : i32
      %add3A_110 = arith.addi %mul3A_91, %add3A_109 : i32
      %get3A_111 = arith.index_cast %add3A_110 : i32 to index
      %get3A_112 = tpu.vector_load %arg9[%get3A_111] {strides = array<i32>} : memref<2048xi32, #tpu.memory_space<vmem>>, vector<16xi32>,
      %mul3A_113 = arith.constant 50000 : i32
      %mul3A_114 = vector.broadcast %mul3A_113 : i32 to vector<16xi32>
      %mul3A_115 = arith.muli %get3A_112, %mul3A_114 : vector<16xi32>
      %get3A_116 = arith.index_cast %add3A_110 : i32 to index
      %get3A_117 = tpu.vector_load %arg10[%get3A_116] {strides = array<i32>} : memref<2048xi32, #tpu.memory_space<vmem>>, vector<16xi32>,
      %add3A_118 = arith.addi %mul3A_115, %get3A_117 : vector<16xi32>
      %swap3A_119 = arith.constant 16 : index
      %swap3A_120 = tpu.vector_load %arg15[%swap3A_119] {strides = array<i32>} : memref<128xi32, #tpu.memory_space<vmem>>, vector<16xi32>,
      tpu.vector_store %arg15[%swap3A_119], %add3A_118 {strides = array<i32>} : memref<128xi32, #tpu.memory_space<vmem>>, vector<16xi32>,
      %add3A_121 = arith.constant 1 : i32
      %add3A_122 = vector.broadcast %add3A_121 : i32 to vector<16xi32>
      %add3A_123 = arith.addi %add3A_118, %add3A_122 : vector<16xi32>
      %swap3A_124 = arith.constant 80 : index
      %swap3A_125 = tpu.vector_load %arg15[%swap3A_124] {strides = array<i32>} : memref<128xi32, #tpu.memory_space<vmem>>, vector<16xi32>,
      tpu.vector_store %arg15[%swap3A_124], %add3A_123 {strides = array<i32>} : memref<128xi32, #tpu.memory_space<vmem>>, vector<16xi32>,
      %add3A_126 = arith.constant 32 : i32
      %add3A_127 = arith.addi %mul3A_91, %add3A_126 : i32
      %get3A_128 = arith.index_cast %add3A_127 : i32 to index
      %get3A_129 = tpu.vector_load %arg9[%get3A_128] {strides = array<i32>} : memref<2048xi32, #tpu.memory_space<vmem>>, vector<16xi32>,
      %mul3A_130 = arith.constant 50000 : i32
      %mul3A_131 = vector.broadcast %mul3A_130 : i32 to vector<16xi32>
      %mul3A_132 = arith.muli %get3A_129, %mul3A_131 : vector<16xi32>
      %get3A_133 = arith.index_cast %add3A_127 : i32 to index
      %get3A_134 = tpu.vector_load %arg10[%get3A_133] {strides = array<i32>} : memref<2048xi32, #tpu.memory_space<vmem>>, vector<16xi32>,
      %add3A_135 = arith.addi %mul3A_132, %get3A_134 : vector<16xi32>
      %swap3A_136 = arith.constant 32 : index
      %swap3A_137 = tpu.vector_load %arg15[%swap3A_136] {strides = array<i32>} : memref<128xi32, #tpu.memory_space<vmem>>, vector<16xi32>,
      tpu.vector_store %arg15[%swap3A_136], %add3A_135 {strides = array<i32>} : memref<128xi32, #tpu.memory_space<vmem>>, vector<16xi32>,
      %add3A_138 = arith.constant 1 : i32
      %add3A_139 = vector.broadcast %add3A_138 : i32 to vector<16xi32>
      %add3A_140 = arith.addi %add3A_135, %add3A_139 : vector<16xi32>
      %swap3A_141 = arith.constant 96 : index
      %swap3A_142 = tpu.vector_load %arg15[%swap3A_141] {strides = array<i32>} : memref<128xi32, #tpu.memory_space<vmem>>, vector<16xi32>,
      tpu.vector_store %arg15[%swap3A_141], %add3A_140 {strides = array<i32>} : memref<128xi32, #tpu.memory_space<vmem>>, vector<16xi32>,
      %add3A_143 = arith.constant 48 : i32
      %add3A_144 = arith.addi %mul3A_91, %add3A_143 : i32
      %get3A_145 = arith.index_cast %add3A_144 : i32 to index
      %get3A_146 = tpu.vector_load %arg9[%get3A_145] {strides = array<i32>} : memref<2048xi32, #tpu.memory_space<vmem>>, vector<16xi32>,
      %mul3A_147 = arith.constant 50000 : i32
      %mul3A_148 = vector.broadcast %mul3A_147 : i32 to vector<16xi32>
      %mul3A_149 = arith.muli %get3A_146, %mul3A_148 : vector<16xi32>
      %get3A_150 = arith.index_cast %add3A_144 : i32 to index
      %get3A_151 = tpu.vector_load %arg10[%get3A_150] {strides = array<i32>} : memref<2048xi32, #tpu.memory_space<vmem>>, vector<16xi32>,
      %add3A_152 = arith.addi %mul3A_149, %get3A_151 : vector<16xi32>
      %swap3A_153 = arith.constant 48 : index
      %swap3A_154 = tpu.vector_load %arg15[%swap3A_153] {strides = array<i32>} : memref<128xi32, #tpu.memory_space<vmem>>, vector<16xi32>,
      tpu.vector_store %arg15[%swap3A_153], %add3A_152 {strides = array<i32>} : memref<128xi32, #tpu.memory_space<vmem>>, vector<16xi32>,
      %add3A_155 = arith.constant 1 : i32
      %add3A_156 = vector.broadcast %add3A_155 : i32 to vector<16xi32>
      %add3A_157 = arith.addi %add3A_152, %add3A_156 : vector<16xi32>
      %swap3A_158 = arith.constant 112 : index
      %swap3A_159 = tpu.vector_load %arg15[%swap3A_158] {strides = array<i32>} : memref<128xi32, #tpu.memory_space<vmem>>, vector<16xi32>,
      tpu.vector_store %arg15[%swap3A_158], %add3A_157 {strides = array<i32>} : memref<128xi32, #tpu.memory_space<vmem>>, vector<16xi32>,
      %dma_start3A_160 = arith.constant 0 : i32
      %dma_start3A_161 = tpu.memref_slice %arg5[%dma_start3A_160] : memref<1600001xi32, #tpu.memory_space<hbm>> -> memref<1600001xi32, #tpu.memory_space<hbm>>
      tpu.enqueue_indirect_dma source(%dma_start3A_161 : memref<1600001xi32, #tpu.memory_space<hbm>>) target(%arg17 : memref<128xi32, #tpu.memory_space<vmem>>) offsets(%arg15 : memref<128xi32, #tpu.memory_space<vmem>>) semaphore(%arg21 : memref<!tpu.dma_semaphore, #tpu.memory_space<semaphore_mem>>)
      %dma_start3A_162 = arith.constant 0 : i32
      %dma_start3A_163 = tpu.memref_slice %arg6[%dma_start3A_162] : memref<1600001xi32, #tpu.memory_space<hbm>> -> memref<1600001xi32, #tpu.memory_space<hbm>>
      tpu.enqueue_indirect_dma source(%dma_start3A_163 : memref<1600001xi32, #tpu.memory_space<hbm>>) target(%arg19 : memref<128xi32, #tpu.memory_space<vmem>>) offsets(%arg15 : memref<128xi32, #tpu.memory_space<vmem>>) semaphore(%arg21 : memref<!tpu.dma_semaphore, #tpu.memory_space<semaphore_mem>>)
      %dma_wait3A = arith.constant 0 : i32
      %dma_wait3A_164 = tpu.memref_slice %arg5[%dma_wait3A] : memref<1600001xi32, #tpu.memory_space<hbm>> -> memref<1600001xi32, #tpu.memory_space<hbm>>
      tpu.wait_indirect_dma semaphore(%arg20 : memref<!tpu.dma_semaphore, #tpu.memory_space<semaphore_mem>>) src(%dma_wait3A_164 : memref<1600001xi32, #tpu.memory_space<hbm>>) dst(%arg16 : memref<128xi32, #tpu.memory_space<vmem>>)
      %dma_wait3A_165 = arith.constant 0 : i32
      %dma_wait3A_166 = tpu.memref_slice %arg6[%dma_wait3A_165] : memref<1600001xi32, #tpu.memory_space<hbm>> -> memref<1600001xi32, #tpu.memory_space<hbm>>
      tpu.wait_indirect_dma semaphore(%arg20 : memref<!tpu.dma_semaphore, #tpu.memory_space<semaphore_mem>>) src(%dma_wait3A_166 : memref<1600001xi32, #tpu.memory_space<hbm>>) dst(%arg18 : memref<128xi32, #tpu.memory_space<vmem>>)
      %mul3A_167 = arith.constant 64 : i32
      %mul3A_168 = arith.muli %mul3A_87, %mul3A_167 : i32
      %add3A_169 = arith.constant 0 : i32
      %add3A_170 = arith.addi %mul3A_168, %add3A_169 : i32
      %get3A_171 = arith.index_cast %add3A_170 : i32 to index
      %get3A_172 = tpu.vector_load %arg11[%get3A_171] {strides = array<i32>} : memref<2048xi32, #tpu.memory_space<vmem>>, vector<16xi32>,
      %ne3A = arith.constant 0 : i32
      %ne3A_173 = vector.broadcast %ne3A : i32 to vector<16xi32>
      %ne3A_174 = arith.cmpi ne, %get3A_172, %ne3A_173 : vector<16xi32>
      %get3A_175 = arith.constant 0 : index
      %get3A_176 = tpu.vector_load %arg18[%get3A_175] {strides = array<i32>} : memref<128xi32, #tpu.memory_space<vmem>>, vector<16xi32>,
      %get3A_177 = arith.constant 0 : index
      %get3A_178 = tpu.vector_load %arg16[%get3A_177] {strides = array<i32>} : memref<128xi32, #tpu.memory_space<vmem>>, vector<16xi32>,
      %select_n3A = arith.select %ne3A_174, %get3A_176, %get3A_178 : vector<16xi1>, vector<16xi32>
      %get3A_179 = arith.constant 64 : index
      %get3A_180 = tpu.vector_load %arg18[%get3A_179] {strides = array<i32>} : memref<128xi32, #tpu.memory_space<vmem>>, vector<16xi32>,
      %get3A_181 = arith.constant 64 : index
      %get3A_182 = tpu.vector_load %arg16[%get3A_181] {strides = array<i32>} : memref<128xi32, #tpu.memory_space<vmem>>, vector<16xi32>,
      %select_n3A_183 = arith.select %ne3A_174, %get3A_180, %get3A_182 : vector<16xi1>, vector<16xi32>
      %sub3A = arith.subi %select_n3A_183, %select_n3A : vector<16xi32>
      %max3A = arith.constant 0 : i32
      %max3A_184 = vector.broadcast %max3A : i32 to vector<16xi32>
      %max3A_185 = arith.maxsi %sub3A, %max3A_184 : vector<16xi32>
      %min3A = arith.constant 64 : i32
      %min3A_186 = vector.broadcast %min3A : i32 to vector<16xi32>
      %min3A_187 = arith.minsi %max3A_185, %min3A_186 : vector<16xi32>
      %add3A_188 = arith.constant 0 : i32
      %add3A_189 = arith.addi %mul3A_168, %add3A_188 : i32
      %swap3A_190 = arith.index_cast %add3A_189 : i32 to index
      %swap3A_191 = tpu.vector_load %arg12[%swap3A_190] {strides = array<i32>} : memref<2048xi32, #tpu.memory_space<vmem>>, vector<16xi32>,
      tpu.vector_store %arg12[%swap3A_190], %select_n3A {strides = array<i32>} : memref<2048xi32, #tpu.memory_space<vmem>>, vector<16xi32>,
      %add3A_192 = arith.constant 0 : i32
      %add3A_193 = arith.addi %mul3A_168, %add3A_192 : i32
      %swap3A_194 = arith.index_cast %add3A_193 : i32 to index
      %swap3A_195 = tpu.vector_load %arg13[%swap3A_194] {strides = array<i32>} : memref<2048xi32, #tpu.memory_space<vmem>>, vector<16xi32>,
      tpu.vector_store %arg13[%swap3A_194], %min3A_187 {strides = array<i32>} : memref<2048xi32, #tpu.memory_space<vmem>>, vector<16xi32>,
      %add3A_196 = arith.constant 16 : i32
      %add3A_197 = arith.addi %mul3A_168, %add3A_196 : i32
      %get3A_198 = arith.index_cast %add3A_197 : i32 to index
      %get3A_199 = tpu.vector_load %arg11[%get3A_198] {strides = array<i32>} : memref<2048xi32, #tpu.memory_space<vmem>>, vector<16xi32>,
      %ne3A_200 = arith.constant 0 : i32
      %ne3A_201 = vector.broadcast %ne3A_200 : i32 to vector<16xi32>
      %ne3A_202 = arith.cmpi ne, %get3A_199, %ne3A_201 : vector<16xi32>
      %get3A_203 = arith.constant 16 : index
      %get3A_204 = tpu.vector_load %arg18[%get3A_203] {strides = array<i32>} : memref<128xi32, #tpu.memory_space<vmem>>, vector<16xi32>,
      %get3A_205 = arith.constant 16 : index
      %get3A_206 = tpu.vector_load %arg16[%get3A_205] {strides = array<i32>} : memref<128xi32, #tpu.memory_space<vmem>>, vector<16xi32>,
      %select_n3A_207 = arith.select %ne3A_202, %get3A_204, %get3A_206 : vector<16xi1>, vector<16xi32>
      %get3A_208 = arith.constant 80 : index
      %get3A_209 = tpu.vector_load %arg18[%get3A_208] {strides = array<i32>} : memref<128xi32, #tpu.memory_space<vmem>>, vector<16xi32>,
      %get3A_210 = arith.constant 80 : index
      %get3A_211 = tpu.vector_load %arg16[%get3A_210] {strides = array<i32>} : memref<128xi32, #tpu.memory_space<vmem>>, vector<16xi32>,
      %select_n3A_212 = arith.select %ne3A_202, %get3A_209, %get3A_211 : vector<16xi1>, vector<16xi32>
      %sub3A_213 = arith.subi %select_n3A_212, %select_n3A_207 : vector<16xi32>
      %max3A_214 = arith.constant 0 : i32
      %max3A_215 = vector.broadcast %max3A_214 : i32 to vector<16xi32>
      %max3A_216 = arith.maxsi %sub3A_213, %max3A_215 : vector<16xi32>
      %min3A_217 = arith.constant 64 : i32
      %min3A_218 = vector.broadcast %min3A_217 : i32 to vector<16xi32>
      %min3A_219 = arith.minsi %max3A_216, %min3A_218 : vector<16xi32>
      %add3A_220 = arith.constant 16 : i32
      %add3A_221 = arith.addi %mul3A_168, %add3A_220 : i32
      %swap3A_222 = arith.index_cast %add3A_221 : i32 to index
      %swap3A_223 = tpu.vector_load %arg12[%swap3A_222] {strides = array<i32>} : memref<2048xi32, #tpu.memory_space<vmem>>, vector<16xi32>,
      tpu.vector_store %arg12[%swap3A_222], %select_n3A_207 {strides = array<i32>} : memref<2048xi32, #tpu.memory_space<vmem>>, vector<16xi32>,
      %add3A_224 = arith.constant 16 : i32
      %add3A_225 = arith.addi %mul3A_168, %add3A_224 : i32
      %swap3A_226 = arith.index_cast %add3A_225 : i32 to index
      %swap3A_227 = tpu.vector_load %arg13[%swap3A_226] {strides = array<i32>} : memref<2048xi32, #tpu.memory_space<vmem>>, vector<16xi32>,
      tpu.vector_store %arg13[%swap3A_226], %min3A_219 {strides = array<i32>} : memref<2048xi32, #tpu.memory_space<vmem>>, vector<16xi32>,
      %add3A_228 = arith.constant 32 : i32
      %add3A_229 = arith.addi %mul3A_168, %add3A_228 : i32
      %get3A_230 = arith.index_cast %add3A_229 : i32 to index
      %get3A_231 = tpu.vector_load %arg11[%get3A_230] {strides = array<i32>} : memref<2048xi32, #tpu.memory_space<vmem>>, vector<16xi32>,
      %ne3A_232 = arith.constant 0 : i32
      %ne3A_233 = vector.broadcast %ne3A_232 : i32 to vector<16xi32>
      %ne3A_234 = arith.cmpi ne, %get3A_231, %ne3A_233 : vector<16xi32>
      %get3A_235 = arith.constant 32 : index
      %get3A_236 = tpu.vector_load %arg18[%get3A_235] {strides = array<i32>} : memref<128xi32, #tpu.memory_space<vmem>>, vector<16xi32>,
      %get3A_237 = arith.constant 32 : index
      %get3A_238 = tpu.vector_load %arg16[%get3A_237] {strides = array<i32>} : memref<128xi32, #tpu.memory_space<vmem>>, vector<16xi32>,
      %select_n3A_239 = arith.select %ne3A_234, %get3A_236, %get3A_238 : vector<16xi1>, vector<16xi32>
      %get3A_240 = arith.constant 96 : index
      %get3A_241 = tpu.vector_load %arg18[%get3A_240] {strides = array<i32>} : memref<128xi32, #tpu.memory_space<vmem>>, vector<16xi32>,
      %get3A_242 = arith.constant 96 : index
      %get3A_243 = tpu.vector_load %arg16[%get3A_242] {strides = array<i32>} : memref<128xi32, #tpu.memory_space<vmem>>, vector<16xi32>,
      %select_n3A_244 = arith.select %ne3A_234, %get3A_241, %get3A_243 : vector<16xi1>, vector<16xi32>
      %sub3A_245 = arith.subi %select_n3A_244, %select_n3A_239 : vector<16xi32>
      %max3A_246 = arith.constant 0 : i32
      %max3A_247 = vector.broadcast %max3A_246 : i32 to vector<16xi32>
      %max3A_248 = arith.maxsi %sub3A_245, %max3A_247 : vector<16xi32>
      %min3A_249 = arith.constant 64 : i32
      %min3A_250 = vector.broadcast %min3A_249 : i32 to vector<16xi32>
      %min3A_251 = arith.minsi %max3A_248, %min3A_250 : vector<16xi32>
      %add3A_252 = arith.constant 32 : i32
      %add3A_253 = arith.addi %mul3A_168, %add3A_252 : i32
      %swap3A_254 = arith.index_cast %add3A_253 : i32 to index
      %swap3A_255 = tpu.vector_load %arg12[%swap3A_254] {strides = array<i32>} : memref<2048xi32, #tpu.memory_space<vmem>>, vector<16xi32>,
      tpu.vector_store %arg12[%swap3A_254], %select_n3A_239 {strides = array<i32>} : memref<2048xi32, #tpu.memory_space<vmem>>, vector<16xi32>,
      %add3A_256 = arith.constant 32 : i32
      %add3A_257 = arith.addi %mul3A_168, %add3A_256 : i32
      %swap3A_258 = arith.index_cast %add3A_257 : i32 to index
      %swap3A_259 = tpu.vector_load %arg13[%swap3A_258] {strides = array<i32>} : memref<2048xi32, #tpu.memory_space<vmem>>, vector<16xi32>,
      tpu.vector_store %arg13[%swap3A_258], %min3A_251 {strides = array<i32>} : memref<2048xi32, #tpu.memory_space<vmem>>, vector<16xi32>,
      %add3A_260 = arith.constant 48 : i32
      %add3A_261 = arith.addi %mul3A_168, %add3A_260 : i32
      %get3A_262 = arith.index_cast %add3A_261 : i32 to index
      %get3A_263 = tpu.vector_load %arg11[%get3A_262] {strides = array<i32>} : memref<2048xi32, #tpu.memory_space<vmem>>, vector<16xi32>,
      %ne3A_264 = arith.constant 0 : i32
      %ne3A_265 = vector.broadcast %ne3A_264 : i32 to vector<16xi32>
      %ne3A_266 = arith.cmpi ne, %get3A_263, %ne3A_265 : vector<16xi32>
      %get3A_267 = arith.constant 48 : index
      %get3A_268 = tpu.vector_load %arg18[%get3A_267] {strides = array<i32>} : memref<128xi32, #tpu.memory_space<vmem>>, vector<16xi32>,
      %get3A_269 = arith.constant 48 : index
      %get3A_270 = tpu.vector_load %arg16[%get3A_269] {strides = array<i32>} : memref<128xi32, #tpu.memory_space<vmem>>, vector<16xi32>,
      %select_n3A_271 = arith.select %ne3A_266, %get3A_268, %get3A_270 : vector<16xi1>, vector<16xi32>
      %get3A_272 = arith.constant 112 : index
      %get3A_273 = tpu.vector_load %arg18[%get3A_272] {strides = array<i32>} : memref<128xi32, #tpu.memory_space<vmem>>, vector<16xi32>,
      %get3A_274 = arith.constant 112 : index
      %get3A_275 = tpu.vector_load %arg16[%get3A_274] {strides = array<i32>} : memref<128xi32, #tpu.memory_space<vmem>>, vector<16xi32>,
      %select_n3A_276 = arith.select %ne3A_266, %get3A_273, %get3A_275 : vector<16xi1>, vector<16xi32>
      %sub3A_277 = arith.subi %select_n3A_276, %select_n3A_271 : vector<16xi32>
      %max3A_278 = arith.constant 0 : i32
      %max3A_279 = vector.broadcast %max3A_278 : i32 to vector<16xi32>
      %max3A_280 = arith.maxsi %sub3A_277, %max3A_279 : vector<16xi32>
      %min3A_281 = arith.constant 64 : i32
      %min3A_282 = vector.broadcast %min3A_281 : i32 to vector<16xi32>
      %min3A_283 = arith.minsi %max3A_280, %min3A_282 : vector<16xi32>
      %add3A_284 = arith.constant 48 : i32
      %add3A_285 = arith.addi %mul3A_168, %add3A_284 : i32
      %swap3A_286 = arith.index_cast %add3A_285 : i32 to index
      %swap3A_287 = tpu.vector_load %arg12[%swap3A_286] {strides = array<i32>} : memref<2048xi32, #tpu.memory_space<vmem>>, vector<16xi32>,
      tpu.vector_store %arg12[%swap3A_286], %select_n3A_271 {strides = array<i32>} : memref<2048xi32, #tpu.memory_space<vmem>>, vector<16xi32>,
      %add3A_288 = arith.constant 48 : i32
      %add3A_289 = arith.addi %mul3A_168, %add3A_288 : i32
      %swap3A_290 = arith.index_cast %add3A_289 : i32 to index
      %swap3A_291 = tpu.vector_load %arg13[%swap3A_290] {strides = array<i32>} : memref<2048xi32, #tpu.memory_space<vmem>>, vector<16xi32>,
      tpu.vector_store %arg13[%swap3A_290], %min3A_283 {strides = array<i32>} : memref<2048xi32, #tpu.memory_space<vmem>>, vector<16xi32>,
      %add3A_292 = arith.constant 1 : i32
      %add3A_293 = arith.addi %add3A_89, %add3A_292 : i32
      %lt3A = arith.constant 32 : i32
      %lt3A_294 = arith.cmpi slt, %add3A_293, %lt3A : i32
      %convert_element_type3A = arith.extui %lt3A_294 : i1 to i32
      %cond3A = arith.constant 0 : i32
      %cond3A_295 = arith.cmpi ne, %convert_element_type3A, %cond3A : i32
      scf.if %cond3A_295 {
        %add3A_430 = arith.constant 1 : i32
        %add3A_431 = arith.addi %add3A_89, %add3A_430 : i32
        %mul3A_432 = arith.constant 64 : i32
        %mul3A_433 = arith.muli %add3A_431, %mul3A_432 : i32
        %add3A_434 = arith.constant 0 : i32
        %add3A_435 = arith.addi %mul3A_433, %add3A_434 : i32
        %get3A_436 = arith.index_cast %add3A_435 : i32 to index
        %get3A_437 = tpu.vector_load %arg9[%get3A_436] {strides = array<i32>} : memref<2048xi32, #tpu.memory_space<vmem>>, vector<16xi32>,
        %mul3A_438 = arith.constant 50000 : i32
        %mul3A_439 = vector.broadcast %mul3A_438 : i32 to vector<16xi32>
        %mul3A_440 = arith.muli %get3A_437, %mul3A_439 : vector<16xi32>
        %get3A_441 = arith.index_cast %add3A_435 : i32 to index
        %get3A_442 = tpu.vector_load %arg10[%get3A_441] {strides = array<i32>} : memref<2048xi32, #tpu.memory_space<vmem>>, vector<16xi32>,
        %add3A_443 = arith.addi %mul3A_440, %get3A_442 : vector<16xi32>
        %swap3A_444 = arith.constant 0 : index
        %swap3A_445 = tpu.vector_load %arg14[%swap3A_444] {strides = array<i32>} : memref<128xi32, #tpu.memory_space<vmem>>, vector<16xi32>,
        tpu.vector_store %arg14[%swap3A_444], %add3A_443 {strides = array<i32>} : memref<128xi32, #tpu.memory_space<vmem>>, vector<16xi32>,
        %add3A_446 = arith.constant 1 : i32
        %add3A_447 = vector.broadcast %add3A_446 : i32 to vector<16xi32>
        %add3A_448 = arith.addi %add3A_443, %add3A_447 : vector<16xi32>
        %swap3A_449 = arith.constant 64 : index
        %swap3A_450 = tpu.vector_load %arg14[%swap3A_449] {strides = array<i32>} : memref<128xi32, #tpu.memory_space<vmem>>, vector<16xi32>,
        tpu.vector_store %arg14[%swap3A_449], %add3A_448 {strides = array<i32>} : memref<128xi32, #tpu.memory_space<vmem>>, vector<16xi32>,
        %add3A_451 = arith.constant 16 : i32
        %add3A_452 = arith.addi %mul3A_433, %add3A_451 : i32
        %get3A_453 = arith.index_cast %add3A_452 : i32 to index
        %get3A_454 = tpu.vector_load %arg9[%get3A_453] {strides = array<i32>} : memref<2048xi32, #tpu.memory_space<vmem>>, vector<16xi32>,
        %mul3A_455 = arith.constant 50000 : i32
        %mul3A_456 = vector.broadcast %mul3A_455 : i32 to vector<16xi32>
        %mul3A_457 = arith.muli %get3A_454, %mul3A_456 : vector<16xi32>
        %get3A_458 = arith.index_cast %add3A_452 : i32 to index
        %get3A_459 = tpu.vector_load %arg10[%get3A_458] {strides = array<i32>} : memref<2048xi32, #tpu.memory_space<vmem>>, vector<16xi32>,
        %add3A_460 = arith.addi %mul3A_457, %get3A_459 : vector<16xi32>
        %swap3A_461 = arith.constant 16 : index
        %swap3A_462 = tpu.vector_load %arg14[%swap3A_461] {strides = array<i32>} : memref<128xi32, #tpu.memory_space<vmem>>, vector<16xi32>,
        tpu.vector_store %arg14[%swap3A_461], %add3A_460 {strides = array<i32>} : memref<128xi32, #tpu.memory_space<vmem>>, vector<16xi32>,
        %add3A_463 = arith.constant 1 : i32
        %add3A_464 = vector.broadcast %add3A_463 : i32 to vector<16xi32>
        %add3A_465 = arith.addi %add3A_460, %add3A_464 : vector<16xi32>
        %swap3A_466 = arith.constant 80 : index
        %swap3A_467 = tpu.vector_load %arg14[%swap3A_466] {strides = array<i32>} : memref<128xi32, #tpu.memory_space<vmem>>, vector<16xi32>,
        tpu.vector_store %arg14[%swap3A_466], %add3A_465 {strides = array<i32>} : memref<128xi32, #tpu.memory_space<vmem>>, vector<16xi32>,
        %add3A_468 = arith.constant 32 : i32
        %add3A_469 = arith.addi %mul3A_433, %add3A_468 : i32
        %get3A_470 = arith.index_cast %add3A_469 : i32 to index
        %get3A_471 = tpu.vector_load %arg9[%get3A_470] {strides = array<i32>} : memref<2048xi32, #tpu.memory_space<vmem>>, vector<16xi32>,
        %mul3A_472 = arith.constant 50000 : i32
        %mul3A_473 = vector.broadcast %mul3A_472 : i32 to vector<16xi32>
        %mul3A_474 = arith.muli %get3A_471, %mul3A_473 : vector<16xi32>
        %get3A_475 = arith.index_cast %add3A_469 : i32 to index
        %get3A_476 = tpu.vector_load %arg10[%get3A_475] {strides = array<i32>} : memref<2048xi32, #tpu.memory_space<vmem>>, vector<16xi32>,
        %add3A_477 = arith.addi %mul3A_474, %get3A_476 : vector<16xi32>
        %swap3A_478 = arith.constant 32 : index
        %swap3A_479 = tpu.vector_load %arg14[%swap3A_478] {strides = array<i32>} : memref<128xi32, #tpu.memory_space<vmem>>, vector<16xi32>,
        tpu.vector_store %arg14[%swap3A_478], %add3A_477 {strides = array<i32>} : memref<128xi32, #tpu.memory_space<vmem>>, vector<16xi32>,
        %add3A_480 = arith.constant 1 : i32
        %add3A_481 = vector.broadcast %add3A_480 : i32 to vector<16xi32>
        %add3A_482 = arith.addi %add3A_477, %add3A_481 : vector<16xi32>
        %swap3A_483 = arith.constant 96 : index
        %swap3A_484 = tpu.vector_load %arg14[%swap3A_483] {strides = array<i32>} : memref<128xi32, #tpu.memory_space<vmem>>, vector<16xi32>,
        tpu.vector_store %arg14[%swap3A_483], %add3A_482 {strides = array<i32>} : memref<128xi32, #tpu.memory_space<vmem>>, vector<16xi32>,
        %add3A_485 = arith.constant 48 : i32
        %add3A_486 = arith.addi %mul3A_433, %add3A_485 : i32
        %get3A_487 = arith.index_cast %add3A_486 : i32 to index
        %get3A_488 = tpu.vector_load %arg9[%get3A_487] {strides = array<i32>} : memref<2048xi32, #tpu.memory_space<vmem>>, vector<16xi32>,
        %mul3A_489 = arith.constant 50000 : i32
        %mul3A_490 = vector.broadcast %mul3A_489 : i32 to vector<16xi32>
        %mul3A_491 = arith.muli %get3A_488, %mul3A_490 : vector<16xi32>
        %get3A_492 = arith.index_cast %add3A_486 : i32 to index
        %get3A_493 = tpu.vector_load %arg10[%get3A_492] {strides = array<i32>} : memref<2048xi32, #tpu.memory_space<vmem>>, vector<16xi32>,
        %add3A_494 = arith.addi %mul3A_491, %get3A_493 : vector<16xi32>
        %swap3A_495 = arith.constant 48 : index
        %swap3A_496 = tpu.vector_load %arg14[%swap3A_495] {strides = array<i32>} : memref<128xi32, #tpu.memory_space<vmem>>, vector<16xi32>,
        tpu.vector_store %arg14[%swap3A_495], %add3A_494 {strides = array<i32>} : memref<128xi32, #tpu.memory_space<vmem>>, vector<16xi32>,
        %add3A_497 = arith.constant 1 : i32
        %add3A_498 = vector.broadcast %add3A_497 : i32 to vector<16xi32>
        %add3A_499 = arith.addi %add3A_494, %add3A_498 : vector<16xi32>
        %swap3A_500 = arith.constant 112 : index
        %swap3A_501 = tpu.vector_load %arg14[%swap3A_500] {strides = array<i32>} : memref<128xi32, #tpu.memory_space<vmem>>, vector<16xi32>,
        tpu.vector_store %arg14[%swap3A_500], %add3A_499 {strides = array<i32>} : memref<128xi32, #tpu.memory_space<vmem>>, vector<16xi32>,
        %dma_start3A_502 = arith.constant 0 : i32
        %dma_start3A_503 = tpu.memref_slice %arg5[%dma_start3A_502] : memref<1600001xi32, #tpu.memory_space<hbm>> -> memref<1600001xi32, #tpu.memory_space<hbm>>
        tpu.enqueue_indirect_dma source(%dma_start3A_503 : memref<1600001xi32, #tpu.memory_space<hbm>>) target(%arg16 : memref<128xi32, #tpu.memory_space<vmem>>) offsets(%arg14 : memref<128xi32, #tpu.memory_space<vmem>>) semaphore(%arg20 : memref<!tpu.dma_semaphore, #tpu.memory_space<semaphore_mem>>)
        %dma_start3A_504 = arith.constant 0 : i32
        %dma_start3A_505 = tpu.memref_slice %arg6[%dma_start3A_504] : memref<1600001xi32, #tpu.memory_space<hbm>> -> memref<1600001xi32, #tpu.memory_space<hbm>>
        tpu.enqueue_indirect_dma source(%dma_start3A_505 : memref<1600001xi32, #tpu.memory_space<hbm>>) target(%arg18 : memref<128xi32, #tpu.memory_space<vmem>>) offsets(%arg14 : memref<128xi32, #tpu.memory_space<vmem>>) semaphore(%arg20 : memref<!tpu.dma_semaphore, #tpu.memory_space<semaphore_mem>>)
      } else {
      }
      %dma_wait3A_296 = arith.constant 0 : i32
      %dma_wait3A_297 = tpu.memref_slice %arg5[%dma_wait3A_296] : memref<1600001xi32, #tpu.memory_space<hbm>> -> memref<1600001xi32, #tpu.memory_space<hbm>>
      tpu.wait_indirect_dma semaphore(%arg21 : memref<!tpu.dma_semaphore, #tpu.memory_space<semaphore_mem>>) src(%dma_wait3A_297 : memref<1600001xi32, #tpu.memory_space<hbm>>) dst(%arg17 : memref<128xi32, #tpu.memory_space<vmem>>)
      %dma_wait3A_298 = arith.constant 0 : i32
      %dma_wait3A_299 = tpu.memref_slice %arg6[%dma_wait3A_298] : memref<1600001xi32, #tpu.memory_space<hbm>> -> memref<1600001xi32, #tpu.memory_space<hbm>>
      tpu.wait_indirect_dma semaphore(%arg21 : memref<!tpu.dma_semaphore, #tpu.memory_space<semaphore_mem>>) src(%dma_wait3A_299 : memref<1600001xi32, #tpu.memory_space<hbm>>) dst(%arg19 : memref<128xi32, #tpu.memory_space<vmem>>)
      %mul3A_300 = arith.constant 64 : i32
      %mul3A_301 = arith.muli %add3A_89, %mul3A_300 : i32
      %add3A_302 = arith.constant 0 : i32
      %add3A_303 = arith.addi %mul3A_301, %add3A_302 : i32
      %get3A_304 = arith.index_cast %add3A_303 : i32 to index
      %get3A_305 = tpu.vector_load %arg11[%get3A_304] {strides = array<i32>} : memref<2048xi32, #tpu.memory_space<vmem>>, vector<16xi32>,
      %ne3A_306 = arith.constant 0 : i32
      %ne3A_307 = vector.broadcast %ne3A_306 : i32 to vector<16xi32>
      %ne3A_308 = arith.cmpi ne, %get3A_305, %ne3A_307 : vector<16xi32>
      %get3A_309 = arith.constant 0 : index
      %get3A_310 = tpu.vector_load %arg19[%get3A_309] {strides = array<i32>} : memref<128xi32, #tpu.memory_space<vmem>>, vector<16xi32>,
      %get3A_311 = arith.constant 0 : index
      %get3A_312 = tpu.vector_load %arg17[%get3A_311] {strides = array<i32>} : memref<128xi32, #tpu.memory_space<vmem>>, vector<16xi32>,
      %select_n3A_313 = arith.select %ne3A_308, %get3A_310, %get3A_312 : vector<16xi1>, vector<16xi32>
      %get3A_314 = arith.constant 64 : index
      %get3A_315 = tpu.vector_load %arg19[%get3A_314] {strides = array<i32>} : memref<128xi32, #tpu.memory_space<vmem>>, vector<16xi32>,
      %get3A_316 = arith.constant 64 : index
      %get3A_317 = tpu.vector_load %arg17[%get3A_316] {strides = array<i32>} : memref<128xi32, #tpu.memory_space<vmem>>, vector<16xi32>,
      %select_n3A_318 = arith.select %ne3A_308, %get3A_315, %get3A_317 : vector<16xi1>, vector<16xi32>
      %sub3A_319 = arith.subi %select_n3A_318, %select_n3A_313 : vector<16xi32>
      %max3A_320 = arith.constant 0 : i32
      %max3A_321 = vector.broadcast %max3A_320 : i32 to vector<16xi32>
      %max3A_322 = arith.maxsi %sub3A_319, %max3A_321 : vector<16xi32>
      %min3A_323 = arith.constant 64 : i32
      %min3A_324 = vector.broadcast %min3A_323 : i32 to vector<16xi32>
      %min3A_325 = arith.minsi %max3A_322, %min3A_324 : vector<16xi32>
      %add3A_326 = arith.constant 0 : i32
      %add3A_327 = arith.addi %mul3A_301, %add3A_326 : i32
      %swap3A_328 = arith.index_cast %add3A_327 : i32 to index
      %swap3A_329 = tpu.vector_load %arg12[%swap3A_328] {strides = array<i32>} : memref<2048xi32, #tpu.memory_space<vmem>>, vector<16xi32>,
      tpu.vector_store %arg12[%swap3A_328], %select_n3A_313 {strides = array<i32>} : memref<2048xi32, #tpu.memory_space<vmem>>, vector<16xi32>,
      %add3A_330 = arith.constant 0 : i32
      %add3A_331 = arith.addi %mul3A_301, %add3A_330 : i32
      %swap3A_332 = arith.index_cast %add3A_331 : i32 to index
      %swap3A_333 = tpu.vector_load %arg13[%swap3A_332] {strides = array<i32>} : memref<2048xi32, #tpu.memory_space<vmem>>, vector<16xi32>,
      tpu.vector_store %arg13[%swap3A_332], %min3A_325 {strides = array<i32>} : memref<2048xi32, #tpu.memory_space<vmem>>, vector<16xi32>,
      %add3A_334 = arith.constant 16 : i32
      %add3A_335 = arith.addi %mul3A_301, %add3A_334 : i32
      %get3A_336 = arith.index_cast %add3A_335 : i32 to index
      %get3A_337 = tpu.vector_load %arg11[%get3A_336] {strides = array<i32>} : memref<2048xi32, #tpu.memory_space<vmem>>, vector<16xi32>,
      %ne3A_338 = arith.constant 0 : i32
      %ne3A_339 = vector.broadcast %ne3A_338 : i32 to vector<16xi32>
      %ne3A_340 = arith.cmpi ne, %get3A_337, %ne3A_339 : vector<16xi32>
      %get3A_341 = arith.constant 16 : index
      %get3A_342 = tpu.vector_load %arg19[%get3A_341] {strides = array<i32>} : memref<128xi32, #tpu.memory_space<vmem>>, vector<16xi32>,
      %get3A_343 = arith.constant 16 : index
      %get3A_344 = tpu.vector_load %arg17[%get3A_343] {strides = array<i32>} : memref<128xi32, #tpu.memory_space<vmem>>, vector<16xi32>,
      %select_n3A_345 = arith.select %ne3A_340, %get3A_342, %get3A_344 : vector<16xi1>, vector<16xi32>
      %get3A_346 = arith.constant 80 : index
      %get3A_347 = tpu.vector_load %arg19[%get3A_346] {strides = array<i32>} : memref<128xi32, #tpu.memory_space<vmem>>, vector<16xi32>,
      %get3A_348 = arith.constant 80 : index
      %get3A_349 = tpu.vector_load %arg17[%get3A_348] {strides = array<i32>} : memref<128xi32, #tpu.memory_space<vmem>>, vector<16xi32>,
      %select_n3A_350 = arith.select %ne3A_340, %get3A_347, %get3A_349 : vector<16xi1>, vector<16xi32>
      %sub3A_351 = arith.subi %select_n3A_350, %select_n3A_345 : vector<16xi32>
      %max3A_352 = arith.constant 0 : i32
      %max3A_353 = vector.broadcast %max3A_352 : i32 to vector<16xi32>
      %max3A_354 = arith.maxsi %sub3A_351, %max3A_353 : vector<16xi32>
      %min3A_355 = arith.constant 64 : i32
      %min3A_356 = vector.broadcast %min3A_355 : i32 to vector<16xi32>
      %min3A_357 = arith.minsi %max3A_354, %min3A_356 : vector<16xi32>
      %add3A_358 = arith.constant 16 : i32
      %add3A_359 = arith.addi %mul3A_301, %add3A_358 : i32
      %swap3A_360 = arith.index_cast %add3A_359 : i32 to index
      %swap3A_361 = tpu.vector_load %arg12[%swap3A_360] {strides = array<i32>} : memref<2048xi32, #tpu.memory_space<vmem>>, vector<16xi32>,
      tpu.vector_store %arg12[%swap3A_360], %select_n3A_345 {strides = array<i32>} : memref<2048xi32, #tpu.memory_space<vmem>>, vector<16xi32>,
      %add3A_362 = arith.constant 16 : i32
      %add3A_363 = arith.addi %mul3A_301, %add3A_362 : i32
      %swap3A_364 = arith.index_cast %add3A_363 : i32 to index
      %swap3A_365 = tpu.vector_load %arg13[%swap3A_364] {strides = array<i32>} : memref<2048xi32, #tpu.memory_space<vmem>>, vector<16xi32>,
      tpu.vector_store %arg13[%swap3A_364], %min3A_357 {strides = array<i32>} : memref<2048xi32, #tpu.memory_space<vmem>>, vector<16xi32>,
      %add3A_366 = arith.constant 32 : i32
      %add3A_367 = arith.addi %mul3A_301, %add3A_366 : i32
      %get3A_368 = arith.index_cast %add3A_367 : i32 to index
      %get3A_369 = tpu.vector_load %arg11[%get3A_368] {strides = array<i32>} : memref<2048xi32, #tpu.memory_space<vmem>>, vector<16xi32>,
      %ne3A_370 = arith.constant 0 : i32
      %ne3A_371 = vector.broadcast %ne3A_370 : i32 to vector<16xi32>
      %ne3A_372 = arith.cmpi ne, %get3A_369, %ne3A_371 : vector<16xi32>
      %get3A_373 = arith.constant 32 : index
      %get3A_374 = tpu.vector_load %arg19[%get3A_373] {strides = array<i32>} : memref<128xi32, #tpu.memory_space<vmem>>, vector<16xi32>,
      %get3A_375 = arith.constant 32 : index
      %get3A_376 = tpu.vector_load %arg17[%get3A_375] {strides = array<i32>} : memref<128xi32, #tpu.memory_space<vmem>>, vector<16xi32>,
      %select_n3A_377 = arith.select %ne3A_372, %get3A_374, %get3A_376 : vector<16xi1>, vector<16xi32>
      %get3A_378 = arith.constant 96 : index
      %get3A_379 = tpu.vector_load %arg19[%get3A_378] {strides = array<i32>} : memref<128xi32, #tpu.memory_space<vmem>>, vector<16xi32>,
      %get3A_380 = arith.constant 96 : index
      %get3A_381 = tpu.vector_load %arg17[%get3A_380] {strides = array<i32>} : memref<128xi32, #tpu.memory_space<vmem>>, vector<16xi32>,
      %select_n3A_382 = arith.select %ne3A_372, %get3A_379, %get3A_381 : vector<16xi1>, vector<16xi32>
      %sub3A_383 = arith.subi %select_n3A_382, %select_n3A_377 : vector<16xi32>
      %max3A_384 = arith.constant 0 : i32
      %max3A_385 = vector.broadcast %max3A_384 : i32 to vector<16xi32>
      %max3A_386 = arith.maxsi %sub3A_383, %max3A_385 : vector<16xi32>
      %min3A_387 = arith.constant 64 : i32
      %min3A_388 = vector.broadcast %min3A_387 : i32 to vector<16xi32>
      %min3A_389 = arith.minsi %max3A_386, %min3A_388 : vector<16xi32>
      %add3A_390 = arith.constant 32 : i32
      %add3A_391 = arith.addi %mul3A_301, %add3A_390 : i32
      %swap3A_392 = arith.index_cast %add3A_391 : i32 to index
      %swap3A_393 = tpu.vector_load %arg12[%swap3A_392] {strides = array<i32>} : memref<2048xi32, #tpu.memory_space<vmem>>, vector<16xi32>,
      tpu.vector_store %arg12[%swap3A_392], %select_n3A_377 {strides = array<i32>} : memref<2048xi32, #tpu.memory_space<vmem>>, vector<16xi32>,
      %add3A_394 = arith.constant 32 : i32
      %add3A_395 = arith.addi %mul3A_301, %add3A_394 : i32
      %swap3A_396 = arith.index_cast %add3A_395 : i32 to index
      %swap3A_397 = tpu.vector_load %arg13[%swap3A_396] {strides = array<i32>} : memref<2048xi32, #tpu.memory_space<vmem>>, vector<16xi32>,
      tpu.vector_store %arg13[%swap3A_396], %min3A_389 {strides = array<i32>} : memref<2048xi32, #tpu.memory_space<vmem>>, vector<16xi32>,
      %add3A_398 = arith.constant 48 : i32
      %add3A_399 = arith.addi %mul3A_301, %add3A_398 : i32
      %get3A_400 = arith.index_cast %add3A_399 : i32 to index
      %get3A_401 = tpu.vector_load %arg11[%get3A_400] {strides = array<i32>} : memref<2048xi32, #tpu.memory_space<vmem>>, vector<16xi32>,
      %ne3A_402 = arith.constant 0 : i32
      %ne3A_403 = vector.broadcast %ne3A_402 : i32 to vector<16xi32>
      %ne3A_404 = arith.cmpi ne, %get3A_401, %ne3A_403 : vector<16xi32>
      %get3A_405 = arith.constant 48 : index
      %get3A_406 = tpu.vector_load %arg19[%get3A_405] {strides = array<i32>} : memref<128xi32, #tpu.memory_space<vmem>>, vector<16xi32>,
      %get3A_407 = arith.constant 48 : index
      %get3A_408 = tpu.vector_load %arg17[%get3A_407] {strides = array<i32>} : memref<128xi32, #tpu.memory_space<vmem>>, vector<16xi32>,
      %select_n3A_409 = arith.select %ne3A_404, %get3A_406, %get3A_408 : vector<16xi1>, vector<16xi32>
      %get3A_410 = arith.constant 112 : index
      %get3A_411 = tpu.vector_load %arg19[%get3A_410] {strides = array<i32>} : memref<128xi32, #tpu.memory_space<vmem>>, vector<16xi32>,
      %get3A_412 = arith.constant 112 : index
      %get3A_413 = tpu.vector_load %arg17[%get3A_412] {strides = array<i32>} : memref<128xi32, #tpu.memory_space<vmem>>, vector<16xi32>,
      %select_n3A_414 = arith.select %ne3A_404, %get3A_411, %get3A_413 : vector<16xi1>, vector<16xi32>
      %sub3A_415 = arith.subi %select_n3A_414, %select_n3A_409 : vector<16xi32>
      %max3A_416 = arith.constant 0 : i32
      %max3A_417 = vector.broadcast %max3A_416 : i32 to vector<16xi32>
      %max3A_418 = arith.maxsi %sub3A_415, %max3A_417 : vector<16xi32>
      %min3A_419 = arith.constant 64 : i32
      %min3A_420 = vector.broadcast %min3A_419 : i32 to vector<16xi32>
      %min3A_421 = arith.minsi %max3A_418, %min3A_420 : vector<16xi32>
      %add3A_422 = arith.constant 48 : i32
      %add3A_423 = arith.addi %mul3A_301, %add3A_422 : i32
      %swap3A_424 = arith.index_cast %add3A_423 : i32 to index
      %swap3A_425 = tpu.vector_load %arg12[%swap3A_424] {strides = array<i32>} : memref<2048xi32, #tpu.memory_space<vmem>>, vector<16xi32>,
      tpu.vector_store %arg12[%swap3A_424], %select_n3A_409 {strides = array<i32>} : memref<2048xi32, #tpu.memory_space<vmem>>, vector<16xi32>,
      %add3A_426 = arith.constant 48 : i32
      %add3A_427 = arith.addi %mul3A_301, %add3A_426 : i32
      %swap3A_428 = arith.index_cast %add3A_427 : i32 to index
      %swap3A_429 = tpu.vector_load %arg13[%swap3A_428] {strides = array<i32>} : memref<2048xi32, #tpu.memory_space<vmem>>, vector<16xi32>,
      tpu.vector_store %arg13[%swap3A_428], %min3A_421 {strides = array<i32>} : memref<2048xi32, #tpu.memory_space<vmem>>, vector<16xi32>,
    }
    %while3A_84 = arith.constant 1 : i32
    scf.for %while3A_85 = %while3A_82 to %while3A_78 step %while3A_84  : i32 {
      %mul3A_86 = arith.constant 2 : i32
      %mul3A_87 = arith.muli %mul3A_86, %while3A_85 : i32
      %add3A_88 = arith.constant 1 : i32
      %add3A_89 = arith.addi %mul3A_87, %add3A_88 : i32
      %mul3A_90 = arith.constant 64 : i32
      %mul3A_91 = arith.muli %add3A_89, %mul3A_90 : i32
      %add3A_92 = arith.constant 0 : i32
      %add3A_93 = arith.addi %mul3A_91, %add3A_92 : i32
      %get3A_94 = arith.index_cast %add3A_93 : i32 to index
      %get3A_95 = tpu.vector_load %arg9[%get3A_94] {strides = array<i32>} : memref<2048xi32, #tpu.memory_space<vmem>>, vector<16xi32>,
      %mul3A_96 = arith.constant 50000 : i32
      %mul3A_97 = vector.broadcast %mul3A_96 : i32 to vector<16xi32>
      %mul3A_98 = arith.muli %get3A_95, %mul3A_97 : vector<16xi32>
      %get3A_99 = arith.index_cast %add3A_93 : i32 to index
      %get3A_100 = tpu.vector_load %arg10[%get3A_99] {strides = array<i32>} : memref<2048xi32, #tpu.memory_space<vmem>>, vector<16xi32>,
      %add3A_101 = arith.addi %mul3A_98, %get3A_100 : vector<16xi32>
      %swap3A_102 = arith.constant 0 : index
      %swap3A_103 = tpu.vector_load %arg15[%swap3A_102] {strides = array<i32>} : memref<128xi32, #tpu.memory_space<vmem>>, vector<16xi32>,
      tpu.vector_store %arg15[%swap3A_102], %add3A_101 {strides = array<i32>} : memref<128xi32, #tpu.memory_space<vmem>>, vector<16xi32>,
      %add3A_104 = arith.constant 1 : i32
      %add3A_105 = vector.broadcast %add3A_104 : i32 to vector<16xi32>
      %add3A_106 = arith.addi %add3A_101, %add3A_105 : vector<16xi32>
      %swap3A_107 = arith.constant 64 : index
      %swap3A_108 = tpu.vector_load %arg15[%swap3A_107] {strides = array<i32>} : memref<128xi32, #tpu.memory_space<vmem>>, vector<16xi32>,
      tpu.vector_store %arg15[%swap3A_107], %add3A_106 {strides = array<i32>} : memref<128xi32, #tpu.memory_space<vmem>>, vector<16xi32>,
      %add3A_109 = arith.constant 16 : i32
      %add3A_110 = arith.addi %mul3A_91, %add3A_109 : i32
      %get3A_111 = arith.index_cast %add3A_110 : i32 to index
      %get3A_112 = tpu.vector_load %arg9[%get3A_111] {strides = array<i32>} : memref<2048xi32, #tpu.memory_space<vmem>>, vector<16xi32>,
      %mul3A_113 = arith.constant 50000 : i32
      %mul3A_114 = vector.broadcast %mul3A_113 : i32 to vector<16xi32>
      %mul3A_115 = arith.muli %get3A_112, %mul3A_114 : vector<16xi32>
      %get3A_116 = arith.index_cast %add3A_110 : i32 to index
      %get3A_117 = tpu.vector_load %arg10[%get3A_116] {strides = array<i32>} : memref<2048xi32, #tpu.memory_space<vmem>>, vector<16xi32>,
      %add3A_118 = arith.addi %mul3A_115, %get3A_117 : vector<16xi32>
      %swap3A_119 = arith.constant 16 : index
      %swap3A_120 = tpu.vector_load %arg15[%swap3A_119] {strides = array<i32>} : memref<128xi32, #tpu.memory_space<vmem>>, vector<16xi32>,
      tpu.vector_store %arg15[%swap3A_119], %add3A_118 {strides = array<i32>} : memref<128xi32, #tpu.memory_space<vmem>>, vector<16xi32>,
      %add3A_121 = arith.constant 1 : i32
      %add3A_122 = vector.broadcast %add3A_121 : i32 to vector<16xi32>
      %add3A_123 = arith.addi %add3A_118, %add3A_122 : vector<16xi32>
      %swap3A_124 = arith.constant 80 : index
      %swap3A_125 = tpu.vector_load %arg15[%swap3A_124] {strides = array<i32>} : memref<128xi32, #tpu.memory_space<vmem>>, vector<16xi32>,
      tpu.vector_store %arg15[%swap3A_124], %add3A_123 {strides = array<i32>} : memref<128xi32, #tpu.memory_space<vmem>>, vector<16xi32>,
      %add3A_126 = arith.constant 32 : i32
      %add3A_127 = arith.addi %mul3A_91, %add3A_126 : i32
      %get3A_128 = arith.index_cast %add3A_127 : i32 to index
      %get3A_129 = tpu.vector_load %arg9[%get3A_128] {strides = array<i32>} : memref<2048xi32, #tpu.memory_space<vmem>>, vector<16xi32>,
      %mul3A_130 = arith.constant 50000 : i32
      %mul3A_131 = vector.broadcast %mul3A_130 : i32 to vector<16xi32>
      %mul3A_132 = arith.muli %get3A_129, %mul3A_131 : vector<16xi32>
      %get3A_133 = arith.index_cast %add3A_127 : i32 to index
      %get3A_134 = tpu.vector_load %arg10[%get3A_133] {strides = array<i32>} : memref<2048xi32, #tpu.memory_space<vmem>>, vector<16xi32>,
      %add3A_135 = arith.addi %mul3A_132, %get3A_134 : vector<16xi32>
      %swap3A_136 = arith.constant 32 : index
      %swap3A_137 = tpu.vector_load %arg15[%swap3A_136] {strides = array<i32>} : memref<128xi32, #tpu.memory_space<vmem>>, vector<16xi32>,
      tpu.vector_store %arg15[%swap3A_136], %add3A_135 {strides = array<i32>} : memref<128xi32, #tpu.memory_space<vmem>>, vector<16xi32>,
      %add3A_138 = arith.constant 1 : i32
      %add3A_139 = vector.broadcast %add3A_138 : i32 to vector<16xi32>
      %add3A_140 = arith.addi %add3A_135, %add3A_139 : vector<16xi32>
      %swap3A_141 = arith.constant 96 : index
      %swap3A_142 = tpu.vector_load %arg15[%swap3A_141] {strides = array<i32>} : memref<128xi32, #tpu.memory_space<vmem>>, vector<16xi32>,
      tpu.vector_store %arg15[%swap3A_141], %add3A_140 {strides = array<i32>} : memref<128xi32, #tpu.memory_space<vmem>>, vector<16xi32>,
      %add3A_143 = arith.constant 48 : i32
      %add3A_144 = arith.addi %mul3A_91, %add3A_143 : i32
      %get3A_145 = arith.index_cast %add3A_144 : i32 to index
      %get3A_146 = tpu.vector_load %arg9[%get3A_145] {strides = array<i32>} : memref<2048xi32, #tpu.memory_space<vmem>>, vector<16xi32>,
      %mul3A_147 = arith.constant 50000 : i32
      %mul3A_148 = vector.broadcast %mul3A_147 : i32 to vector<16xi32>
      %mul3A_149 = arith.muli %get3A_146, %mul3A_148 : vector<16xi32>
      %get3A_150 = arith.index_cast %add3A_144 : i32 to index
      %get3A_151 = tpu.vector_load %arg10[%get3A_150] {strides = array<i32>} : memref<2048xi32, #tpu.memory_space<vmem>>, vector<16xi32>,
      %add3A_152 = arith.addi %mul3A_149, %get3A_151 : vector<16xi32>
      %swap3A_153 = arith.constant 48 : index
      %swap3A_154 = tpu.vector_load %arg15[%swap3A_153] {strides = array<i32>} : memref<128xi32, #tpu.memory_space<vmem>>, vector<16xi32>,
      tpu.vector_store %arg15[%swap3A_153], %add3A_152 {strides = array<i32>} : memref<128xi32, #tpu.memory_space<vmem>>, vector<16xi32>,
      %add3A_155 = arith.constant 1 : i32
      %add3A_156 = vector.broadcast %add3A_155 : i32 to vector<16xi32>
      %add3A_157 = arith.addi %add3A_152, %add3A_156 : vector<16xi32>
      %swap3A_158 = arith.constant 112 : index
      %swap3A_159 = tpu.vector_load %arg15[%swap3A_158] {strides = array<i32>} : memref<128xi32, #tpu.memory_space<vmem>>, vector<16xi32>,
      tpu.vector_store %arg15[%swap3A_158], %add3A_157 {strides = array<i32>} : memref<128xi32, #tpu.memory_space<vmem>>, vector<16xi32>,
      %dma_start3A_160 = arith.constant 0 : i32
      %dma_start3A_161 = tpu.memref_slice %arg5[%dma_start3A_160] : memref<1600001xi32, #tpu.memory_space<hbm>> -> memref<1600001xi32, #tpu.memory_space<hbm>>
      tpu.enqueue_indirect_dma source(%dma_start3A_161 : memref<1600001xi32, #tpu.memory_space<hbm>>) target(%arg17 : memref<128xi32, #tpu.memory_space<vmem>>) offsets(%arg15 : memref<128xi32, #tpu.memory_space<vmem>>) semaphore(%arg21 : memref<!tpu.dma_semaphore, #tpu.memory_space<semaphore_mem>>)
      %dma_start3A_162 = arith.constant 0 : i32
      %dma_start3A_163 = tpu.memref_slice %arg6[%dma_start3A_162] : memref<1600001xi32, #tpu.memory_space<hbm>> -> memref<1600001xi32, #tpu.memory_space<hbm>>
      tpu.enqueue_indirect_dma source(%dma_start3A_163 : memref<1600001xi32, #tpu.memory_space<hbm>>) target(%arg19 : memref<128xi32, #tpu.memory_space<vmem>>) offsets(%arg15 : memref<128xi32, #tpu.memory_space<vmem>>) semaphore(%arg21 : memref<!tpu.dma_semaphore, #tpu.memory_space<semaphore_mem>>)
      %dma_wait3A = arith.constant 0 : i32
      %dma_wait3A_164 = tpu.memref_slice %arg5[%dma_wait3A] : memref<1600001xi32, #tpu.memory_space<hbm>> -> memref<1600001xi32, #tpu.memory_space<hbm>>
      tpu.wait_indirect_dma semaphore(%arg20 : memref<!tpu.dma_semaphore, #tpu.memory_space<semaphore_mem>>) src(%dma_wait3A_164 : memref<1600001xi32, #tpu.memory_space<hbm>>) dst(%arg16 : memref<128xi32, #tpu.memory_space<vmem>>)
      %dma_wait3A_165 = arith.constant 0 : i32
      %dma_wait3A_166 = tpu.memref_slice %arg6[%dma_wait3A_165] : memref<1600001xi32, #tpu.memory_space<hbm>> -> memref<1600001xi32, #tpu.memory_space<hbm>>
      tpu.wait_indirect_dma semaphore(%arg20 : memref<!tpu.dma_semaphore, #tpu.memory_space<semaphore_mem>>) src(%dma_wait3A_166 : memref<1600001xi32, #tpu.memory_space<hbm>>) dst(%arg18 : memref<128xi32, #tpu.memory_space<vmem>>)
      %mul3A_167 = arith.constant 64 : i32
      %mul3A_168 = arith.muli %mul3A_87, %mul3A_167 : i32
      %add3A_169 = arith.constant 0 : i32
      %add3A_170 = arith.addi %mul3A_168, %add3A_169 : i32
      %get3A_171 = arith.index_cast %add3A_170 : i32 to index
      %get3A_172 = tpu.vector_load %arg11[%get3A_171] {strides = array<i32>} : memref<2048xi32, #tpu.memory_space<vmem>>, vector<16xi32>,
      %ne3A = arith.constant 0 : i32
      %ne3A_173 = vector.broadcast %ne3A : i32 to vector<16xi32>
      %ne3A_174 = arith.cmpi ne, %get3A_172, %ne3A_173 : vector<16xi32>
      %get3A_175 = arith.constant 0 : index
      %get3A_176 = tpu.vector_load %arg18[%get3A_175] {strides = array<i32>} : memref<128xi32, #tpu.memory_space<vmem>>, vector<16xi32>,
      %get3A_177 = arith.constant 0 : index
      %get3A_178 = tpu.vector_load %arg16[%get3A_177] {strides = array<i32>} : memref<128xi32, #tpu.memory_space<vmem>>, vector<16xi32>,
      %select_n3A = arith.select %ne3A_174, %get3A_176, %get3A_178 : vector<16xi1>, vector<16xi32>
      %get3A_179 = arith.constant 64 : index
      %get3A_180 = tpu.vector_load %arg18[%get3A_179] {strides = array<i32>} : memref<128xi32, #tpu.memory_space<vmem>>, vector<16xi32>,
      %get3A_181 = arith.constant 64 : index
      %get3A_182 = tpu.vector_load %arg16[%get3A_181] {strides = array<i32>} : memref<128xi32, #tpu.memory_space<vmem>>, vector<16xi32>,
      %select_n3A_183 = arith.select %ne3A_174, %get3A_180, %get3A_182 : vector<16xi1>, vector<16xi32>
      %sub3A = arith.subi %select_n3A_183, %select_n3A : vector<16xi32>
      %max3A = arith.constant 0 : i32
      %max3A_184 = vector.broadcast %max3A : i32 to vector<16xi32>
      %max3A_185 = arith.maxsi %sub3A, %max3A_184 : vector<16xi32>
      %min3A = arith.constant 64 : i32
      %min3A_186 = vector.broadcast %min3A : i32 to vector<16xi32>
      %min3A_187 = arith.minsi %max3A_185, %min3A_186 : vector<16xi32>
      %add3A_188 = arith.constant 0 : i32
      %add3A_189 = arith.addi %mul3A_168, %add3A_188 : i32
      %swap3A_190 = arith.index_cast %add3A_189 : i32 to index
      %swap3A_191 = tpu.vector_load %arg12[%swap3A_190] {strides = array<i32>} : memref<2048xi32, #tpu.memory_space<vmem>>, vector<16xi32>,
      tpu.vector_store %arg12[%swap3A_190], %select_n3A {strides = array<i32>} : memref<2048xi32, #tpu.memory_space<vmem>>, vector<16xi32>,
      %add3A_192 = arith.constant 0 : i32
      %add3A_193 = arith.addi %mul3A_168, %add3A_192 : i32
      %swap3A_194 = arith.index_cast %add3A_193 : i32 to index
      %swap3A_195 = tpu.vector_load %arg13[%swap3A_194] {strides = array<i32>} : memref<2048xi32, #tpu.memory_space<vmem>>, vector<16xi32>,
      tpu.vector_store %arg13[%swap3A_194], %min3A_187 {strides = array<i32>} : memref<2048xi32, #tpu.memory_space<vmem>>, vector<16xi32>,
      %add3A_196 = arith.constant 16 : i32
      %add3A_197 = arith.addi %mul3A_168, %add3A_196 : i32
      %get3A_198 = arith.index_cast %add3A_197 : i32 to index
      %get3A_199 = tpu.vector_load %arg11[%get3A_198] {strides = array<i32>} : memref<2048xi32, #tpu.memory_space<vmem>>, vector<16xi32>,
      %ne3A_200 = arith.constant 0 : i32
      %ne3A_201 = vector.broadcast %ne3A_200 : i32 to vector<16xi32>
      %ne3A_202 = arith.cmpi ne, %get3A_199, %ne3A_201 : vector<16xi32>
      %get3A_203 = arith.constant 16 : index
      %get3A_204 = tpu.vector_load %arg18[%get3A_203] {strides = array<i32>} : memref<128xi32, #tpu.memory_space<vmem>>, vector<16xi32>,
      %get3A_205 = arith.constant 16 : index
      %get3A_206 = tpu.vector_load %arg16[%get3A_205] {strides = array<i32>} : memref<128xi32, #tpu.memory_space<vmem>>, vector<16xi32>,
      %select_n3A_207 = arith.select %ne3A_202, %get3A_204, %get3A_206 : vector<16xi1>, vector<16xi32>
      %get3A_208 = arith.constant 80 : index
      %get3A_209 = tpu.vector_load %arg18[%get3A_208] {strides = array<i32>} : memref<128xi32, #tpu.memory_space<vmem>>, vector<16xi32>,
      %get3A_210 = arith.constant 80 : index
      %get3A_211 = tpu.vector_load %arg16[%get3A_210] {strides = array<i32>} : memref<128xi32, #tpu.memory_space<vmem>>, vector<16xi32>,
      %select_n3A_212 = arith.select %ne3A_202, %get3A_209, %get3A_211 : vector<16xi1>, vector<16xi32>
      %sub3A_213 = arith.subi %select_n3A_212, %select_n3A_207 : vector<16xi32>
      %max3A_214 = arith.constant 0 : i32
      %max3A_215 = vector.broadcast %max3A_214 : i32 to vector<16xi32>
      %max3A_216 = arith.maxsi %sub3A_213, %max3A_215 : vector<16xi32>
      %min3A_217 = arith.constant 64 : i32
      %min3A_218 = vector.broadcast %min3A_217 : i32 to vector<16xi32>
      %min3A_219 = arith.minsi %max3A_216, %min3A_218 : vector<16xi32>
      %add3A_220 = arith.constant 16 : i32
      %add3A_221 = arith.addi %mul3A_168, %add3A_220 : i32
      %swap3A_222 = arith.index_cast %add3A_221 : i32 to index
      %swap3A_223 = tpu.vector_load %arg12[%swap3A_222] {strides = array<i32>} : memref<2048xi32, #tpu.memory_space<vmem>>, vector<16xi32>,
      tpu.vector_store %arg12[%swap3A_222], %select_n3A_207 {strides = array<i32>} : memref<2048xi32, #tpu.memory_space<vmem>>, vector<16xi32>,
      %add3A_224 = arith.constant 16 : i32
      %add3A_225 = arith.addi %mul3A_168, %add3A_224 : i32
      %swap3A_226 = arith.index_cast %add3A_225 : i32 to index
      %swap3A_227 = tpu.vector_load %arg13[%swap3A_226] {strides = array<i32>} : memref<2048xi32, #tpu.memory_space<vmem>>, vector<16xi32>,
      tpu.vector_store %arg13[%swap3A_226], %min3A_219 {strides = array<i32>} : memref<2048xi32, #tpu.memory_space<vmem>>, vector<16xi32>,
      %add3A_228 = arith.constant 32 : i32
      %add3A_229 = arith.addi %mul3A_168, %add3A_228 : i32
      %get3A_230 = arith.index_cast %add3A_229 : i32 to index
      %get3A_231 = tpu.vector_load %arg11[%get3A_230] {strides = array<i32>} : memref<2048xi32, #tpu.memory_space<vmem>>, vector<16xi32>,
      %ne3A_232 = arith.constant 0 : i32
      %ne3A_233 = vector.broadcast %ne3A_232 : i32 to vector<16xi32>
      %ne3A_234 = arith.cmpi ne, %get3A_231, %ne3A_233 : vector<16xi32>
      %get3A_235 = arith.constant 32 : index
      %get3A_236 = tpu.vector_load %arg18[%get3A_235] {strides = array<i32>} : memref<128xi32, #tpu.memory_space<vmem>>, vector<16xi32>,
      %get3A_237 = arith.constant 32 : index
      %get3A_238 = tpu.vector_load %arg16[%get3A_237] {strides = array<i32>} : memref<128xi32, #tpu.memory_space<vmem>>, vector<16xi32>,
      %select_n3A_239 = arith.select %ne3A_234, %get3A_236, %get3A_238 : vector<16xi1>, vector<16xi32>
      %get3A_240 = arith.constant 96 : index
      %get3A_241 = tpu.vector_load %arg18[%get3A_240] {strides = array<i32>} : memref<128xi32, #tpu.memory_space<vmem>>, vector<16xi32>,
      %get3A_242 = arith.constant 96 : index
      %get3A_243 = tpu.vector_load %arg16[%get3A_242] {strides = array<i32>} : memref<128xi32, #tpu.memory_space<vmem>>, vector<16xi32>,
      %select_n3A_244 = arith.select %ne3A_234, %get3A_241, %get3A_243 : vector<16xi1>, vector<16xi32>
      %sub3A_245 = arith.subi %select_n3A_244, %select_n3A_239 : vector<16xi32>
      %max3A_246 = arith.constant 0 : i32
      %max3A_247 = vector.broadcast %max3A_246 : i32 to vector<16xi32>
      %max3A_248 = arith.maxsi %sub3A_245, %max3A_247 : vector<16xi32>
      %min3A_249 = arith.constant 64 : i32
      %min3A_250 = vector.broadcast %min3A_249 : i32 to vector<16xi32>
      %min3A_251 = arith.minsi %max3A_248, %min3A_250 : vector<16xi32>
      %add3A_252 = arith.constant 32 : i32
      %add3A_253 = arith.addi %mul3A_168, %add3A_252 : i32
      %swap3A_254 = arith.index_cast %add3A_253 : i32 to index
      %swap3A_255 = tpu.vector_load %arg12[%swap3A_254] {strides = array<i32>} : memref<2048xi32, #tpu.memory_space<vmem>>, vector<16xi32>,
      tpu.vector_store %arg12[%swap3A_254], %select_n3A_239 {strides = array<i32>} : memref<2048xi32, #tpu.memory_space<vmem>>, vector<16xi32>,
      %add3A_256 = arith.constant 32 : i32
      %add3A_257 = arith.addi %mul3A_168, %add3A_256 : i32
      %swap3A_258 = arith.index_cast %add3A_257 : i32 to index
      %swap3A_259 = tpu.vector_load %arg13[%swap3A_258] {strides = array<i32>} : memref<2048xi32, #tpu.memory_space<vmem>>, vector<16xi32>,
      tpu.vector_store %arg13[%swap3A_258], %min3A_251 {strides = array<i32>} : memref<2048xi32, #tpu.memory_space<vmem>>, vector<16xi32>,
      %add3A_260 = arith.constant 48 : i32
      %add3A_261 = arith.addi %mul3A_168, %add3A_260 : i32
      %get3A_262 = arith.index_cast %add3A_261 : i32 to index
      %get3A_263 = tpu.vector_load %arg11[%get3A_262] {strides = array<i32>} : memref<2048xi32, #tpu.memory_space<vmem>>, vector<16xi32>,
      %ne3A_264 = arith.constant 0 : i32
      %ne3A_265 = vector.broadcast %ne3A_264 : i32 to vector<16xi32>
      %ne3A_266 = arith.cmpi ne, %get3A_263, %ne3A_265 : vector<16xi32>
      %get3A_267 = arith.constant 48 : index
      %get3A_268 = tpu.vector_load %arg18[%get3A_267] {strides = array<i32>} : memref<128xi32, #tpu.memory_space<vmem>>, vector<16xi32>,
      %get3A_269 = arith.constant 48 : index
      %get3A_270 = tpu.vector_load %arg16[%get3A_269] {strides = array<i32>} : memref<128xi32, #tpu.memory_space<vmem>>, vector<16xi32>,
      %select_n3A_271 = arith.select %ne3A_266, %get3A_268, %get3A_270 : vector<16xi1>, vector<16xi32>
      %get3A_272 = arith.constant 112 : index
      %get3A_273 = tpu.vector_load %arg18[%get3A_272] {strides = array<i32>} : memref<128xi32, #tpu.memory_space<vmem>>, vector<16xi32>,
      %get3A_274 = arith.constant 112 : index
      %get3A_275 = tpu.vector_load %arg16[%get3A_274] {strides = array<i32>} : memref<128xi32, #tpu.memory_space<vmem>>, vector<16xi32>,
      %select_n3A_276 = arith.select %ne3A_266, %get3A_273, %get3A_275 : vector<16xi1>, vector<16xi32>
      %sub3A_277 = arith.subi %select_n3A_276, %select_n3A_271 : vector<16xi32>
      %max3A_278 = arith.constant 0 : i32
      %max3A_279 = vector.broadcast %max3A_278 : i32 to vector<16xi32>
      %max3A_280 = arith.maxsi %sub3A_277, %max3A_279 : vector<16xi32>
      %min3A_281 = arith.constant 64 : i32
      %min3A_282 = vector.broadcast %min3A_281 : i32 to vector<16xi32>
      %min3A_283 = arith.minsi %max3A_280, %min3A_282 : vector<16xi32>
      %add3A_284 = arith.constant 48 : i32
      %add3A_285 = arith.addi %mul3A_168, %add3A_284 : i32
      %swap3A_286 = arith.index_cast %add3A_285 : i32 to index
      %swap3A_287 = tpu.vector_load %arg12[%swap3A_286] {strides = array<i32>} : memref<2048xi32, #tpu.memory_space<vmem>>, vector<16xi32>,
      tpu.vector_store %arg12[%swap3A_286], %select_n3A_271 {strides = array<i32>} : memref<2048xi32, #tpu.memory_space<vmem>>, vector<16xi32>,
      %add3A_288 = arith.constant 48 : i32
      %add3A_289 = arith.addi %mul3A_168, %add3A_288 : i32
      %swap3A_290 = arith.index_cast %add3A_289 : i32 to index
      %swap3A_291 = tpu.vector_load %arg13[%swap3A_290] {strides = array<i32>} : memref<2048xi32, #tpu.memory_space<vmem>>, vector<16xi32>,
      tpu.vector_store %arg13[%swap3A_290], %min3A_283 {strides = array<i32>} : memref<2048xi32, #tpu.memory_space<vmem>>, vector<16xi32>,
      %add3A_292 = arith.constant 1 : i32
      %add3A_293 = arith.addi %add3A_89, %add3A_292 : i32
      %lt3A = arith.constant 32 : i32
      %lt3A_294 = arith.cmpi slt, %add3A_293, %lt3A : i32
      %convert_element_type3A = arith.extui %lt3A_294 : i1 to i32
      %cond3A = arith.constant 0 : i32
      %cond3A_295 = arith.cmpi ne, %convert_element_type3A, %cond3A : i32
      scf.if %cond3A_295 {
        %add3A_430 = arith.constant 1 : i32
        %add3A_431 = arith.addi %add3A_89, %add3A_430 : i32
        %mul3A_432 = arith.constant 64 : i32
        %mul3A_433 = arith.muli %add3A_431, %mul3A_432 : i32
        %add3A_434 = arith.constant 0 : i32
        %add3A_435 = arith.addi %mul3A_433, %add3A_434 : i32
        %get3A_436 = arith.index_cast %add3A_435 : i32 to index
        %get3A_437 = tpu.vector_load %arg9[%get3A_436] {strides = array<i32>} : memref<2048xi32, #tpu.memory_space<vmem>>, vector<16xi32>,
        %mul3A_438 = arith.constant 50000 : i32
        %mul3A_439 = vector.broadcast %mul3A_438 : i32 to vector<16xi32>
        %mul3A_440 = arith.muli %get3A_437, %mul3A_439 : vector<16xi32>
        %get3A_441 = arith.index_cast %add3A_435 : i32 to index
        %get3A_442 = tpu.vector_load %arg10[%get3A_441] {strides = array<i32>} : memref<2048xi32, #tpu.memory_space<vmem>>, vector<16xi32>,
        %add3A_443 = arith.addi %mul3A_440, %get3A_442 : vector<16xi32>
        %swap3A_444 = arith.constant 0 : index
        %swap3A_445 = tpu.vector_load %arg14[%swap3A_444] {strides = array<i32>} : memref<128xi32, #tpu.memory_space<vmem>>, vector<16xi32>,
        tpu.vector_store %arg14[%swap3A_444], %add3A_443 {strides = array<i32>} : memref<128xi32, #tpu.memory_space<vmem>>, vector<16xi32>,
        %add3A_446 = arith.constant 1 : i32
        %add3A_447 = vector.broadcast %add3A_446 : i32 to vector<16xi32>
        %add3A_448 = arith.addi %add3A_443, %add3A_447 : vector<16xi32>
        %swap3A_449 = arith.constant 64 : index
        %swap3A_450 = tpu.vector_load %arg14[%swap3A_449] {strides = array<i32>} : memref<128xi32, #tpu.memory_space<vmem>>, vector<16xi32>,
        tpu.vector_store %arg14[%swap3A_449], %add3A_448 {strides = array<i32>} : memref<128xi32, #tpu.memory_space<vmem>>, vector<16xi32>,
        %add3A_451 = arith.constant 16 : i32
        %add3A_452 = arith.addi %mul3A_433, %add3A_451 : i32
        %get3A_453 = arith.index_cast %add3A_452 : i32 to index
        %get3A_454 = tpu.vector_load %arg9[%get3A_453] {strides = array<i32>} : memref<2048xi32, #tpu.memory_space<vmem>>, vector<16xi32>,
        %mul3A_455 = arith.constant 50000 : i32
        %mul3A_456 = vector.broadcast %mul3A_455 : i32 to vector<16xi32>
        %mul3A_457 = arith.muli %get3A_454, %mul3A_456 : vector<16xi32>
        %get3A_458 = arith.index_cast %add3A_452 : i32 to index
        %get3A_459 = tpu.vector_load %arg10[%get3A_458] {strides = array<i32>} : memref<2048xi32, #tpu.memory_space<vmem>>, vector<16xi32>,
        %add3A_460 = arith.addi %mul3A_457, %get3A_459 : vector<16xi32>
        %swap3A_461 = arith.constant 16 : index
        %swap3A_462 = tpu.vector_load %arg14[%swap3A_461] {strides = array<i32>} : memref<128xi32, #tpu.memory_space<vmem>>, vector<16xi32>,
        tpu.vector_store %arg14[%swap3A_461], %add3A_460 {strides = array<i32>} : memref<128xi32, #tpu.memory_space<vmem>>, vector<16xi32>,
        %add3A_463 = arith.constant 1 : i32
        %add3A_464 = vector.broadcast %add3A_463 : i32 to vector<16xi32>
        %add3A_465 = arith.addi %add3A_460, %add3A_464 : vector<16xi32>
        %swap3A_466 = arith.constant 80 : index
        %swap3A_467 = tpu.vector_load %arg14[%swap3A_466] {strides = array<i32>} : memref<128xi32, #tpu.memory_space<vmem>>, vector<16xi32>,
        tpu.vector_store %arg14[%swap3A_466], %add3A_465 {strides = array<i32>} : memref<128xi32, #tpu.memory_space<vmem>>, vector<16xi32>,
        %add3A_468 = arith.constant 32 : i32
        %add3A_469 = arith.addi %mul3A_433, %add3A_468 : i32
        %get3A_470 = arith.index_cast %add3A_469 : i32 to index
        %get3A_471 = tpu.vector_load %arg9[%get3A_470] {strides = array<i32>} : memref<2048xi32, #tpu.memory_space<vmem>>, vector<16xi32>,
        %mul3A_472 = arith.constant 50000 : i32
        %mul3A_473 = vector.broadcast %mul3A_472 : i32 to vector<16xi32>
        %mul3A_474 = arith.muli %get3A_471, %mul3A_473 : vector<16xi32>
        %get3A_475 = arith.index_cast %add3A_469 : i32 to index
        %get3A_476 = tpu.vector_load %arg10[%get3A_475] {strides = array<i32>} : memref<2048xi32, #tpu.memory_space<vmem>>, vector<16xi32>,
        %add3A_477 = arith.addi %mul3A_474, %get3A_476 : vector<16xi32>
        %swap3A_478 = arith.constant 32 : index
        %swap3A_479 = tpu.vector_load %arg14[%swap3A_478] {strides = array<i32>} : memref<128xi32, #tpu.memory_space<vmem>>, vector<16xi32>,
        tpu.vector_store %arg14[%swap3A_478], %add3A_477 {strides = array<i32>} : memref<128xi32, #tpu.memory_space<vmem>>, vector<16xi32>,
        %add3A_480 = arith.constant 1 : i32
        %add3A_481 = vector.broadcast %add3A_480 : i32 to vector<16xi32>
        %add3A_482 = arith.addi %add3A_477, %add3A_481 : vector<16xi32>
        %swap3A_483 = arith.constant 96 : index
        %swap3A_484 = tpu.vector_load %arg14[%swap3A_483] {strides = array<i32>} : memref<128xi32, #tpu.memory_space<vmem>>, vector<16xi32>,
        tpu.vector_store %arg14[%swap3A_483], %add3A_482 {strides = array<i32>} : memref<128xi32, #tpu.memory_space<vmem>>, vector<16xi32>,
        %add3A_485 = arith.constant 48 : i32
        %add3A_486 = arith.addi %mul3A_433, %add3A_485 : i32
        %get3A_487 = arith.index_cast %add3A_486 : i32 to index
        %get3A_488 = tpu.vector_load %arg9[%get3A_487] {strides = array<i32>} : memref<2048xi32, #tpu.memory_space<vmem>>, vector<16xi32>,
        %mul3A_489 = arith.constant 50000 : i32
        %mul3A_490 = vector.broadcast %mul3A_489 : i32 to vector<16xi32>
        %mul3A_491 = arith.muli %get3A_488, %mul3A_490 : vector<16xi32>
        %get3A_492 = arith.index_cast %add3A_486 : i32 to index
        %get3A_493 = tpu.vector_load %arg10[%get3A_492] {strides = array<i32>} : memref<2048xi32, #tpu.memory_space<vmem>>, vector<16xi32>,
        %add3A_494 = arith.addi %mul3A_491, %get3A_493 : vector<16xi32>
        %swap3A_495 = arith.constant 48 : index
        %swap3A_496 = tpu.vector_load %arg14[%swap3A_495] {strides = array<i32>} : memref<128xi32, #tpu.memory_space<vmem>>, vector<16xi32>,
        tpu.vector_store %arg14[%swap3A_495], %add3A_494 {strides = array<i32>} : memref<128xi32, #tpu.memory_space<vmem>>, vector<16xi32>,
        %add3A_497 = arith.constant 1 : i32
        %add3A_498 = vector.broadcast %add3A_497 : i32 to vector<16xi32>
        %add3A_499 = arith.addi %add3A_494, %add3A_498 : vector<16xi32>
        %swap3A_500 = arith.constant 112 : index
        %swap3A_501 = tpu.vector_load %arg14[%swap3A_500] {strides = array<i32>} : memref<128xi32, #tpu.memory_space<vmem>>, vector<16xi32>,
        tpu.vector_store %arg14[%swap3A_500], %add3A_499 {strides = array<i32>} : memref<128xi32, #tpu.memory_space<vmem>>, vector<16xi32>,
        %dma_start3A_502 = arith.constant 0 : i32
        %dma_start3A_503 = tpu.memref_slice %arg5[%dma_start3A_502] : memref<1600001xi32, #tpu.memory_space<hbm>> -> memref<1600001xi32, #tpu.memory_space<hbm>>
        tpu.enqueue_indirect_dma source(%dma_start3A_503 : memref<1600001xi32, #tpu.memory_space<hbm>>) target(%arg16 : memref<128xi32, #tpu.memory_space<vmem>>) offsets(%arg14 : memref<128xi32, #tpu.memory_space<vmem>>) semaphore(%arg20 : memref<!tpu.dma_semaphore, #tpu.memory_space<semaphore_mem>>)
        %dma_start3A_504 = arith.constant 0 : i32
        %dma_start3A_505 = tpu.memref_slice %arg6[%dma_start3A_504] : memref<1600001xi32, #tpu.memory_space<hbm>> -> memref<1600001xi32, #tpu.memory_space<hbm>>
        tpu.enqueue_indirect_dma source(%dma_start3A_505 : memref<1600001xi32, #tpu.memory_space<hbm>>) target(%arg18 : memref<128xi32, #tpu.memory_space<vmem>>) offsets(%arg14 : memref<128xi32, #tpu.memory_space<vmem>>) semaphore(%arg20 : memref<!tpu.dma_semaphore, #tpu.memory_space<semaphore_mem>>)
      } else {
      }
      %dma_wait3A_296 = arith.constant 0 : i32
      %dma_wait3A_297 = tpu.memref_slice %arg5[%dma_wait3A_296] : memref<1600001xi32, #tpu.memory_space<hbm>> -> memref<1600001xi32, #tpu.memory_space<hbm>>
      tpu.wait_indirect_dma semaphore(%arg21 : memref<!tpu.dma_semaphore, #tpu.memory_space<semaphore_mem>>) src(%dma_wait3A_297 : memref<1600001xi32, #tpu.memory_space<hbm>>) dst(%arg17 : memref<128xi32, #tpu.memory_space<vmem>>)
      %dma_wait3A_298 = arith.constant 0 : i32
      %dma_wait3A_299 = tpu.memref_slice %arg6[%dma_wait3A_298] : memref<1600001xi32, #tpu.memory_space<hbm>> -> memref<1600001xi32, #tpu.memory_space<hbm>>
      tpu.wait_indirect_dma semaphore(%arg21 : memref<!tpu.dma_semaphore, #tpu.memory_space<semaphore_mem>>) src(%dma_wait3A_299 : memref<1600001xi32, #tpu.memory_space<hbm>>) dst(%arg19 : memref<128xi32, #tpu.memory_space<vmem>>)
      %mul3A_300 = arith.constant 64 : i32
      %mul3A_301 = arith.muli %add3A_89, %mul3A_300 : i32
      %add3A_302 = arith.constant 0 : i32
      %add3A_303 = arith.addi %mul3A_301, %add3A_302 : i32
      %get3A_304 = arith.index_cast %add3A_303 : i32 to index
      %get3A_305 = tpu.vector_load %arg11[%get3A_304] {strides = array<i32>} : memref<2048xi32, #tpu.memory_space<vmem>>, vector<16xi32>,
      %ne3A_306 = arith.constant 0 : i32
      %ne3A_307 = vector.broadcast %ne3A_306 : i32 to vector<16xi32>
      %ne3A_308 = arith.cmpi ne, %get3A_305, %ne3A_307 : vector<16xi32>
      %get3A_309 = arith.constant 0 : index
      %get3A_310 = tpu.vector_load %arg19[%get3A_309] {strides = array<i32>} : memref<128xi32, #tpu.memory_space<vmem>>, vector<16xi32>,
      %get3A_311 = arith.constant 0 : index
      %get3A_312 = tpu.vector_load %arg17[%get3A_311] {strides = array<i32>} : memref<128xi32, #tpu.memory_space<vmem>>, vector<16xi32>,
      %select_n3A_313 = arith.select %ne3A_308, %get3A_310, %get3A_312 : vector<16xi1>, vector<16xi32>
      %get3A_314 = arith.constant 64 : index
      %get3A_315 = tpu.vector_load %arg19[%get3A_314] {strides = array<i32>} : memref<128xi32, #tpu.memory_space<vmem>>, vector<16xi32>,
      %get3A_316 = arith.constant 64 : index
      %get3A_317 = tpu.vector_load %arg17[%get3A_316] {strides = array<i32>} : memref<128xi32, #tpu.memory_space<vmem>>, vector<16xi32>,
      %select_n3A_318 = arith.select %ne3A_308, %get3A_315, %get3A_317 : vector<16xi1>, vector<16xi32>
      %sub3A_319 = arith.subi %select_n3A_318, %select_n3A_313 : vector<16xi32>
      %max3A_320 = arith.constant 0 : i32
      %max3A_321 = vector.broadcast %max3A_320 : i32 to vector<16xi32>
      %max3A_322 = arith.maxsi %sub3A_319, %max3A_321 : vector<16xi32>
      %min3A_323 = arith.constant 64 : i32
      %min3A_324 = vector.broadcast %min3A_323 : i32 to vector<16xi32>
      %min3A_325 = arith.minsi %max3A_322, %min3A_324 : vector<16xi32>
      %add3A_326 = arith.constant 0 : i32
      %add3A_327 = arith.addi %mul3A_301, %add3A_326 : i32
      %swap3A_328 = arith.index_cast %add3A_327 : i32 to index
      %swap3A_329 = tpu.vector_load %arg12[%swap3A_328] {strides = array<i32>} : memref<2048xi32, #tpu.memory_space<vmem>>, vector<16xi32>,
      tpu.vector_store %arg12[%swap3A_328], %select_n3A_313 {strides = array<i32>} : memref<2048xi32, #tpu.memory_space<vmem>>, vector<16xi32>,
      %add3A_330 = arith.constant 0 : i32
      %add3A_331 = arith.addi %mul3A_301, %add3A_330 : i32
      %swap3A_332 = arith.index_cast %add3A_331 : i32 to index
      %swap3A_333 = tpu.vector_load %arg13[%swap3A_332] {strides = array<i32>} : memref<2048xi32, #tpu.memory_space<vmem>>, vector<16xi32>,
      tpu.vector_store %arg13[%swap3A_332], %min3A_325 {strides = array<i32>} : memref<2048xi32, #tpu.memory_space<vmem>>, vector<16xi32>,
      %add3A_334 = arith.constant 16 : i32
      %add3A_335 = arith.addi %mul3A_301, %add3A_334 : i32
      %get3A_336 = arith.index_cast %add3A_335 : i32 to index
      %get3A_337 = tpu.vector_load %arg11[%get3A_336] {strides = array<i32>} : memref<2048xi32, #tpu.memory_space<vmem>>, vector<16xi32>,
      %ne3A_338 = arith.constant 0 : i32
      %ne3A_339 = vector.broadcast %ne3A_338 : i32 to vector<16xi32>
      %ne3A_340 = arith.cmpi ne, %get3A_337, %ne3A_339 : vector<16xi32>
      %get3A_341 = arith.constant 16 : index
      %get3A_342 = tpu.vector_load %arg19[%get3A_341] {strides = array<i32>} : memref<128xi32, #tpu.memory_space<vmem>>, vector<16xi32>,
      %get3A_343 = arith.constant 16 : index
      %get3A_344 = tpu.vector_load %arg17[%get3A_343] {strides = array<i32>} : memref<128xi32, #tpu.memory_space<vmem>>, vector<16xi32>,
      %select_n3A_345 = arith.select %ne3A_340, %get3A_342, %get3A_344 : vector<16xi1>, vector<16xi32>
      %get3A_346 = arith.constant 80 : index
      %get3A_347 = tpu.vector_load %arg19[%get3A_346] {strides = array<i32>} : memref<128xi32, #tpu.memory_space<vmem>>, vector<16xi32>,
      %get3A_348 = arith.constant 80 : index
      %get3A_349 = tpu.vector_load %arg17[%get3A_348] {strides = array<i32>} : memref<128xi32, #tpu.memory_space<vmem>>, vector<16xi32>,
      %select_n3A_350 = arith.select %ne3A_340, %get3A_347, %get3A_349 : vector<16xi1>, vector<16xi32>
      %sub3A_351 = arith.subi %select_n3A_350, %select_n3A_345 : vector<16xi32>
      %max3A_352 = arith.constant 0 : i32
      %max3A_353 = vector.broadcast %max3A_352 : i32 to vector<16xi32>
      %max3A_354 = arith.maxsi %sub3A_351, %max3A_353 : vector<16xi32>
      %min3A_355 = arith.constant 64 : i32
      %min3A_356 = vector.broadcast %min3A_355 : i32 to vector<16xi32>
      %min3A_357 = arith.minsi %max3A_354, %min3A_356 : vector<16xi32>
      %add3A_358 = arith.constant 16 : i32
      %add3A_359 = arith.addi %mul3A_301, %add3A_358 : i32
      %swap3A_360 = arith.index_cast %add3A_359 : i32 to index
      %swap3A_361 = tpu.vector_load %arg12[%swap3A_360] {strides = array<i32>} : memref<2048xi32, #tpu.memory_space<vmem>>, vector<16xi32>,
      tpu.vector_store %arg12[%swap3A_360], %select_n3A_345 {strides = array<i32>} : memref<2048xi32, #tpu.memory_space<vmem>>, vector<16xi32>,
      %add3A_362 = arith.constant 16 : i32
      %add3A_363 = arith.addi %mul3A_301, %add3A_362 : i32
      %swap3A_364 = arith.index_cast %add3A_363 : i32 to index
      %swap3A_365 = tpu.vector_load %arg13[%swap3A_364] {strides = array<i32>} : memref<2048xi32, #tpu.memory_space<vmem>>, vector<16xi32>,
      tpu.vector_store %arg13[%swap3A_364], %min3A_357 {strides = array<i32>} : memref<2048xi32, #tpu.memory_space<vmem>>, vector<16xi32>,
      %add3A_366 = arith.constant 32 : i32
      %add3A_367 = arith.addi %mul3A_301, %add3A_366 : i32
      %get3A_368 = arith.index_cast %add3A_367 : i32 to index
      %get3A_369 = tpu.vector_load %arg11[%get3A_368] {strides = array<i32>} : memref<2048xi32, #tpu.memory_space<vmem>>, vector<16xi32>,
      %ne3A_370 = arith.constant 0 : i32
      %ne3A_371 = vector.broadcast %ne3A_370 : i32 to vector<16xi32>
      %ne3A_372 = arith.cmpi ne, %get3A_369, %ne3A_371 : vector<16xi32>
      %get3A_373 = arith.constant 32 : index
      %get3A_374 = tpu.vector_load %arg19[%get3A_373] {strides = array<i32>} : memref<128xi32, #tpu.memory_space<vmem>>, vector<16xi32>,
      %get3A_375 = arith.constant 32 : index
      %get3A_376 = tpu.vector_load %arg17[%get3A_375] {strides = array<i32>} : memref<128xi32, #tpu.memory_space<vmem>>, vector<16xi32>,
      %select_n3A_377 = arith.select %ne3A_372, %get3A_374, %get3A_376 : vector<16xi1>, vector<16xi32>
      %get3A_378 = arith.constant 96 : index
      %get3A_379 = tpu.vector_load %arg19[%get3A_378] {strides = array<i32>} : memref<128xi32, #tpu.memory_space<vmem>>, vector<16xi32>,
      %get3A_380 = arith.constant 96 : index
      %get3A_381 = tpu.vector_load %arg17[%get3A_380] {strides = array<i32>} : memref<128xi32, #tpu.memory_space<vmem>>, vector<16xi32>,
      %select_n3A_382 = arith.select %ne3A_372, %get3A_379, %get3A_381 : vector<16xi1>, vector<16xi32>
      %sub3A_383 = arith.subi %select_n3A_382, %select_n3A_377 : vector<16xi32>
      %max3A_384 = arith.constant 0 : i32
      %max3A_385 = vector.broadcast %max3A_384 : i32 to vector<16xi32>
      %max3A_386 = arith.maxsi %sub3A_383, %max3A_385 : vector<16xi32>
      %min3A_387 = arith.constant 64 : i32
      %min3A_388 = vector.broadcast %min3A_387 : i32 to vector<16xi32>
      %min3A_389 = arith.minsi %max3A_386, %min3A_388 : vector<16xi32>
      %add3A_390 = arith.constant 32 : i32
      %add3A_391 = arith.addi %mul3A_301, %add3A_390 : i32
      %swap3A_392 = arith.index_cast %add3A_391 : i32 to index
      %swap3A_393 = tpu.vector_load %arg12[%swap3A_392] {strides = array<i32>} : memref<2048xi32, #tpu.memory_space<vmem>>, vector<16xi32>,
      tpu.vector_store %arg12[%swap3A_392], %select_n3A_377 {strides = array<i32>} : memref<2048xi32, #tpu.memory_space<vmem>>, vector<16xi32>,
      %add3A_394 = arith.constant 32 : i32
      %add3A_395 = arith.addi %mul3A_301, %add3A_394 : i32
      %swap3A_396 = arith.index_cast %add3A_395 : i32 to index
      %swap3A_397 = tpu.vector_load %arg13[%swap3A_396] {strides = array<i32>} : memref<2048xi32, #tpu.memory_space<vmem>>, vector<16xi32>,
      tpu.vector_store %arg13[%swap3A_396], %min3A_389 {strides = array<i32>} : memref<2048xi32, #tpu.memory_space<vmem>>, vector<16xi32>,
      %add3A_398 = arith.constant 48 : i32
      %add3A_399 = arith.addi %mul3A_301, %add3A_398 : i32
      %get3A_400 = arith.index_cast %add3A_399 : i32 to index
      %get3A_401 = tpu.vector_load %arg11[%get3A_400] {strides = array<i32>} : memref<2048xi32, #tpu.memory_space<vmem>>, vector<16xi32>,
      %ne3A_402 = arith.constant 0 : i32
      %ne3A_403 = vector.broadcast %ne3A_402 : i32 to vector<16xi32>
      %ne3A_404 = arith.cmpi ne, %get3A_401, %ne3A_403 : vector<16xi32>
      %get3A_405 = arith.constant 48 : index
      %get3A_406 = tpu.vector_load %arg19[%get3A_405] {strides = array<i32>} : memref<128xi32, #tpu.memory_space<vmem>>, vector<16xi32>,
      %get3A_407 = arith.constant 48 : index
      %get3A_408 = tpu.vector_load %arg17[%get3A_407] {strides = array<i32>} : memref<128xi32, #tpu.memory_space<vmem>>, vector<16xi32>,
      %select_n3A_409 = arith.select %ne3A_404, %get3A_406, %get3A_408 : vector<16xi1>, vector<16xi32>
      %get3A_410 = arith.constant 112 : index
      %get3A_411 = tpu.vector_load %arg19[%get3A_410] {strides = array<i32>} : memref<128xi32, #tpu.memory_space<vmem>>, vector<16xi32>,
      %get3A_412 = arith.constant 112 : index
      %get3A_413 = tpu.vector_load %arg17[%get3A_412] {strides = array<i32>} : memref<128xi32, #tpu.memory_space<vmem>>, vector<16xi32>,
      %select_n3A_414 = arith.select %ne3A_404, %get3A_411, %get3A_413 : vector<16xi1>, vector<16xi32>
      %sub3A_415 = arith.subi %select_n3A_414, %select_n3A_409 : vector<16xi32>
      %max3A_416 = arith.constant 0 : i32
      %max3A_417 = vector.broadcast %max3A_416 : i32 to vector<16xi32>
      %max3A_418 = arith.maxsi %sub3A_415, %max3A_417 : vector<16xi32>
      %min3A_419 = arith.constant 64 : i32
      %min3A_420 = vector.broadcast %min3A_419 : i32 to vector<16xi32>
      %min3A_421 = arith.minsi %max3A_418, %min3A_420 : vector<16xi32>
      %add3A_422 = arith.constant 48 : i32
      %add3A_423 = arith.addi %mul3A_301, %add3A_422 : i32
      %swap3A_424 = arith.index_cast %add3A_423 : i32 to index
      %swap3A_425 = tpu.vector_load %arg12[%swap3A_424] {strides = array<i32>} : memref<2048xi32, #tpu.memory_space<vmem>>, vector<16xi32>,
      tpu.vector_store %arg12[%swap3A_424], %select_n3A_409 {strides = array<i32>} : memref<2048xi32, #tpu.memory_space<vmem>>, vector<16xi32>,
      %add3A_426 = arith.constant 48 : i32
      %add3A_427 = arith.addi %mul3A_301, %add3A_426 : i32
      %swap3A_428 = arith.index_cast %add3A_427 : i32 to index
      %swap3A_429 = tpu.vector_load %arg13[%swap3A_428] {strides = array<i32>} : memref<2048xi32, #tpu.memory_space<vmem>>, vector<16xi32>,
      tpu.vector_store %arg13[%swap3A_428], %min3A_421 {strides = array<i32>} : memref<2048xi32, #tpu.memory_space<vmem>>, vector<16xi32>,
    }
    "tpu.region"() ({
      %run_scoped3A = tpu.sem_alloc : memref<!tpu.dma_semaphore, #tpu.memory_space<semaphore_mem>>
      %dma_start3A_85 = tpu.memref_slice %arg7[%mul3A_2] : memref<65536xi32, #tpu.memory_space<hbm>> -> memref<2048xi32, #tpu.memory_space<hbm>>
      %dma_start3A_86 = tpu.memref_slice %arg7[%mul3A_2] : memref<65536xi32, #tpu.memory_space<hbm>> -> memref<2048xi32, #tpu.memory_space<hbm>>
      tpu.enqueue_dma source(%arg12 : memref<2048xi32, #tpu.memory_space<vmem>>) target(%dma_start3A_86 : memref<2048xi32, #tpu.memory_space<hbm>>) target_semaphore(%run_scoped3A : memref<!tpu.dma_semaphore, #tpu.memory_space<semaphore_mem>>)
      %dma_wait3A = tpu.memref_slice %arg7[%mul3A_2] : memref<65536xi32, #tpu.memory_space<hbm>> -> memref<2048xi32, #tpu.memory_space<hbm>>
      %dma_wait3A_87 = tpu.memref_slice %arg7[%mul3A_2] : memref<65536xi32, #tpu.memory_space<hbm>> -> memref<2048xi32, #tpu.memory_space<hbm>>
      tpu.wait_dma2 semaphore(%run_scoped3A : memref<!tpu.dma_semaphore, #tpu.memory_space<semaphore_mem>>) src(%arg12 : memref<2048xi32, #tpu.memory_space<vmem>>) dst(%dma_wait3A_87 : memref<2048xi32, #tpu.memory_space<hbm>>)
      tpu.yield
    }) : () -> ()
    "tpu.region"() ({
      %run_scoped3A = tpu.sem_alloc : memref<!tpu.dma_semaphore, #tpu.memory_space<semaphore_mem>>
      %dma_start3A_85 = tpu.memref_slice %arg8[%mul3A_2] : memref<65536xi32, #tpu.memory_space<hbm>> -> memref<2048xi32, #tpu.memory_space<hbm>>
      %dma_start3A_86 = tpu.memref_slice %arg8[%mul3A_2] : memref<65536xi32, #tpu.memory_space<hbm>> -> memref<2048xi32, #tpu.memory_space<hbm>>
      tpu.enqueue_dma source(%arg13 : memref<2048xi32, #tpu.memory_space<vmem>>) target(%dma_start3A_86 : memref<2048xi32, #tpu.memory_space<hbm>>) target_semaphore(%run_scoped3A : memref<!tpu.dma_semaphore, #tpu.memory_space<semaphore_mem>>)
      %dma_wait3A = tpu.memref_slice %arg8[%mul3A_2] : memref<65536xi32, #tpu.memory_space<hbm>> -> memref<2048xi32, #tpu.memory_space<hbm>>
      %dma_wait3A_87 = tpu.memref_slice %arg8[%mul3A_2] : memref<65536xi32, #tpu.memory_space<hbm>> -> memref<2048xi32, #tpu.memory_space<hbm>>
      tpu.wait_dma2 semaphore(%run_scoped3A : memref<!tpu.dma_semaphore, #tpu.memory_space<semaphore_mem>>) src(%arg13 : memref<2048xi32, #tpu.memory_space<vmem>>) dst(%dma_wait3A_87 : memref<2048xi32, #tpu.memory_space<hbm>>)
      tpu.yield
    }) : () -> ()
    return
  }
}

#map = affine_map<(d0, d1) -> (0)>
#map1 = affine_map<(d0, d1) -> (0, 0)>
module attributes {stable_mosaic.version = 14 : i64} {
  func.func @body(%arg0: i32, %arg1: i32, %arg2: memref<65536xi32, #tpu.memory_space<hbm>>, %arg3: memref<65536xi32, #tpu.memory_space<hbm>>, %arg4: memref<12500x128xi32, #tpu.memory_space<hbm>>, %arg5: memref<12500x128xi32, #tpu.memory_space<hbm>>, %arg6: memref<64x65536xi32, #tpu.memory_space<hbm>>, %arg7: memref<2048xi32, #tpu.memory_space<vmem>>, %arg8: memref<2048xi32, #tpu.memory_space<vmem>>, %arg9: memref<128xi32, #tpu.memory_space<vmem>>, %arg10: memref<128xi32, #tpu.memory_space<vmem>>, %arg11: memref<64xi32, #tpu.memory_space<vmem>>, %arg12: memref<64xi32, #tpu.memory_space<vmem>>, %arg13: memref<64xi32, #tpu.memory_space<vmem>>, %arg14: memref<64xi32, #tpu.memory_space<vmem>>, %arg15: memref<256x128xi32, #tpu.memory_space<vmem>>, %arg16: memref<256x128xi32, #tpu.memory_space<vmem>>, %arg17: memref<64x128xi32, #tpu.memory_space<vmem>>, %arg18: memref<!tpu.dma_semaphore, #tpu.memory_space<semaphore_mem>>, %arg19: memref<!tpu.dma_semaphore, #tpu.memory_space<semaphore_mem>>) attributes {dimension_semantics = [#tpu.dimension_semantics<core_parallel>, #tpu.dimension_semantics<subcore_parallel>], iteration_bounds = array<i64: 2, 16>, scalar_prefetch = 0 : i64, scratch_operands = 13 : i64, tpu.core_type = #tpu.core_type<sc_vector_subcore>, window_params = [{transform_indices = #map}, {transform_indices = #map}, {transform_indices = #map1}, {transform_indices = #map1}, {transform_indices = #map1}]} {
    %mul3A = arith.constant 2 : i32
    %mul3A_0 = arith.muli %arg1, %mul3A : i32
    %add3A = arith.addi %mul3A_0, %arg0 : i32
    %mul3A_1 = arith.constant 2048 : i32
    %mul3A_2 = arith.muli %add3A, %mul3A_1 : i32
    "tpu.region"() ({
      %run_scoped3A = tpu.sem_alloc : memref<!tpu.dma_semaphore, #tpu.memory_space<semaphore_mem>>
      %dma_start3A_246 = tpu.memref_slice %arg2[%mul3A_2] : memref<65536xi32, #tpu.memory_space<hbm>> -> memref<2048xi32, #tpu.memory_space<hbm>>
      %dma_start3A_247 = tpu.memref_slice %arg2[%mul3A_2] : memref<65536xi32, #tpu.memory_space<hbm>> -> memref<2048xi32, #tpu.memory_space<hbm>>
      tpu.enqueue_dma source(%dma_start3A_247 : memref<2048xi32, #tpu.memory_space<hbm>>) target(%arg7 : memref<2048xi32, #tpu.memory_space<vmem>>) target_semaphore(%run_scoped3A : memref<!tpu.dma_semaphore, #tpu.memory_space<semaphore_mem>>)
      %dma_wait3A = tpu.memref_slice %arg2[%mul3A_2] : memref<65536xi32, #tpu.memory_space<hbm>> -> memref<2048xi32, #tpu.memory_space<hbm>>
      %dma_wait3A_248 = tpu.memref_slice %arg2[%mul3A_2] : memref<65536xi32, #tpu.memory_space<hbm>> -> memref<2048xi32, #tpu.memory_space<hbm>>
      tpu.wait_dma2 semaphore(%run_scoped3A : memref<!tpu.dma_semaphore, #tpu.memory_space<semaphore_mem>>) src(%dma_wait3A_248 : memref<2048xi32, #tpu.memory_space<hbm>>) dst(%arg7 : memref<2048xi32, #tpu.memory_space<vmem>>)
      tpu.yield
    }) : () -> ()
    "tpu.region"() ({
      %run_scoped3A = tpu.sem_alloc : memref<!tpu.dma_semaphore, #tpu.memory_space<semaphore_mem>>
      %dma_start3A_246 = tpu.memref_slice %arg3[%mul3A_2] : memref<65536xi32, #tpu.memory_space<hbm>> -> memref<2048xi32, #tpu.memory_space<hbm>>
      %dma_start3A_247 = tpu.memref_slice %arg3[%mul3A_2] : memref<65536xi32, #tpu.memory_space<hbm>> -> memref<2048xi32, #tpu.memory_space<hbm>>
      tpu.enqueue_dma source(%dma_start3A_247 : memref<2048xi32, #tpu.memory_space<hbm>>) target(%arg8 : memref<2048xi32, #tpu.memory_space<vmem>>) target_semaphore(%run_scoped3A : memref<!tpu.dma_semaphore, #tpu.memory_space<semaphore_mem>>)
      %dma_wait3A = tpu.memref_slice %arg3[%mul3A_2] : memref<65536xi32, #tpu.memory_space<hbm>> -> memref<2048xi32, #tpu.memory_space<hbm>>
      %dma_wait3A_248 = tpu.memref_slice %arg3[%mul3A_2] : memref<65536xi32, #tpu.memory_space<hbm>> -> memref<2048xi32, #tpu.memory_space<hbm>>
      tpu.wait_dma2 semaphore(%run_scoped3A : memref<!tpu.dma_semaphore, #tpu.memory_space<semaphore_mem>>) src(%dma_wait3A_248 : memref<2048xi32, #tpu.memory_space<hbm>>) dst(%arg8 : memref<2048xi32, #tpu.memory_space<vmem>>)
      tpu.yield
    }) : () -> ()
    %iota3A = tpu.iota {dimensions = array<i32: 0>} : vector<16xi32>
    %mul3A_3 = arith.constant 0 : i32
    %mul3A_4 = arith.constant 64 : i32
    %mul3A_5 = arith.muli %mul3A_3, %mul3A_4 : i32
    %add3A_6 = arith.constant 0 : i32
    %add3A_7 = arith.addi %mul3A_5, %add3A_6 : i32
    %get3A = arith.index_cast %add3A_7 : i32 to index
    %get3A_8 = tpu.vector_load %arg7[%get3A] {strides = array<i32>} : memref<2048xi32, #tpu.memory_space<vmem>>, vector<16xi32>,
    %ne3A = arith.constant 0 : i32
    %ne3A_9 = vector.broadcast %ne3A : i32 to vector<16xi32>
    %ne3A_10 = arith.cmpi ne, %get3A_8, %ne3A_9 : vector<16xi32>
    %add3A_11 = arith.constant 0 : i32
    %add3A_12 = arith.addi %mul3A_5, %add3A_11 : i32
    %get3A_13 = arith.index_cast %add3A_12 : i32 to index
    %get3A_14 = tpu.vector_load %arg8[%get3A_13] {strides = array<i32>} : memref<2048xi32, #tpu.memory_space<vmem>>, vector<16xi32>,
    %min3A = arith.constant 1599999 : i32
    %min3A_15 = vector.broadcast %min3A : i32 to vector<16xi32>
    %min3A_16 = arith.minsi %get3A_14, %min3A_15 : vector<16xi32>
    %shift_right_logical3A = arith.constant 7 : i32
    %shift_right_logical3A_17 = vector.broadcast %shift_right_logical3A : i32 to vector<16xi32>
    %shift_right_logical3A_18 = arith.shrui %min3A_16, %shift_right_logical3A_17 : vector<16xi32>
    %min3A_19 = arith.constant 12498 : i32
    %min3A_20 = vector.broadcast %min3A_19 : i32 to vector<16xi32>
    %min3A_21 = arith.minsi %shift_right_logical3A_18, %min3A_20 : vector<16xi32>
    %add3A_22 = arith.constant 0 : i32
    %add3A_23 = vector.broadcast %add3A_22 : i32 to vector<16xi32>
    %add3A_24 = arith.addi %iota3A, %add3A_23 : vector<16xi32>
    %mul3A_25 = arith.constant 2 : i32
    %mul3A_26 = vector.broadcast %mul3A_25 : i32 to vector<16xi32>
    %mul3A_27 = arith.muli %mul3A_26, %add3A_24 : vector<16xi32>
    tpu.vector_store_idx %arg9[%mul3A_27], %min3A_21 : memref<128xi32, #tpu.memory_space<vmem>>[vector<16xi32>], vector<16xi32>,
    %mul3A_28 = arith.constant 2 : i32
    %mul3A_29 = vector.broadcast %mul3A_28 : i32 to vector<16xi32>
    %mul3A_30 = arith.muli %mul3A_29, %add3A_24 : vector<16xi32>
    %add3A_31 = arith.constant 1 : i32
    %add3A_32 = vector.broadcast %add3A_31 : i32 to vector<16xi32>
    %add3A_33 = arith.addi %mul3A_30, %add3A_32 : vector<16xi32>
    %add3A_34 = arith.constant 1 : i32
    %add3A_35 = vector.broadcast %add3A_34 : i32 to vector<16xi32>
    %add3A_36 = arith.addi %min3A_21, %add3A_35 : vector<16xi32>
    tpu.vector_store_idx %arg9[%add3A_33], %add3A_36 : memref<128xi32, #tpu.memory_space<vmem>>[vector<16xi32>], vector<16xi32>,
    %jit3A = arith.constant 16384 : i32
    %jit3A_37 = arith.constant 0 : i32
    %broadcast_in_dim3A = vector.broadcast %jit3A : i32 to vector<16xi32>
    %broadcast_in_dim3A_38 = vector.broadcast %jit3A_37 : i32 to vector<16xi32>
    %select_n3A = arith.select %ne3A_10, %broadcast_in_dim3A, %broadcast_in_dim3A_38 : vector<16xi1>, vector<16xi32>
    %mul3A_39 = arith.constant 256 : i32
    %mul3A_40 = vector.broadcast %mul3A_39 : i32 to vector<16xi32>
    %mul3A_41 = arith.muli %add3A_24, %mul3A_40 : vector<16xi32>
    %add3A_42 = arith.addi %select_n3A, %mul3A_41 : vector<16xi32>
    %mul3A_43 = arith.constant 128 : i32
    %mul3A_44 = vector.broadcast %mul3A_43 : i32 to vector<16xi32>
    %mul3A_45 = arith.muli %mul3A_44, %min3A_21 : vector<16xi32>
    %sub3A = arith.subi %add3A_42, %mul3A_45 : vector<16xi32>
    %add3A_46 = arith.addi %sub3A, %min3A_16 : vector<16xi32>
    %swap3A = arith.constant 0 : index
    %swap3A_47 = tpu.vector_load %arg11[%swap3A] {strides = array<i32>} : memref<64xi32, #tpu.memory_space<vmem>>, vector<16xi32>,
    tpu.vector_store %arg11[%swap3A], %add3A_46 {strides = array<i32>} : memref<64xi32, #tpu.memory_space<vmem>>, vector<16xi32>,
    %add3A_48 = arith.constant 1599999 : i32
    %add3A_49 = vector.broadcast %add3A_48 : i32 to vector<16xi32>
    %add3A_50 = arith.addi %sub3A, %add3A_49 : vector<16xi32>
    %swap3A_51 = arith.constant 0 : index
    %swap3A_52 = tpu.vector_load %arg13[%swap3A_51] {strides = array<i32>} : memref<64xi32, #tpu.memory_space<vmem>>, vector<16xi32>,
    tpu.vector_store %arg13[%swap3A_51], %add3A_50 {strides = array<i32>} : memref<64xi32, #tpu.memory_space<vmem>>, vector<16xi32>,
    %add3A_53 = arith.constant 16 : i32
    %add3A_54 = arith.addi %mul3A_5, %add3A_53 : i32
    %get3A_55 = arith.index_cast %add3A_54 : i32 to index
    %get3A_56 = tpu.vector_load %arg7[%get3A_55] {strides = array<i32>} : memref<2048xi32, #tpu.memory_space<vmem>>, vector<16xi32>,
    %ne3A_57 = arith.constant 0 : i32
    %ne3A_58 = vector.broadcast %ne3A_57 : i32 to vector<16xi32>
    %ne3A_59 = arith.cmpi ne, %get3A_56, %ne3A_58 : vector<16xi32>
    %add3A_60 = arith.constant 16 : i32
    %add3A_61 = arith.addi %mul3A_5, %add3A_60 : i32
    %get3A_62 = arith.index_cast %add3A_61 : i32 to index
    %get3A_63 = tpu.vector_load %arg8[%get3A_62] {strides = array<i32>} : memref<2048xi32, #tpu.memory_space<vmem>>, vector<16xi32>,
    %min3A_64 = arith.constant 1599999 : i32
    %min3A_65 = vector.broadcast %min3A_64 : i32 to vector<16xi32>
    %min3A_66 = arith.minsi %get3A_63, %min3A_65 : vector<16xi32>
    %shift_right_logical3A_67 = arith.constant 7 : i32
    %shift_right_logical3A_68 = vector.broadcast %shift_right_logical3A_67 : i32 to vector<16xi32>
    %shift_right_logical3A_69 = arith.shrui %min3A_66, %shift_right_logical3A_68 : vector<16xi32>
    %min3A_70 = arith.constant 12498 : i32
    %min3A_71 = vector.broadcast %min3A_70 : i32 to vector<16xi32>
    %min3A_72 = arith.minsi %shift_right_logical3A_69, %min3A_71 : vector<16xi32>
    %add3A_73 = arith.constant 16 : i32
    %add3A_74 = vector.broadcast %add3A_73 : i32 to vector<16xi32>
    %add3A_75 = arith.addi %iota3A, %add3A_74 : vector<16xi32>
    %mul3A_76 = arith.constant 2 : i32
    %mul3A_77 = vector.broadcast %mul3A_76 : i32 to vector<16xi32>
    %mul3A_78 = arith.muli %mul3A_77, %add3A_75 : vector<16xi32>
    tpu.vector_store_idx %arg9[%mul3A_78], %min3A_72 : memref<128xi32, #tpu.memory_space<vmem>>[vector<16xi32>], vector<16xi32>,
    %mul3A_79 = arith.constant 2 : i32
    %mul3A_80 = vector.broadcast %mul3A_79 : i32 to vector<16xi32>
    %mul3A_81 = arith.muli %mul3A_80, %add3A_75 : vector<16xi32>
    %add3A_82 = arith.constant 1 : i32
    %add3A_83 = vector.broadcast %add3A_82 : i32 to vector<16xi32>
    %add3A_84 = arith.addi %mul3A_81, %add3A_83 : vector<16xi32>
    %add3A_85 = arith.constant 1 : i32
    %add3A_86 = vector.broadcast %add3A_85 : i32 to vector<16xi32>
    %add3A_87 = arith.addi %min3A_72, %add3A_86 : vector<16xi32>
    tpu.vector_store_idx %arg9[%add3A_84], %add3A_87 : memref<128xi32, #tpu.memory_space<vmem>>[vector<16xi32>], vector<16xi32>,
    %jit3A_88 = arith.constant 16384 : i32
    %jit3A_89 = arith.constant 0 : i32
    %broadcast_in_dim3A_90 = vector.broadcast %jit3A_88 : i32 to vector<16xi32>
    %broadcast_in_dim3A_91 = vector.broadcast %jit3A_89 : i32 to vector<16xi32>
    %select_n3A_92 = arith.select %ne3A_59, %broadcast_in_dim3A_90, %broadcast_in_dim3A_91 : vector<16xi1>, vector<16xi32>
    %mul3A_93 = arith.constant 256 : i32
    %mul3A_94 = vector.broadcast %mul3A_93 : i32 to vector<16xi32>
    %mul3A_95 = arith.muli %add3A_75, %mul3A_94 : vector<16xi32>
    %add3A_96 = arith.addi %select_n3A_92, %mul3A_95 : vector<16xi32>
    %mul3A_97 = arith.constant 128 : i32
    %mul3A_98 = vector.broadcast %mul3A_97 : i32 to vector<16xi32>
    %mul3A_99 = arith.muli %mul3A_98, %min3A_72 : vector<16xi32>
    %sub3A_100 = arith.subi %add3A_96, %mul3A_99 : vector<16xi32>
    %add3A_101 = arith.addi %sub3A_100, %min3A_66 : vector<16xi32>
    %swap3A_102 = arith.constant 16 : index
    %swap3A_103 = tpu.vector_load %arg11[%swap3A_102] {strides = array<i32>} : memref<64xi32, #tpu.memory_space<vmem>>, vector<16xi32>,
    tpu.vector_store %arg11[%swap3A_102], %add3A_101 {strides = array<i32>} : memref<64xi32, #tpu.memory_space<vmem>>, vector<16xi32>,
    %add3A_104 = arith.constant 1599999 : i32
    %add3A_105 = vector.broadcast %add3A_104 : i32 to vector<16xi32>
    %add3A_106 = arith.addi %sub3A_100, %add3A_105 : vector<16xi32>
    %swap3A_107 = arith.constant 16 : index
    %swap3A_108 = tpu.vector_load %arg13[%swap3A_107] {strides = array<i32>} : memref<64xi32, #tpu.memory_space<vmem>>, vector<16xi32>,
    tpu.vector_store %arg13[%swap3A_107], %add3A_106 {strides = array<i32>} : memref<64xi32, #tpu.memory_space<vmem>>, vector<16xi32>,
    %add3A_109 = arith.constant 32 : i32
    %add3A_110 = arith.addi %mul3A_5, %add3A_109 : i32
    %get3A_111 = arith.index_cast %add3A_110 : i32 to index
    %get3A_112 = tpu.vector_load %arg7[%get3A_111] {strides = array<i32>} : memref<2048xi32, #tpu.memory_space<vmem>>, vector<16xi32>,
    %ne3A_113 = arith.constant 0 : i32
    %ne3A_114 = vector.broadcast %ne3A_113 : i32 to vector<16xi32>
    %ne3A_115 = arith.cmpi ne, %get3A_112, %ne3A_114 : vector<16xi32>
    %add3A_116 = arith.constant 32 : i32
    %add3A_117 = arith.addi %mul3A_5, %add3A_116 : i32
    %get3A_118 = arith.index_cast %add3A_117 : i32 to index
    %get3A_119 = tpu.vector_load %arg8[%get3A_118] {strides = array<i32>} : memref<2048xi32, #tpu.memory_space<vmem>>, vector<16xi32>,
    %min3A_120 = arith.constant 1599999 : i32
    %min3A_121 = vector.broadcast %min3A_120 : i32 to vector<16xi32>
    %min3A_122 = arith.minsi %get3A_119, %min3A_121 : vector<16xi32>
    %shift_right_logical3A_123 = arith.constant 7 : i32
    %shift_right_logical3A_124 = vector.broadcast %shift_right_logical3A_123 : i32 to vector<16xi32>
    %shift_right_logical3A_125 = arith.shrui %min3A_122, %shift_right_logical3A_124 : vector<16xi32>
    %min3A_126 = arith.constant 12498 : i32
    %min3A_127 = vector.broadcast %min3A_126 : i32 to vector<16xi32>
    %min3A_128 = arith.minsi %shift_right_logical3A_125, %min3A_127 : vector<16xi32>
    %add3A_129 = arith.constant 32 : i32
    %add3A_130 = vector.broadcast %add3A_129 : i32 to vector<16xi32>
    %add3A_131 = arith.addi %iota3A, %add3A_130 : vector<16xi32>
    %mul3A_132 = arith.constant 2 : i32
    %mul3A_133 = vector.broadcast %mul3A_132 : i32 to vector<16xi32>
    %mul3A_134 = arith.muli %mul3A_133, %add3A_131 : vector<16xi32>
    tpu.vector_store_idx %arg9[%mul3A_134], %min3A_128 : memref<128xi32, #tpu.memory_space<vmem>>[vector<16xi32>], vector<16xi32>,
    %mul3A_135 = arith.constant 2 : i32
    %mul3A_136 = vector.broadcast %mul3A_135 : i32 to vector<16xi32>
    %mul3A_137 = arith.muli %mul3A_136, %add3A_131 : vector<16xi32>
    %add3A_138 = arith.constant 1 : i32
    %add3A_139 = vector.broadcast %add3A_138 : i32 to vector<16xi32>
    %add3A_140 = arith.addi %mul3A_137, %add3A_139 : vector<16xi32>
    %add3A_141 = arith.constant 1 : i32
    %add3A_142 = vector.broadcast %add3A_141 : i32 to vector<16xi32>
    %add3A_143 = arith.addi %min3A_128, %add3A_142 : vector<16xi32>
    tpu.vector_store_idx %arg9[%add3A_140], %add3A_143 : memref<128xi32, #tpu.memory_space<vmem>>[vector<16xi32>], vector<16xi32>,
    %jit3A_144 = arith.constant 16384 : i32
    %jit3A_145 = arith.constant 0 : i32
    %broadcast_in_dim3A_146 = vector.broadcast %jit3A_144 : i32 to vector<16xi32>
    %broadcast_in_dim3A_147 = vector.broadcast %jit3A_145 : i32 to vector<16xi32>
    %select_n3A_148 = arith.select %ne3A_115, %broadcast_in_dim3A_146, %broadcast_in_dim3A_147 : vector<16xi1>, vector<16xi32>
    %mul3A_149 = arith.constant 256 : i32
    %mul3A_150 = vector.broadcast %mul3A_149 : i32 to vector<16xi32>
    %mul3A_151 = arith.muli %add3A_131, %mul3A_150 : vector<16xi32>
    %add3A_152 = arith.addi %select_n3A_148, %mul3A_151 : vector<16xi32>
    %mul3A_153 = arith.constant 128 : i32
    %mul3A_154 = vector.broadcast %mul3A_153 : i32 to vector<16xi32>
    %mul3A_155 = arith.muli %mul3A_154, %min3A_128 : vector<16xi32>
    %sub3A_156 = arith.subi %add3A_152, %mul3A_155 : vector<16xi32>
    %add3A_157 = arith.addi %sub3A_156, %min3A_122 : vector<16xi32>
    %swap3A_158 = arith.constant 32 : index
    %swap3A_159 = tpu.vector_load %arg11[%swap3A_158] {strides = array<i32>} : memref<64xi32, #tpu.memory_space<vmem>>, vector<16xi32>,
    tpu.vector_store %arg11[%swap3A_158], %add3A_157 {strides = array<i32>} : memref<64xi32, #tpu.memory_space<vmem>>, vector<16xi32>,
    %add3A_160 = arith.constant 1599999 : i32
    %add3A_161 = vector.broadcast %add3A_160 : i32 to vector<16xi32>
    %add3A_162 = arith.addi %sub3A_156, %add3A_161 : vector<16xi32>
    %swap3A_163 = arith.constant 32 : index
    %swap3A_164 = tpu.vector_load %arg13[%swap3A_163] {strides = array<i32>} : memref<64xi32, #tpu.memory_space<vmem>>, vector<16xi32>,
    tpu.vector_store %arg13[%swap3A_163], %add3A_162 {strides = array<i32>} : memref<64xi32, #tpu.memory_space<vmem>>, vector<16xi32>,
    %add3A_165 = arith.constant 48 : i32
    %add3A_166 = arith.addi %mul3A_5, %add3A_165 : i32
    %get3A_167 = arith.index_cast %add3A_166 : i32 to index
    %get3A_168 = tpu.vector_load %arg7[%get3A_167] {strides = array<i32>} : memref<2048xi32, #tpu.memory_space<vmem>>, vector<16xi32>,
    %ne3A_169 = arith.constant 0 : i32
    %ne3A_170 = vector.broadcast %ne3A_169 : i32 to vector<16xi32>
    %ne3A_171 = arith.cmpi ne, %get3A_168, %ne3A_170 : vector<16xi32>
    %add3A_172 = arith.constant 48 : i32
    %add3A_173 = arith.addi %mul3A_5, %add3A_172 : i32
    %get3A_174 = arith.index_cast %add3A_173 : i32 to index
    %get3A_175 = tpu.vector_load %arg8[%get3A_174] {strides = array<i32>} : memref<2048xi32, #tpu.memory_space<vmem>>, vector<16xi32>,
    %min3A_176 = arith.constant 1599999 : i32
    %min3A_177 = vector.broadcast %min3A_176 : i32 to vector<16xi32>
    %min3A_178 = arith.minsi %get3A_175, %min3A_177 : vector<16xi32>
    %shift_right_logical3A_179 = arith.constant 7 : i32
    %shift_right_logical3A_180 = vector.broadcast %shift_right_logical3A_179 : i32 to vector<16xi32>
    %shift_right_logical3A_181 = arith.shrui %min3A_178, %shift_right_logical3A_180 : vector<16xi32>
    %min3A_182 = arith.constant 12498 : i32
    %min3A_183 = vector.broadcast %min3A_182 : i32 to vector<16xi32>
    %min3A_184 = arith.minsi %shift_right_logical3A_181, %min3A_183 : vector<16xi32>
    %add3A_185 = arith.constant 48 : i32
    %add3A_186 = vector.broadcast %add3A_185 : i32 to vector<16xi32>
    %add3A_187 = arith.addi %iota3A, %add3A_186 : vector<16xi32>
    %mul3A_188 = arith.constant 2 : i32
    %mul3A_189 = vector.broadcast %mul3A_188 : i32 to vector<16xi32>
    %mul3A_190 = arith.muli %mul3A_189, %add3A_187 : vector<16xi32>
    tpu.vector_store_idx %arg9[%mul3A_190], %min3A_184 : memref<128xi32, #tpu.memory_space<vmem>>[vector<16xi32>], vector<16xi32>,
    %mul3A_191 = arith.constant 2 : i32
    %mul3A_192 = vector.broadcast %mul3A_191 : i32 to vector<16xi32>
    %mul3A_193 = arith.muli %mul3A_192, %add3A_187 : vector<16xi32>
    %add3A_194 = arith.constant 1 : i32
    %add3A_195 = vector.broadcast %add3A_194 : i32 to vector<16xi32>
    %add3A_196 = arith.addi %mul3A_193, %add3A_195 : vector<16xi32>
    %add3A_197 = arith.constant 1 : i32
    %add3A_198 = vector.broadcast %add3A_197 : i32 to vector<16xi32>
    %add3A_199 = arith.addi %min3A_184, %add3A_198 : vector<16xi32>
    tpu.vector_store_idx %arg9[%add3A_196], %add3A_199 : memref<128xi32, #tpu.memory_space<vmem>>[vector<16xi32>], vector<16xi32>,
    %jit3A_200 = arith.constant 16384 : i32
    %jit3A_201 = arith.constant 0 : i32
    %broadcast_in_dim3A_202 = vector.broadcast %jit3A_200 : i32 to vector<16xi32>
    %broadcast_in_dim3A_203 = vector.broadcast %jit3A_201 : i32 to vector<16xi32>
    %select_n3A_204 = arith.select %ne3A_171, %broadcast_in_dim3A_202, %broadcast_in_dim3A_203 : vector<16xi1>, vector<16xi32>
    %mul3A_205 = arith.constant 256 : i32
    %mul3A_206 = vector.broadcast %mul3A_205 : i32 to vector<16xi32>
    %mul3A_207 = arith.muli %add3A_187, %mul3A_206 : vector<16xi32>
    %add3A_208 = arith.addi %select_n3A_204, %mul3A_207 : vector<16xi32>
    %mul3A_209 = arith.constant 128 : i32
    %mul3A_210 = vector.broadcast %mul3A_209 : i32 to vector<16xi32>
    %mul3A_211 = arith.muli %mul3A_210, %min3A_184 : vector<16xi32>
    %sub3A_212 = arith.subi %add3A_208, %mul3A_211 : vector<16xi32>
    %add3A_213 = arith.addi %sub3A_212, %min3A_178 : vector<16xi32>
    %swap3A_214 = arith.constant 48 : index
    %swap3A_215 = tpu.vector_load %arg11[%swap3A_214] {strides = array<i32>} : memref<64xi32, #tpu.memory_space<vmem>>, vector<16xi32>,
    tpu.vector_store %arg11[%swap3A_214], %add3A_213 {strides = array<i32>} : memref<64xi32, #tpu.memory_space<vmem>>, vector<16xi32>,
    %add3A_216 = arith.constant 1599999 : i32
    %add3A_217 = vector.broadcast %add3A_216 : i32 to vector<16xi32>
    %add3A_218 = arith.addi %sub3A_212, %add3A_217 : vector<16xi32>
    %swap3A_219 = arith.constant 48 : index
    %swap3A_220 = tpu.vector_load %arg13[%swap3A_219] {strides = array<i32>} : memref<64xi32, #tpu.memory_space<vmem>>, vector<16xi32>,
    tpu.vector_store %arg13[%swap3A_219], %add3A_218 {strides = array<i32>} : memref<64xi32, #tpu.memory_space<vmem>>, vector<16xi32>,
    %dma_start3A = arith.constant 0 : i32
    %dma_start3A_221 = arith.constant 0 : i32
    %dma_start3A_222 = tpu.memref_slice %arg15[%dma_start3A, %dma_start3A_221] : memref<256x128xi32, #tpu.memory_space<vmem>> -> memref<128x128xi32, #tpu.memory_space<vmem>>
    %dma_start3A_223 = arith.constant 0 : i32
    %dma_start3A_224 = arith.constant 0 : i32
    %dma_start3A_225 = tpu.memref_slice %arg4[%dma_start3A_223, %dma_start3A_224] : memref<12500x128xi32, #tpu.memory_space<hbm>> -> memref<12500x128xi32, #tpu.memory_space<hbm>>
    tpu.enqueue_indirect_dma source(%dma_start3A_225 : memref<12500x128xi32, #tpu.memory_space<hbm>>) target(%dma_start3A_222 : memref<128x128xi32, #tpu.memory_space<vmem>>) offsets(%arg9 : memref<128xi32, #tpu.memory_space<vmem>>) semaphore(%arg18 : memref<!tpu.dma_semaphore, #tpu.memory_space<semaphore_mem>>)
    %dma_start3A_226 = arith.constant 128 : i32
    %dma_start3A_227 = arith.constant 0 : i32
    %dma_start3A_228 = tpu.memref_slice %arg15[%dma_start3A_226, %dma_start3A_227] : memref<256x128xi32, #tpu.memory_space<vmem>> -> memref<128x128xi32, #tpu.memory_space<vmem>>
    %dma_start3A_229 = arith.constant 0 : i32
    %dma_start3A_230 = arith.constant 0 : i32
    %dma_start3A_231 = tpu.memref_slice %arg5[%dma_start3A_229, %dma_start3A_230] : memref<12500x128xi32, #tpu.memory_space<hbm>> -> memref<12500x128xi32, #tpu.memory_space<hbm>>
    tpu.enqueue_indirect_dma source(%dma_start3A_231 : memref<12500x128xi32, #tpu.memory_space<hbm>>) target(%dma_start3A_228 : memref<128x128xi32, #tpu.memory_space<vmem>>) offsets(%arg9 : memref<128xi32, #tpu.memory_space<vmem>>) semaphore(%arg18 : memref<!tpu.dma_semaphore, #tpu.memory_space<semaphore_mem>>)
    %while3A = arith.constant 0 : i32
    %while3A_232 = arith.constant 0 : i32
    %while3A_233 = arith.constant 16 : i32
    %while3A_234 = arith.subi %while3A_233, %while3A_232 : i32
    %while3A_235 = arith.addi %while3A_232, %while3A_234 : i32
    %while3A_236 = arith.constant 1 : i32
    %while3A_237 = arith.divsi %while3A_234, %while3A_236 : i32
    %while3A_238 = arith.muli %while3A_237, %while3A_236 : i32
    %while3A_239 = arith.addi %while3A_232, %while3A_238 : i32
    %while3A_240 = arith.constant 1 : i32
    scf.for %while3A_246 = %while3A_232 to %while3A_239 step %while3A_240  : i32 {
      %mul3A_247 = arith.constant 2 : i32
      %mul3A_248 = arith.muli %mul3A_247, %while3A_246 : i32
      %add3A_249 = arith.constant 1 : i32
      %add3A_250 = arith.addi %mul3A_248, %add3A_249 : i32
      %mul3A_251 = arith.constant 64 : i32
      %mul3A_252 = arith.muli %add3A_250, %mul3A_251 : i32
      %add3A_253 = arith.constant 0 : i32
      %add3A_254 = arith.addi %mul3A_252, %add3A_253 : i32
      %get3A_255 = arith.index_cast %add3A_254 : i32 to index
      %get3A_256 = tpu.vector_load %arg7[%get3A_255] {strides = array<i32>} : memref<2048xi32, #tpu.memory_space<vmem>>, vector<16xi32>,
      %ne3A_257 = arith.constant 0 : i32
      %ne3A_258 = vector.broadcast %ne3A_257 : i32 to vector<16xi32>
      %ne3A_259 = arith.cmpi ne, %get3A_256, %ne3A_258 : vector<16xi32>
      %add3A_260 = arith.constant 0 : i32
      %add3A_261 = arith.addi %mul3A_252, %add3A_260 : i32
      %get3A_262 = arith.index_cast %add3A_261 : i32 to index
      %get3A_263 = tpu.vector_load %arg8[%get3A_262] {strides = array<i32>} : memref<2048xi32, #tpu.memory_space<vmem>>, vector<16xi32>,
      %min3A_264 = arith.constant 1599999 : i32
      %min3A_265 = vector.broadcast %min3A_264 : i32 to vector<16xi32>
      %min3A_266 = arith.minsi %get3A_263, %min3A_265 : vector<16xi32>
      %shift_right_logical3A_267 = arith.constant 7 : i32
      %shift_right_logical3A_268 = vector.broadcast %shift_right_logical3A_267 : i32 to vector<16xi32>
      %shift_right_logical3A_269 = arith.shrui %min3A_266, %shift_right_logical3A_268 : vector<16xi32>
      %min3A_270 = arith.constant 12498 : i32
      %min3A_271 = vector.broadcast %min3A_270 : i32 to vector<16xi32>
      %min3A_272 = arith.minsi %shift_right_logical3A_269, %min3A_271 : vector<16xi32>
      %add3A_273 = arith.constant 0 : i32
      %add3A_274 = vector.broadcast %add3A_273 : i32 to vector<16xi32>
      %add3A_275 = arith.addi %iota3A, %add3A_274 : vector<16xi32>
      %mul3A_276 = arith.constant 2 : i32
      %mul3A_277 = vector.broadcast %mul3A_276 : i32 to vector<16xi32>
      %mul3A_278 = arith.muli %mul3A_277, %add3A_275 : vector<16xi32>
      tpu.vector_store_idx %arg10[%mul3A_278], %min3A_272 : memref<128xi32, #tpu.memory_space<vmem>>[vector<16xi32>], vector<16xi32>,
      %mul3A_279 = arith.constant 2 : i32
      %mul3A_280 = vector.broadcast %mul3A_279 : i32 to vector<16xi32>
      %mul3A_281 = arith.muli %mul3A_280, %add3A_275 : vector<16xi32>
      %add3A_282 = arith.constant 1 : i32
      %add3A_283 = vector.broadcast %add3A_282 : i32 to vector<16xi32>
      %add3A_284 = arith.addi %mul3A_281, %add3A_283 : vector<16xi32>
      %add3A_285 = arith.constant 1 : i32
      %add3A_286 = vector.broadcast %add3A_285 : i32 to vector<16xi32>
      %add3A_287 = arith.addi %min3A_272, %add3A_286 : vector<16xi32>
      tpu.vector_store_idx %arg10[%add3A_284], %add3A_287 : memref<128xi32, #tpu.memory_space<vmem>>[vector<16xi32>], vector<16xi32>,
      %jit3A_288 = arith.constant 16384 : i32
      %jit3A_289 = arith.constant 0 : i32
      %broadcast_in_dim3A_290 = vector.broadcast %jit3A_288 : i32 to vector<16xi32>
      %broadcast_in_dim3A_291 = vector.broadcast %jit3A_289 : i32 to vector<16xi32>
      %select_n3A_292 = arith.select %ne3A_259, %broadcast_in_dim3A_290, %broadcast_in_dim3A_291 : vector<16xi1>, vector<16xi32>
      %mul3A_293 = arith.constant 256 : i32
      %mul3A_294 = vector.broadcast %mul3A_293 : i32 to vector<16xi32>
      %mul3A_295 = arith.muli %add3A_275, %mul3A_294 : vector<16xi32>
      %add3A_296 = arith.addi %select_n3A_292, %mul3A_295 : vector<16xi32>
      %mul3A_297 = arith.constant 128 : i32
      %mul3A_298 = vector.broadcast %mul3A_297 : i32 to vector<16xi32>
      %mul3A_299 = arith.muli %mul3A_298, %min3A_272 : vector<16xi32>
      %sub3A_300 = arith.subi %add3A_296, %mul3A_299 : vector<16xi32>
      %add3A_301 = arith.addi %sub3A_300, %min3A_266 : vector<16xi32>
      %swap3A_302 = arith.constant 0 : index
      %swap3A_303 = tpu.vector_load %arg12[%swap3A_302] {strides = array<i32>} : memref<64xi32, #tpu.memory_space<vmem>>, vector<16xi32>,
      tpu.vector_store %arg12[%swap3A_302], %add3A_301 {strides = array<i32>} : memref<64xi32, #tpu.memory_space<vmem>>, vector<16xi32>,
      %add3A_304 = arith.constant 1599999 : i32
      %add3A_305 = vector.broadcast %add3A_304 : i32 to vector<16xi32>
      %add3A_306 = arith.addi %sub3A_300, %add3A_305 : vector<16xi32>
      %swap3A_307 = arith.constant 0 : index
      %swap3A_308 = tpu.vector_load %arg14[%swap3A_307] {strides = array<i32>} : memref<64xi32, #tpu.memory_space<vmem>>, vector<16xi32>,
      tpu.vector_store %arg14[%swap3A_307], %add3A_306 {strides = array<i32>} : memref<64xi32, #tpu.memory_space<vmem>>, vector<16xi32>,
      %add3A_309 = arith.constant 16 : i32
      %add3A_310 = arith.addi %mul3A_252, %add3A_309 : i32
      %get3A_311 = arith.index_cast %add3A_310 : i32 to index
      %get3A_312 = tpu.vector_load %arg7[%get3A_311] {strides = array<i32>} : memref<2048xi32, #tpu.memory_space<vmem>>, vector<16xi32>,
      %ne3A_313 = arith.constant 0 : i32
      %ne3A_314 = vector.broadcast %ne3A_313 : i32 to vector<16xi32>
      %ne3A_315 = arith.cmpi ne, %get3A_312, %ne3A_314 : vector<16xi32>
      %add3A_316 = arith.constant 16 : i32
      %add3A_317 = arith.addi %mul3A_252, %add3A_316 : i32
      %get3A_318 = arith.index_cast %add3A_317 : i32 to index
      %get3A_319 = tpu.vector_load %arg8[%get3A_318] {strides = array<i32>} : memref<2048xi32, #tpu.memory_space<vmem>>, vector<16xi32>,
      %min3A_320 = arith.constant 1599999 : i32
      %min3A_321 = vector.broadcast %min3A_320 : i32 to vector<16xi32>
      %min3A_322 = arith.minsi %get3A_319, %min3A_321 : vector<16xi32>
      %shift_right_logical3A_323 = arith.constant 7 : i32
      %shift_right_logical3A_324 = vector.broadcast %shift_right_logical3A_323 : i32 to vector<16xi32>
      %shift_right_logical3A_325 = arith.shrui %min3A_322, %shift_right_logical3A_324 : vector<16xi32>
      %min3A_326 = arith.constant 12498 : i32
      %min3A_327 = vector.broadcast %min3A_326 : i32 to vector<16xi32>
      %min3A_328 = arith.minsi %shift_right_logical3A_325, %min3A_327 : vector<16xi32>
      %add3A_329 = arith.constant 16 : i32
      %add3A_330 = vector.broadcast %add3A_329 : i32 to vector<16xi32>
      %add3A_331 = arith.addi %iota3A, %add3A_330 : vector<16xi32>
      %mul3A_332 = arith.constant 2 : i32
      %mul3A_333 = vector.broadcast %mul3A_332 : i32 to vector<16xi32>
      %mul3A_334 = arith.muli %mul3A_333, %add3A_331 : vector<16xi32>
      tpu.vector_store_idx %arg10[%mul3A_334], %min3A_328 : memref<128xi32, #tpu.memory_space<vmem>>[vector<16xi32>], vector<16xi32>,
      %mul3A_335 = arith.constant 2 : i32
      %mul3A_336 = vector.broadcast %mul3A_335 : i32 to vector<16xi32>
      %mul3A_337 = arith.muli %mul3A_336, %add3A_331 : vector<16xi32>
      %add3A_338 = arith.constant 1 : i32
      %add3A_339 = vector.broadcast %add3A_338 : i32 to vector<16xi32>
      %add3A_340 = arith.addi %mul3A_337, %add3A_339 : vector<16xi32>
      %add3A_341 = arith.constant 1 : i32
      %add3A_342 = vector.broadcast %add3A_341 : i32 to vector<16xi32>
      %add3A_343 = arith.addi %min3A_328, %add3A_342 : vector<16xi32>
      tpu.vector_store_idx %arg10[%add3A_340], %add3A_343 : memref<128xi32, #tpu.memory_space<vmem>>[vector<16xi32>], vector<16xi32>,
      %jit3A_344 = arith.constant 16384 : i32
      %jit3A_345 = arith.constant 0 : i32
      %broadcast_in_dim3A_346 = vector.broadcast %jit3A_344 : i32 to vector<16xi32>
      %broadcast_in_dim3A_347 = vector.broadcast %jit3A_345 : i32 to vector<16xi32>
      %select_n3A_348 = arith.select %ne3A_315, %broadcast_in_dim3A_346, %broadcast_in_dim3A_347 : vector<16xi1>, vector<16xi32>
      %mul3A_349 = arith.constant 256 : i32
      %mul3A_350 = vector.broadcast %mul3A_349 : i32 to vector<16xi32>
      %mul3A_351 = arith.muli %add3A_331, %mul3A_350 : vector<16xi32>
      %add3A_352 = arith.addi %select_n3A_348, %mul3A_351 : vector<16xi32>
      %mul3A_353 = arith.constant 128 : i32
      %mul3A_354 = vector.broadcast %mul3A_353 : i32 to vector<16xi32>
      %mul3A_355 = arith.muli %mul3A_354, %min3A_328 : vector<16xi32>
      %sub3A_356 = arith.subi %add3A_352, %mul3A_355 : vector<16xi32>
      %add3A_357 = arith.addi %sub3A_356, %min3A_322 : vector<16xi32>
      %swap3A_358 = arith.constant 16 : index
      %swap3A_359 = tpu.vector_load %arg12[%swap3A_358] {strides = array<i32>} : memref<64xi32, #tpu.memory_space<vmem>>, vector<16xi32>,
      tpu.vector_store %arg12[%swap3A_358], %add3A_357 {strides = array<i32>} : memref<64xi32, #tpu.memory_space<vmem>>, vector<16xi32>,
      %add3A_360 = arith.constant 1599999 : i32
      %add3A_361 = vector.broadcast %add3A_360 : i32 to vector<16xi32>
      %add3A_362 = arith.addi %sub3A_356, %add3A_361 : vector<16xi32>
      %swap3A_363 = arith.constant 16 : index
      %swap3A_364 = tpu.vector_load %arg14[%swap3A_363] {strides = array<i32>} : memref<64xi32, #tpu.memory_space<vmem>>, vector<16xi32>,
      tpu.vector_store %arg14[%swap3A_363], %add3A_362 {strides = array<i32>} : memref<64xi32, #tpu.memory_space<vmem>>, vector<16xi32>,
      %add3A_365 = arith.constant 32 : i32
      %add3A_366 = arith.addi %mul3A_252, %add3A_365 : i32
      %get3A_367 = arith.index_cast %add3A_366 : i32 to index
      %get3A_368 = tpu.vector_load %arg7[%get3A_367] {strides = array<i32>} : memref<2048xi32, #tpu.memory_space<vmem>>, vector<16xi32>,
      %ne3A_369 = arith.constant 0 : i32
      %ne3A_370 = vector.broadcast %ne3A_369 : i32 to vector<16xi32>
      %ne3A_371 = arith.cmpi ne, %get3A_368, %ne3A_370 : vector<16xi32>
      %add3A_372 = arith.constant 32 : i32
      %add3A_373 = arith.addi %mul3A_252, %add3A_372 : i32
      %get3A_374 = arith.index_cast %add3A_373 : i32 to index
      %get3A_375 = tpu.vector_load %arg8[%get3A_374] {strides = array<i32>} : memref<2048xi32, #tpu.memory_space<vmem>>, vector<16xi32>,
      %min3A_376 = arith.constant 1599999 : i32
      %min3A_377 = vector.broadcast %min3A_376 : i32 to vector<16xi32>
      %min3A_378 = arith.minsi %get3A_375, %min3A_377 : vector<16xi32>
      %shift_right_logical3A_379 = arith.constant 7 : i32
      %shift_right_logical3A_380 = vector.broadcast %shift_right_logical3A_379 : i32 to vector<16xi32>
      %shift_right_logical3A_381 = arith.shrui %min3A_378, %shift_right_logical3A_380 : vector<16xi32>
      %min3A_382 = arith.constant 12498 : i32
      %min3A_383 = vector.broadcast %min3A_382 : i32 to vector<16xi32>
      %min3A_384 = arith.minsi %shift_right_logical3A_381, %min3A_383 : vector<16xi32>
      %add3A_385 = arith.constant 32 : i32
      %add3A_386 = vector.broadcast %add3A_385 : i32 to vector<16xi32>
      %add3A_387 = arith.addi %iota3A, %add3A_386 : vector<16xi32>
      %mul3A_388 = arith.constant 2 : i32
      %mul3A_389 = vector.broadcast %mul3A_388 : i32 to vector<16xi32>
      %mul3A_390 = arith.muli %mul3A_389, %add3A_387 : vector<16xi32>
      tpu.vector_store_idx %arg10[%mul3A_390], %min3A_384 : memref<128xi32, #tpu.memory_space<vmem>>[vector<16xi32>], vector<16xi32>,
      %mul3A_391 = arith.constant 2 : i32
      %mul3A_392 = vector.broadcast %mul3A_391 : i32 to vector<16xi32>
      %mul3A_393 = arith.muli %mul3A_392, %add3A_387 : vector<16xi32>
      %add3A_394 = arith.constant 1 : i32
      %add3A_395 = vector.broadcast %add3A_394 : i32 to vector<16xi32>
      %add3A_396 = arith.addi %mul3A_393, %add3A_395 : vector<16xi32>
      %add3A_397 = arith.constant 1 : i32
      %add3A_398 = vector.broadcast %add3A_397 : i32 to vector<16xi32>
      %add3A_399 = arith.addi %min3A_384, %add3A_398 : vector<16xi32>
      tpu.vector_store_idx %arg10[%add3A_396], %add3A_399 : memref<128xi32, #tpu.memory_space<vmem>>[vector<16xi32>], vector<16xi32>,
      %jit3A_400 = arith.constant 16384 : i32
      %jit3A_401 = arith.constant 0 : i32
      %broadcast_in_dim3A_402 = vector.broadcast %jit3A_400 : i32 to vector<16xi32>
      %broadcast_in_dim3A_403 = vector.broadcast %jit3A_401 : i32 to vector<16xi32>
      %select_n3A_404 = arith.select %ne3A_371, %broadcast_in_dim3A_402, %broadcast_in_dim3A_403 : vector<16xi1>, vector<16xi32>
      %mul3A_405 = arith.constant 256 : i32
      %mul3A_406 = vector.broadcast %mul3A_405 : i32 to vector<16xi32>
      %mul3A_407 = arith.muli %add3A_387, %mul3A_406 : vector<16xi32>
      %add3A_408 = arith.addi %select_n3A_404, %mul3A_407 : vector<16xi32>
      %mul3A_409 = arith.constant 128 : i32
      %mul3A_410 = vector.broadcast %mul3A_409 : i32 to vector<16xi32>
      %mul3A_411 = arith.muli %mul3A_410, %min3A_384 : vector<16xi32>
      %sub3A_412 = arith.subi %add3A_408, %mul3A_411 : vector<16xi32>
      %add3A_413 = arith.addi %sub3A_412, %min3A_378 : vector<16xi32>
      %swap3A_414 = arith.constant 32 : index
      %swap3A_415 = tpu.vector_load %arg12[%swap3A_414] {strides = array<i32>} : memref<64xi32, #tpu.memory_space<vmem>>, vector<16xi32>,
      tpu.vector_store %arg12[%swap3A_414], %add3A_413 {strides = array<i32>} : memref<64xi32, #tpu.memory_space<vmem>>, vector<16xi32>,
      %add3A_416 = arith.constant 1599999 : i32
      %add3A_417 = vector.broadcast %add3A_416 : i32 to vector<16xi32>
      %add3A_418 = arith.addi %sub3A_412, %add3A_417 : vector<16xi32>
      %swap3A_419 = arith.constant 32 : index
      %swap3A_420 = tpu.vector_load %arg14[%swap3A_419] {strides = array<i32>} : memref<64xi32, #tpu.memory_space<vmem>>, vector<16xi32>,
      tpu.vector_store %arg14[%swap3A_419], %add3A_418 {strides = array<i32>} : memref<64xi32, #tpu.memory_space<vmem>>, vector<16xi32>,
      %add3A_421 = arith.constant 48 : i32
      %add3A_422 = arith.addi %mul3A_252, %add3A_421 : i32
      %get3A_423 = arith.index_cast %add3A_422 : i32 to index
      %get3A_424 = tpu.vector_load %arg7[%get3A_423] {strides = array<i32>} : memref<2048xi32, #tpu.memory_space<vmem>>, vector<16xi32>,
      %ne3A_425 = arith.constant 0 : i32
      %ne3A_426 = vector.broadcast %ne3A_425 : i32 to vector<16xi32>
      %ne3A_427 = arith.cmpi ne, %get3A_424, %ne3A_426 : vector<16xi32>
      %add3A_428 = arith.constant 48 : i32
      %add3A_429 = arith.addi %mul3A_252, %add3A_428 : i32
      %get3A_430 = arith.index_cast %add3A_429 : i32 to index
      %get3A_431 = tpu.vector_load %arg8[%get3A_430] {strides = array<i32>} : memref<2048xi32, #tpu.memory_space<vmem>>, vector<16xi32>,
      %min3A_432 = arith.constant 1599999 : i32
      %min3A_433 = vector.broadcast %min3A_432 : i32 to vector<16xi32>
      %min3A_434 = arith.minsi %get3A_431, %min3A_433 : vector<16xi32>
      %shift_right_logical3A_435 = arith.constant 7 : i32
      %shift_right_logical3A_436 = vector.broadcast %shift_right_logical3A_435 : i32 to vector<16xi32>
      %shift_right_logical3A_437 = arith.shrui %min3A_434, %shift_right_logical3A_436 : vector<16xi32>
      %min3A_438 = arith.constant 12498 : i32
      %min3A_439 = vector.broadcast %min3A_438 : i32 to vector<16xi32>
      %min3A_440 = arith.minsi %shift_right_logical3A_437, %min3A_439 : vector<16xi32>
      %add3A_441 = arith.constant 48 : i32
      %add3A_442 = vector.broadcast %add3A_441 : i32 to vector<16xi32>
      %add3A_443 = arith.addi %iota3A, %add3A_442 : vector<16xi32>
      %mul3A_444 = arith.constant 2 : i32
      %mul3A_445 = vector.broadcast %mul3A_444 : i32 to vector<16xi32>
      %mul3A_446 = arith.muli %mul3A_445, %add3A_443 : vector<16xi32>
      tpu.vector_store_idx %arg10[%mul3A_446], %min3A_440 : memref<128xi32, #tpu.memory_space<vmem>>[vector<16xi32>], vector<16xi32>,
      %mul3A_447 = arith.constant 2 : i32
      %mul3A_448 = vector.broadcast %mul3A_447 : i32 to vector<16xi32>
      %mul3A_449 = arith.muli %mul3A_448, %add3A_443 : vector<16xi32>
      %add3A_450 = arith.constant 1 : i32
      %add3A_451 = vector.broadcast %add3A_450 : i32 to vector<16xi32>
      %add3A_452 = arith.addi %mul3A_449, %add3A_451 : vector<16xi32>
      %add3A_453 = arith.constant 1 : i32
      %add3A_454 = vector.broadcast %add3A_453 : i32 to vector<16xi32>
      %add3A_455 = arith.addi %min3A_440, %add3A_454 : vector<16xi32>
      tpu.vector_store_idx %arg10[%add3A_452], %add3A_455 : memref<128xi32, #tpu.memory_space<vmem>>[vector<16xi32>], vector<16xi32>,
      %jit3A_456 = arith.constant 16384 : i32
      %jit3A_457 = arith.constant 0 : i32
      %broadcast_in_dim3A_458 = vector.broadcast %jit3A_456 : i32 to vector<16xi32>
      %broadcast_in_dim3A_459 = vector.broadcast %jit3A_457 : i32 to vector<16xi32>
      %select_n3A_460 = arith.select %ne3A_427, %broadcast_in_dim3A_458, %broadcast_in_dim3A_459 : vector<16xi1>, vector<16xi32>
      %mul3A_461 = arith.constant 256 : i32
      %mul3A_462 = vector.broadcast %mul3A_461 : i32 to vector<16xi32>
      %mul3A_463 = arith.muli %add3A_443, %mul3A_462 : vector<16xi32>
      %add3A_464 = arith.addi %select_n3A_460, %mul3A_463 : vector<16xi32>
      %mul3A_465 = arith.constant 128 : i32
      %mul3A_466 = vector.broadcast %mul3A_465 : i32 to vector<16xi32>
      %mul3A_467 = arith.muli %mul3A_466, %min3A_440 : vector<16xi32>
      %sub3A_468 = arith.subi %add3A_464, %mul3A_467 : vector<16xi32>
      %add3A_469 = arith.addi %sub3A_468, %min3A_434 : vector<16xi32>
      %swap3A_470 = arith.constant 48 : index
      %swap3A_471 = tpu.vector_load %arg12[%swap3A_470] {strides = array<i32>} : memref<64xi32, #tpu.memory_space<vmem>>, vector<16xi32>,
      tpu.vector_store %arg12[%swap3A_470], %add3A_469 {strides = array<i32>} : memref<64xi32, #tpu.memory_space<vmem>>, vector<16xi32>,
      %add3A_472 = arith.constant 1599999 : i32
      %add3A_473 = vector.broadcast %add3A_472 : i32 to vector<16xi32>
      %add3A_474 = arith.addi %sub3A_468, %add3A_473 : vector<16xi32>
      %swap3A_475 = arith.constant 48 : index
      %swap3A_476 = tpu.vector_load %arg14[%swap3A_475] {strides = array<i32>} : memref<64xi32, #tpu.memory_space<vmem>>, vector<16xi32>,
      tpu.vector_store %arg14[%swap3A_475], %add3A_474 {strides = array<i32>} : memref<64xi32, #tpu.memory_space<vmem>>, vector<16xi32>,
      %dma_start3A_477 = arith.constant 0 : i32
      %dma_start3A_478 = arith.constant 0 : i32
      %dma_start3A_479 = tpu.memref_slice %arg16[%dma_start3A_477, %dma_start3A_478] : memref<256x128xi32, #tpu.memory_space<vmem>> -> memref<128x128xi32, #tpu.memory_space<vmem>>
      %dma_start3A_480 = arith.constant 0 : i32
      %dma_start3A_481 = arith.constant 0 : i32
      %dma_start3A_482 = tpu.memref_slice %arg4[%dma_start3A_480, %dma_start3A_481] : memref<12500x128xi32, #tpu.memory_space<hbm>> -> memref<12500x128xi32, #tpu.memory_space<hbm>>
      tpu.enqueue_indirect_dma source(%dma_start3A_482 : memref<12500x128xi32, #tpu.memory_space<hbm>>) target(%dma_start3A_479 : memref<128x128xi32, #tpu.memory_space<vmem>>) offsets(%arg10 : memref<128xi32, #tpu.memory_space<vmem>>) semaphore(%arg19 : memref<!tpu.dma_semaphore, #tpu.memory_space<semaphore_mem>>)
      %dma_start3A_483 = arith.constant 128 : i32
      %dma_start3A_484 = arith.constant 0 : i32
      %dma_start3A_485 = tpu.memref_slice %arg16[%dma_start3A_483, %dma_start3A_484] : memref<256x128xi32, #tpu.memory_space<vmem>> -> memref<128x128xi32, #tpu.memory_space<vmem>>
      %dma_start3A_486 = arith.constant 0 : i32
      %dma_start3A_487 = arith.constant 0 : i32
      %dma_start3A_488 = tpu.memref_slice %arg5[%dma_start3A_486, %dma_start3A_487] : memref<12500x128xi32, #tpu.memory_space<hbm>> -> memref<12500x128xi32, #tpu.memory_space<hbm>>
      tpu.enqueue_indirect_dma source(%dma_start3A_488 : memref<12500x128xi32, #tpu.memory_space<hbm>>) target(%dma_start3A_485 : memref<128x128xi32, #tpu.memory_space<vmem>>) offsets(%arg10 : memref<128xi32, #tpu.memory_space<vmem>>) semaphore(%arg19 : memref<!tpu.dma_semaphore, #tpu.memory_space<semaphore_mem>>)
      %gt3A = arith.constant 0 : i32
      %gt3A_489 = arith.cmpi sgt, %while3A_246, %gt3A : i32
      %convert_element_type3A = arith.extui %gt3A_489 : i1 to i32
      %cond3A = arith.constant 0 : i32
      %cond3A_490 = arith.cmpi ne, %convert_element_type3A, %cond3A : i32
      scf.if %cond3A_490 {
        %sub3A_639 = arith.constant 2 : i32
        %sub3A_640 = arith.subi %mul3A_248, %sub3A_639 : i32
        %mul3A_641 = arith.constant 64 : i32
        %mul3A_642 = arith.muli %sub3A_640, %mul3A_641 : i32
        %add3A_643 = arith.addi %mul3A_2, %mul3A_642 : i32
        %multiple_of3A_644 = tpu.assume_multiple %add3A_643, 128 : i32
        "tpu.region"() ({
          %run_scoped3A = tpu.sem_alloc : memref<!tpu.dma_semaphore, #tpu.memory_space<semaphore_mem>>
          %dma_start3A_645 = arith.constant 0 : i32
          %dma_start3A_646 = tpu.memref_slice %arg6[%dma_start3A_645, %multiple_of3A_644] : memref<64x65536xi32, #tpu.memory_space<hbm>> -> memref<64x128xi32, #tpu.memory_space<hbm>>
          %dma_start3A_647 = arith.constant 0 : i32
          %dma_start3A_648 = tpu.memref_slice %arg6[%dma_start3A_647, %multiple_of3A_644] : memref<64x65536xi32, #tpu.memory_space<hbm>> -> memref<64x128xi32, #tpu.memory_space<hbm>>
          tpu.enqueue_dma source(%arg17 : memref<64x128xi32, #tpu.memory_space<vmem>>) target(%dma_start3A_648 : memref<64x128xi32, #tpu.memory_space<hbm>>) target_semaphore(%run_scoped3A : memref<!tpu.dma_semaphore, #tpu.memory_space<semaphore_mem>>)
          %dma_wait3A_649 = arith.constant 0 : i32
          %dma_wait3A_650 = tpu.memref_slice %arg6[%dma_wait3A_649, %multiple_of3A_644] : memref<64x65536xi32, #tpu.memory_space<hbm>> -> memref<64x128xi32, #tpu.memory_space<hbm>>
          %dma_wait3A_651 = arith.constant 0 : i32
          %dma_wait3A_652 = tpu.memref_slice %arg6[%dma_wait3A_651, %multiple_of3A_644] : memref<64x65536xi32, #tpu.memory_space<hbm>> -> memref<64x128xi32, #tpu.memory_space<hbm>>
          tpu.wait_dma2 semaphore(%run_scoped3A : memref<!tpu.dma_semaphore, #tpu.memory_space<semaphore_mem>>) src(%arg17 : memref<64x128xi32, #tpu.memory_space<vmem>>) dst(%dma_wait3A_652 : memref<64x128xi32, #tpu.memory_space<hbm>>)
          tpu.yield
        }) : () -> ()
      } else {
      }
      %dma_wait3A = arith.constant 0 : i32
      %dma_wait3A_491 = arith.constant 0 : i32
      %dma_wait3A_492 = tpu.memref_slice %arg15[%dma_wait3A, %dma_wait3A_491] : memref<256x128xi32, #tpu.memory_space<vmem>> -> memref<128x128xi32, #tpu.memory_space<vmem>>
      %dma_wait3A_493 = arith.constant 0 : i32
      %dma_wait3A_494 = arith.constant 0 : i32
      %dma_wait3A_495 = tpu.memref_slice %arg4[%dma_wait3A_493, %dma_wait3A_494] : memref<12500x128xi32, #tpu.memory_space<hbm>> -> memref<12500x128xi32, #tpu.memory_space<hbm>>
      tpu.wait_indirect_dma semaphore(%arg18 : memref<!tpu.dma_semaphore, #tpu.memory_space<semaphore_mem>>) src(%dma_wait3A_495 : memref<12500x128xi32, #tpu.memory_space<hbm>>) dst(%dma_wait3A_492 : memref<128x128xi32, #tpu.memory_space<vmem>>)
      %dma_wait3A_496 = arith.constant 128 : i32
      %dma_wait3A_497 = arith.constant 0 : i32
      %dma_wait3A_498 = tpu.memref_slice %arg15[%dma_wait3A_496, %dma_wait3A_497] : memref<256x128xi32, #tpu.memory_space<vmem>> -> memref<128x128xi32, #tpu.memory_space<vmem>>
      %dma_wait3A_499 = arith.constant 0 : i32
      %dma_wait3A_500 = arith.constant 0 : i32
      %dma_wait3A_501 = tpu.memref_slice %arg5[%dma_wait3A_499, %dma_wait3A_500] : memref<12500x128xi32, #tpu.memory_space<hbm>> -> memref<12500x128xi32, #tpu.memory_space<hbm>>
      tpu.wait_indirect_dma semaphore(%arg18 : memref<!tpu.dma_semaphore, #tpu.memory_space<semaphore_mem>>) src(%dma_wait3A_501 : memref<12500x128xi32, #tpu.memory_space<hbm>>) dst(%dma_wait3A_498 : memref<128x128xi32, #tpu.memory_space<vmem>>)
      %add3A_502 = arith.constant 0 : i32
      %add3A_503 = vector.broadcast %add3A_502 : i32 to vector<16xi32>
      %add3A_504 = arith.addi %iota3A, %add3A_503 : vector<16xi32>
      %get3A_505 = arith.constant 0 : index
      %get3A_506 = tpu.vector_load %arg13[%get3A_505] {strides = array<i32>} : memref<64xi32, #tpu.memory_space<vmem>>, vector<16xi32>,
      %get3A_507 = arith.constant 0 : index
      %get3A_508 = tpu.vector_load %arg11[%get3A_507] {strides = array<i32>} : memref<64xi32, #tpu.memory_space<vmem>>, vector<16xi32>,
      %broadcast_in_dim3A_509 = arith.constant 0 : i32
      %broadcast_in_dim3A_510 = vector.broadcast %broadcast_in_dim3A_509 : i32 to vector<16xi32>
      %scan3A = arith.constant 0 : i32
      %scan3A_511 = arith.constant 64 : i32
      %scan3A_512 = arith.addi %scan3A, %scan3A_511 : i32
      %scan3A_513 = arith.constant 8 : i32
      %scan3A_514:2 = scf.for %scan3A_639 = %scan3A to %scan3A_512 step %scan3A_513 iter_args(%scan3A_640 = %get3A_508, %scan3A_641 = %broadcast_in_dim3A_510) -> (vector<16xi32>, vector<16xi32>)  : i32 {
        %shift_right_logical3A_642 = arith.constant 7 : i32
        %shift_right_logical3A_643 = vector.broadcast %shift_right_logical3A_642 : i32 to vector<16xi32>
        %shift_right_logical3A_644 = arith.shrui %scan3A_640, %shift_right_logical3A_643 : vector<16xi32>
        %and3A = arith.constant 127 : i32
        %and3A_645 = vector.broadcast %and3A : i32 to vector<16xi32>
        %and3A_646 = arith.andi %scan3A_640, %and3A_645 : vector<16xi32>
        %gather3A = tpu.vector_load_idx %arg15[%shift_right_logical3A_644, %and3A_646] : memref<256x128xi32, #tpu.memory_space<vmem>>[vector<16xi32>, vector<16xi32>], vector<16xi32>,
        tpu.vector_store_idx %arg17[%scan3A_641, %add3A_504], %gather3A : memref<64x128xi32, #tpu.memory_space<vmem>>[vector<16xi32>, vector<16xi32>], vector<16xi32>,
        %add3A_647 = arith.constant 1 : i32
        %add3A_648 = vector.broadcast %add3A_647 : i32 to vector<16xi32>
        %add3A_649 = arith.addi %scan3A_640, %add3A_648 : vector<16xi32>
        %min3A_650 = arith.minsi %add3A_649, %get3A_506 : vector<16xi32>
        %add3A_651 = arith.constant 1 : i32
        %add3A_652 = vector.broadcast %add3A_651 : i32 to vector<16xi32>
        %add3A_653 = arith.addi %scan3A_641, %add3A_652 : vector<16xi32>
        %scan3A_654 = arith.constant 1 : i32
        %scan3A_655 = arith.addi %scan3A_639, %scan3A_654 : i32
        %shift_right_logical3A_656 = arith.constant 7 : i32
        %shift_right_logical3A_657 = vector.broadcast %shift_right_logical3A_656 : i32 to vector<16xi32>
        %shift_right_logical3A_658 = arith.shrui %min3A_650, %shift_right_logical3A_657 : vector<16xi32>
        %and3A_659 = arith.constant 127 : i32
        %and3A_660 = vector.broadcast %and3A_659 : i32 to vector<16xi32>
        %and3A_661 = arith.andi %min3A_650, %and3A_660 : vector<16xi32>
        %gather3A_662 = tpu.vector_load_idx %arg15[%shift_right_logical3A_658, %and3A_661] : memref<256x128xi32, #tpu.memory_space<vmem>>[vector<16xi32>, vector<16xi32>], vector<16xi32>,
        tpu.vector_store_idx %arg17[%add3A_653, %add3A_504], %gather3A_662 : memref<64x128xi32, #tpu.memory_space<vmem>>[vector<16xi32>, vector<16xi32>], vector<16xi32>,
        %add3A_663 = arith.constant 1 : i32
        %add3A_664 = vector.broadcast %add3A_663 : i32 to vector<16xi32>
        %add3A_665 = arith.addi %min3A_650, %add3A_664 : vector<16xi32>
        %min3A_666 = arith.minsi %add3A_665, %get3A_506 : vector<16xi32>
        %add3A_667 = arith.constant 1 : i32
        %add3A_668 = vector.broadcast %add3A_667 : i32 to vector<16xi32>
        %add3A_669 = arith.addi %add3A_653, %add3A_668 : vector<16xi32>
        %scan3A_670 = arith.constant 2 : i32
        %scan3A_671 = arith.addi %scan3A_639, %scan3A_670 : i32
        %shift_right_logical3A_672 = arith.constant 7 : i32
        %shift_right_logical3A_673 = vector.broadcast %shift_right_logical3A_672 : i32 to vector<16xi32>
        %shift_right_logical3A_674 = arith.shrui %min3A_666, %shift_right_logical3A_673 : vector<16xi32>
        %and3A_675 = arith.constant 127 : i32
        %and3A_676 = vector.broadcast %and3A_675 : i32 to vector<16xi32>
        %and3A_677 = arith.andi %min3A_666, %and3A_676 : vector<16xi32>
        %gather3A_678 = tpu.vector_load_idx %arg15[%shift_right_logical3A_674, %and3A_677] : memref<256x128xi32, #tpu.memory_space<vmem>>[vector<16xi32>, vector<16xi32>], vector<16xi32>,
        tpu.vector_store_idx %arg17[%add3A_669, %add3A_504], %gather3A_678 : memref<64x128xi32, #tpu.memory_space<vmem>>[vector<16xi32>, vector<16xi32>], vector<16xi32>,
        %add3A_679 = arith.constant 1 : i32
        %add3A_680 = vector.broadcast %add3A_679 : i32 to vector<16xi32>
        %add3A_681 = arith.addi %min3A_666, %add3A_680 : vector<16xi32>
        %min3A_682 = arith.minsi %add3A_681, %get3A_506 : vector<16xi32>
        %add3A_683 = arith.constant 1 : i32
        %add3A_684 = vector.broadcast %add3A_683 : i32 to vector<16xi32>
        %add3A_685 = arith.addi %add3A_669, %add3A_684 : vector<16xi32>
        %scan3A_686 = arith.constant 3 : i32
        %scan3A_687 = arith.addi %scan3A_639, %scan3A_686 : i32
        %shift_right_logical3A_688 = arith.constant 7 : i32
        %shift_right_logical3A_689 = vector.broadcast %shift_right_logical3A_688 : i32 to vector<16xi32>
        %shift_right_logical3A_690 = arith.shrui %min3A_682, %shift_right_logical3A_689 : vector<16xi32>
        %and3A_691 = arith.constant 127 : i32
        %and3A_692 = vector.broadcast %and3A_691 : i32 to vector<16xi32>
        %and3A_693 = arith.andi %min3A_682, %and3A_692 : vector<16xi32>
        %gather3A_694 = tpu.vector_load_idx %arg15[%shift_right_logical3A_690, %and3A_693] : memref<256x128xi32, #tpu.memory_space<vmem>>[vector<16xi32>, vector<16xi32>], vector<16xi32>,
        tpu.vector_store_idx %arg17[%add3A_685, %add3A_504], %gather3A_694 : memref<64x128xi32, #tpu.memory_space<vmem>>[vector<16xi32>, vector<16xi32>], vector<16xi32>,
        %add3A_695 = arith.constant 1 : i32
        %add3A_696 = vector.broadcast %add3A_695 : i32 to vector<16xi32>
        %add3A_697 = arith.addi %min3A_682, %add3A_696 : vector<16xi32>
        %min3A_698 = arith.minsi %add3A_697, %get3A_506 : vector<16xi32>
        %add3A_699 = arith.constant 1 : i32
        %add3A_700 = vector.broadcast %add3A_699 : i32 to vector<16xi32>
        %add3A_701 = arith.addi %add3A_685, %add3A_700 : vector<16xi32>
        %scan3A_702 = arith.constant 4 : i32
        %scan3A_703 = arith.addi %scan3A_639, %scan3A_702 : i32
        %shift_right_logical3A_704 = arith.constant 7 : i32
        %shift_right_logical3A_705 = vector.broadcast %shift_right_logical3A_704 : i32 to vector<16xi32>
        %shift_right_logical3A_706 = arith.shrui %min3A_698, %shift_right_logical3A_705 : vector<16xi32>
        %and3A_707 = arith.constant 127 : i32
        %and3A_708 = vector.broadcast %and3A_707 : i32 to vector<16xi32>
        %and3A_709 = arith.andi %min3A_698, %and3A_708 : vector<16xi32>
        %gather3A_710 = tpu.vector_load_idx %arg15[%shift_right_logical3A_706, %and3A_709] : memref<256x128xi32, #tpu.memory_space<vmem>>[vector<16xi32>, vector<16xi32>], vector<16xi32>,
        tpu.vector_store_idx %arg17[%add3A_701, %add3A_504], %gather3A_710 : memref<64x128xi32, #tpu.memory_space<vmem>>[vector<16xi32>, vector<16xi32>], vector<16xi32>,
        %add3A_711 = arith.constant 1 : i32
        %add3A_712 = vector.broadcast %add3A_711 : i32 to vector<16xi32>
        %add3A_713 = arith.addi %min3A_698, %add3A_712 : vector<16xi32>
        %min3A_714 = arith.minsi %add3A_713, %get3A_506 : vector<16xi32>
        %add3A_715 = arith.constant 1 : i32
        %add3A_716 = vector.broadcast %add3A_715 : i32 to vector<16xi32>
        %add3A_717 = arith.addi %add3A_701, %add3A_716 : vector<16xi32>
        %scan3A_718 = arith.constant 5 : i32
        %scan3A_719 = arith.addi %scan3A_639, %scan3A_718 : i32
        %shift_right_logical3A_720 = arith.constant 7 : i32
        %shift_right_logical3A_721 = vector.broadcast %shift_right_logical3A_720 : i32 to vector<16xi32>
        %shift_right_logical3A_722 = arith.shrui %min3A_714, %shift_right_logical3A_721 : vector<16xi32>
        %and3A_723 = arith.constant 127 : i32
        %and3A_724 = vector.broadcast %and3A_723 : i32 to vector<16xi32>
        %and3A_725 = arith.andi %min3A_714, %and3A_724 : vector<16xi32>
        %gather3A_726 = tpu.vector_load_idx %arg15[%shift_right_logical3A_722, %and3A_725] : memref<256x128xi32, #tpu.memory_space<vmem>>[vector<16xi32>, vector<16xi32>], vector<16xi32>,
        tpu.vector_store_idx %arg17[%add3A_717, %add3A_504], %gather3A_726 : memref<64x128xi32, #tpu.memory_space<vmem>>[vector<16xi32>, vector<16xi32>], vector<16xi32>,
        %add3A_727 = arith.constant 1 : i32
        %add3A_728 = vector.broadcast %add3A_727 : i32 to vector<16xi32>
        %add3A_729 = arith.addi %min3A_714, %add3A_728 : vector<16xi32>
        %min3A_730 = arith.minsi %add3A_729, %get3A_506 : vector<16xi32>
        %add3A_731 = arith.constant 1 : i32
        %add3A_732 = vector.broadcast %add3A_731 : i32 to vector<16xi32>
        %add3A_733 = arith.addi %add3A_717, %add3A_732 : vector<16xi32>
        %scan3A_734 = arith.constant 6 : i32
        %scan3A_735 = arith.addi %scan3A_639, %scan3A_734 : i32
        %shift_right_logical3A_736 = arith.constant 7 : i32
        %shift_right_logical3A_737 = vector.broadcast %shift_right_logical3A_736 : i32 to vector<16xi32>
        %shift_right_logical3A_738 = arith.shrui %min3A_730, %shift_right_logical3A_737 : vector<16xi32>
        %and3A_739 = arith.constant 127 : i32
        %and3A_740 = vector.broadcast %and3A_739 : i32 to vector<16xi32>
        %and3A_741 = arith.andi %min3A_730, %and3A_740 : vector<16xi32>
        %gather3A_742 = tpu.vector_load_idx %arg15[%shift_right_logical3A_738, %and3A_741] : memref<256x128xi32, #tpu.memory_space<vmem>>[vector<16xi32>, vector<16xi32>], vector<16xi32>,
        tpu.vector_store_idx %arg17[%add3A_733, %add3A_504], %gather3A_742 : memref<64x128xi32, #tpu.memory_space<vmem>>[vector<16xi32>, vector<16xi32>], vector<16xi32>,
        %add3A_743 = arith.constant 1 : i32
        %add3A_744 = vector.broadcast %add3A_743 : i32 to vector<16xi32>
        %add3A_745 = arith.addi %min3A_730, %add3A_744 : vector<16xi32>
        %min3A_746 = arith.minsi %add3A_745, %get3A_506 : vector<16xi32>
        %add3A_747 = arith.constant 1 : i32
        %add3A_748 = vector.broadcast %add3A_747 : i32 to vector<16xi32>
        %add3A_749 = arith.addi %add3A_733, %add3A_748 : vector<16xi32>
        %scan3A_750 = arith.constant 7 : i32
        %scan3A_751 = arith.addi %scan3A_639, %scan3A_750 : i32
        %shift_right_logical3A_752 = arith.constant 7 : i32
        %shift_right_logical3A_753 = vector.broadcast %shift_right_logical3A_752 : i32 to vector<16xi32>
        %shift_right_logical3A_754 = arith.shrui %min3A_746, %shift_right_logical3A_753 : vector<16xi32>
        %and3A_755 = arith.constant 127 : i32
        %and3A_756 = vector.broadcast %and3A_755 : i32 to vector<16xi32>
        %and3A_757 = arith.andi %min3A_746, %and3A_756 : vector<16xi32>
        %gather3A_758 = tpu.vector_load_idx %arg15[%shift_right_logical3A_754, %and3A_757] : memref<256x128xi32, #tpu.memory_space<vmem>>[vector<16xi32>, vector<16xi32>], vector<16xi32>,
        tpu.vector_store_idx %arg17[%add3A_749, %add3A_504], %gather3A_758 : memref<64x128xi32, #tpu.memory_space<vmem>>[vector<16xi32>, vector<16xi32>], vector<16xi32>,
        %add3A_759 = arith.constant 1 : i32
        %add3A_760 = vector.broadcast %add3A_759 : i32 to vector<16xi32>
        %add3A_761 = arith.addi %min3A_746, %add3A_760 : vector<16xi32>
        %min3A_762 = arith.minsi %add3A_761, %get3A_506 : vector<16xi32>
        %add3A_763 = arith.constant 1 : i32
        %add3A_764 = vector.broadcast %add3A_763 : i32 to vector<16xi32>
        %add3A_765 = arith.addi %add3A_749, %add3A_764 : vector<16xi32>
        scf.yield %min3A_762, %add3A_765 : vector<16xi32>, vector<16xi32>
      }
      %scan3A_515 = arith.constant 64 : i32
      %add3A_516 = arith.constant 16 : i32
      %add3A_517 = vector.broadcast %add3A_516 : i32 to vector<16xi32>
      %add3A_518 = arith.addi %iota3A, %add3A_517 : vector<16xi32>
      %get3A_519 = arith.constant 16 : index
      %get3A_520 = tpu.vector_load %arg13[%get3A_519] {strides = array<i32>} : memref<64xi32, #tpu.memory_space<vmem>>, vector<16xi32>,
      %get3A_521 = arith.constant 16 : index
      %get3A_522 = tpu.vector_load %arg11[%get3A_521] {strides = array<i32>} : memref<64xi32, #tpu.memory_space<vmem>>, vector<16xi32>,
      %broadcast_in_dim3A_523 = arith.constant 0 : i32
      %broadcast_in_dim3A_524 = vector.broadcast %broadcast_in_dim3A_523 : i32 to vector<16xi32>
      %scan3A_525 = arith.constant 0 : i32
      %scan3A_526 = arith.constant 64 : i32
      %scan3A_527 = arith.addi %scan3A_525, %scan3A_526 : i32
      %scan3A_528 = arith.constant 8 : i32
      %scan3A_529:2 = scf.for %scan3A_639 = %scan3A_525 to %scan3A_527 step %scan3A_528 iter_args(%scan3A_640 = %get3A_522, %scan3A_641 = %broadcast_in_dim3A_524) -> (vector<16xi32>, vector<16xi32>)  : i32 {
        %shift_right_logical3A_642 = arith.constant 7 : i32
        %shift_right_logical3A_643 = vector.broadcast %shift_right_logical3A_642 : i32 to vector<16xi32>
        %shift_right_logical3A_644 = arith.shrui %scan3A_640, %shift_right_logical3A_643 : vector<16xi32>
        %and3A = arith.constant 127 : i32
        %and3A_645 = vector.broadcast %and3A : i32 to vector<16xi32>
        %and3A_646 = arith.andi %scan3A_640, %and3A_645 : vector<16xi32>
        %gather3A = tpu.vector_load_idx %arg15[%shift_right_logical3A_644, %and3A_646] : memref<256x128xi32, #tpu.memory_space<vmem>>[vector<16xi32>, vector<16xi32>], vector<16xi32>,
        tpu.vector_store_idx %arg17[%scan3A_641, %add3A_518], %gather3A : memref<64x128xi32, #tpu.memory_space<vmem>>[vector<16xi32>, vector<16xi32>], vector<16xi32>,
        %add3A_647 = arith.constant 1 : i32
        %add3A_648 = vector.broadcast %add3A_647 : i32 to vector<16xi32>
        %add3A_649 = arith.addi %scan3A_640, %add3A_648 : vector<16xi32>
        %min3A_650 = arith.minsi %add3A_649, %get3A_520 : vector<16xi32>
        %add3A_651 = arith.constant 1 : i32
        %add3A_652 = vector.broadcast %add3A_651 : i32 to vector<16xi32>
        %add3A_653 = arith.addi %scan3A_641, %add3A_652 : vector<16xi32>
        %scan3A_654 = arith.constant 1 : i32
        %scan3A_655 = arith.addi %scan3A_639, %scan3A_654 : i32
        %shift_right_logical3A_656 = arith.constant 7 : i32
        %shift_right_logical3A_657 = vector.broadcast %shift_right_logical3A_656 : i32 to vector<16xi32>
        %shift_right_logical3A_658 = arith.shrui %min3A_650, %shift_right_logical3A_657 : vector<16xi32>
        %and3A_659 = arith.constant 127 : i32
        %and3A_660 = vector.broadcast %and3A_659 : i32 to vector<16xi32>
        %and3A_661 = arith.andi %min3A_650, %and3A_660 : vector<16xi32>
        %gather3A_662 = tpu.vector_load_idx %arg15[%shift_right_logical3A_658, %and3A_661] : memref<256x128xi32, #tpu.memory_space<vmem>>[vector<16xi32>, vector<16xi32>], vector<16xi32>,
        tpu.vector_store_idx %arg17[%add3A_653, %add3A_518], %gather3A_662 : memref<64x128xi32, #tpu.memory_space<vmem>>[vector<16xi32>, vector<16xi32>], vector<16xi32>,
        %add3A_663 = arith.constant 1 : i32
        %add3A_664 = vector.broadcast %add3A_663 : i32 to vector<16xi32>
        %add3A_665 = arith.addi %min3A_650, %add3A_664 : vector<16xi32>
        %min3A_666 = arith.minsi %add3A_665, %get3A_520 : vector<16xi32>
        %add3A_667 = arith.constant 1 : i32
        %add3A_668 = vector.broadcast %add3A_667 : i32 to vector<16xi32>
        %add3A_669 = arith.addi %add3A_653, %add3A_668 : vector<16xi32>
        %scan3A_670 = arith.constant 2 : i32
        %scan3A_671 = arith.addi %scan3A_639, %scan3A_670 : i32
        %shift_right_logical3A_672 = arith.constant 7 : i32
        %shift_right_logical3A_673 = vector.broadcast %shift_right_logical3A_672 : i32 to vector<16xi32>
        %shift_right_logical3A_674 = arith.shrui %min3A_666, %shift_right_logical3A_673 : vector<16xi32>
        %and3A_675 = arith.constant 127 : i32
        %and3A_676 = vector.broadcast %and3A_675 : i32 to vector<16xi32>
        %and3A_677 = arith.andi %min3A_666, %and3A_676 : vector<16xi32>
        %gather3A_678 = tpu.vector_load_idx %arg15[%shift_right_logical3A_674, %and3A_677] : memref<256x128xi32, #tpu.memory_space<vmem>>[vector<16xi32>, vector<16xi32>], vector<16xi32>,
        tpu.vector_store_idx %arg17[%add3A_669, %add3A_518], %gather3A_678 : memref<64x128xi32, #tpu.memory_space<vmem>>[vector<16xi32>, vector<16xi32>], vector<16xi32>,
        %add3A_679 = arith.constant 1 : i32
        %add3A_680 = vector.broadcast %add3A_679 : i32 to vector<16xi32>
        %add3A_681 = arith.addi %min3A_666, %add3A_680 : vector<16xi32>
        %min3A_682 = arith.minsi %add3A_681, %get3A_520 : vector<16xi32>
        %add3A_683 = arith.constant 1 : i32
        %add3A_684 = vector.broadcast %add3A_683 : i32 to vector<16xi32>
        %add3A_685 = arith.addi %add3A_669, %add3A_684 : vector<16xi32>
        %scan3A_686 = arith.constant 3 : i32
        %scan3A_687 = arith.addi %scan3A_639, %scan3A_686 : i32
        %shift_right_logical3A_688 = arith.constant 7 : i32
        %shift_right_logical3A_689 = vector.broadcast %shift_right_logical3A_688 : i32 to vector<16xi32>
        %shift_right_logical3A_690 = arith.shrui %min3A_682, %shift_right_logical3A_689 : vector<16xi32>
        %and3A_691 = arith.constant 127 : i32
        %and3A_692 = vector.broadcast %and3A_691 : i32 to vector<16xi32>
        %and3A_693 = arith.andi %min3A_682, %and3A_692 : vector<16xi32>
        %gather3A_694 = tpu.vector_load_idx %arg15[%shift_right_logical3A_690, %and3A_693] : memref<256x128xi32, #tpu.memory_space<vmem>>[vector<16xi32>, vector<16xi32>], vector<16xi32>,
        tpu.vector_store_idx %arg17[%add3A_685, %add3A_518], %gather3A_694 : memref<64x128xi32, #tpu.memory_space<vmem>>[vector<16xi32>, vector<16xi32>], vector<16xi32>,
        %add3A_695 = arith.constant 1 : i32
        %add3A_696 = vector.broadcast %add3A_695 : i32 to vector<16xi32>
        %add3A_697 = arith.addi %min3A_682, %add3A_696 : vector<16xi32>
        %min3A_698 = arith.minsi %add3A_697, %get3A_520 : vector<16xi32>
        %add3A_699 = arith.constant 1 : i32
        %add3A_700 = vector.broadcast %add3A_699 : i32 to vector<16xi32>
        %add3A_701 = arith.addi %add3A_685, %add3A_700 : vector<16xi32>
        %scan3A_702 = arith.constant 4 : i32
        %scan3A_703 = arith.addi %scan3A_639, %scan3A_702 : i32
        %shift_right_logical3A_704 = arith.constant 7 : i32
        %shift_right_logical3A_705 = vector.broadcast %shift_right_logical3A_704 : i32 to vector<16xi32>
        %shift_right_logical3A_706 = arith.shrui %min3A_698, %shift_right_logical3A_705 : vector<16xi32>
        %and3A_707 = arith.constant 127 : i32
        %and3A_708 = vector.broadcast %and3A_707 : i32 to vector<16xi32>
        %and3A_709 = arith.andi %min3A_698, %and3A_708 : vector<16xi32>
        %gather3A_710 = tpu.vector_load_idx %arg15[%shift_right_logical3A_706, %and3A_709] : memref<256x128xi32, #tpu.memory_space<vmem>>[vector<16xi32>, vector<16xi32>], vector<16xi32>,
        tpu.vector_store_idx %arg17[%add3A_701, %add3A_518], %gather3A_710 : memref<64x128xi32, #tpu.memory_space<vmem>>[vector<16xi32>, vector<16xi32>], vector<16xi32>,
        %add3A_711 = arith.constant 1 : i32
        %add3A_712 = vector.broadcast %add3A_711 : i32 to vector<16xi32>
        %add3A_713 = arith.addi %min3A_698, %add3A_712 : vector<16xi32>
        %min3A_714 = arith.minsi %add3A_713, %get3A_520 : vector<16xi32>
        %add3A_715 = arith.constant 1 : i32
        %add3A_716 = vector.broadcast %add3A_715 : i32 to vector<16xi32>
        %add3A_717 = arith.addi %add3A_701, %add3A_716 : vector<16xi32>
        %scan3A_718 = arith.constant 5 : i32
        %scan3A_719 = arith.addi %scan3A_639, %scan3A_718 : i32
        %shift_right_logical3A_720 = arith.constant 7 : i32
        %shift_right_logical3A_721 = vector.broadcast %shift_right_logical3A_720 : i32 to vector<16xi32>
        %shift_right_logical3A_722 = arith.shrui %min3A_714, %shift_right_logical3A_721 : vector<16xi32>
        %and3A_723 = arith.constant 127 : i32
        %and3A_724 = vector.broadcast %and3A_723 : i32 to vector<16xi32>
        %and3A_725 = arith.andi %min3A_714, %and3A_724 : vector<16xi32>
        %gather3A_726 = tpu.vector_load_idx %arg15[%shift_right_logical3A_722, %and3A_725] : memref<256x128xi32, #tpu.memory_space<vmem>>[vector<16xi32>, vector<16xi32>], vector<16xi32>,
        tpu.vector_store_idx %arg17[%add3A_717, %add3A_518], %gather3A_726 : memref<64x128xi32, #tpu.memory_space<vmem>>[vector<16xi32>, vector<16xi32>], vector<16xi32>,
        %add3A_727 = arith.constant 1 : i32
        %add3A_728 = vector.broadcast %add3A_727 : i32 to vector<16xi32>
        %add3A_729 = arith.addi %min3A_714, %add3A_728 : vector<16xi32>
        %min3A_730 = arith.minsi %add3A_729, %get3A_520 : vector<16xi32>
        %add3A_731 = arith.constant 1 : i32
        %add3A_732 = vector.broadcast %add3A_731 : i32 to vector<16xi32>
        %add3A_733 = arith.addi %add3A_717, %add3A_732 : vector<16xi32>
        %scan3A_734 = arith.constant 6 : i32
        %scan3A_735 = arith.addi %scan3A_639, %scan3A_734 : i32
        %shift_right_logical3A_736 = arith.constant 7 : i32
        %shift_right_logical3A_737 = vector.broadcast %shift_right_logical3A_736 : i32 to vector<16xi32>
        %shift_right_logical3A_738 = arith.shrui %min3A_730, %shift_right_logical3A_737 : vector<16xi32>
        %and3A_739 = arith.constant 127 : i32
        %and3A_740 = vector.broadcast %and3A_739 : i32 to vector<16xi32>
        %and3A_741 = arith.andi %min3A_730, %and3A_740 : vector<16xi32>
        %gather3A_742 = tpu.vector_load_idx %arg15[%shift_right_logical3A_738, %and3A_741] : memref<256x128xi32, #tpu.memory_space<vmem>>[vector<16xi32>, vector<16xi32>], vector<16xi32>,
        tpu.vector_store_idx %arg17[%add3A_733, %add3A_518], %gather3A_742 : memref<64x128xi32, #tpu.memory_space<vmem>>[vector<16xi32>, vector<16xi32>], vector<16xi32>,
        %add3A_743 = arith.constant 1 : i32
        %add3A_744 = vector.broadcast %add3A_743 : i32 to vector<16xi32>
        %add3A_745 = arith.addi %min3A_730, %add3A_744 : vector<16xi32>
        %min3A_746 = arith.minsi %add3A_745, %get3A_520 : vector<16xi32>
        %add3A_747 = arith.constant 1 : i32
        %add3A_748 = vector.broadcast %add3A_747 : i32 to vector<16xi32>
        %add3A_749 = arith.addi %add3A_733, %add3A_748 : vector<16xi32>
        %scan3A_750 = arith.constant 7 : i32
        %scan3A_751 = arith.addi %scan3A_639, %scan3A_750 : i32
        %shift_right_logical3A_752 = arith.constant 7 : i32
        %shift_right_logical3A_753 = vector.broadcast %shift_right_logical3A_752 : i32 to vector<16xi32>
        %shift_right_logical3A_754 = arith.shrui %min3A_746, %shift_right_logical3A_753 : vector<16xi32>
        %and3A_755 = arith.constant 127 : i32
        %and3A_756 = vector.broadcast %and3A_755 : i32 to vector<16xi32>
        %and3A_757 = arith.andi %min3A_746, %and3A_756 : vector<16xi32>
        %gather3A_758 = tpu.vector_load_idx %arg15[%shift_right_logical3A_754, %and3A_757] : memref<256x128xi32, #tpu.memory_space<vmem>>[vector<16xi32>, vector<16xi32>], vector<16xi32>,
        tpu.vector_store_idx %arg17[%add3A_749, %add3A_518], %gather3A_758 : memref<64x128xi32, #tpu.memory_space<vmem>>[vector<16xi32>, vector<16xi32>], vector<16xi32>,
        %add3A_759 = arith.constant 1 : i32
        %add3A_760 = vector.broadcast %add3A_759 : i32 to vector<16xi32>
        %add3A_761 = arith.addi %min3A_746, %add3A_760 : vector<16xi32>
        %min3A_762 = arith.minsi %add3A_761, %get3A_520 : vector<16xi32>
        %add3A_763 = arith.constant 1 : i32
        %add3A_764 = vector.broadcast %add3A_763 : i32 to vector<16xi32>
        %add3A_765 = arith.addi %add3A_749, %add3A_764 : vector<16xi32>
        scf.yield %min3A_762, %add3A_765 : vector<16xi32>, vector<16xi32>
      }
      %scan3A_530 = arith.constant 64 : i32
      %add3A_531 = arith.constant 32 : i32
      %add3A_532 = vector.broadcast %add3A_531 : i32 to vector<16xi32>
      %add3A_533 = arith.addi %iota3A, %add3A_532 : vector<16xi32>
      %get3A_534 = arith.constant 32 : index
      %get3A_535 = tpu.vector_load %arg13[%get3A_534] {strides = array<i32>} : memref<64xi32, #tpu.memory_space<vmem>>, vector<16xi32>,
      %get3A_536 = arith.constant 32 : index
      %get3A_537 = tpu.vector_load %arg11[%get3A_536] {strides = array<i32>} : memref<64xi32, #tpu.memory_space<vmem>>, vector<16xi32>,
      %broadcast_in_dim3A_538 = arith.constant 0 : i32
      %broadcast_in_dim3A_539 = vector.broadcast %broadcast_in_dim3A_538 : i32 to vector<16xi32>
      %scan3A_540 = arith.constant 0 : i32
      %scan3A_541 = arith.constant 64 : i32
      %scan3A_542 = arith.addi %scan3A_540, %scan3A_541 : i32
      %scan3A_543 = arith.constant 8 : i32
      %scan3A_544:2 = scf.for %scan3A_639 = %scan3A_540 to %scan3A_542 step %scan3A_543 iter_args(%scan3A_640 = %get3A_537, %scan3A_641 = %broadcast_in_dim3A_539) -> (vector<16xi32>, vector<16xi32>)  : i32 {
        %shift_right_logical3A_642 = arith.constant 7 : i32
        %shift_right_logical3A_643 = vector.broadcast %shift_right_logical3A_642 : i32 to vector<16xi32>
        %shift_right_logical3A_644 = arith.shrui %scan3A_640, %shift_right_logical3A_643 : vector<16xi32>
        %and3A = arith.constant 127 : i32
        %and3A_645 = vector.broadcast %and3A : i32 to vector<16xi32>
        %and3A_646 = arith.andi %scan3A_640, %and3A_645 : vector<16xi32>
        %gather3A = tpu.vector_load_idx %arg15[%shift_right_logical3A_644, %and3A_646] : memref<256x128xi32, #tpu.memory_space<vmem>>[vector<16xi32>, vector<16xi32>], vector<16xi32>,
        tpu.vector_store_idx %arg17[%scan3A_641, %add3A_533], %gather3A : memref<64x128xi32, #tpu.memory_space<vmem>>[vector<16xi32>, vector<16xi32>], vector<16xi32>,
        %add3A_647 = arith.constant 1 : i32
        %add3A_648 = vector.broadcast %add3A_647 : i32 to vector<16xi32>
        %add3A_649 = arith.addi %scan3A_640, %add3A_648 : vector<16xi32>
        %min3A_650 = arith.minsi %add3A_649, %get3A_535 : vector<16xi32>
        %add3A_651 = arith.constant 1 : i32
        %add3A_652 = vector.broadcast %add3A_651 : i32 to vector<16xi32>
        %add3A_653 = arith.addi %scan3A_641, %add3A_652 : vector<16xi32>
        %scan3A_654 = arith.constant 1 : i32
        %scan3A_655 = arith.addi %scan3A_639, %scan3A_654 : i32
        %shift_right_logical3A_656 = arith.constant 7 : i32
        %shift_right_logical3A_657 = vector.broadcast %shift_right_logical3A_656 : i32 to vector<16xi32>
        %shift_right_logical3A_658 = arith.shrui %min3A_650, %shift_right_logical3A_657 : vector<16xi32>
        %and3A_659 = arith.constant 127 : i32
        %and3A_660 = vector.broadcast %and3A_659 : i32 to vector<16xi32>
        %and3A_661 = arith.andi %min3A_650, %and3A_660 : vector<16xi32>
        %gather3A_662 = tpu.vector_load_idx %arg15[%shift_right_logical3A_658, %and3A_661] : memref<256x128xi32, #tpu.memory_space<vmem>>[vector<16xi32>, vector<16xi32>], vector<16xi32>,
        tpu.vector_store_idx %arg17[%add3A_653, %add3A_533], %gather3A_662 : memref<64x128xi32, #tpu.memory_space<vmem>>[vector<16xi32>, vector<16xi32>], vector<16xi32>,
        %add3A_663 = arith.constant 1 : i32
        %add3A_664 = vector.broadcast %add3A_663 : i32 to vector<16xi32>
        %add3A_665 = arith.addi %min3A_650, %add3A_664 : vector<16xi32>
        %min3A_666 = arith.minsi %add3A_665, %get3A_535 : vector<16xi32>
        %add3A_667 = arith.constant 1 : i32
        %add3A_668 = vector.broadcast %add3A_667 : i32 to vector<16xi32>
        %add3A_669 = arith.addi %add3A_653, %add3A_668 : vector<16xi32>
        %scan3A_670 = arith.constant 2 : i32
        %scan3A_671 = arith.addi %scan3A_639, %scan3A_670 : i32
        %shift_right_logical3A_672 = arith.constant 7 : i32
        %shift_right_logical3A_673 = vector.broadcast %shift_right_logical3A_672 : i32 to vector<16xi32>
        %shift_right_logical3A_674 = arith.shrui %min3A_666, %shift_right_logical3A_673 : vector<16xi32>
        %and3A_675 = arith.constant 127 : i32
        %and3A_676 = vector.broadcast %and3A_675 : i32 to vector<16xi32>
        %and3A_677 = arith.andi %min3A_666, %and3A_676 : vector<16xi32>
        %gather3A_678 = tpu.vector_load_idx %arg15[%shift_right_logical3A_674, %and3A_677] : memref<256x128xi32, #tpu.memory_space<vmem>>[vector<16xi32>, vector<16xi32>], vector<16xi32>,
        tpu.vector_store_idx %arg17[%add3A_669, %add3A_533], %gather3A_678 : memref<64x128xi32, #tpu.memory_space<vmem>>[vector<16xi32>, vector<16xi32>], vector<16xi32>,
        %add3A_679 = arith.constant 1 : i32
        %add3A_680 = vector.broadcast %add3A_679 : i32 to vector<16xi32>
        %add3A_681 = arith.addi %min3A_666, %add3A_680 : vector<16xi32>
        %min3A_682 = arith.minsi %add3A_681, %get3A_535 : vector<16xi32>
        %add3A_683 = arith.constant 1 : i32
        %add3A_684 = vector.broadcast %add3A_683 : i32 to vector<16xi32>
        %add3A_685 = arith.addi %add3A_669, %add3A_684 : vector<16xi32>
        %scan3A_686 = arith.constant 3 : i32
        %scan3A_687 = arith.addi %scan3A_639, %scan3A_686 : i32
        %shift_right_logical3A_688 = arith.constant 7 : i32
        %shift_right_logical3A_689 = vector.broadcast %shift_right_logical3A_688 : i32 to vector<16xi32>
        %shift_right_logical3A_690 = arith.shrui %min3A_682, %shift_right_logical3A_689 : vector<16xi32>
        %and3A_691 = arith.constant 127 : i32
        %and3A_692 = vector.broadcast %and3A_691 : i32 to vector<16xi32>
        %and3A_693 = arith.andi %min3A_682, %and3A_692 : vector<16xi32>
        %gather3A_694 = tpu.vector_load_idx %arg15[%shift_right_logical3A_690, %and3A_693] : memref<256x128xi32, #tpu.memory_space<vmem>>[vector<16xi32>, vector<16xi32>], vector<16xi32>,
        tpu.vector_store_idx %arg17[%add3A_685, %add3A_533], %gather3A_694 : memref<64x128xi32, #tpu.memory_space<vmem>>[vector<16xi32>, vector<16xi32>], vector<16xi32>,
        %add3A_695 = arith.constant 1 : i32
        %add3A_696 = vector.broadcast %add3A_695 : i32 to vector<16xi32>
        %add3A_697 = arith.addi %min3A_682, %add3A_696 : vector<16xi32>
        %min3A_698 = arith.minsi %add3A_697, %get3A_535 : vector<16xi32>
        %add3A_699 = arith.constant 1 : i32
        %add3A_700 = vector.broadcast %add3A_699 : i32 to vector<16xi32>
        %add3A_701 = arith.addi %add3A_685, %add3A_700 : vector<16xi32>
        %scan3A_702 = arith.constant 4 : i32
        %scan3A_703 = arith.addi %scan3A_639, %scan3A_702 : i32
        %shift_right_logical3A_704 = arith.constant 7 : i32
        %shift_right_logical3A_705 = vector.broadcast %shift_right_logical3A_704 : i32 to vector<16xi32>
        %shift_right_logical3A_706 = arith.shrui %min3A_698, %shift_right_logical3A_705 : vector<16xi32>
        %and3A_707 = arith.constant 127 : i32
        %and3A_708 = vector.broadcast %and3A_707 : i32 to vector<16xi32>
        %and3A_709 = arith.andi %min3A_698, %and3A_708 : vector<16xi32>
        %gather3A_710 = tpu.vector_load_idx %arg15[%shift_right_logical3A_706, %and3A_709] : memref<256x128xi32, #tpu.memory_space<vmem>>[vector<16xi32>, vector<16xi32>], vector<16xi32>,
        tpu.vector_store_idx %arg17[%add3A_701, %add3A_533], %gather3A_710 : memref<64x128xi32, #tpu.memory_space<vmem>>[vector<16xi32>, vector<16xi32>], vector<16xi32>,
        %add3A_711 = arith.constant 1 : i32
        %add3A_712 = vector.broadcast %add3A_711 : i32 to vector<16xi32>
        %add3A_713 = arith.addi %min3A_698, %add3A_712 : vector<16xi32>
        %min3A_714 = arith.minsi %add3A_713, %get3A_535 : vector<16xi32>
        %add3A_715 = arith.constant 1 : i32
        %add3A_716 = vector.broadcast %add3A_715 : i32 to vector<16xi32>
        %add3A_717 = arith.addi %add3A_701, %add3A_716 : vector<16xi32>
        %scan3A_718 = arith.constant 5 : i32
        %scan3A_719 = arith.addi %scan3A_639, %scan3A_718 : i32
        %shift_right_logical3A_720 = arith.constant 7 : i32
        %shift_right_logical3A_721 = vector.broadcast %shift_right_logical3A_720 : i32 to vector<16xi32>
        %shift_right_logical3A_722 = arith.shrui %min3A_714, %shift_right_logical3A_721 : vector<16xi32>
        %and3A_723 = arith.constant 127 : i32
        %and3A_724 = vector.broadcast %and3A_723 : i32 to vector<16xi32>
        %and3A_725 = arith.andi %min3A_714, %and3A_724 : vector<16xi32>
        %gather3A_726 = tpu.vector_load_idx %arg15[%shift_right_logical3A_722, %and3A_725] : memref<256x128xi32, #tpu.memory_space<vmem>>[vector<16xi32>, vector<16xi32>], vector<16xi32>,
        tpu.vector_store_idx %arg17[%add3A_717, %add3A_533], %gather3A_726 : memref<64x128xi32, #tpu.memory_space<vmem>>[vector<16xi32>, vector<16xi32>], vector<16xi32>,
        %add3A_727 = arith.constant 1 : i32
        %add3A_728 = vector.broadcast %add3A_727 : i32 to vector<16xi32>
        %add3A_729 = arith.addi %min3A_714, %add3A_728 : vector<16xi32>
        %min3A_730 = arith.minsi %add3A_729, %get3A_535 : vector<16xi32>
        %add3A_731 = arith.constant 1 : i32
        %add3A_732 = vector.broadcast %add3A_731 : i32 to vector<16xi32>
        %add3A_733 = arith.addi %add3A_717, %add3A_732 : vector<16xi32>
        %scan3A_734 = arith.constant 6 : i32
        %scan3A_735 = arith.addi %scan3A_639, %scan3A_734 : i32
        %shift_right_logical3A_736 = arith.constant 7 : i32
        %shift_right_logical3A_737 = vector.broadcast %shift_right_logical3A_736 : i32 to vector<16xi32>
        %shift_right_logical3A_738 = arith.shrui %min3A_730, %shift_right_logical3A_737 : vector<16xi32>
        %and3A_739 = arith.constant 127 : i32
        %and3A_740 = vector.broadcast %and3A_739 : i32 to vector<16xi32>
        %and3A_741 = arith.andi %min3A_730, %and3A_740 : vector<16xi32>
        %gather3A_742 = tpu.vector_load_idx %arg15[%shift_right_logical3A_738, %and3A_741] : memref<256x128xi32, #tpu.memory_space<vmem>>[vector<16xi32>, vector<16xi32>], vector<16xi32>,
        tpu.vector_store_idx %arg17[%add3A_733, %add3A_533], %gather3A_742 : memref<64x128xi32, #tpu.memory_space<vmem>>[vector<16xi32>, vector<16xi32>], vector<16xi32>,
        %add3A_743 = arith.constant 1 : i32
        %add3A_744 = vector.broadcast %add3A_743 : i32 to vector<16xi32>
        %add3A_745 = arith.addi %min3A_730, %add3A_744 : vector<16xi32>
        %min3A_746 = arith.minsi %add3A_745, %get3A_535 : vector<16xi32>
        %add3A_747 = arith.constant 1 : i32
        %add3A_748 = vector.broadcast %add3A_747 : i32 to vector<16xi32>
        %add3A_749 = arith.addi %add3A_733, %add3A_748 : vector<16xi32>
        %scan3A_750 = arith.constant 7 : i32
        %scan3A_751 = arith.addi %scan3A_639, %scan3A_750 : i32
        %shift_right_logical3A_752 = arith.constant 7 : i32
        %shift_right_logical3A_753 = vector.broadcast %shift_right_logical3A_752 : i32 to vector<16xi32>
        %shift_right_logical3A_754 = arith.shrui %min3A_746, %shift_right_logical3A_753 : vector<16xi32>
        %and3A_755 = arith.constant 127 : i32
        %and3A_756 = vector.broadcast %and3A_755 : i32 to vector<16xi32>
        %and3A_757 = arith.andi %min3A_746, %and3A_756 : vector<16xi32>
        %gather3A_758 = tpu.vector_load_idx %arg15[%shift_right_logical3A_754, %and3A_757] : memref<256x128xi32, #tpu.memory_space<vmem>>[vector<16xi32>, vector<16xi32>], vector<16xi32>,
        tpu.vector_store_idx %arg17[%add3A_749, %add3A_533], %gather3A_758 : memref<64x128xi32, #tpu.memory_space<vmem>>[vector<16xi32>, vector<16xi32>], vector<16xi32>,
        %add3A_759 = arith.constant 1 : i32
        %add3A_760 = vector.broadcast %add3A_759 : i32 to vector<16xi32>
        %add3A_761 = arith.addi %min3A_746, %add3A_760 : vector<16xi32>
        %min3A_762 = arith.minsi %add3A_761, %get3A_535 : vector<16xi32>
        %add3A_763 = arith.constant 1 : i32
        %add3A_764 = vector.broadcast %add3A_763 : i32 to vector<16xi32>
        %add3A_765 = arith.addi %add3A_749, %add3A_764 : vector<16xi32>
        scf.yield %min3A_762, %add3A_765 : vector<16xi32>, vector<16xi32>
      }
      %scan3A_545 = arith.constant 64 : i32
      %add3A_546 = arith.constant 48 : i32
      %add3A_547 = vector.broadcast %add3A_546 : i32 to vector<16xi32>
      %add3A_548 = arith.addi %iota3A, %add3A_547 : vector<16xi32>
      %get3A_549 = arith.constant 48 : index
      %get3A_550 = tpu.vector_load %arg13[%get3A_549] {strides = array<i32>} : memref<64xi32, #tpu.memory_space<vmem>>, vector<16xi32>,
      %get3A_551 = arith.constant 48 : index
      %get3A_552 = tpu.vector_load %arg11[%get3A_551] {strides = array<i32>} : memref<64xi32, #tpu.memory_space<vmem>>, vector<16xi32>,
      %broadcast_in_dim3A_553 = arith.constant 0 : i32
      %broadcast_in_dim3A_554 = vector.broadcast %broadcast_in_dim3A_553 : i32 to vector<16xi32>
      %scan3A_555 = arith.constant 0 : i32
      %scan3A_556 = arith.constant 64 : i32
      %scan3A_557 = arith.addi %scan3A_555, %scan3A_556 : i32
      %scan3A_558 = arith.constant 8 : i32
      %scan3A_559:2 = scf.for %scan3A_639 = %scan3A_555 to %scan3A_557 step %scan3A_558 iter_args(%scan3A_640 = %get3A_552, %scan3A_641 = %broadcast_in_dim3A_554) -> (vector<16xi32>, vector<16xi32>)  : i32 {
        %shift_right_logical3A_642 = arith.constant 7 : i32
        %shift_right_logical3A_643 = vector.broadcast %shift_right_logical3A_642 : i32 to vector<16xi32>
        %shift_right_logical3A_644 = arith.shrui %scan3A_640, %shift_right_logical3A_643 : vector<16xi32>
        %and3A = arith.constant 127 : i32
        %and3A_645 = vector.broadcast %and3A : i32 to vector<16xi32>
        %and3A_646 = arith.andi %scan3A_640, %and3A_645 : vector<16xi32>
        %gather3A = tpu.vector_load_idx %arg15[%shift_right_logical3A_644, %and3A_646] : memref<256x128xi32, #tpu.memory_space<vmem>>[vector<16xi32>, vector<16xi32>], vector<16xi32>,
        tpu.vector_store_idx %arg17[%scan3A_641, %add3A_548], %gather3A : memref<64x128xi32, #tpu.memory_space<vmem>>[vector<16xi32>, vector<16xi32>], vector<16xi32>,
        %add3A_647 = arith.constant 1 : i32
        %add3A_648 = vector.broadcast %add3A_647 : i32 to vector<16xi32>
        %add3A_649 = arith.addi %scan3A_640, %add3A_648 : vector<16xi32>
        %min3A_650 = arith.minsi %add3A_649, %get3A_550 : vector<16xi32>
        %add3A_651 = arith.constant 1 : i32
        %add3A_652 = vector.broadcast %add3A_651 : i32 to vector<16xi32>
        %add3A_653 = arith.addi %scan3A_641, %add3A_652 : vector<16xi32>
        %scan3A_654 = arith.constant 1 : i32
        %scan3A_655 = arith.addi %scan3A_639, %scan3A_654 : i32
        %shift_right_logical3A_656 = arith.constant 7 : i32
        %shift_right_logical3A_657 = vector.broadcast %shift_right_logical3A_656 : i32 to vector<16xi32>
        %shift_right_logical3A_658 = arith.shrui %min3A_650, %shift_right_logical3A_657 : vector<16xi32>
        %and3A_659 = arith.constant 127 : i32
        %and3A_660 = vector.broadcast %and3A_659 : i32 to vector<16xi32>
        %and3A_661 = arith.andi %min3A_650, %and3A_660 : vector<16xi32>
        %gather3A_662 = tpu.vector_load_idx %arg15[%shift_right_logical3A_658, %and3A_661] : memref<256x128xi32, #tpu.memory_space<vmem>>[vector<16xi32>, vector<16xi32>], vector<16xi32>,
        tpu.vector_store_idx %arg17[%add3A_653, %add3A_548], %gather3A_662 : memref<64x128xi32, #tpu.memory_space<vmem>>[vector<16xi32>, vector<16xi32>], vector<16xi32>,
        %add3A_663 = arith.constant 1 : i32
        %add3A_664 = vector.broadcast %add3A_663 : i32 to vector<16xi32>
        %add3A_665 = arith.addi %min3A_650, %add3A_664 : vector<16xi32>
        %min3A_666 = arith.minsi %add3A_665, %get3A_550 : vector<16xi32>
        %add3A_667 = arith.constant 1 : i32
        %add3A_668 = vector.broadcast %add3A_667 : i32 to vector<16xi32>
        %add3A_669 = arith.addi %add3A_653, %add3A_668 : vector<16xi32>
        %scan3A_670 = arith.constant 2 : i32
        %scan3A_671 = arith.addi %scan3A_639, %scan3A_670 : i32
        %shift_right_logical3A_672 = arith.constant 7 : i32
        %shift_right_logical3A_673 = vector.broadcast %shift_right_logical3A_672 : i32 to vector<16xi32>
        %shift_right_logical3A_674 = arith.shrui %min3A_666, %shift_right_logical3A_673 : vector<16xi32>
        %and3A_675 = arith.constant 127 : i32
        %and3A_676 = vector.broadcast %and3A_675 : i32 to vector<16xi32>
        %and3A_677 = arith.andi %min3A_666, %and3A_676 : vector<16xi32>
        %gather3A_678 = tpu.vector_load_idx %arg15[%shift_right_logical3A_674, %and3A_677] : memref<256x128xi32, #tpu.memory_space<vmem>>[vector<16xi32>, vector<16xi32>], vector<16xi32>,
        tpu.vector_store_idx %arg17[%add3A_669, %add3A_548], %gather3A_678 : memref<64x128xi32, #tpu.memory_space<vmem>>[vector<16xi32>, vector<16xi32>], vector<16xi32>,
        %add3A_679 = arith.constant 1 : i32
        %add3A_680 = vector.broadcast %add3A_679 : i32 to vector<16xi32>
        %add3A_681 = arith.addi %min3A_666, %add3A_680 : vector<16xi32>
        %min3A_682 = arith.minsi %add3A_681, %get3A_550 : vector<16xi32>
        %add3A_683 = arith.constant 1 : i32
        %add3A_684 = vector.broadcast %add3A_683 : i32 to vector<16xi32>
        %add3A_685 = arith.addi %add3A_669, %add3A_684 : vector<16xi32>
        %scan3A_686 = arith.constant 3 : i32
        %scan3A_687 = arith.addi %scan3A_639, %scan3A_686 : i32
        %shift_right_logical3A_688 = arith.constant 7 : i32
        %shift_right_logical3A_689 = vector.broadcast %shift_right_logical3A_688 : i32 to vector<16xi32>
        %shift_right_logical3A_690 = arith.shrui %min3A_682, %shift_right_logical3A_689 : vector<16xi32>
        %and3A_691 = arith.constant 127 : i32
        %and3A_692 = vector.broadcast %and3A_691 : i32 to vector<16xi32>
        %and3A_693 = arith.andi %min3A_682, %and3A_692 : vector<16xi32>
        %gather3A_694 = tpu.vector_load_idx %arg15[%shift_right_logical3A_690, %and3A_693] : memref<256x128xi32, #tpu.memory_space<vmem>>[vector<16xi32>, vector<16xi32>], vector<16xi32>,
        tpu.vector_store_idx %arg17[%add3A_685, %add3A_548], %gather3A_694 : memref<64x128xi32, #tpu.memory_space<vmem>>[vector<16xi32>, vector<16xi32>], vector<16xi32>,
        %add3A_695 = arith.constant 1 : i32
        %add3A_696 = vector.broadcast %add3A_695 : i32 to vector<16xi32>
        %add3A_697 = arith.addi %min3A_682, %add3A_696 : vector<16xi32>
        %min3A_698 = arith.minsi %add3A_697, %get3A_550 : vector<16xi32>
        %add3A_699 = arith.constant 1 : i32
        %add3A_700 = vector.broadcast %add3A_699 : i32 to vector<16xi32>
        %add3A_701 = arith.addi %add3A_685, %add3A_700 : vector<16xi32>
        %scan3A_702 = arith.constant 4 : i32
        %scan3A_703 = arith.addi %scan3A_639, %scan3A_702 : i32
        %shift_right_logical3A_704 = arith.constant 7 : i32
        %shift_right_logical3A_705 = vector.broadcast %shift_right_logical3A_704 : i32 to vector<16xi32>
        %shift_right_logical3A_706 = arith.shrui %min3A_698, %shift_right_logical3A_705 : vector<16xi32>
        %and3A_707 = arith.constant 127 : i32
        %and3A_708 = vector.broadcast %and3A_707 : i32 to vector<16xi32>
        %and3A_709 = arith.andi %min3A_698, %and3A_708 : vector<16xi32>
        %gather3A_710 = tpu.vector_load_idx %arg15[%shift_right_logical3A_706, %and3A_709] : memref<256x128xi32, #tpu.memory_space<vmem>>[vector<16xi32>, vector<16xi32>], vector<16xi32>,
        tpu.vector_store_idx %arg17[%add3A_701, %add3A_548], %gather3A_710 : memref<64x128xi32, #tpu.memory_space<vmem>>[vector<16xi32>, vector<16xi32>], vector<16xi32>,
        %add3A_711 = arith.constant 1 : i32
        %add3A_712 = vector.broadcast %add3A_711 : i32 to vector<16xi32>
        %add3A_713 = arith.addi %min3A_698, %add3A_712 : vector<16xi32>
        %min3A_714 = arith.minsi %add3A_713, %get3A_550 : vector<16xi32>
        %add3A_715 = arith.constant 1 : i32
        %add3A_716 = vector.broadcast %add3A_715 : i32 to vector<16xi32>
        %add3A_717 = arith.addi %add3A_701, %add3A_716 : vector<16xi32>
        %scan3A_718 = arith.constant 5 : i32
        %scan3A_719 = arith.addi %scan3A_639, %scan3A_718 : i32
        %shift_right_logical3A_720 = arith.constant 7 : i32
        %shift_right_logical3A_721 = vector.broadcast %shift_right_logical3A_720 : i32 to vector<16xi32>
        %shift_right_logical3A_722 = arith.shrui %min3A_714, %shift_right_logical3A_721 : vector<16xi32>
        %and3A_723 = arith.constant 127 : i32
        %and3A_724 = vector.broadcast %and3A_723 : i32 to vector<16xi32>
        %and3A_725 = arith.andi %min3A_714, %and3A_724 : vector<16xi32>
        %gather3A_726 = tpu.vector_load_idx %arg15[%shift_right_logical3A_722, %and3A_725] : memref<256x128xi32, #tpu.memory_space<vmem>>[vector<16xi32>, vector<16xi32>], vector<16xi32>,
        tpu.vector_store_idx %arg17[%add3A_717, %add3A_548], %gather3A_726 : memref<64x128xi32, #tpu.memory_space<vmem>>[vector<16xi32>, vector<16xi32>], vector<16xi32>,
        %add3A_727 = arith.constant 1 : i32
        %add3A_728 = vector.broadcast %add3A_727 : i32 to vector<16xi32>
        %add3A_729 = arith.addi %min3A_714, %add3A_728 : vector<16xi32>
        %min3A_730 = arith.minsi %add3A_729, %get3A_550 : vector<16xi32>
        %add3A_731 = arith.constant 1 : i32
        %add3A_732 = vector.broadcast %add3A_731 : i32 to vector<16xi32>
        %add3A_733 = arith.addi %add3A_717, %add3A_732 : vector<16xi32>
        %scan3A_734 = arith.constant 6 : i32
        %scan3A_735 = arith.addi %scan3A_639, %scan3A_734 : i32
        %shift_right_logical3A_736 = arith.constant 7 : i32
        %shift_right_logical3A_737 = vector.broadcast %shift_right_logical3A_736 : i32 to vector<16xi32>
        %shift_right_logical3A_738 = arith.shrui %min3A_730, %shift_right_logical3A_737 : vector<16xi32>
        %and3A_739 = arith.constant 127 : i32
        %and3A_740 = vector.broadcast %and3A_739 : i32 to vector<16xi32>
        %and3A_741 = arith.andi %min3A_730, %and3A_740 : vector<16xi32>
        %gather3A_742 = tpu.vector_load_idx %arg15[%shift_right_logical3A_738, %and3A_741] : memref<256x128xi32, #tpu.memory_space<vmem>>[vector<16xi32>, vector<16xi32>], vector<16xi32>,
        tpu.vector_store_idx %arg17[%add3A_733, %add3A_548], %gather3A_742 : memref<64x128xi32, #tpu.memory_space<vmem>>[vector<16xi32>, vector<16xi32>], vector<16xi32>,
        %add3A_743 = arith.constant 1 : i32
        %add3A_744 = vector.broadcast %add3A_743 : i32 to vector<16xi32>
        %add3A_745 = arith.addi %min3A_730, %add3A_744 : vector<16xi32>
        %min3A_746 = arith.minsi %add3A_745, %get3A_550 : vector<16xi32>
        %add3A_747 = arith.constant 1 : i32
        %add3A_748 = vector.broadcast %add3A_747 : i32 to vector<16xi32>
        %add3A_749 = arith.addi %add3A_733, %add3A_748 : vector<16xi32>
        %scan3A_750 = arith.constant 7 : i32
        %scan3A_751 = arith.addi %scan3A_639, %scan3A_750 : i32
        %shift_right_logical3A_752 = arith.constant 7 : i32
        %shift_right_logical3A_753 = vector.broadcast %shift_right_logical3A_752 : i32 to vector<16xi32>
        %shift_right_logical3A_754 = arith.shrui %min3A_746, %shift_right_logical3A_753 : vector<16xi32>
        %and3A_755 = arith.constant 127 : i32
        %and3A_756 = vector.broadcast %and3A_755 : i32 to vector<16xi32>
        %and3A_757 = arith.andi %min3A_746, %and3A_756 : vector<16xi32>
        %gather3A_758 = tpu.vector_load_idx %arg15[%shift_right_logical3A_754, %and3A_757] : memref<256x128xi32, #tpu.memory_space<vmem>>[vector<16xi32>, vector<16xi32>], vector<16xi32>,
        tpu.vector_store_idx %arg17[%add3A_749, %add3A_548], %gather3A_758 : memref<64x128xi32, #tpu.memory_space<vmem>>[vector<16xi32>, vector<16xi32>], vector<16xi32>,
        %add3A_759 = arith.constant 1 : i32
        %add3A_760 = vector.broadcast %add3A_759 : i32 to vector<16xi32>
        %add3A_761 = arith.addi %min3A_746, %add3A_760 : vector<16xi32>
        %min3A_762 = arith.minsi %add3A_761, %get3A_550 : vector<16xi32>
        %add3A_763 = arith.constant 1 : i32
        %add3A_764 = vector.broadcast %add3A_763 : i32 to vector<16xi32>
        %add3A_765 = arith.addi %add3A_749, %add3A_764 : vector<16xi32>
        scf.yield %min3A_762, %add3A_765 : vector<16xi32>, vector<16xi32>
      }
      %scan3A_560 = arith.constant 64 : i32
      %add3A_561 = arith.constant 1 : i32
      %add3A_562 = arith.addi %add3A_250, %add3A_561 : i32
      %lt3A = arith.constant 32 : i32
      %lt3A_563 = arith.cmpi slt, %add3A_562, %lt3A : i32
      %convert_element_type3A_564 = arith.extui %lt3A_563 : i1 to i32
      %cond3A_565 = arith.constant 0 : i32
      %cond3A_566 = arith.cmpi ne, %convert_element_type3A_564, %cond3A_565 : i32
      scf.if %cond3A_566 {
        %add3A_639 = arith.constant 1 : i32
        %add3A_640 = arith.addi %add3A_250, %add3A_639 : i32
        %mul3A_641 = arith.constant 64 : i32
        %mul3A_642 = arith.muli %add3A_640, %mul3A_641 : i32
        %add3A_643 = arith.constant 0 : i32
        %add3A_644 = arith.addi %mul3A_642, %add3A_643 : i32
        %get3A_645 = arith.index_cast %add3A_644 : i32 to index
        %get3A_646 = tpu.vector_load %arg7[%get3A_645] {strides = array<i32>} : memref<2048xi32, #tpu.memory_space<vmem>>, vector<16xi32>,
        %ne3A_647 = arith.constant 0 : i32
        %ne3A_648 = vector.broadcast %ne3A_647 : i32 to vector<16xi32>
        %ne3A_649 = arith.cmpi ne, %get3A_646, %ne3A_648 : vector<16xi32>
        %add3A_650 = arith.constant 0 : i32
        %add3A_651 = arith.addi %mul3A_642, %add3A_650 : i32
        %get3A_652 = arith.index_cast %add3A_651 : i32 to index
        %get3A_653 = tpu.vector_load %arg8[%get3A_652] {strides = array<i32>} : memref<2048xi32, #tpu.memory_space<vmem>>, vector<16xi32>,
        %min3A_654 = arith.constant 1599999 : i32
        %min3A_655 = vector.broadcast %min3A_654 : i32 to vector<16xi32>
        %min3A_656 = arith.minsi %get3A_653, %min3A_655 : vector<16xi32>
        %shift_right_logical3A_657 = arith.constant 7 : i32
        %shift_right_logical3A_658 = vector.broadcast %shift_right_logical3A_657 : i32 to vector<16xi32>
        %shift_right_logical3A_659 = arith.shrui %min3A_656, %shift_right_logical3A_658 : vector<16xi32>
        %min3A_660 = arith.constant 12498 : i32
        %min3A_661 = vector.broadcast %min3A_660 : i32 to vector<16xi32>
        %min3A_662 = arith.minsi %shift_right_logical3A_659, %min3A_661 : vector<16xi32>
        %add3A_663 = arith.constant 0 : i32
        %add3A_664 = vector.broadcast %add3A_663 : i32 to vector<16xi32>
        %add3A_665 = arith.addi %iota3A, %add3A_664 : vector<16xi32>
        %mul3A_666 = arith.constant 2 : i32
        %mul3A_667 = vector.broadcast %mul3A_666 : i32 to vector<16xi32>
        %mul3A_668 = arith.muli %mul3A_667, %add3A_665 : vector<16xi32>
        tpu.vector_store_idx %arg9[%mul3A_668], %min3A_662 : memref<128xi32, #tpu.memory_space<vmem>>[vector<16xi32>], vector<16xi32>,
        %mul3A_669 = arith.constant 2 : i32
        %mul3A_670 = vector.broadcast %mul3A_669 : i32 to vector<16xi32>
        %mul3A_671 = arith.muli %mul3A_670, %add3A_665 : vector<16xi32>
        %add3A_672 = arith.constant 1 : i32
        %add3A_673 = vector.broadcast %add3A_672 : i32 to vector<16xi32>
        %add3A_674 = arith.addi %mul3A_671, %add3A_673 : vector<16xi32>
        %add3A_675 = arith.constant 1 : i32
        %add3A_676 = vector.broadcast %add3A_675 : i32 to vector<16xi32>
        %add3A_677 = arith.addi %min3A_662, %add3A_676 : vector<16xi32>
        tpu.vector_store_idx %arg9[%add3A_674], %add3A_677 : memref<128xi32, #tpu.memory_space<vmem>>[vector<16xi32>], vector<16xi32>,
        %jit3A_678 = arith.constant 16384 : i32
        %jit3A_679 = arith.constant 0 : i32
        %broadcast_in_dim3A_680 = vector.broadcast %jit3A_678 : i32 to vector<16xi32>
        %broadcast_in_dim3A_681 = vector.broadcast %jit3A_679 : i32 to vector<16xi32>
        %select_n3A_682 = arith.select %ne3A_649, %broadcast_in_dim3A_680, %broadcast_in_dim3A_681 : vector<16xi1>, vector<16xi32>
        %mul3A_683 = arith.constant 256 : i32
        %mul3A_684 = vector.broadcast %mul3A_683 : i32 to vector<16xi32>
        %mul3A_685 = arith.muli %add3A_665, %mul3A_684 : vector<16xi32>
        %add3A_686 = arith.addi %select_n3A_682, %mul3A_685 : vector<16xi32>
        %mul3A_687 = arith.constant 128 : i32
        %mul3A_688 = vector.broadcast %mul3A_687 : i32 to vector<16xi32>
        %mul3A_689 = arith.muli %mul3A_688, %min3A_662 : vector<16xi32>
        %sub3A_690 = arith.subi %add3A_686, %mul3A_689 : vector<16xi32>
        %add3A_691 = arith.addi %sub3A_690, %min3A_656 : vector<16xi32>
        %swap3A_692 = arith.constant 0 : index
        %swap3A_693 = tpu.vector_load %arg11[%swap3A_692] {strides = array<i32>} : memref<64xi32, #tpu.memory_space<vmem>>, vector<16xi32>,
        tpu.vector_store %arg11[%swap3A_692], %add3A_691 {strides = array<i32>} : memref<64xi32, #tpu.memory_space<vmem>>, vector<16xi32>,
        %add3A_694 = arith.constant 1599999 : i32
        %add3A_695 = vector.broadcast %add3A_694 : i32 to vector<16xi32>
        %add3A_696 = arith.addi %sub3A_690, %add3A_695 : vector<16xi32>
        %swap3A_697 = arith.constant 0 : index
        %swap3A_698 = tpu.vector_load %arg13[%swap3A_697] {strides = array<i32>} : memref<64xi32, #tpu.memory_space<vmem>>, vector<16xi32>,
        tpu.vector_store %arg13[%swap3A_697], %add3A_696 {strides = array<i32>} : memref<64xi32, #tpu.memory_space<vmem>>, vector<16xi32>,
        %add3A_699 = arith.constant 16 : i32
        %add3A_700 = arith.addi %mul3A_642, %add3A_699 : i32
        %get3A_701 = arith.index_cast %add3A_700 : i32 to index
        %get3A_702 = tpu.vector_load %arg7[%get3A_701] {strides = array<i32>} : memref<2048xi32, #tpu.memory_space<vmem>>, vector<16xi32>,
        %ne3A_703 = arith.constant 0 : i32
        %ne3A_704 = vector.broadcast %ne3A_703 : i32 to vector<16xi32>
        %ne3A_705 = arith.cmpi ne, %get3A_702, %ne3A_704 : vector<16xi32>
        %add3A_706 = arith.constant 16 : i32
        %add3A_707 = arith.addi %mul3A_642, %add3A_706 : i32
        %get3A_708 = arith.index_cast %add3A_707 : i32 to index
        %get3A_709 = tpu.vector_load %arg8[%get3A_708] {strides = array<i32>} : memref<2048xi32, #tpu.memory_space<vmem>>, vector<16xi32>,
        %min3A_710 = arith.constant 1599999 : i32
        %min3A_711 = vector.broadcast %min3A_710 : i32 to vector<16xi32>
        %min3A_712 = arith.minsi %get3A_709, %min3A_711 : vector<16xi32>
        %shift_right_logical3A_713 = arith.constant 7 : i32
        %shift_right_logical3A_714 = vector.broadcast %shift_right_logical3A_713 : i32 to vector<16xi32>
        %shift_right_logical3A_715 = arith.shrui %min3A_712, %shift_right_logical3A_714 : vector<16xi32>
        %min3A_716 = arith.constant 12498 : i32
        %min3A_717 = vector.broadcast %min3A_716 : i32 to vector<16xi32>
        %min3A_718 = arith.minsi %shift_right_logical3A_715, %min3A_717 : vector<16xi32>
        %add3A_719 = arith.constant 16 : i32
        %add3A_720 = vector.broadcast %add3A_719 : i32 to vector<16xi32>
        %add3A_721 = arith.addi %iota3A, %add3A_720 : vector<16xi32>
        %mul3A_722 = arith.constant 2 : i32
        %mul3A_723 = vector.broadcast %mul3A_722 : i32 to vector<16xi32>
        %mul3A_724 = arith.muli %mul3A_723, %add3A_721 : vector<16xi32>
        tpu.vector_store_idx %arg9[%mul3A_724], %min3A_718 : memref<128xi32, #tpu.memory_space<vmem>>[vector<16xi32>], vector<16xi32>,
        %mul3A_725 = arith.constant 2 : i32
        %mul3A_726 = vector.broadcast %mul3A_725 : i32 to vector<16xi32>
        %mul3A_727 = arith.muli %mul3A_726, %add3A_721 : vector<16xi32>
        %add3A_728 = arith.constant 1 : i32
        %add3A_729 = vector.broadcast %add3A_728 : i32 to vector<16xi32>
        %add3A_730 = arith.addi %mul3A_727, %add3A_729 : vector<16xi32>
        %add3A_731 = arith.constant 1 : i32
        %add3A_732 = vector.broadcast %add3A_731 : i32 to vector<16xi32>
        %add3A_733 = arith.addi %min3A_718, %add3A_732 : vector<16xi32>
        tpu.vector_store_idx %arg9[%add3A_730], %add3A_733 : memref<128xi32, #tpu.memory_space<vmem>>[vector<16xi32>], vector<16xi32>,
        %jit3A_734 = arith.constant 16384 : i32
        %jit3A_735 = arith.constant 0 : i32
        %broadcast_in_dim3A_736 = vector.broadcast %jit3A_734 : i32 to vector<16xi32>
        %broadcast_in_dim3A_737 = vector.broadcast %jit3A_735 : i32 to vector<16xi32>
        %select_n3A_738 = arith.select %ne3A_705, %broadcast_in_dim3A_736, %broadcast_in_dim3A_737 : vector<16xi1>, vector<16xi32>
        %mul3A_739 = arith.constant 256 : i32
        %mul3A_740 = vector.broadcast %mul3A_739 : i32 to vector<16xi32>
        %mul3A_741 = arith.muli %add3A_721, %mul3A_740 : vector<16xi32>
        %add3A_742 = arith.addi %select_n3A_738, %mul3A_741 : vector<16xi32>
        %mul3A_743 = arith.constant 128 : i32
        %mul3A_744 = vector.broadcast %mul3A_743 : i32 to vector<16xi32>
        %mul3A_745 = arith.muli %mul3A_744, %min3A_718 : vector<16xi32>
        %sub3A_746 = arith.subi %add3A_742, %mul3A_745 : vector<16xi32>
        %add3A_747 = arith.addi %sub3A_746, %min3A_712 : vector<16xi32>
        %swap3A_748 = arith.constant 16 : index
        %swap3A_749 = tpu.vector_load %arg11[%swap3A_748] {strides = array<i32>} : memref<64xi32, #tpu.memory_space<vmem>>, vector<16xi32>,
        tpu.vector_store %arg11[%swap3A_748], %add3A_747 {strides = array<i32>} : memref<64xi32, #tpu.memory_space<vmem>>, vector<16xi32>,
        %add3A_750 = arith.constant 1599999 : i32
        %add3A_751 = vector.broadcast %add3A_750 : i32 to vector<16xi32>
        %add3A_752 = arith.addi %sub3A_746, %add3A_751 : vector<16xi32>
        %swap3A_753 = arith.constant 16 : index
        %swap3A_754 = tpu.vector_load %arg13[%swap3A_753] {strides = array<i32>} : memref<64xi32, #tpu.memory_space<vmem>>, vector<16xi32>,
        tpu.vector_store %arg13[%swap3A_753], %add3A_752 {strides = array<i32>} : memref<64xi32, #tpu.memory_space<vmem>>, vector<16xi32>,
        %add3A_755 = arith.constant 32 : i32
        %add3A_756 = arith.addi %mul3A_642, %add3A_755 : i32
        %get3A_757 = arith.index_cast %add3A_756 : i32 to index
        %get3A_758 = tpu.vector_load %arg7[%get3A_757] {strides = array<i32>} : memref<2048xi32, #tpu.memory_space<vmem>>, vector<16xi32>,
        %ne3A_759 = arith.constant 0 : i32
        %ne3A_760 = vector.broadcast %ne3A_759 : i32 to vector<16xi32>
        %ne3A_761 = arith.cmpi ne, %get3A_758, %ne3A_760 : vector<16xi32>
        %add3A_762 = arith.constant 32 : i32
        %add3A_763 = arith.addi %mul3A_642, %add3A_762 : i32
        %get3A_764 = arith.index_cast %add3A_763 : i32 to index
        %get3A_765 = tpu.vector_load %arg8[%get3A_764] {strides = array<i32>} : memref<2048xi32, #tpu.memory_space<vmem>>, vector<16xi32>,
        %min3A_766 = arith.constant 1599999 : i32
        %min3A_767 = vector.broadcast %min3A_766 : i32 to vector<16xi32>
        %min3A_768 = arith.minsi %get3A_765, %min3A_767 : vector<16xi32>
        %shift_right_logical3A_769 = arith.constant 7 : i32
        %shift_right_logical3A_770 = vector.broadcast %shift_right_logical3A_769 : i32 to vector<16xi32>
        %shift_right_logical3A_771 = arith.shrui %min3A_768, %shift_right_logical3A_770 : vector<16xi32>
        %min3A_772 = arith.constant 12498 : i32
        %min3A_773 = vector.broadcast %min3A_772 : i32 to vector<16xi32>
        %min3A_774 = arith.minsi %shift_right_logical3A_771, %min3A_773 : vector<16xi32>
        %add3A_775 = arith.constant 32 : i32
        %add3A_776 = vector.broadcast %add3A_775 : i32 to vector<16xi32>
        %add3A_777 = arith.addi %iota3A, %add3A_776 : vector<16xi32>
        %mul3A_778 = arith.constant 2 : i32
        %mul3A_779 = vector.broadcast %mul3A_778 : i32 to vector<16xi32>
        %mul3A_780 = arith.muli %mul3A_779, %add3A_777 : vector<16xi32>
        tpu.vector_store_idx %arg9[%mul3A_780], %min3A_774 : memref<128xi32, #tpu.memory_space<vmem>>[vector<16xi32>], vector<16xi32>,
        %mul3A_781 = arith.constant 2 : i32
        %mul3A_782 = vector.broadcast %mul3A_781 : i32 to vector<16xi32>
        %mul3A_783 = arith.muli %mul3A_782, %add3A_777 : vector<16xi32>
        %add3A_784 = arith.constant 1 : i32
        %add3A_785 = vector.broadcast %add3A_784 : i32 to vector<16xi32>
        %add3A_786 = arith.addi %mul3A_783, %add3A_785 : vector<16xi32>
        %add3A_787 = arith.constant 1 : i32
        %add3A_788 = vector.broadcast %add3A_787 : i32 to vector<16xi32>
        %add3A_789 = arith.addi %min3A_774, %add3A_788 : vector<16xi32>
        tpu.vector_store_idx %arg9[%add3A_786], %add3A_789 : memref<128xi32, #tpu.memory_space<vmem>>[vector<16xi32>], vector<16xi32>,
        %jit3A_790 = arith.constant 16384 : i32
        %jit3A_791 = arith.constant 0 : i32
        %broadcast_in_dim3A_792 = vector.broadcast %jit3A_790 : i32 to vector<16xi32>
        %broadcast_in_dim3A_793 = vector.broadcast %jit3A_791 : i32 to vector<16xi32>
        %select_n3A_794 = arith.select %ne3A_761, %broadcast_in_dim3A_792, %broadcast_in_dim3A_793 : vector<16xi1>, vector<16xi32>
        %mul3A_795 = arith.constant 256 : i32
        %mul3A_796 = vector.broadcast %mul3A_795 : i32 to vector<16xi32>
        %mul3A_797 = arith.muli %add3A_777, %mul3A_796 : vector<16xi32>
        %add3A_798 = arith.addi %select_n3A_794, %mul3A_797 : vector<16xi32>
        %mul3A_799 = arith.constant 128 : i32
        %mul3A_800 = vector.broadcast %mul3A_799 : i32 to vector<16xi32>
        %mul3A_801 = arith.muli %mul3A_800, %min3A_774 : vector<16xi32>
        %sub3A_802 = arith.subi %add3A_798, %mul3A_801 : vector<16xi32>
        %add3A_803 = arith.addi %sub3A_802, %min3A_768 : vector<16xi32>
        %swap3A_804 = arith.constant 32 : index
        %swap3A_805 = tpu.vector_load %arg11[%swap3A_804] {strides = array<i32>} : memref<64xi32, #tpu.memory_space<vmem>>, vector<16xi32>,
        tpu.vector_store %arg11[%swap3A_804], %add3A_803 {strides = array<i32>} : memref<64xi32, #tpu.memory_space<vmem>>, vector<16xi32>,
        %add3A_806 = arith.constant 1599999 : i32
        %add3A_807 = vector.broadcast %add3A_806 : i32 to vector<16xi32>
        %add3A_808 = arith.addi %sub3A_802, %add3A_807 : vector<16xi32>
        %swap3A_809 = arith.constant 32 : index
        %swap3A_810 = tpu.vector_load %arg13[%swap3A_809] {strides = array<i32>} : memref<64xi32, #tpu.memory_space<vmem>>, vector<16xi32>,
        tpu.vector_store %arg13[%swap3A_809], %add3A_808 {strides = array<i32>} : memref<64xi32, #tpu.memory_space<vmem>>, vector<16xi32>,
        %add3A_811 = arith.constant 48 : i32
        %add3A_812 = arith.addi %mul3A_642, %add3A_811 : i32
        %get3A_813 = arith.index_cast %add3A_812 : i32 to index
        %get3A_814 = tpu.vector_load %arg7[%get3A_813] {strides = array<i32>} : memref<2048xi32, #tpu.memory_space<vmem>>, vector<16xi32>,
        %ne3A_815 = arith.constant 0 : i32
        %ne3A_816 = vector.broadcast %ne3A_815 : i32 to vector<16xi32>
        %ne3A_817 = arith.cmpi ne, %get3A_814, %ne3A_816 : vector<16xi32>
        %add3A_818 = arith.constant 48 : i32
        %add3A_819 = arith.addi %mul3A_642, %add3A_818 : i32
        %get3A_820 = arith.index_cast %add3A_819 : i32 to index
        %get3A_821 = tpu.vector_load %arg8[%get3A_820] {strides = array<i32>} : memref<2048xi32, #tpu.memory_space<vmem>>, vector<16xi32>,
        %min3A_822 = arith.constant 1599999 : i32
        %min3A_823 = vector.broadcast %min3A_822 : i32 to vector<16xi32>
        %min3A_824 = arith.minsi %get3A_821, %min3A_823 : vector<16xi32>
        %shift_right_logical3A_825 = arith.constant 7 : i32
        %shift_right_logical3A_826 = vector.broadcast %shift_right_logical3A_825 : i32 to vector<16xi32>
        %shift_right_logical3A_827 = arith.shrui %min3A_824, %shift_right_logical3A_826 : vector<16xi32>
        %min3A_828 = arith.constant 12498 : i32
        %min3A_829 = vector.broadcast %min3A_828 : i32 to vector<16xi32>
        %min3A_830 = arith.minsi %shift_right_logical3A_827, %min3A_829 : vector<16xi32>
        %add3A_831 = arith.constant 48 : i32
        %add3A_832 = vector.broadcast %add3A_831 : i32 to vector<16xi32>
        %add3A_833 = arith.addi %iota3A, %add3A_832 : vector<16xi32>
        %mul3A_834 = arith.constant 2 : i32
        %mul3A_835 = vector.broadcast %mul3A_834 : i32 to vector<16xi32>
        %mul3A_836 = arith.muli %mul3A_835, %add3A_833 : vector<16xi32>
        tpu.vector_store_idx %arg9[%mul3A_836], %min3A_830 : memref<128xi32, #tpu.memory_space<vmem>>[vector<16xi32>], vector<16xi32>,
        %mul3A_837 = arith.constant 2 : i32
        %mul3A_838 = vector.broadcast %mul3A_837 : i32 to vector<16xi32>
        %mul3A_839 = arith.muli %mul3A_838, %add3A_833 : vector<16xi32>
        %add3A_840 = arith.constant 1 : i32
        %add3A_841 = vector.broadcast %add3A_840 : i32 to vector<16xi32>
        %add3A_842 = arith.addi %mul3A_839, %add3A_841 : vector<16xi32>
        %add3A_843 = arith.constant 1 : i32
        %add3A_844 = vector.broadcast %add3A_843 : i32 to vector<16xi32>
        %add3A_845 = arith.addi %min3A_830, %add3A_844 : vector<16xi32>
        tpu.vector_store_idx %arg9[%add3A_842], %add3A_845 : memref<128xi32, #tpu.memory_space<vmem>>[vector<16xi32>], vector<16xi32>,
        %jit3A_846 = arith.constant 16384 : i32
        %jit3A_847 = arith.constant 0 : i32
        %broadcast_in_dim3A_848 = vector.broadcast %jit3A_846 : i32 to vector<16xi32>
        %broadcast_in_dim3A_849 = vector.broadcast %jit3A_847 : i32 to vector<16xi32>
        %select_n3A_850 = arith.select %ne3A_817, %broadcast_in_dim3A_848, %broadcast_in_dim3A_849 : vector<16xi1>, vector<16xi32>
        %mul3A_851 = arith.constant 256 : i32
        %mul3A_852 = vector.broadcast %mul3A_851 : i32 to vector<16xi32>
        %mul3A_853 = arith.muli %add3A_833, %mul3A_852 : vector<16xi32>
        %add3A_854 = arith.addi %select_n3A_850, %mul3A_853 : vector<16xi32>
        %mul3A_855 = arith.constant 128 : i32
        %mul3A_856 = vector.broadcast %mul3A_855 : i32 to vector<16xi32>
        %mul3A_857 = arith.muli %mul3A_856, %min3A_830 : vector<16xi32>
        %sub3A_858 = arith.subi %add3A_854, %mul3A_857 : vector<16xi32>
        %add3A_859 = arith.addi %sub3A_858, %min3A_824 : vector<16xi32>
        %swap3A_860 = arith.constant 48 : index
        %swap3A_861 = tpu.vector_load %arg11[%swap3A_860] {strides = array<i32>} : memref<64xi32, #tpu.memory_space<vmem>>, vector<16xi32>,
        tpu.vector_store %arg11[%swap3A_860], %add3A_859 {strides = array<i32>} : memref<64xi32, #tpu.memory_space<vmem>>, vector<16xi32>,
        %add3A_862 = arith.constant 1599999 : i32
        %add3A_863 = vector.broadcast %add3A_862 : i32 to vector<16xi32>
        %add3A_864 = arith.addi %sub3A_858, %add3A_863 : vector<16xi32>
        %swap3A_865 = arith.constant 48 : index
        %swap3A_866 = tpu.vector_load %arg13[%swap3A_865] {strides = array<i32>} : memref<64xi32, #tpu.memory_space<vmem>>, vector<16xi32>,
        tpu.vector_store %arg13[%swap3A_865], %add3A_864 {strides = array<i32>} : memref<64xi32, #tpu.memory_space<vmem>>, vector<16xi32>,
        %dma_start3A_867 = arith.constant 0 : i32
        %dma_start3A_868 = arith.constant 0 : i32
        %dma_start3A_869 = tpu.memref_slice %arg15[%dma_start3A_867, %dma_start3A_868] : memref<256x128xi32, #tpu.memory_space<vmem>> -> memref<128x128xi32, #tpu.memory_space<vmem>>
        %dma_start3A_870 = arith.constant 0 : i32
        %dma_start3A_871 = arith.constant 0 : i32
        %dma_start3A_872 = tpu.memref_slice %arg4[%dma_start3A_870, %dma_start3A_871] : memref<12500x128xi32, #tpu.memory_space<hbm>> -> memref<12500x128xi32, #tpu.memory_space<hbm>>
        tpu.enqueue_indirect_dma source(%dma_start3A_872 : memref<12500x128xi32, #tpu.memory_space<hbm>>) target(%dma_start3A_869 : memref<128x128xi32, #tpu.memory_space<vmem>>) offsets(%arg9 : memref<128xi32, #tpu.memory_space<vmem>>) semaphore(%arg18 : memref<!tpu.dma_semaphore, #tpu.memory_space<semaphore_mem>>)
        %dma_start3A_873 = arith.constant 128 : i32
        %dma_start3A_874 = arith.constant 0 : i32
        %dma_start3A_875 = tpu.memref_slice %arg15[%dma_start3A_873, %dma_start3A_874] : memref<256x128xi32, #tpu.memory_space<vmem>> -> memref<128x128xi32, #tpu.memory_space<vmem>>
        %dma_start3A_876 = arith.constant 0 : i32
        %dma_start3A_877 = arith.constant 0 : i32
        %dma_start3A_878 = tpu.memref_slice %arg5[%dma_start3A_876, %dma_start3A_877] : memref<12500x128xi32, #tpu.memory_space<hbm>> -> memref<12500x128xi32, #tpu.memory_space<hbm>>
        tpu.enqueue_indirect_dma source(%dma_start3A_878 : memref<12500x128xi32, #tpu.memory_space<hbm>>) target(%dma_start3A_875 : memref<128x128xi32, #tpu.memory_space<vmem>>) offsets(%arg9 : memref<128xi32, #tpu.memory_space<vmem>>) semaphore(%arg18 : memref<!tpu.dma_semaphore, #tpu.memory_space<semaphore_mem>>)
      } else {
      }
      %dma_wait3A_567 = arith.constant 0 : i32
      %dma_wait3A_568 = arith.constant 0 : i32
      %dma_wait3A_569 = tpu.memref_slice %arg16[%dma_wait3A_567, %dma_wait3A_568] : memref<256x128xi32, #tpu.memory_space<vmem>> -> memref<128x128xi32, #tpu.memory_space<vmem>>
      %dma_wait3A_570 = arith.constant 0 : i32
      %dma_wait3A_571 = arith.constant 0 : i32
      %dma_wait3A_572 = tpu.memref_slice %arg4[%dma_wait3A_570, %dma_wait3A_571] : memref<12500x128xi32, #tpu.memory_space<hbm>> -> memref<12500x128xi32, #tpu.memory_space<hbm>>
      tpu.wait_indirect_dma semaphore(%arg19 : memref<!tpu.dma_semaphore, #tpu.memory_space<semaphore_mem>>) src(%dma_wait3A_572 : memref<12500x128xi32, #tpu.memory_space<hbm>>) dst(%dma_wait3A_569 : memref<128x128xi32, #tpu.memory_space<vmem>>)
      %dma_wait3A_573 = arith.constant 128 : i32
      %dma_wait3A_574 = arith.constant 0 : i32
      %dma_wait3A_575 = tpu.memref_slice %arg16[%dma_wait3A_573, %dma_wait3A_574] : memref<256x128xi32, #tpu.memory_space<vmem>> -> memref<128x128xi32, #tpu.memory_space<vmem>>
      %dma_wait3A_576 = arith.constant 0 : i32
      %dma_wait3A_577 = arith.constant 0 : i32
      %dma_wait3A_578 = tpu.memref_slice %arg5[%dma_wait3A_576, %dma_wait3A_577] : memref<12500x128xi32, #tpu.memory_space<hbm>> -> memref<12500x128xi32, #tpu.memory_space<hbm>>
      tpu.wait_indirect_dma semaphore(%arg19 : memref<!tpu.dma_semaphore, #tpu.memory_space<semaphore_mem>>) src(%dma_wait3A_578 : memref<12500x128xi32, #tpu.memory_space<hbm>>) dst(%dma_wait3A_575 : memref<128x128xi32, #tpu.memory_space<vmem>>)
      %add3A_579 = arith.constant 64 : i32
      %add3A_580 = vector.broadcast %add3A_579 : i32 to vector<16xi32>
      %add3A_581 = arith.addi %iota3A, %add3A_580 : vector<16xi32>
      %get3A_582 = arith.constant 0 : index
      %get3A_583 = tpu.vector_load %arg14[%get3A_582] {strides = array<i32>} : memref<64xi32, #tpu.memory_space<vmem>>, vector<16xi32>,
      %get3A_584 = arith.constant 0 : index
      %get3A_585 = tpu.vector_load %arg12[%get3A_584] {strides = array<i32>} : memref<64xi32, #tpu.memory_space<vmem>>, vector<16xi32>,
      %broadcast_in_dim3A_586 = arith.constant 0 : i32
      %broadcast_in_dim3A_587 = vector.broadcast %broadcast_in_dim3A_586 : i32 to vector<16xi32>
      %scan3A_588 = arith.constant 0 : i32
      %scan3A_589 = arith.constant 64 : i32
      %scan3A_590 = arith.addi %scan3A_588, %scan3A_589 : i32
      %scan3A_591 = arith.constant 8 : i32
      %scan3A_592:2 = scf.for %scan3A_639 = %scan3A_588 to %scan3A_590 step %scan3A_591 iter_args(%scan3A_640 = %get3A_585, %scan3A_641 = %broadcast_in_dim3A_587) -> (vector<16xi32>, vector<16xi32>)  : i32 {
        %shift_right_logical3A_642 = arith.constant 7 : i32
        %shift_right_logical3A_643 = vector.broadcast %shift_right_logical3A_642 : i32 to vector<16xi32>
        %shift_right_logical3A_644 = arith.shrui %scan3A_640, %shift_right_logical3A_643 : vector<16xi32>
        %and3A = arith.constant 127 : i32
        %and3A_645 = vector.broadcast %and3A : i32 to vector<16xi32>
        %and3A_646 = arith.andi %scan3A_640, %and3A_645 : vector<16xi32>
        %gather3A = tpu.vector_load_idx %arg16[%shift_right_logical3A_644, %and3A_646] : memref<256x128xi32, #tpu.memory_space<vmem>>[vector<16xi32>, vector<16xi32>], vector<16xi32>,
        tpu.vector_store_idx %arg17[%scan3A_641, %add3A_581], %gather3A : memref<64x128xi32, #tpu.memory_space<vmem>>[vector<16xi32>, vector<16xi32>], vector<16xi32>,
        %add3A_647 = arith.constant 1 : i32
        %add3A_648 = vector.broadcast %add3A_647 : i32 to vector<16xi32>
        %add3A_649 = arith.addi %scan3A_640, %add3A_648 : vector<16xi32>
        %min3A_650 = arith.minsi %add3A_649, %get3A_583 : vector<16xi32>
        %add3A_651 = arith.constant 1 : i32
        %add3A_652 = vector.broadcast %add3A_651 : i32 to vector<16xi32>
        %add3A_653 = arith.addi %scan3A_641, %add3A_652 : vector<16xi32>
        %scan3A_654 = arith.constant 1 : i32
        %scan3A_655 = arith.addi %scan3A_639, %scan3A_654 : i32
        %shift_right_logical3A_656 = arith.constant 7 : i32
        %shift_right_logical3A_657 = vector.broadcast %shift_right_logical3A_656 : i32 to vector<16xi32>
        %shift_right_logical3A_658 = arith.shrui %min3A_650, %shift_right_logical3A_657 : vector<16xi32>
        %and3A_659 = arith.constant 127 : i32
        %and3A_660 = vector.broadcast %and3A_659 : i32 to vector<16xi32>
        %and3A_661 = arith.andi %min3A_650, %and3A_660 : vector<16xi32>
        %gather3A_662 = tpu.vector_load_idx %arg16[%shift_right_logical3A_658, %and3A_661] : memref<256x128xi32, #tpu.memory_space<vmem>>[vector<16xi32>, vector<16xi32>], vector<16xi32>,
        tpu.vector_store_idx %arg17[%add3A_653, %add3A_581], %gather3A_662 : memref<64x128xi32, #tpu.memory_space<vmem>>[vector<16xi32>, vector<16xi32>], vector<16xi32>,
        %add3A_663 = arith.constant 1 : i32
        %add3A_664 = vector.broadcast %add3A_663 : i32 to vector<16xi32>
        %add3A_665 = arith.addi %min3A_650, %add3A_664 : vector<16xi32>
        %min3A_666 = arith.minsi %add3A_665, %get3A_583 : vector<16xi32>
        %add3A_667 = arith.constant 1 : i32
        %add3A_668 = vector.broadcast %add3A_667 : i32 to vector<16xi32>
        %add3A_669 = arith.addi %add3A_653, %add3A_668 : vector<16xi32>
        %scan3A_670 = arith.constant 2 : i32
        %scan3A_671 = arith.addi %scan3A_639, %scan3A_670 : i32
        %shift_right_logical3A_672 = arith.constant 7 : i32
        %shift_right_logical3A_673 = vector.broadcast %shift_right_logical3A_672 : i32 to vector<16xi32>
        %shift_right_logical3A_674 = arith.shrui %min3A_666, %shift_right_logical3A_673 : vector<16xi32>
        %and3A_675 = arith.constant 127 : i32
        %and3A_676 = vector.broadcast %and3A_675 : i32 to vector<16xi32>
        %and3A_677 = arith.andi %min3A_666, %and3A_676 : vector<16xi32>
        %gather3A_678 = tpu.vector_load_idx %arg16[%shift_right_logical3A_674, %and3A_677] : memref<256x128xi32, #tpu.memory_space<vmem>>[vector<16xi32>, vector<16xi32>], vector<16xi32>,
        tpu.vector_store_idx %arg17[%add3A_669, %add3A_581], %gather3A_678 : memref<64x128xi32, #tpu.memory_space<vmem>>[vector<16xi32>, vector<16xi32>], vector<16xi32>,
        %add3A_679 = arith.constant 1 : i32
        %add3A_680 = vector.broadcast %add3A_679 : i32 to vector<16xi32>
        %add3A_681 = arith.addi %min3A_666, %add3A_680 : vector<16xi32>
        %min3A_682 = arith.minsi %add3A_681, %get3A_583 : vector<16xi32>
        %add3A_683 = arith.constant 1 : i32
        %add3A_684 = vector.broadcast %add3A_683 : i32 to vector<16xi32>
        %add3A_685 = arith.addi %add3A_669, %add3A_684 : vector<16xi32>
        %scan3A_686 = arith.constant 3 : i32
        %scan3A_687 = arith.addi %scan3A_639, %scan3A_686 : i32
        %shift_right_logical3A_688 = arith.constant 7 : i32
        %shift_right_logical3A_689 = vector.broadcast %shift_right_logical3A_688 : i32 to vector<16xi32>
        %shift_right_logical3A_690 = arith.shrui %min3A_682, %shift_right_logical3A_689 : vector<16xi32>
        %and3A_691 = arith.constant 127 : i32
        %and3A_692 = vector.broadcast %and3A_691 : i32 to vector<16xi32>
        %and3A_693 = arith.andi %min3A_682, %and3A_692 : vector<16xi32>
        %gather3A_694 = tpu.vector_load_idx %arg16[%shift_right_logical3A_690, %and3A_693] : memref<256x128xi32, #tpu.memory_space<vmem>>[vector<16xi32>, vector<16xi32>], vector<16xi32>,
        tpu.vector_store_idx %arg17[%add3A_685, %add3A_581], %gather3A_694 : memref<64x128xi32, #tpu.memory_space<vmem>>[vector<16xi32>, vector<16xi32>], vector<16xi32>,
        %add3A_695 = arith.constant 1 : i32
        %add3A_696 = vector.broadcast %add3A_695 : i32 to vector<16xi32>
        %add3A_697 = arith.addi %min3A_682, %add3A_696 : vector<16xi32>
        %min3A_698 = arith.minsi %add3A_697, %get3A_583 : vector<16xi32>
        %add3A_699 = arith.constant 1 : i32
        %add3A_700 = vector.broadcast %add3A_699 : i32 to vector<16xi32>
        %add3A_701 = arith.addi %add3A_685, %add3A_700 : vector<16xi32>
        %scan3A_702 = arith.constant 4 : i32
        %scan3A_703 = arith.addi %scan3A_639, %scan3A_702 : i32
        %shift_right_logical3A_704 = arith.constant 7 : i32
        %shift_right_logical3A_705 = vector.broadcast %shift_right_logical3A_704 : i32 to vector<16xi32>
        %shift_right_logical3A_706 = arith.shrui %min3A_698, %shift_right_logical3A_705 : vector<16xi32>
        %and3A_707 = arith.constant 127 : i32
        %and3A_708 = vector.broadcast %and3A_707 : i32 to vector<16xi32>
        %and3A_709 = arith.andi %min3A_698, %and3A_708 : vector<16xi32>
        %gather3A_710 = tpu.vector_load_idx %arg16[%shift_right_logical3A_706, %and3A_709] : memref<256x128xi32, #tpu.memory_space<vmem>>[vector<16xi32>, vector<16xi32>], vector<16xi32>,
        tpu.vector_store_idx %arg17[%add3A_701, %add3A_581], %gather3A_710 : memref<64x128xi32, #tpu.memory_space<vmem>>[vector<16xi32>, vector<16xi32>], vector<16xi32>,
        %add3A_711 = arith.constant 1 : i32
        %add3A_712 = vector.broadcast %add3A_711 : i32 to vector<16xi32>
        %add3A_713 = arith.addi %min3A_698, %add3A_712 : vector<16xi32>
        %min3A_714 = arith.minsi %add3A_713, %get3A_583 : vector<16xi32>
        %add3A_715 = arith.constant 1 : i32
        %add3A_716 = vector.broadcast %add3A_715 : i32 to vector<16xi32>
        %add3A_717 = arith.addi %add3A_701, %add3A_716 : vector<16xi32>
        %scan3A_718 = arith.constant 5 : i32
        %scan3A_719 = arith.addi %scan3A_639, %scan3A_718 : i32
        %shift_right_logical3A_720 = arith.constant 7 : i32
        %shift_right_logical3A_721 = vector.broadcast %shift_right_logical3A_720 : i32 to vector<16xi32>
        %shift_right_logical3A_722 = arith.shrui %min3A_714, %shift_right_logical3A_721 : vector<16xi32>
        %and3A_723 = arith.constant 127 : i32
        %and3A_724 = vector.broadcast %and3A_723 : i32 to vector<16xi32>
        %and3A_725 = arith.andi %min3A_714, %and3A_724 : vector<16xi32>
        %gather3A_726 = tpu.vector_load_idx %arg16[%shift_right_logical3A_722, %and3A_725] : memref<256x128xi32, #tpu.memory_space<vmem>>[vector<16xi32>, vector<16xi32>], vector<16xi32>,
        tpu.vector_store_idx %arg17[%add3A_717, %add3A_581], %gather3A_726 : memref<64x128xi32, #tpu.memory_space<vmem>>[vector<16xi32>, vector<16xi32>], vector<16xi32>,
        %add3A_727 = arith.constant 1 : i32
        %add3A_728 = vector.broadcast %add3A_727 : i32 to vector<16xi32>
        %add3A_729 = arith.addi %min3A_714, %add3A_728 : vector<16xi32>
        %min3A_730 = arith.minsi %add3A_729, %get3A_583 : vector<16xi32>
        %add3A_731 = arith.constant 1 : i32
        %add3A_732 = vector.broadcast %add3A_731 : i32 to vector<16xi32>
        %add3A_733 = arith.addi %add3A_717, %add3A_732 : vector<16xi32>
        %scan3A_734 = arith.constant 6 : i32
        %scan3A_735 = arith.addi %scan3A_639, %scan3A_734 : i32
        %shift_right_logical3A_736 = arith.constant 7 : i32
        %shift_right_logical3A_737 = vector.broadcast %shift_right_logical3A_736 : i32 to vector<16xi32>
        %shift_right_logical3A_738 = arith.shrui %min3A_730, %shift_right_logical3A_737 : vector<16xi32>
        %and3A_739 = arith.constant 127 : i32
        %and3A_740 = vector.broadcast %and3A_739 : i32 to vector<16xi32>
        %and3A_741 = arith.andi %min3A_730, %and3A_740 : vector<16xi32>
        %gather3A_742 = tpu.vector_load_idx %arg16[%shift_right_logical3A_738, %and3A_741] : memref<256x128xi32, #tpu.memory_space<vmem>>[vector<16xi32>, vector<16xi32>], vector<16xi32>,
        tpu.vector_store_idx %arg17[%add3A_733, %add3A_581], %gather3A_742 : memref<64x128xi32, #tpu.memory_space<vmem>>[vector<16xi32>, vector<16xi32>], vector<16xi32>,
        %add3A_743 = arith.constant 1 : i32
        %add3A_744 = vector.broadcast %add3A_743 : i32 to vector<16xi32>
        %add3A_745 = arith.addi %min3A_730, %add3A_744 : vector<16xi32>
        %min3A_746 = arith.minsi %add3A_745, %get3A_583 : vector<16xi32>
        %add3A_747 = arith.constant 1 : i32
        %add3A_748 = vector.broadcast %add3A_747 : i32 to vector<16xi32>
        %add3A_749 = arith.addi %add3A_733, %add3A_748 : vector<16xi32>
        %scan3A_750 = arith.constant 7 : i32
        %scan3A_751 = arith.addi %scan3A_639, %scan3A_750 : i32
        %shift_right_logical3A_752 = arith.constant 7 : i32
        %shift_right_logical3A_753 = vector.broadcast %shift_right_logical3A_752 : i32 to vector<16xi32>
        %shift_right_logical3A_754 = arith.shrui %min3A_746, %shift_right_logical3A_753 : vector<16xi32>
        %and3A_755 = arith.constant 127 : i32
        %and3A_756 = vector.broadcast %and3A_755 : i32 to vector<16xi32>
        %and3A_757 = arith.andi %min3A_746, %and3A_756 : vector<16xi32>
        %gather3A_758 = tpu.vector_load_idx %arg16[%shift_right_logical3A_754, %and3A_757] : memref<256x128xi32, #tpu.memory_space<vmem>>[vector<16xi32>, vector<16xi32>], vector<16xi32>,
        tpu.vector_store_idx %arg17[%add3A_749, %add3A_581], %gather3A_758 : memref<64x128xi32, #tpu.memory_space<vmem>>[vector<16xi32>, vector<16xi32>], vector<16xi32>,
        %add3A_759 = arith.constant 1 : i32
        %add3A_760 = vector.broadcast %add3A_759 : i32 to vector<16xi32>
        %add3A_761 = arith.addi %min3A_746, %add3A_760 : vector<16xi32>
        %min3A_762 = arith.minsi %add3A_761, %get3A_583 : vector<16xi32>
        %add3A_763 = arith.constant 1 : i32
        %add3A_764 = vector.broadcast %add3A_763 : i32 to vector<16xi32>
        %add3A_765 = arith.addi %add3A_749, %add3A_764 : vector<16xi32>
        scf.yield %min3A_762, %add3A_765 : vector<16xi32>, vector<16xi32>
      }
      %scan3A_593 = arith.constant 64 : i32
      %add3A_594 = arith.constant 80 : i32
      %add3A_595 = vector.broadcast %add3A_594 : i32 to vector<16xi32>
      %add3A_596 = arith.addi %iota3A, %add3A_595 : vector<16xi32>
      %get3A_597 = arith.constant 16 : index
      %get3A_598 = tpu.vector_load %arg14[%get3A_597] {strides = array<i32>} : memref<64xi32, #tpu.memory_space<vmem>>, vector<16xi32>,
      %get3A_599 = arith.constant 16 : index
      %get3A_600 = tpu.vector_load %arg12[%get3A_599] {strides = array<i32>} : memref<64xi32, #tpu.memory_space<vmem>>, vector<16xi32>,
      %broadcast_in_dim3A_601 = arith.constant 0 : i32
      %broadcast_in_dim3A_602 = vector.broadcast %broadcast_in_dim3A_601 : i32 to vector<16xi32>
      %scan3A_603 = arith.constant 0 : i32
      %scan3A_604 = arith.constant 64 : i32
      %scan3A_605 = arith.addi %scan3A_603, %scan3A_604 : i32
      %scan3A_606 = arith.constant 8 : i32
      %scan3A_607:2 = scf.for %scan3A_639 = %scan3A_603 to %scan3A_605 step %scan3A_606 iter_args(%scan3A_640 = %get3A_600, %scan3A_641 = %broadcast_in_dim3A_602) -> (vector<16xi32>, vector<16xi32>)  : i32 {
        %shift_right_logical3A_642 = arith.constant 7 : i32
        %shift_right_logical3A_643 = vector.broadcast %shift_right_logical3A_642 : i32 to vector<16xi32>
        %shift_right_logical3A_644 = arith.shrui %scan3A_640, %shift_right_logical3A_643 : vector<16xi32>
        %and3A = arith.constant 127 : i32
        %and3A_645 = vector.broadcast %and3A : i32 to vector<16xi32>
        %and3A_646 = arith.andi %scan3A_640, %and3A_645 : vector<16xi32>
        %gather3A = tpu.vector_load_idx %arg16[%shift_right_logical3A_644, %and3A_646] : memref<256x128xi32, #tpu.memory_space<vmem>>[vector<16xi32>, vector<16xi32>], vector<16xi32>,
        tpu.vector_store_idx %arg17[%scan3A_641, %add3A_596], %gather3A : memref<64x128xi32, #tpu.memory_space<vmem>>[vector<16xi32>, vector<16xi32>], vector<16xi32>,
        %add3A_647 = arith.constant 1 : i32
        %add3A_648 = vector.broadcast %add3A_647 : i32 to vector<16xi32>
        %add3A_649 = arith.addi %scan3A_640, %add3A_648 : vector<16xi32>
        %min3A_650 = arith.minsi %add3A_649, %get3A_598 : vector<16xi32>
        %add3A_651 = arith.constant 1 : i32
        %add3A_652 = vector.broadcast %add3A_651 : i32 to vector<16xi32>
        %add3A_653 = arith.addi %scan3A_641, %add3A_652 : vector<16xi32>
        %scan3A_654 = arith.constant 1 : i32
        %scan3A_655 = arith.addi %scan3A_639, %scan3A_654 : i32
        %shift_right_logical3A_656 = arith.constant 7 : i32
        %shift_right_logical3A_657 = vector.broadcast %shift_right_logical3A_656 : i32 to vector<16xi32>
        %shift_right_logical3A_658 = arith.shrui %min3A_650, %shift_right_logical3A_657 : vector<16xi32>
        %and3A_659 = arith.constant 127 : i32
        %and3A_660 = vector.broadcast %and3A_659 : i32 to vector<16xi32>
        %and3A_661 = arith.andi %min3A_650, %and3A_660 : vector<16xi32>
        %gather3A_662 = tpu.vector_load_idx %arg16[%shift_right_logical3A_658, %and3A_661] : memref<256x128xi32, #tpu.memory_space<vmem>>[vector<16xi32>, vector<16xi32>], vector<16xi32>,
        tpu.vector_store_idx %arg17[%add3A_653, %add3A_596], %gather3A_662 : memref<64x128xi32, #tpu.memory_space<vmem>>[vector<16xi32>, vector<16xi32>], vector<16xi32>,
        %add3A_663 = arith.constant 1 : i32
        %add3A_664 = vector.broadcast %add3A_663 : i32 to vector<16xi32>
        %add3A_665 = arith.addi %min3A_650, %add3A_664 : vector<16xi32>
        %min3A_666 = arith.minsi %add3A_665, %get3A_598 : vector<16xi32>
        %add3A_667 = arith.constant 1 : i32
        %add3A_668 = vector.broadcast %add3A_667 : i32 to vector<16xi32>
        %add3A_669 = arith.addi %add3A_653, %add3A_668 : vector<16xi32>
        %scan3A_670 = arith.constant 2 : i32
        %scan3A_671 = arith.addi %scan3A_639, %scan3A_670 : i32
        %shift_right_logical3A_672 = arith.constant 7 : i32
        %shift_right_logical3A_673 = vector.broadcast %shift_right_logical3A_672 : i32 to vector<16xi32>
        %shift_right_logical3A_674 = arith.shrui %min3A_666, %shift_right_logical3A_673 : vector<16xi32>
        %and3A_675 = arith.constant 127 : i32
        %and3A_676 = vector.broadcast %and3A_675 : i32 to vector<16xi32>
        %and3A_677 = arith.andi %min3A_666, %and3A_676 : vector<16xi32>
        %gather3A_678 = tpu.vector_load_idx %arg16[%shift_right_logical3A_674, %and3A_677] : memref<256x128xi32, #tpu.memory_space<vmem>>[vector<16xi32>, vector<16xi32>], vector<16xi32>,
        tpu.vector_store_idx %arg17[%add3A_669, %add3A_596], %gather3A_678 : memref<64x128xi32, #tpu.memory_space<vmem>>[vector<16xi32>, vector<16xi32>], vector<16xi32>,
        %add3A_679 = arith.constant 1 : i32
        %add3A_680 = vector.broadcast %add3A_679 : i32 to vector<16xi32>
        %add3A_681 = arith.addi %min3A_666, %add3A_680 : vector<16xi32>
        %min3A_682 = arith.minsi %add3A_681, %get3A_598 : vector<16xi32>
        %add3A_683 = arith.constant 1 : i32
        %add3A_684 = vector.broadcast %add3A_683 : i32 to vector<16xi32>
        %add3A_685 = arith.addi %add3A_669, %add3A_684 : vector<16xi32>
        %scan3A_686 = arith.constant 3 : i32
        %scan3A_687 = arith.addi %scan3A_639, %scan3A_686 : i32
        %shift_right_logical3A_688 = arith.constant 7 : i32
        %shift_right_logical3A_689 = vector.broadcast %shift_right_logical3A_688 : i32 to vector<16xi32>
        %shift_right_logical3A_690 = arith.shrui %min3A_682, %shift_right_logical3A_689 : vector<16xi32>
        %and3A_691 = arith.constant 127 : i32
        %and3A_692 = vector.broadcast %and3A_691 : i32 to vector<16xi32>
        %and3A_693 = arith.andi %min3A_682, %and3A_692 : vector<16xi32>
        %gather3A_694 = tpu.vector_load_idx %arg16[%shift_right_logical3A_690, %and3A_693] : memref<256x128xi32, #tpu.memory_space<vmem>>[vector<16xi32>, vector<16xi32>], vector<16xi32>,
        tpu.vector_store_idx %arg17[%add3A_685, %add3A_596], %gather3A_694 : memref<64x128xi32, #tpu.memory_space<vmem>>[vector<16xi32>, vector<16xi32>], vector<16xi32>,
        %add3A_695 = arith.constant 1 : i32
        %add3A_696 = vector.broadcast %add3A_695 : i32 to vector<16xi32>
        %add3A_697 = arith.addi %min3A_682, %add3A_696 : vector<16xi32>
        %min3A_698 = arith.minsi %add3A_697, %get3A_598 : vector<16xi32>
        %add3A_699 = arith.constant 1 : i32
        %add3A_700 = vector.broadcast %add3A_699 : i32 to vector<16xi32>
        %add3A_701 = arith.addi %add3A_685, %add3A_700 : vector<16xi32>
        %scan3A_702 = arith.constant 4 : i32
        %scan3A_703 = arith.addi %scan3A_639, %scan3A_702 : i32
        %shift_right_logical3A_704 = arith.constant 7 : i32
        %shift_right_logical3A_705 = vector.broadcast %shift_right_logical3A_704 : i32 to vector<16xi32>
        %shift_right_logical3A_706 = arith.shrui %min3A_698, %shift_right_logical3A_705 : vector<16xi32>
        %and3A_707 = arith.constant 127 : i32
        %and3A_708 = vector.broadcast %and3A_707 : i32 to vector<16xi32>
        %and3A_709 = arith.andi %min3A_698, %and3A_708 : vector<16xi32>
        %gather3A_710 = tpu.vector_load_idx %arg16[%shift_right_logical3A_706, %and3A_709] : memref<256x128xi32, #tpu.memory_space<vmem>>[vector<16xi32>, vector<16xi32>], vector<16xi32>,
        tpu.vector_store_idx %arg17[%add3A_701, %add3A_596], %gather3A_710 : memref<64x128xi32, #tpu.memory_space<vmem>>[vector<16xi32>, vector<16xi32>], vector<16xi32>,
        %add3A_711 = arith.constant 1 : i32
        %add3A_712 = vector.broadcast %add3A_711 : i32 to vector<16xi32>
        %add3A_713 = arith.addi %min3A_698, %add3A_712 : vector<16xi32>
        %min3A_714 = arith.minsi %add3A_713, %get3A_598 : vector<16xi32>
        %add3A_715 = arith.constant 1 : i32
        %add3A_716 = vector.broadcast %add3A_715 : i32 to vector<16xi32>
        %add3A_717 = arith.addi %add3A_701, %add3A_716 : vector<16xi32>
        %scan3A_718 = arith.constant 5 : i32
        %scan3A_719 = arith.addi %scan3A_639, %scan3A_718 : i32
        %shift_right_logical3A_720 = arith.constant 7 : i32
        %shift_right_logical3A_721 = vector.broadcast %shift_right_logical3A_720 : i32 to vector<16xi32>
        %shift_right_logical3A_722 = arith.shrui %min3A_714, %shift_right_logical3A_721 : vector<16xi32>
        %and3A_723 = arith.constant 127 : i32
        %and3A_724 = vector.broadcast %and3A_723 : i32 to vector<16xi32>
        %and3A_725 = arith.andi %min3A_714, %and3A_724 : vector<16xi32>
        %gather3A_726 = tpu.vector_load_idx %arg16[%shift_right_logical3A_722, %and3A_725] : memref<256x128xi32, #tpu.memory_space<vmem>>[vector<16xi32>, vector<16xi32>], vector<16xi32>,
        tpu.vector_store_idx %arg17[%add3A_717, %add3A_596], %gather3A_726 : memref<64x128xi32, #tpu.memory_space<vmem>>[vector<16xi32>, vector<16xi32>], vector<16xi32>,
        %add3A_727 = arith.constant 1 : i32
        %add3A_728 = vector.broadcast %add3A_727 : i32 to vector<16xi32>
        %add3A_729 = arith.addi %min3A_714, %add3A_728 : vector<16xi32>
        %min3A_730 = arith.minsi %add3A_729, %get3A_598 : vector<16xi32>
        %add3A_731 = arith.constant 1 : i32
        %add3A_732 = vector.broadcast %add3A_731 : i32 to vector<16xi32>
        %add3A_733 = arith.addi %add3A_717, %add3A_732 : vector<16xi32>
        %scan3A_734 = arith.constant 6 : i32
        %scan3A_735 = arith.addi %scan3A_639, %scan3A_734 : i32
        %shift_right_logical3A_736 = arith.constant 7 : i32
        %shift_right_logical3A_737 = vector.broadcast %shift_right_logical3A_736 : i32 to vector<16xi32>
        %shift_right_logical3A_738 = arith.shrui %min3A_730, %shift_right_logical3A_737 : vector<16xi32>
        %and3A_739 = arith.constant 127 : i32
        %and3A_740 = vector.broadcast %and3A_739 : i32 to vector<16xi32>
        %and3A_741 = arith.andi %min3A_730, %and3A_740 : vector<16xi32>
        %gather3A_742 = tpu.vector_load_idx %arg16[%shift_right_logical3A_738, %and3A_741] : memref<256x128xi32, #tpu.memory_space<vmem>>[vector<16xi32>, vector<16xi32>], vector<16xi32>,
        tpu.vector_store_idx %arg17[%add3A_733, %add3A_596], %gather3A_742 : memref<64x128xi32, #tpu.memory_space<vmem>>[vector<16xi32>, vector<16xi32>], vector<16xi32>,
        %add3A_743 = arith.constant 1 : i32
        %add3A_744 = vector.broadcast %add3A_743 : i32 to vector<16xi32>
        %add3A_745 = arith.addi %min3A_730, %add3A_744 : vector<16xi32>
        %min3A_746 = arith.minsi %add3A_745, %get3A_598 : vector<16xi32>
        %add3A_747 = arith.constant 1 : i32
        %add3A_748 = vector.broadcast %add3A_747 : i32 to vector<16xi32>
        %add3A_749 = arith.addi %add3A_733, %add3A_748 : vector<16xi32>
        %scan3A_750 = arith.constant 7 : i32
        %scan3A_751 = arith.addi %scan3A_639, %scan3A_750 : i32
        %shift_right_logical3A_752 = arith.constant 7 : i32
        %shift_right_logical3A_753 = vector.broadcast %shift_right_logical3A_752 : i32 to vector<16xi32>
        %shift_right_logical3A_754 = arith.shrui %min3A_746, %shift_right_logical3A_753 : vector<16xi32>
        %and3A_755 = arith.constant 127 : i32
        %and3A_756 = vector.broadcast %and3A_755 : i32 to vector<16xi32>
        %and3A_757 = arith.andi %min3A_746, %and3A_756 : vector<16xi32>
        %gather3A_758 = tpu.vector_load_idx %arg16[%shift_right_logical3A_754, %and3A_757] : memref<256x128xi32, #tpu.memory_space<vmem>>[vector<16xi32>, vector<16xi32>], vector<16xi32>,
        tpu.vector_store_idx %arg17[%add3A_749, %add3A_596], %gather3A_758 : memref<64x128xi32, #tpu.memory_space<vmem>>[vector<16xi32>, vector<16xi32>], vector<16xi32>,
        %add3A_759 = arith.constant 1 : i32
        %add3A_760 = vector.broadcast %add3A_759 : i32 to vector<16xi32>
        %add3A_761 = arith.addi %min3A_746, %add3A_760 : vector<16xi32>
        %min3A_762 = arith.minsi %add3A_761, %get3A_598 : vector<16xi32>
        %add3A_763 = arith.constant 1 : i32
        %add3A_764 = vector.broadcast %add3A_763 : i32 to vector<16xi32>
        %add3A_765 = arith.addi %add3A_749, %add3A_764 : vector<16xi32>
        scf.yield %min3A_762, %add3A_765 : vector<16xi32>, vector<16xi32>
      }
      %scan3A_608 = arith.constant 64 : i32
      %add3A_609 = arith.constant 96 : i32
      %add3A_610 = vector.broadcast %add3A_609 : i32 to vector<16xi32>
      %add3A_611 = arith.addi %iota3A, %add3A_610 : vector<16xi32>
      %get3A_612 = arith.constant 32 : index
      %get3A_613 = tpu.vector_load %arg14[%get3A_612] {strides = array<i32>} : memref<64xi32, #tpu.memory_space<vmem>>, vector<16xi32>,
      %get3A_614 = arith.constant 32 : index
      %get3A_615 = tpu.vector_load %arg12[%get3A_614] {strides = array<i32>} : memref<64xi32, #tpu.memory_space<vmem>>, vector<16xi32>,
      %broadcast_in_dim3A_616 = arith.constant 0 : i32
      %broadcast_in_dim3A_617 = vector.broadcast %broadcast_in_dim3A_616 : i32 to vector<16xi32>
      %scan3A_618 = arith.constant 0 : i32
      %scan3A_619 = arith.constant 64 : i32
      %scan3A_620 = arith.addi %scan3A_618, %scan3A_619 : i32
      %scan3A_621 = arith.constant 8 : i32
      %scan3A_622:2 = scf.for %scan3A_639 = %scan3A_618 to %scan3A_620 step %scan3A_621 iter_args(%scan3A_640 = %get3A_615, %scan3A_641 = %broadcast_in_dim3A_617) -> (vector<16xi32>, vector<16xi32>)  : i32 {
        %shift_right_logical3A_642 = arith.constant 7 : i32
        %shift_right_logical3A_643 = vector.broadcast %shift_right_logical3A_642 : i32 to vector<16xi32>
        %shift_right_logical3A_644 = arith.shrui %scan3A_640, %shift_right_logical3A_643 : vector<16xi32>
        %and3A = arith.constant 127 : i32
        %and3A_645 = vector.broadcast %and3A : i32 to vector<16xi32>
        %and3A_646 = arith.andi %scan3A_640, %and3A_645 : vector<16xi32>
        %gather3A = tpu.vector_load_idx %arg16[%shift_right_logical3A_644, %and3A_646] : memref<256x128xi32, #tpu.memory_space<vmem>>[vector<16xi32>, vector<16xi32>], vector<16xi32>,
        tpu.vector_store_idx %arg17[%scan3A_641, %add3A_611], %gather3A : memref<64x128xi32, #tpu.memory_space<vmem>>[vector<16xi32>, vector<16xi32>], vector<16xi32>,
        %add3A_647 = arith.constant 1 : i32
        %add3A_648 = vector.broadcast %add3A_647 : i32 to vector<16xi32>
        %add3A_649 = arith.addi %scan3A_640, %add3A_648 : vector<16xi32>
        %min3A_650 = arith.minsi %add3A_649, %get3A_613 : vector<16xi32>
        %add3A_651 = arith.constant 1 : i32
        %add3A_652 = vector.broadcast %add3A_651 : i32 to vector<16xi32>
        %add3A_653 = arith.addi %scan3A_641, %add3A_652 : vector<16xi32>
        %scan3A_654 = arith.constant 1 : i32
        %scan3A_655 = arith.addi %scan3A_639, %scan3A_654 : i32
        %shift_right_logical3A_656 = arith.constant 7 : i32
        %shift_right_logical3A_657 = vector.broadcast %shift_right_logical3A_656 : i32 to vector<16xi32>
        %shift_right_logical3A_658 = arith.shrui %min3A_650, %shift_right_logical3A_657 : vector<16xi32>
        %and3A_659 = arith.constant 127 : i32
        %and3A_660 = vector.broadcast %and3A_659 : i32 to vector<16xi32>
        %and3A_661 = arith.andi %min3A_650, %and3A_660 : vector<16xi32>
        %gather3A_662 = tpu.vector_load_idx %arg16[%shift_right_logical3A_658, %and3A_661] : memref<256x128xi32, #tpu.memory_space<vmem>>[vector<16xi32>, vector<16xi32>], vector<16xi32>,
        tpu.vector_store_idx %arg17[%add3A_653, %add3A_611], %gather3A_662 : memref<64x128xi32, #tpu.memory_space<vmem>>[vector<16xi32>, vector<16xi32>], vector<16xi32>,
        %add3A_663 = arith.constant 1 : i32
        %add3A_664 = vector.broadcast %add3A_663 : i32 to vector<16xi32>
        %add3A_665 = arith.addi %min3A_650, %add3A_664 : vector<16xi32>
        %min3A_666 = arith.minsi %add3A_665, %get3A_613 : vector<16xi32>
        %add3A_667 = arith.constant 1 : i32
        %add3A_668 = vector.broadcast %add3A_667 : i32 to vector<16xi32>
        %add3A_669 = arith.addi %add3A_653, %add3A_668 : vector<16xi32>
        %scan3A_670 = arith.constant 2 : i32
        %scan3A_671 = arith.addi %scan3A_639, %scan3A_670 : i32
        %shift_right_logical3A_672 = arith.constant 7 : i32
        %shift_right_logical3A_673 = vector.broadcast %shift_right_logical3A_672 : i32 to vector<16xi32>
        %shift_right_logical3A_674 = arith.shrui %min3A_666, %shift_right_logical3A_673 : vector<16xi32>
        %and3A_675 = arith.constant 127 : i32
        %and3A_676 = vector.broadcast %and3A_675 : i32 to vector<16xi32>
        %and3A_677 = arith.andi %min3A_666, %and3A_676 : vector<16xi32>
        %gather3A_678 = tpu.vector_load_idx %arg16[%shift_right_logical3A_674, %and3A_677] : memref<256x128xi32, #tpu.memory_space<vmem>>[vector<16xi32>, vector<16xi32>], vector<16xi32>,
        tpu.vector_store_idx %arg17[%add3A_669, %add3A_611], %gather3A_678 : memref<64x128xi32, #tpu.memory_space<vmem>>[vector<16xi32>, vector<16xi32>], vector<16xi32>,
        %add3A_679 = arith.constant 1 : i32
        %add3A_680 = vector.broadcast %add3A_679 : i32 to vector<16xi32>
        %add3A_681 = arith.addi %min3A_666, %add3A_680 : vector<16xi32>
        %min3A_682 = arith.minsi %add3A_681, %get3A_613 : vector<16xi32>
        %add3A_683 = arith.constant 1 : i32
        %add3A_684 = vector.broadcast %add3A_683 : i32 to vector<16xi32>
        %add3A_685 = arith.addi %add3A_669, %add3A_684 : vector<16xi32>
        %scan3A_686 = arith.constant 3 : i32
        %scan3A_687 = arith.addi %scan3A_639, %scan3A_686 : i32
        %shift_right_logical3A_688 = arith.constant 7 : i32
        %shift_right_logical3A_689 = vector.broadcast %shift_right_logical3A_688 : i32 to vector<16xi32>
        %shift_right_logical3A_690 = arith.shrui %min3A_682, %shift_right_logical3A_689 : vector<16xi32>
        %and3A_691 = arith.constant 127 : i32
        %and3A_692 = vector.broadcast %and3A_691 : i32 to vector<16xi32>
        %and3A_693 = arith.andi %min3A_682, %and3A_692 : vector<16xi32>
        %gather3A_694 = tpu.vector_load_idx %arg16[%shift_right_logical3A_690, %and3A_693] : memref<256x128xi32, #tpu.memory_space<vmem>>[vector<16xi32>, vector<16xi32>], vector<16xi32>,
        tpu.vector_store_idx %arg17[%add3A_685, %add3A_611], %gather3A_694 : memref<64x128xi32, #tpu.memory_space<vmem>>[vector<16xi32>, vector<16xi32>], vector<16xi32>,
        %add3A_695 = arith.constant 1 : i32
        %add3A_696 = vector.broadcast %add3A_695 : i32 to vector<16xi32>
        %add3A_697 = arith.addi %min3A_682, %add3A_696 : vector<16xi32>
        %min3A_698 = arith.minsi %add3A_697, %get3A_613 : vector<16xi32>
        %add3A_699 = arith.constant 1 : i32
        %add3A_700 = vector.broadcast %add3A_699 : i32 to vector<16xi32>
        %add3A_701 = arith.addi %add3A_685, %add3A_700 : vector<16xi32>
        %scan3A_702 = arith.constant 4 : i32
        %scan3A_703 = arith.addi %scan3A_639, %scan3A_702 : i32
        %shift_right_logical3A_704 = arith.constant 7 : i32
        %shift_right_logical3A_705 = vector.broadcast %shift_right_logical3A_704 : i32 to vector<16xi32>
        %shift_right_logical3A_706 = arith.shrui %min3A_698, %shift_right_logical3A_705 : vector<16xi32>
        %and3A_707 = arith.constant 127 : i32
        %and3A_708 = vector.broadcast %and3A_707 : i32 to vector<16xi32>
        %and3A_709 = arith.andi %min3A_698, %and3A_708 : vector<16xi32>
        %gather3A_710 = tpu.vector_load_idx %arg16[%shift_right_logical3A_706, %and3A_709] : memref<256x128xi32, #tpu.memory_space<vmem>>[vector<16xi32>, vector<16xi32>], vector<16xi32>,
        tpu.vector_store_idx %arg17[%add3A_701, %add3A_611], %gather3A_710 : memref<64x128xi32, #tpu.memory_space<vmem>>[vector<16xi32>, vector<16xi32>], vector<16xi32>,
        %add3A_711 = arith.constant 1 : i32
        %add3A_712 = vector.broadcast %add3A_711 : i32 to vector<16xi32>
        %add3A_713 = arith.addi %min3A_698, %add3A_712 : vector<16xi32>
        %min3A_714 = arith.minsi %add3A_713, %get3A_613 : vector<16xi32>
        %add3A_715 = arith.constant 1 : i32
        %add3A_716 = vector.broadcast %add3A_715 : i32 to vector<16xi32>
        %add3A_717 = arith.addi %add3A_701, %add3A_716 : vector<16xi32>
        %scan3A_718 = arith.constant 5 : i32
        %scan3A_719 = arith.addi %scan3A_639, %scan3A_718 : i32
        %shift_right_logical3A_720 = arith.constant 7 : i32
        %shift_right_logical3A_721 = vector.broadcast %shift_right_logical3A_720 : i32 to vector<16xi32>
        %shift_right_logical3A_722 = arith.shrui %min3A_714, %shift_right_logical3A_721 : vector<16xi32>
        %and3A_723 = arith.constant 127 : i32
        %and3A_724 = vector.broadcast %and3A_723 : i32 to vector<16xi32>
        %and3A_725 = arith.andi %min3A_714, %and3A_724 : vector<16xi32>
        %gather3A_726 = tpu.vector_load_idx %arg16[%shift_right_logical3A_722, %and3A_725] : memref<256x128xi32, #tpu.memory_space<vmem>>[vector<16xi32>, vector<16xi32>], vector<16xi32>,
        tpu.vector_store_idx %arg17[%add3A_717, %add3A_611], %gather3A_726 : memref<64x128xi32, #tpu.memory_space<vmem>>[vector<16xi32>, vector<16xi32>], vector<16xi32>,
        %add3A_727 = arith.constant 1 : i32
        %add3A_728 = vector.broadcast %add3A_727 : i32 to vector<16xi32>
        %add3A_729 = arith.addi %min3A_714, %add3A_728 : vector<16xi32>
        %min3A_730 = arith.minsi %add3A_729, %get3A_613 : vector<16xi32>
        %add3A_731 = arith.constant 1 : i32
        %add3A_732 = vector.broadcast %add3A_731 : i32 to vector<16xi32>
        %add3A_733 = arith.addi %add3A_717, %add3A_732 : vector<16xi32>
        %scan3A_734 = arith.constant 6 : i32
        %scan3A_735 = arith.addi %scan3A_639, %scan3A_734 : i32
        %shift_right_logical3A_736 = arith.constant 7 : i32
        %shift_right_logical3A_737 = vector.broadcast %shift_right_logical3A_736 : i32 to vector<16xi32>
        %shift_right_logical3A_738 = arith.shrui %min3A_730, %shift_right_logical3A_737 : vector<16xi32>
        %and3A_739 = arith.constant 127 : i32
        %and3A_740 = vector.broadcast %and3A_739 : i32 to vector<16xi32>
        %and3A_741 = arith.andi %min3A_730, %and3A_740 : vector<16xi32>
        %gather3A_742 = tpu.vector_load_idx %arg16[%shift_right_logical3A_738, %and3A_741] : memref<256x128xi32, #tpu.memory_space<vmem>>[vector<16xi32>, vector<16xi32>], vector<16xi32>,
        tpu.vector_store_idx %arg17[%add3A_733, %add3A_611], %gather3A_742 : memref<64x128xi32, #tpu.memory_space<vmem>>[vector<16xi32>, vector<16xi32>], vector<16xi32>,
        %add3A_743 = arith.constant 1 : i32
        %add3A_744 = vector.broadcast %add3A_743 : i32 to vector<16xi32>
        %add3A_745 = arith.addi %min3A_730, %add3A_744 : vector<16xi32>
        %min3A_746 = arith.minsi %add3A_745, %get3A_613 : vector<16xi32>
        %add3A_747 = arith.constant 1 : i32
        %add3A_748 = vector.broadcast %add3A_747 : i32 to vector<16xi32>
        %add3A_749 = arith.addi %add3A_733, %add3A_748 : vector<16xi32>
        %scan3A_750 = arith.constant 7 : i32
        %scan3A_751 = arith.addi %scan3A_639, %scan3A_750 : i32
        %shift_right_logical3A_752 = arith.constant 7 : i32
        %shift_right_logical3A_753 = vector.broadcast %shift_right_logical3A_752 : i32 to vector<16xi32>
        %shift_right_logical3A_754 = arith.shrui %min3A_746, %shift_right_logical3A_753 : vector<16xi32>
        %and3A_755 = arith.constant 127 : i32
        %and3A_756 = vector.broadcast %and3A_755 : i32 to vector<16xi32>
        %and3A_757 = arith.andi %min3A_746, %and3A_756 : vector<16xi32>
        %gather3A_758 = tpu.vector_load_idx %arg16[%shift_right_logical3A_754, %and3A_757] : memref<256x128xi32, #tpu.memory_space<vmem>>[vector<16xi32>, vector<16xi32>], vector<16xi32>,
        tpu.vector_store_idx %arg17[%add3A_749, %add3A_611], %gather3A_758 : memref<64x128xi32, #tpu.memory_space<vmem>>[vector<16xi32>, vector<16xi32>], vector<16xi32>,
        %add3A_759 = arith.constant 1 : i32
        %add3A_760 = vector.broadcast %add3A_759 : i32 to vector<16xi32>
        %add3A_761 = arith.addi %min3A_746, %add3A_760 : vector<16xi32>
        %min3A_762 = arith.minsi %add3A_761, %get3A_613 : vector<16xi32>
        %add3A_763 = arith.constant 1 : i32
        %add3A_764 = vector.broadcast %add3A_763 : i32 to vector<16xi32>
        %add3A_765 = arith.addi %add3A_749, %add3A_764 : vector<16xi32>
        scf.yield %min3A_762, %add3A_765 : vector<16xi32>, vector<16xi32>
      }
      %scan3A_623 = arith.constant 64 : i32
      %add3A_624 = arith.constant 112 : i32
      %add3A_625 = vector.broadcast %add3A_624 : i32 to vector<16xi32>
      %add3A_626 = arith.addi %iota3A, %add3A_625 : vector<16xi32>
      %get3A_627 = arith.constant 48 : index
      %get3A_628 = tpu.vector_load %arg14[%get3A_627] {strides = array<i32>} : memref<64xi32, #tpu.memory_space<vmem>>, vector<16xi32>,
      %get3A_629 = arith.constant 48 : index
      %get3A_630 = tpu.vector_load %arg12[%get3A_629] {strides = array<i32>} : memref<64xi32, #tpu.memory_space<vmem>>, vector<16xi32>,
      %broadcast_in_dim3A_631 = arith.constant 0 : i32
      %broadcast_in_dim3A_632 = vector.broadcast %broadcast_in_dim3A_631 : i32 to vector<16xi32>
      %scan3A_633 = arith.constant 0 : i32
      %scan3A_634 = arith.constant 64 : i32
      %scan3A_635 = arith.addi %scan3A_633, %scan3A_634 : i32
      %scan3A_636 = arith.constant 8 : i32
      %scan3A_637:2 = scf.for %scan3A_639 = %scan3A_633 to %scan3A_635 step %scan3A_636 iter_args(%scan3A_640 = %get3A_630, %scan3A_641 = %broadcast_in_dim3A_632) -> (vector<16xi32>, vector<16xi32>)  : i32 {
        %shift_right_logical3A_642 = arith.constant 7 : i32
        %shift_right_logical3A_643 = vector.broadcast %shift_right_logical3A_642 : i32 to vector<16xi32>
        %shift_right_logical3A_644 = arith.shrui %scan3A_640, %shift_right_logical3A_643 : vector<16xi32>
        %and3A = arith.constant 127 : i32
        %and3A_645 = vector.broadcast %and3A : i32 to vector<16xi32>
        %and3A_646 = arith.andi %scan3A_640, %and3A_645 : vector<16xi32>
        %gather3A = tpu.vector_load_idx %arg16[%shift_right_logical3A_644, %and3A_646] : memref<256x128xi32, #tpu.memory_space<vmem>>[vector<16xi32>, vector<16xi32>], vector<16xi32>,
        tpu.vector_store_idx %arg17[%scan3A_641, %add3A_626], %gather3A : memref<64x128xi32, #tpu.memory_space<vmem>>[vector<16xi32>, vector<16xi32>], vector<16xi32>,
        %add3A_647 = arith.constant 1 : i32
        %add3A_648 = vector.broadcast %add3A_647 : i32 to vector<16xi32>
        %add3A_649 = arith.addi %scan3A_640, %add3A_648 : vector<16xi32>
        %min3A_650 = arith.minsi %add3A_649, %get3A_628 : vector<16xi32>
        %add3A_651 = arith.constant 1 : i32
        %add3A_652 = vector.broadcast %add3A_651 : i32 to vector<16xi32>
        %add3A_653 = arith.addi %scan3A_641, %add3A_652 : vector<16xi32>
        %scan3A_654 = arith.constant 1 : i32
        %scan3A_655 = arith.addi %scan3A_639, %scan3A_654 : i32
        %shift_right_logical3A_656 = arith.constant 7 : i32
        %shift_right_logical3A_657 = vector.broadcast %shift_right_logical3A_656 : i32 to vector<16xi32>
        %shift_right_logical3A_658 = arith.shrui %min3A_650, %shift_right_logical3A_657 : vector<16xi32>
        %and3A_659 = arith.constant 127 : i32
        %and3A_660 = vector.broadcast %and3A_659 : i32 to vector<16xi32>
        %and3A_661 = arith.andi %min3A_650, %and3A_660 : vector<16xi32>
        %gather3A_662 = tpu.vector_load_idx %arg16[%shift_right_logical3A_658, %and3A_661] : memref<256x128xi32, #tpu.memory_space<vmem>>[vector<16xi32>, vector<16xi32>], vector<16xi32>,
        tpu.vector_store_idx %arg17[%add3A_653, %add3A_626], %gather3A_662 : memref<64x128xi32, #tpu.memory_space<vmem>>[vector<16xi32>, vector<16xi32>], vector<16xi32>,
        %add3A_663 = arith.constant 1 : i32
        %add3A_664 = vector.broadcast %add3A_663 : i32 to vector<16xi32>
        %add3A_665 = arith.addi %min3A_650, %add3A_664 : vector<16xi32>
        %min3A_666 = arith.minsi %add3A_665, %get3A_628 : vector<16xi32>
        %add3A_667 = arith.constant 1 : i32
        %add3A_668 = vector.broadcast %add3A_667 : i32 to vector<16xi32>
        %add3A_669 = arith.addi %add3A_653, %add3A_668 : vector<16xi32>
        %scan3A_670 = arith.constant 2 : i32
        %scan3A_671 = arith.addi %scan3A_639, %scan3A_670 : i32
        %shift_right_logical3A_672 = arith.constant 7 : i32
        %shift_right_logical3A_673 = vector.broadcast %shift_right_logical3A_672 : i32 to vector<16xi32>
        %shift_right_logical3A_674 = arith.shrui %min3A_666, %shift_right_logical3A_673 : vector<16xi32>
        %and3A_675 = arith.constant 127 : i32
        %and3A_676 = vector.broadcast %and3A_675 : i32 to vector<16xi32>
        %and3A_677 = arith.andi %min3A_666, %and3A_676 : vector<16xi32>
        %gather3A_678 = tpu.vector_load_idx %arg16[%shift_right_logical3A_674, %and3A_677] : memref<256x128xi32, #tpu.memory_space<vmem>>[vector<16xi32>, vector<16xi32>], vector<16xi32>,
        tpu.vector_store_idx %arg17[%add3A_669, %add3A_626], %gather3A_678 : memref<64x128xi32, #tpu.memory_space<vmem>>[vector<16xi32>, vector<16xi32>], vector<16xi32>,
        %add3A_679 = arith.constant 1 : i32
        %add3A_680 = vector.broadcast %add3A_679 : i32 to vector<16xi32>
        %add3A_681 = arith.addi %min3A_666, %add3A_680 : vector<16xi32>
        %min3A_682 = arith.minsi %add3A_681, %get3A_628 : vector<16xi32>
        %add3A_683 = arith.constant 1 : i32
        %add3A_684 = vector.broadcast %add3A_683 : i32 to vector<16xi32>
        %add3A_685 = arith.addi %add3A_669, %add3A_684 : vector<16xi32>
        %scan3A_686 = arith.constant 3 : i32
        %scan3A_687 = arith.addi %scan3A_639, %scan3A_686 : i32
        %shift_right_logical3A_688 = arith.constant 7 : i32
        %shift_right_logical3A_689 = vector.broadcast %shift_right_logical3A_688 : i32 to vector<16xi32>
        %shift_right_logical3A_690 = arith.shrui %min3A_682, %shift_right_logical3A_689 : vector<16xi32>
        %and3A_691 = arith.constant 127 : i32
        %and3A_692 = vector.broadcast %and3A_691 : i32 to vector<16xi32>
        %and3A_693 = arith.andi %min3A_682, %and3A_692 : vector<16xi32>
        %gather3A_694 = tpu.vector_load_idx %arg16[%shift_right_logical3A_690, %and3A_693] : memref<256x128xi32, #tpu.memory_space<vmem>>[vector<16xi32>, vector<16xi32>], vector<16xi32>,
        tpu.vector_store_idx %arg17[%add3A_685, %add3A_626], %gather3A_694 : memref<64x128xi32, #tpu.memory_space<vmem>>[vector<16xi32>, vector<16xi32>], vector<16xi32>,
        %add3A_695 = arith.constant 1 : i32
        %add3A_696 = vector.broadcast %add3A_695 : i32 to vector<16xi32>
        %add3A_697 = arith.addi %min3A_682, %add3A_696 : vector<16xi32>
        %min3A_698 = arith.minsi %add3A_697, %get3A_628 : vector<16xi32>
        %add3A_699 = arith.constant 1 : i32
        %add3A_700 = vector.broadcast %add3A_699 : i32 to vector<16xi32>
        %add3A_701 = arith.addi %add3A_685, %add3A_700 : vector<16xi32>
        %scan3A_702 = arith.constant 4 : i32
        %scan3A_703 = arith.addi %scan3A_639, %scan3A_702 : i32
        %shift_right_logical3A_704 = arith.constant 7 : i32
        %shift_right_logical3A_705 = vector.broadcast %shift_right_logical3A_704 : i32 to vector<16xi32>
        %shift_right_logical3A_706 = arith.shrui %min3A_698, %shift_right_logical3A_705 : vector<16xi32>
        %and3A_707 = arith.constant 127 : i32
        %and3A_708 = vector.broadcast %and3A_707 : i32 to vector<16xi32>
        %and3A_709 = arith.andi %min3A_698, %and3A_708 : vector<16xi32>
        %gather3A_710 = tpu.vector_load_idx %arg16[%shift_right_logical3A_706, %and3A_709] : memref<256x128xi32, #tpu.memory_space<vmem>>[vector<16xi32>, vector<16xi32>], vector<16xi32>,
        tpu.vector_store_idx %arg17[%add3A_701, %add3A_626], %gather3A_710 : memref<64x128xi32, #tpu.memory_space<vmem>>[vector<16xi32>, vector<16xi32>], vector<16xi32>,
        %add3A_711 = arith.constant 1 : i32
        %add3A_712 = vector.broadcast %add3A_711 : i32 to vector<16xi32>
        %add3A_713 = arith.addi %min3A_698, %add3A_712 : vector<16xi32>
        %min3A_714 = arith.minsi %add3A_713, %get3A_628 : vector<16xi32>
        %add3A_715 = arith.constant 1 : i32
        %add3A_716 = vector.broadcast %add3A_715 : i32 to vector<16xi32>
        %add3A_717 = arith.addi %add3A_701, %add3A_716 : vector<16xi32>
        %scan3A_718 = arith.constant 5 : i32
        %scan3A_719 = arith.addi %scan3A_639, %scan3A_718 : i32
        %shift_right_logical3A_720 = arith.constant 7 : i32
        %shift_right_logical3A_721 = vector.broadcast %shift_right_logical3A_720 : i32 to vector<16xi32>
        %shift_right_logical3A_722 = arith.shrui %min3A_714, %shift_right_logical3A_721 : vector<16xi32>
        %and3A_723 = arith.constant 127 : i32
        %and3A_724 = vector.broadcast %and3A_723 : i32 to vector<16xi32>
        %and3A_725 = arith.andi %min3A_714, %and3A_724 : vector<16xi32>
        %gather3A_726 = tpu.vector_load_idx %arg16[%shift_right_logical3A_722, %and3A_725] : memref<256x128xi32, #tpu.memory_space<vmem>>[vector<16xi32>, vector<16xi32>], vector<16xi32>,
        tpu.vector_store_idx %arg17[%add3A_717, %add3A_626], %gather3A_726 : memref<64x128xi32, #tpu.memory_space<vmem>>[vector<16xi32>, vector<16xi32>], vector<16xi32>,
        %add3A_727 = arith.constant 1 : i32
        %add3A_728 = vector.broadcast %add3A_727 : i32 to vector<16xi32>
        %add3A_729 = arith.addi %min3A_714, %add3A_728 : vector<16xi32>
        %min3A_730 = arith.minsi %add3A_729, %get3A_628 : vector<16xi32>
        %add3A_731 = arith.constant 1 : i32
        %add3A_732 = vector.broadcast %add3A_731 : i32 to vector<16xi32>
        %add3A_733 = arith.addi %add3A_717, %add3A_732 : vector<16xi32>
        %scan3A_734 = arith.constant 6 : i32
        %scan3A_735 = arith.addi %scan3A_639, %scan3A_734 : i32
        %shift_right_logical3A_736 = arith.constant 7 : i32
        %shift_right_logical3A_737 = vector.broadcast %shift_right_logical3A_736 : i32 to vector<16xi32>
        %shift_right_logical3A_738 = arith.shrui %min3A_730, %shift_right_logical3A_737 : vector<16xi32>
        %and3A_739 = arith.constant 127 : i32
        %and3A_740 = vector.broadcast %and3A_739 : i32 to vector<16xi32>
        %and3A_741 = arith.andi %min3A_730, %and3A_740 : vector<16xi32>
        %gather3A_742 = tpu.vector_load_idx %arg16[%shift_right_logical3A_738, %and3A_741] : memref<256x128xi32, #tpu.memory_space<vmem>>[vector<16xi32>, vector<16xi32>], vector<16xi32>,
        tpu.vector_store_idx %arg17[%add3A_733, %add3A_626], %gather3A_742 : memref<64x128xi32, #tpu.memory_space<vmem>>[vector<16xi32>, vector<16xi32>], vector<16xi32>,
        %add3A_743 = arith.constant 1 : i32
        %add3A_744 = vector.broadcast %add3A_743 : i32 to vector<16xi32>
        %add3A_745 = arith.addi %min3A_730, %add3A_744 : vector<16xi32>
        %min3A_746 = arith.minsi %add3A_745, %get3A_628 : vector<16xi32>
        %add3A_747 = arith.constant 1 : i32
        %add3A_748 = vector.broadcast %add3A_747 : i32 to vector<16xi32>
        %add3A_749 = arith.addi %add3A_733, %add3A_748 : vector<16xi32>
        %scan3A_750 = arith.constant 7 : i32
        %scan3A_751 = arith.addi %scan3A_639, %scan3A_750 : i32
        %shift_right_logical3A_752 = arith.constant 7 : i32
        %shift_right_logical3A_753 = vector.broadcast %shift_right_logical3A_752 : i32 to vector<16xi32>
        %shift_right_logical3A_754 = arith.shrui %min3A_746, %shift_right_logical3A_753 : vector<16xi32>
        %and3A_755 = arith.constant 127 : i32
        %and3A_756 = vector.broadcast %and3A_755 : i32 to vector<16xi32>
        %and3A_757 = arith.andi %min3A_746, %and3A_756 : vector<16xi32>
        %gather3A_758 = tpu.vector_load_idx %arg16[%shift_right_logical3A_754, %and3A_757] : memref<256x128xi32, #tpu.memory_space<vmem>>[vector<16xi32>, vector<16xi32>], vector<16xi32>,
        tpu.vector_store_idx %arg17[%add3A_749, %add3A_626], %gather3A_758 : memref<64x128xi32, #tpu.memory_space<vmem>>[vector<16xi32>, vector<16xi32>], vector<16xi32>,
        %add3A_759 = arith.constant 1 : i32
        %add3A_760 = vector.broadcast %add3A_759 : i32 to vector<16xi32>
        %add3A_761 = arith.addi %min3A_746, %add3A_760 : vector<16xi32>
        %min3A_762 = arith.minsi %add3A_761, %get3A_628 : vector<16xi32>
        %add3A_763 = arith.constant 1 : i32
        %add3A_764 = vector.broadcast %add3A_763 : i32 to vector<16xi32>
        %add3A_765 = arith.addi %add3A_749, %add3A_764 : vector<16xi32>
        scf.yield %min3A_762, %add3A_765 : vector<16xi32>, vector<16xi32>
      }
      %scan3A_638 = arith.constant 64 : i32
    }
    %while3A_241 = arith.constant 1 : i32
    scf.for %while3A_246 = %while3A_239 to %while3A_235 step %while3A_241  : i32 {
      %mul3A_247 = arith.constant 2 : i32
      %mul3A_248 = arith.muli %mul3A_247, %while3A_246 : i32
      %add3A_249 = arith.constant 1 : i32
      %add3A_250 = arith.addi %mul3A_248, %add3A_249 : i32
      %mul3A_251 = arith.constant 64 : i32
      %mul3A_252 = arith.muli %add3A_250, %mul3A_251 : i32
      %add3A_253 = arith.constant 0 : i32
      %add3A_254 = arith.addi %mul3A_252, %add3A_253 : i32
      %get3A_255 = arith.index_cast %add3A_254 : i32 to index
      %get3A_256 = tpu.vector_load %arg7[%get3A_255] {strides = array<i32>} : memref<2048xi32, #tpu.memory_space<vmem>>, vector<16xi32>,
      %ne3A_257 = arith.constant 0 : i32
      %ne3A_258 = vector.broadcast %ne3A_257 : i32 to vector<16xi32>
      %ne3A_259 = arith.cmpi ne, %get3A_256, %ne3A_258 : vector<16xi32>
      %add3A_260 = arith.constant 0 : i32
      %add3A_261 = arith.addi %mul3A_252, %add3A_260 : i32
      %get3A_262 = arith.index_cast %add3A_261 : i32 to index
      %get3A_263 = tpu.vector_load %arg8[%get3A_262] {strides = array<i32>} : memref<2048xi32, #tpu.memory_space<vmem>>, vector<16xi32>,
      %min3A_264 = arith.constant 1599999 : i32
      %min3A_265 = vector.broadcast %min3A_264 : i32 to vector<16xi32>
      %min3A_266 = arith.minsi %get3A_263, %min3A_265 : vector<16xi32>
      %shift_right_logical3A_267 = arith.constant 7 : i32
      %shift_right_logical3A_268 = vector.broadcast %shift_right_logical3A_267 : i32 to vector<16xi32>
      %shift_right_logical3A_269 = arith.shrui %min3A_266, %shift_right_logical3A_268 : vector<16xi32>
      %min3A_270 = arith.constant 12498 : i32
      %min3A_271 = vector.broadcast %min3A_270 : i32 to vector<16xi32>
      %min3A_272 = arith.minsi %shift_right_logical3A_269, %min3A_271 : vector<16xi32>
      %add3A_273 = arith.constant 0 : i32
      %add3A_274 = vector.broadcast %add3A_273 : i32 to vector<16xi32>
      %add3A_275 = arith.addi %iota3A, %add3A_274 : vector<16xi32>
      %mul3A_276 = arith.constant 2 : i32
      %mul3A_277 = vector.broadcast %mul3A_276 : i32 to vector<16xi32>
      %mul3A_278 = arith.muli %mul3A_277, %add3A_275 : vector<16xi32>
      tpu.vector_store_idx %arg10[%mul3A_278], %min3A_272 : memref<128xi32, #tpu.memory_space<vmem>>[vector<16xi32>], vector<16xi32>,
      %mul3A_279 = arith.constant 2 : i32
      %mul3A_280 = vector.broadcast %mul3A_279 : i32 to vector<16xi32>
      %mul3A_281 = arith.muli %mul3A_280, %add3A_275 : vector<16xi32>
      %add3A_282 = arith.constant 1 : i32
      %add3A_283 = vector.broadcast %add3A_282 : i32 to vector<16xi32>
      %add3A_284 = arith.addi %mul3A_281, %add3A_283 : vector<16xi32>
      %add3A_285 = arith.constant 1 : i32
      %add3A_286 = vector.broadcast %add3A_285 : i32 to vector<16xi32>
      %add3A_287 = arith.addi %min3A_272, %add3A_286 : vector<16xi32>
      tpu.vector_store_idx %arg10[%add3A_284], %add3A_287 : memref<128xi32, #tpu.memory_space<vmem>>[vector<16xi32>], vector<16xi32>,
      %jit3A_288 = arith.constant 16384 : i32
      %jit3A_289 = arith.constant 0 : i32
      %broadcast_in_dim3A_290 = vector.broadcast %jit3A_288 : i32 to vector<16xi32>
      %broadcast_in_dim3A_291 = vector.broadcast %jit3A_289 : i32 to vector<16xi32>
      %select_n3A_292 = arith.select %ne3A_259, %broadcast_in_dim3A_290, %broadcast_in_dim3A_291 : vector<16xi1>, vector<16xi32>
      %mul3A_293 = arith.constant 256 : i32
      %mul3A_294 = vector.broadcast %mul3A_293 : i32 to vector<16xi32>
      %mul3A_295 = arith.muli %add3A_275, %mul3A_294 : vector<16xi32>
      %add3A_296 = arith.addi %select_n3A_292, %mul3A_295 : vector<16xi32>
      %mul3A_297 = arith.constant 128 : i32
      %mul3A_298 = vector.broadcast %mul3A_297 : i32 to vector<16xi32>
      %mul3A_299 = arith.muli %mul3A_298, %min3A_272 : vector<16xi32>
      %sub3A_300 = arith.subi %add3A_296, %mul3A_299 : vector<16xi32>
      %add3A_301 = arith.addi %sub3A_300, %min3A_266 : vector<16xi32>
      %swap3A_302 = arith.constant 0 : index
      %swap3A_303 = tpu.vector_load %arg12[%swap3A_302] {strides = array<i32>} : memref<64xi32, #tpu.memory_space<vmem>>, vector<16xi32>,
      tpu.vector_store %arg12[%swap3A_302], %add3A_301 {strides = array<i32>} : memref<64xi32, #tpu.memory_space<vmem>>, vector<16xi32>,
      %add3A_304 = arith.constant 1599999 : i32
      %add3A_305 = vector.broadcast %add3A_304 : i32 to vector<16xi32>
      %add3A_306 = arith.addi %sub3A_300, %add3A_305 : vector<16xi32>
      %swap3A_307 = arith.constant 0 : index
      %swap3A_308 = tpu.vector_load %arg14[%swap3A_307] {strides = array<i32>} : memref<64xi32, #tpu.memory_space<vmem>>, vector<16xi32>,
      tpu.vector_store %arg14[%swap3A_307], %add3A_306 {strides = array<i32>} : memref<64xi32, #tpu.memory_space<vmem>>, vector<16xi32>,
      %add3A_309 = arith.constant 16 : i32
      %add3A_310 = arith.addi %mul3A_252, %add3A_309 : i32
      %get3A_311 = arith.index_cast %add3A_310 : i32 to index
      %get3A_312 = tpu.vector_load %arg7[%get3A_311] {strides = array<i32>} : memref<2048xi32, #tpu.memory_space<vmem>>, vector<16xi32>,
      %ne3A_313 = arith.constant 0 : i32
      %ne3A_314 = vector.broadcast %ne3A_313 : i32 to vector<16xi32>
      %ne3A_315 = arith.cmpi ne, %get3A_312, %ne3A_314 : vector<16xi32>
      %add3A_316 = arith.constant 16 : i32
      %add3A_317 = arith.addi %mul3A_252, %add3A_316 : i32
      %get3A_318 = arith.index_cast %add3A_317 : i32 to index
      %get3A_319 = tpu.vector_load %arg8[%get3A_318] {strides = array<i32>} : memref<2048xi32, #tpu.memory_space<vmem>>, vector<16xi32>,
      %min3A_320 = arith.constant 1599999 : i32
      %min3A_321 = vector.broadcast %min3A_320 : i32 to vector<16xi32>
      %min3A_322 = arith.minsi %get3A_319, %min3A_321 : vector<16xi32>
      %shift_right_logical3A_323 = arith.constant 7 : i32
      %shift_right_logical3A_324 = vector.broadcast %shift_right_logical3A_323 : i32 to vector<16xi32>
      %shift_right_logical3A_325 = arith.shrui %min3A_322, %shift_right_logical3A_324 : vector<16xi32>
      %min3A_326 = arith.constant 12498 : i32
      %min3A_327 = vector.broadcast %min3A_326 : i32 to vector<16xi32>
      %min3A_328 = arith.minsi %shift_right_logical3A_325, %min3A_327 : vector<16xi32>
      %add3A_329 = arith.constant 16 : i32
      %add3A_330 = vector.broadcast %add3A_329 : i32 to vector<16xi32>
      %add3A_331 = arith.addi %iota3A, %add3A_330 : vector<16xi32>
      %mul3A_332 = arith.constant 2 : i32
      %mul3A_333 = vector.broadcast %mul3A_332 : i32 to vector<16xi32>
      %mul3A_334 = arith.muli %mul3A_333, %add3A_331 : vector<16xi32>
      tpu.vector_store_idx %arg10[%mul3A_334], %min3A_328 : memref<128xi32, #tpu.memory_space<vmem>>[vector<16xi32>], vector<16xi32>,
      %mul3A_335 = arith.constant 2 : i32
      %mul3A_336 = vector.broadcast %mul3A_335 : i32 to vector<16xi32>
      %mul3A_337 = arith.muli %mul3A_336, %add3A_331 : vector<16xi32>
      %add3A_338 = arith.constant 1 : i32
      %add3A_339 = vector.broadcast %add3A_338 : i32 to vector<16xi32>
      %add3A_340 = arith.addi %mul3A_337, %add3A_339 : vector<16xi32>
      %add3A_341 = arith.constant 1 : i32
      %add3A_342 = vector.broadcast %add3A_341 : i32 to vector<16xi32>
      %add3A_343 = arith.addi %min3A_328, %add3A_342 : vector<16xi32>
      tpu.vector_store_idx %arg10[%add3A_340], %add3A_343 : memref<128xi32, #tpu.memory_space<vmem>>[vector<16xi32>], vector<16xi32>,
      %jit3A_344 = arith.constant 16384 : i32
      %jit3A_345 = arith.constant 0 : i32
      %broadcast_in_dim3A_346 = vector.broadcast %jit3A_344 : i32 to vector<16xi32>
      %broadcast_in_dim3A_347 = vector.broadcast %jit3A_345 : i32 to vector<16xi32>
      %select_n3A_348 = arith.select %ne3A_315, %broadcast_in_dim3A_346, %broadcast_in_dim3A_347 : vector<16xi1>, vector<16xi32>
      %mul3A_349 = arith.constant 256 : i32
      %mul3A_350 = vector.broadcast %mul3A_349 : i32 to vector<16xi32>
      %mul3A_351 = arith.muli %add3A_331, %mul3A_350 : vector<16xi32>
      %add3A_352 = arith.addi %select_n3A_348, %mul3A_351 : vector<16xi32>
      %mul3A_353 = arith.constant 128 : i32
      %mul3A_354 = vector.broadcast %mul3A_353 : i32 to vector<16xi32>
      %mul3A_355 = arith.muli %mul3A_354, %min3A_328 : vector<16xi32>
      %sub3A_356 = arith.subi %add3A_352, %mul3A_355 : vector<16xi32>
      %add3A_357 = arith.addi %sub3A_356, %min3A_322 : vector<16xi32>
      %swap3A_358 = arith.constant 16 : index
      %swap3A_359 = tpu.vector_load %arg12[%swap3A_358] {strides = array<i32>} : memref<64xi32, #tpu.memory_space<vmem>>, vector<16xi32>,
      tpu.vector_store %arg12[%swap3A_358], %add3A_357 {strides = array<i32>} : memref<64xi32, #tpu.memory_space<vmem>>, vector<16xi32>,
      %add3A_360 = arith.constant 1599999 : i32
      %add3A_361 = vector.broadcast %add3A_360 : i32 to vector<16xi32>
      %add3A_362 = arith.addi %sub3A_356, %add3A_361 : vector<16xi32>
      %swap3A_363 = arith.constant 16 : index
      %swap3A_364 = tpu.vector_load %arg14[%swap3A_363] {strides = array<i32>} : memref<64xi32, #tpu.memory_space<vmem>>, vector<16xi32>,
      tpu.vector_store %arg14[%swap3A_363], %add3A_362 {strides = array<i32>} : memref<64xi32, #tpu.memory_space<vmem>>, vector<16xi32>,
      %add3A_365 = arith.constant 32 : i32
      %add3A_366 = arith.addi %mul3A_252, %add3A_365 : i32
      %get3A_367 = arith.index_cast %add3A_366 : i32 to index
      %get3A_368 = tpu.vector_load %arg7[%get3A_367] {strides = array<i32>} : memref<2048xi32, #tpu.memory_space<vmem>>, vector<16xi32>,
      %ne3A_369 = arith.constant 0 : i32
      %ne3A_370 = vector.broadcast %ne3A_369 : i32 to vector<16xi32>
      %ne3A_371 = arith.cmpi ne, %get3A_368, %ne3A_370 : vector<16xi32>
      %add3A_372 = arith.constant 32 : i32
      %add3A_373 = arith.addi %mul3A_252, %add3A_372 : i32
      %get3A_374 = arith.index_cast %add3A_373 : i32 to index
      %get3A_375 = tpu.vector_load %arg8[%get3A_374] {strides = array<i32>} : memref<2048xi32, #tpu.memory_space<vmem>>, vector<16xi32>,
      %min3A_376 = arith.constant 1599999 : i32
      %min3A_377 = vector.broadcast %min3A_376 : i32 to vector<16xi32>
      %min3A_378 = arith.minsi %get3A_375, %min3A_377 : vector<16xi32>
      %shift_right_logical3A_379 = arith.constant 7 : i32
      %shift_right_logical3A_380 = vector.broadcast %shift_right_logical3A_379 : i32 to vector<16xi32>
      %shift_right_logical3A_381 = arith.shrui %min3A_378, %shift_right_logical3A_380 : vector<16xi32>
      %min3A_382 = arith.constant 12498 : i32
      %min3A_383 = vector.broadcast %min3A_382 : i32 to vector<16xi32>
      %min3A_384 = arith.minsi %shift_right_logical3A_381, %min3A_383 : vector<16xi32>
      %add3A_385 = arith.constant 32 : i32
      %add3A_386 = vector.broadcast %add3A_385 : i32 to vector<16xi32>
      %add3A_387 = arith.addi %iota3A, %add3A_386 : vector<16xi32>
      %mul3A_388 = arith.constant 2 : i32
      %mul3A_389 = vector.broadcast %mul3A_388 : i32 to vector<16xi32>
      %mul3A_390 = arith.muli %mul3A_389, %add3A_387 : vector<16xi32>
      tpu.vector_store_idx %arg10[%mul3A_390], %min3A_384 : memref<128xi32, #tpu.memory_space<vmem>>[vector<16xi32>], vector<16xi32>,
      %mul3A_391 = arith.constant 2 : i32
      %mul3A_392 = vector.broadcast %mul3A_391 : i32 to vector<16xi32>
      %mul3A_393 = arith.muli %mul3A_392, %add3A_387 : vector<16xi32>
      %add3A_394 = arith.constant 1 : i32
      %add3A_395 = vector.broadcast %add3A_394 : i32 to vector<16xi32>
      %add3A_396 = arith.addi %mul3A_393, %add3A_395 : vector<16xi32>
      %add3A_397 = arith.constant 1 : i32
      %add3A_398 = vector.broadcast %add3A_397 : i32 to vector<16xi32>
      %add3A_399 = arith.addi %min3A_384, %add3A_398 : vector<16xi32>
      tpu.vector_store_idx %arg10[%add3A_396], %add3A_399 : memref<128xi32, #tpu.memory_space<vmem>>[vector<16xi32>], vector<16xi32>,
      %jit3A_400 = arith.constant 16384 : i32
      %jit3A_401 = arith.constant 0 : i32
      %broadcast_in_dim3A_402 = vector.broadcast %jit3A_400 : i32 to vector<16xi32>
      %broadcast_in_dim3A_403 = vector.broadcast %jit3A_401 : i32 to vector<16xi32>
      %select_n3A_404 = arith.select %ne3A_371, %broadcast_in_dim3A_402, %broadcast_in_dim3A_403 : vector<16xi1>, vector<16xi32>
      %mul3A_405 = arith.constant 256 : i32
      %mul3A_406 = vector.broadcast %mul3A_405 : i32 to vector<16xi32>
      %mul3A_407 = arith.muli %add3A_387, %mul3A_406 : vector<16xi32>
      %add3A_408 = arith.addi %select_n3A_404, %mul3A_407 : vector<16xi32>
      %mul3A_409 = arith.constant 128 : i32
      %mul3A_410 = vector.broadcast %mul3A_409 : i32 to vector<16xi32>
      %mul3A_411 = arith.muli %mul3A_410, %min3A_384 : vector<16xi32>
      %sub3A_412 = arith.subi %add3A_408, %mul3A_411 : vector<16xi32>
      %add3A_413 = arith.addi %sub3A_412, %min3A_378 : vector<16xi32>
      %swap3A_414 = arith.constant 32 : index
      %swap3A_415 = tpu.vector_load %arg12[%swap3A_414] {strides = array<i32>} : memref<64xi32, #tpu.memory_space<vmem>>, vector<16xi32>,
      tpu.vector_store %arg12[%swap3A_414], %add3A_413 {strides = array<i32>} : memref<64xi32, #tpu.memory_space<vmem>>, vector<16xi32>,
      %add3A_416 = arith.constant 1599999 : i32
      %add3A_417 = vector.broadcast %add3A_416 : i32 to vector<16xi32>
      %add3A_418 = arith.addi %sub3A_412, %add3A_417 : vector<16xi32>
      %swap3A_419 = arith.constant 32 : index
      %swap3A_420 = tpu.vector_load %arg14[%swap3A_419] {strides = array<i32>} : memref<64xi32, #tpu.memory_space<vmem>>, vector<16xi32>,
      tpu.vector_store %arg14[%swap3A_419], %add3A_418 {strides = array<i32>} : memref<64xi32, #tpu.memory_space<vmem>>, vector<16xi32>,
      %add3A_421 = arith.constant 48 : i32
      %add3A_422 = arith.addi %mul3A_252, %add3A_421 : i32
      %get3A_423 = arith.index_cast %add3A_422 : i32 to index
      %get3A_424 = tpu.vector_load %arg7[%get3A_423] {strides = array<i32>} : memref<2048xi32, #tpu.memory_space<vmem>>, vector<16xi32>,
      %ne3A_425 = arith.constant 0 : i32
      %ne3A_426 = vector.broadcast %ne3A_425 : i32 to vector<16xi32>
      %ne3A_427 = arith.cmpi ne, %get3A_424, %ne3A_426 : vector<16xi32>
      %add3A_428 = arith.constant 48 : i32
      %add3A_429 = arith.addi %mul3A_252, %add3A_428 : i32
      %get3A_430 = arith.index_cast %add3A_429 : i32 to index
      %get3A_431 = tpu.vector_load %arg8[%get3A_430] {strides = array<i32>} : memref<2048xi32, #tpu.memory_space<vmem>>, vector<16xi32>,
      %min3A_432 = arith.constant 1599999 : i32
      %min3A_433 = vector.broadcast %min3A_432 : i32 to vector<16xi32>
      %min3A_434 = arith.minsi %get3A_431, %min3A_433 : vector<16xi32>
      %shift_right_logical3A_435 = arith.constant 7 : i32
      %shift_right_logical3A_436 = vector.broadcast %shift_right_logical3A_435 : i32 to vector<16xi32>
      %shift_right_logical3A_437 = arith.shrui %min3A_434, %shift_right_logical3A_436 : vector<16xi32>
      %min3A_438 = arith.constant 12498 : i32
      %min3A_439 = vector.broadcast %min3A_438 : i32 to vector<16xi32>
      %min3A_440 = arith.minsi %shift_right_logical3A_437, %min3A_439 : vector<16xi32>
      %add3A_441 = arith.constant 48 : i32
      %add3A_442 = vector.broadcast %add3A_441 : i32 to vector<16xi32>
      %add3A_443 = arith.addi %iota3A, %add3A_442 : vector<16xi32>
      %mul3A_444 = arith.constant 2 : i32
      %mul3A_445 = vector.broadcast %mul3A_444 : i32 to vector<16xi32>
      %mul3A_446 = arith.muli %mul3A_445, %add3A_443 : vector<16xi32>
      tpu.vector_store_idx %arg10[%mul3A_446], %min3A_440 : memref<128xi32, #tpu.memory_space<vmem>>[vector<16xi32>], vector<16xi32>,
      %mul3A_447 = arith.constant 2 : i32
      %mul3A_448 = vector.broadcast %mul3A_447 : i32 to vector<16xi32>
      %mul3A_449 = arith.muli %mul3A_448, %add3A_443 : vector<16xi32>
      %add3A_450 = arith.constant 1 : i32
      %add3A_451 = vector.broadcast %add3A_450 : i32 to vector<16xi32>
      %add3A_452 = arith.addi %mul3A_449, %add3A_451 : vector<16xi32>
      %add3A_453 = arith.constant 1 : i32
      %add3A_454 = vector.broadcast %add3A_453 : i32 to vector<16xi32>
      %add3A_455 = arith.addi %min3A_440, %add3A_454 : vector<16xi32>
      tpu.vector_store_idx %arg10[%add3A_452], %add3A_455 : memref<128xi32, #tpu.memory_space<vmem>>[vector<16xi32>], vector<16xi32>,
      %jit3A_456 = arith.constant 16384 : i32
      %jit3A_457 = arith.constant 0 : i32
      %broadcast_in_dim3A_458 = vector.broadcast %jit3A_456 : i32 to vector<16xi32>
      %broadcast_in_dim3A_459 = vector.broadcast %jit3A_457 : i32 to vector<16xi32>
      %select_n3A_460 = arith.select %ne3A_427, %broadcast_in_dim3A_458, %broadcast_in_dim3A_459 : vector<16xi1>, vector<16xi32>
      %mul3A_461 = arith.constant 256 : i32
      %mul3A_462 = vector.broadcast %mul3A_461 : i32 to vector<16xi32>
      %mul3A_463 = arith.muli %add3A_443, %mul3A_462 : vector<16xi32>
      %add3A_464 = arith.addi %select_n3A_460, %mul3A_463 : vector<16xi32>
      %mul3A_465 = arith.constant 128 : i32
      %mul3A_466 = vector.broadcast %mul3A_465 : i32 to vector<16xi32>
      %mul3A_467 = arith.muli %mul3A_466, %min3A_440 : vector<16xi32>
      %sub3A_468 = arith.subi %add3A_464, %mul3A_467 : vector<16xi32>
      %add3A_469 = arith.addi %sub3A_468, %min3A_434 : vector<16xi32>
      %swap3A_470 = arith.constant 48 : index
      %swap3A_471 = tpu.vector_load %arg12[%swap3A_470] {strides = array<i32>} : memref<64xi32, #tpu.memory_space<vmem>>, vector<16xi32>,
      tpu.vector_store %arg12[%swap3A_470], %add3A_469 {strides = array<i32>} : memref<64xi32, #tpu.memory_space<vmem>>, vector<16xi32>,
      %add3A_472 = arith.constant 1599999 : i32
      %add3A_473 = vector.broadcast %add3A_472 : i32 to vector<16xi32>
      %add3A_474 = arith.addi %sub3A_468, %add3A_473 : vector<16xi32>
      %swap3A_475 = arith.constant 48 : index
      %swap3A_476 = tpu.vector_load %arg14[%swap3A_475] {strides = array<i32>} : memref<64xi32, #tpu.memory_space<vmem>>, vector<16xi32>,
      tpu.vector_store %arg14[%swap3A_475], %add3A_474 {strides = array<i32>} : memref<64xi32, #tpu.memory_space<vmem>>, vector<16xi32>,
      %dma_start3A_477 = arith.constant 0 : i32
      %dma_start3A_478 = arith.constant 0 : i32
      %dma_start3A_479 = tpu.memref_slice %arg16[%dma_start3A_477, %dma_start3A_478] : memref<256x128xi32, #tpu.memory_space<vmem>> -> memref<128x128xi32, #tpu.memory_space<vmem>>
      %dma_start3A_480 = arith.constant 0 : i32
      %dma_start3A_481 = arith.constant 0 : i32
      %dma_start3A_482 = tpu.memref_slice %arg4[%dma_start3A_480, %dma_start3A_481] : memref<12500x128xi32, #tpu.memory_space<hbm>> -> memref<12500x128xi32, #tpu.memory_space<hbm>>
      tpu.enqueue_indirect_dma source(%dma_start3A_482 : memref<12500x128xi32, #tpu.memory_space<hbm>>) target(%dma_start3A_479 : memref<128x128xi32, #tpu.memory_space<vmem>>) offsets(%arg10 : memref<128xi32, #tpu.memory_space<vmem>>) semaphore(%arg19 : memref<!tpu.dma_semaphore, #tpu.memory_space<semaphore_mem>>)
      %dma_start3A_483 = arith.constant 128 : i32
      %dma_start3A_484 = arith.constant 0 : i32
      %dma_start3A_485 = tpu.memref_slice %arg16[%dma_start3A_483, %dma_start3A_484] : memref<256x128xi32, #tpu.memory_space<vmem>> -> memref<128x128xi32, #tpu.memory_space<vmem>>
      %dma_start3A_486 = arith.constant 0 : i32
      %dma_start3A_487 = arith.constant 0 : i32
      %dma_start3A_488 = tpu.memref_slice %arg5[%dma_start3A_486, %dma_start3A_487] : memref<12500x128xi32, #tpu.memory_space<hbm>> -> memref<12500x128xi32, #tpu.memory_space<hbm>>
      tpu.enqueue_indirect_dma source(%dma_start3A_488 : memref<12500x128xi32, #tpu.memory_space<hbm>>) target(%dma_start3A_485 : memref<128x128xi32, #tpu.memory_space<vmem>>) offsets(%arg10 : memref<128xi32, #tpu.memory_space<vmem>>) semaphore(%arg19 : memref<!tpu.dma_semaphore, #tpu.memory_space<semaphore_mem>>)
      %gt3A = arith.constant 0 : i32
      %gt3A_489 = arith.cmpi sgt, %while3A_246, %gt3A : i32
      %convert_element_type3A = arith.extui %gt3A_489 : i1 to i32
      %cond3A = arith.constant 0 : i32
      %cond3A_490 = arith.cmpi ne, %convert_element_type3A, %cond3A : i32
      scf.if %cond3A_490 {
        %sub3A_639 = arith.constant 2 : i32
        %sub3A_640 = arith.subi %mul3A_248, %sub3A_639 : i32
        %mul3A_641 = arith.constant 64 : i32
        %mul3A_642 = arith.muli %sub3A_640, %mul3A_641 : i32
        %add3A_643 = arith.addi %mul3A_2, %mul3A_642 : i32
        %multiple_of3A_644 = tpu.assume_multiple %add3A_643, 128 : i32
        "tpu.region"() ({
          %run_scoped3A = tpu.sem_alloc : memref<!tpu.dma_semaphore, #tpu.memory_space<semaphore_mem>>
          %dma_start3A_645 = arith.constant 0 : i32
          %dma_start3A_646 = tpu.memref_slice %arg6[%dma_start3A_645, %multiple_of3A_644] : memref<64x65536xi32, #tpu.memory_space<hbm>> -> memref<64x128xi32, #tpu.memory_space<hbm>>
          %dma_start3A_647 = arith.constant 0 : i32
          %dma_start3A_648 = tpu.memref_slice %arg6[%dma_start3A_647, %multiple_of3A_644] : memref<64x65536xi32, #tpu.memory_space<hbm>> -> memref<64x128xi32, #tpu.memory_space<hbm>>
          tpu.enqueue_dma source(%arg17 : memref<64x128xi32, #tpu.memory_space<vmem>>) target(%dma_start3A_648 : memref<64x128xi32, #tpu.memory_space<hbm>>) target_semaphore(%run_scoped3A : memref<!tpu.dma_semaphore, #tpu.memory_space<semaphore_mem>>)
          %dma_wait3A_649 = arith.constant 0 : i32
          %dma_wait3A_650 = tpu.memref_slice %arg6[%dma_wait3A_649, %multiple_of3A_644] : memref<64x65536xi32, #tpu.memory_space<hbm>> -> memref<64x128xi32, #tpu.memory_space<hbm>>
          %dma_wait3A_651 = arith.constant 0 : i32
          %dma_wait3A_652 = tpu.memref_slice %arg6[%dma_wait3A_651, %multiple_of3A_644] : memref<64x65536xi32, #tpu.memory_space<hbm>> -> memref<64x128xi32, #tpu.memory_space<hbm>>
          tpu.wait_dma2 semaphore(%run_scoped3A : memref<!tpu.dma_semaphore, #tpu.memory_space<semaphore_mem>>) src(%arg17 : memref<64x128xi32, #tpu.memory_space<vmem>>) dst(%dma_wait3A_652 : memref<64x128xi32, #tpu.memory_space<hbm>>)
          tpu.yield
        }) : () -> ()
      } else {
      }
      %dma_wait3A = arith.constant 0 : i32
      %dma_wait3A_491 = arith.constant 0 : i32
      %dma_wait3A_492 = tpu.memref_slice %arg15[%dma_wait3A, %dma_wait3A_491] : memref<256x128xi32, #tpu.memory_space<vmem>> -> memref<128x128xi32, #tpu.memory_space<vmem>>
      %dma_wait3A_493 = arith.constant 0 : i32
      %dma_wait3A_494 = arith.constant 0 : i32
      %dma_wait3A_495 = tpu.memref_slice %arg4[%dma_wait3A_493, %dma_wait3A_494] : memref<12500x128xi32, #tpu.memory_space<hbm>> -> memref<12500x128xi32, #tpu.memory_space<hbm>>
      tpu.wait_indirect_dma semaphore(%arg18 : memref<!tpu.dma_semaphore, #tpu.memory_space<semaphore_mem>>) src(%dma_wait3A_495 : memref<12500x128xi32, #tpu.memory_space<hbm>>) dst(%dma_wait3A_492 : memref<128x128xi32, #tpu.memory_space<vmem>>)
      %dma_wait3A_496 = arith.constant 128 : i32
      %dma_wait3A_497 = arith.constant 0 : i32
      %dma_wait3A_498 = tpu.memref_slice %arg15[%dma_wait3A_496, %dma_wait3A_497] : memref<256x128xi32, #tpu.memory_space<vmem>> -> memref<128x128xi32, #tpu.memory_space<vmem>>
      %dma_wait3A_499 = arith.constant 0 : i32
      %dma_wait3A_500 = arith.constant 0 : i32
      %dma_wait3A_501 = tpu.memref_slice %arg5[%dma_wait3A_499, %dma_wait3A_500] : memref<12500x128xi32, #tpu.memory_space<hbm>> -> memref<12500x128xi32, #tpu.memory_space<hbm>>
      tpu.wait_indirect_dma semaphore(%arg18 : memref<!tpu.dma_semaphore, #tpu.memory_space<semaphore_mem>>) src(%dma_wait3A_501 : memref<12500x128xi32, #tpu.memory_space<hbm>>) dst(%dma_wait3A_498 : memref<128x128xi32, #tpu.memory_space<vmem>>)
      %add3A_502 = arith.constant 0 : i32
      %add3A_503 = vector.broadcast %add3A_502 : i32 to vector<16xi32>
      %add3A_504 = arith.addi %iota3A, %add3A_503 : vector<16xi32>
      %get3A_505 = arith.constant 0 : index
      %get3A_506 = tpu.vector_load %arg13[%get3A_505] {strides = array<i32>} : memref<64xi32, #tpu.memory_space<vmem>>, vector<16xi32>,
      %get3A_507 = arith.constant 0 : index
      %get3A_508 = tpu.vector_load %arg11[%get3A_507] {strides = array<i32>} : memref<64xi32, #tpu.memory_space<vmem>>, vector<16xi32>,
      %broadcast_in_dim3A_509 = arith.constant 0 : i32
      %broadcast_in_dim3A_510 = vector.broadcast %broadcast_in_dim3A_509 : i32 to vector<16xi32>
      %scan3A = arith.constant 0 : i32
      %scan3A_511 = arith.constant 64 : i32
      %scan3A_512 = arith.addi %scan3A, %scan3A_511 : i32
      %scan3A_513 = arith.constant 8 : i32
      %scan3A_514:2 = scf.for %scan3A_639 = %scan3A to %scan3A_512 step %scan3A_513 iter_args(%scan3A_640 = %get3A_508, %scan3A_641 = %broadcast_in_dim3A_510) -> (vector<16xi32>, vector<16xi32>)  : i32 {
        %shift_right_logical3A_642 = arith.constant 7 : i32
        %shift_right_logical3A_643 = vector.broadcast %shift_right_logical3A_642 : i32 to vector<16xi32>
        %shift_right_logical3A_644 = arith.shrui %scan3A_640, %shift_right_logical3A_643 : vector<16xi32>
        %and3A = arith.constant 127 : i32
        %and3A_645 = vector.broadcast %and3A : i32 to vector<16xi32>
        %and3A_646 = arith.andi %scan3A_640, %and3A_645 : vector<16xi32>
        %gather3A = tpu.vector_load_idx %arg15[%shift_right_logical3A_644, %and3A_646] : memref<256x128xi32, #tpu.memory_space<vmem>>[vector<16xi32>, vector<16xi32>], vector<16xi32>,
        tpu.vector_store_idx %arg17[%scan3A_641, %add3A_504], %gather3A : memref<64x128xi32, #tpu.memory_space<vmem>>[vector<16xi32>, vector<16xi32>], vector<16xi32>,
        %add3A_647 = arith.constant 1 : i32
        %add3A_648 = vector.broadcast %add3A_647 : i32 to vector<16xi32>
        %add3A_649 = arith.addi %scan3A_640, %add3A_648 : vector<16xi32>
        %min3A_650 = arith.minsi %add3A_649, %get3A_506 : vector<16xi32>
        %add3A_651 = arith.constant 1 : i32
        %add3A_652 = vector.broadcast %add3A_651 : i32 to vector<16xi32>
        %add3A_653 = arith.addi %scan3A_641, %add3A_652 : vector<16xi32>
        %scan3A_654 = arith.constant 1 : i32
        %scan3A_655 = arith.addi %scan3A_639, %scan3A_654 : i32
        %shift_right_logical3A_656 = arith.constant 7 : i32
        %shift_right_logical3A_657 = vector.broadcast %shift_right_logical3A_656 : i32 to vector<16xi32>
        %shift_right_logical3A_658 = arith.shrui %min3A_650, %shift_right_logical3A_657 : vector<16xi32>
        %and3A_659 = arith.constant 127 : i32
        %and3A_660 = vector.broadcast %and3A_659 : i32 to vector<16xi32>
        %and3A_661 = arith.andi %min3A_650, %and3A_660 : vector<16xi32>
        %gather3A_662 = tpu.vector_load_idx %arg15[%shift_right_logical3A_658, %and3A_661] : memref<256x128xi32, #tpu.memory_space<vmem>>[vector<16xi32>, vector<16xi32>], vector<16xi32>,
        tpu.vector_store_idx %arg17[%add3A_653, %add3A_504], %gather3A_662 : memref<64x128xi32, #tpu.memory_space<vmem>>[vector<16xi32>, vector<16xi32>], vector<16xi32>,
        %add3A_663 = arith.constant 1 : i32
        %add3A_664 = vector.broadcast %add3A_663 : i32 to vector<16xi32>
        %add3A_665 = arith.addi %min3A_650, %add3A_664 : vector<16xi32>
        %min3A_666 = arith.minsi %add3A_665, %get3A_506 : vector<16xi32>
        %add3A_667 = arith.constant 1 : i32
        %add3A_668 = vector.broadcast %add3A_667 : i32 to vector<16xi32>
        %add3A_669 = arith.addi %add3A_653, %add3A_668 : vector<16xi32>
        %scan3A_670 = arith.constant 2 : i32
        %scan3A_671 = arith.addi %scan3A_639, %scan3A_670 : i32
        %shift_right_logical3A_672 = arith.constant 7 : i32
        %shift_right_logical3A_673 = vector.broadcast %shift_right_logical3A_672 : i32 to vector<16xi32>
        %shift_right_logical3A_674 = arith.shrui %min3A_666, %shift_right_logical3A_673 : vector<16xi32>
        %and3A_675 = arith.constant 127 : i32
        %and3A_676 = vector.broadcast %and3A_675 : i32 to vector<16xi32>
        %and3A_677 = arith.andi %min3A_666, %and3A_676 : vector<16xi32>
        %gather3A_678 = tpu.vector_load_idx %arg15[%shift_right_logical3A_674, %and3A_677] : memref<256x128xi32, #tpu.memory_space<vmem>>[vector<16xi32>, vector<16xi32>], vector<16xi32>,
        tpu.vector_store_idx %arg17[%add3A_669, %add3A_504], %gather3A_678 : memref<64x128xi32, #tpu.memory_space<vmem>>[vector<16xi32>, vector<16xi32>], vector<16xi32>,
        %add3A_679 = arith.constant 1 : i32
        %add3A_680 = vector.broadcast %add3A_679 : i32 to vector<16xi32>
        %add3A_681 = arith.addi %min3A_666, %add3A_680 : vector<16xi32>
        %min3A_682 = arith.minsi %add3A_681, %get3A_506 : vector<16xi32>
        %add3A_683 = arith.constant 1 : i32
        %add3A_684 = vector.broadcast %add3A_683 : i32 to vector<16xi32>
        %add3A_685 = arith.addi %add3A_669, %add3A_684 : vector<16xi32>
        %scan3A_686 = arith.constant 3 : i32
        %scan3A_687 = arith.addi %scan3A_639, %scan3A_686 : i32
        %shift_right_logical3A_688 = arith.constant 7 : i32
        %shift_right_logical3A_689 = vector.broadcast %shift_right_logical3A_688 : i32 to vector<16xi32>
        %shift_right_logical3A_690 = arith.shrui %min3A_682, %shift_right_logical3A_689 : vector<16xi32>
        %and3A_691 = arith.constant 127 : i32
        %and3A_692 = vector.broadcast %and3A_691 : i32 to vector<16xi32>
        %and3A_693 = arith.andi %min3A_682, %and3A_692 : vector<16xi32>
        %gather3A_694 = tpu.vector_load_idx %arg15[%shift_right_logical3A_690, %and3A_693] : memref<256x128xi32, #tpu.memory_space<vmem>>[vector<16xi32>, vector<16xi32>], vector<16xi32>,
        tpu.vector_store_idx %arg17[%add3A_685, %add3A_504], %gather3A_694 : memref<64x128xi32, #tpu.memory_space<vmem>>[vector<16xi32>, vector<16xi32>], vector<16xi32>,
        %add3A_695 = arith.constant 1 : i32
        %add3A_696 = vector.broadcast %add3A_695 : i32 to vector<16xi32>
        %add3A_697 = arith.addi %min3A_682, %add3A_696 : vector<16xi32>
        %min3A_698 = arith.minsi %add3A_697, %get3A_506 : vector<16xi32>
        %add3A_699 = arith.constant 1 : i32
        %add3A_700 = vector.broadcast %add3A_699 : i32 to vector<16xi32>
        %add3A_701 = arith.addi %add3A_685, %add3A_700 : vector<16xi32>
        %scan3A_702 = arith.constant 4 : i32
        %scan3A_703 = arith.addi %scan3A_639, %scan3A_702 : i32
        %shift_right_logical3A_704 = arith.constant 7 : i32
        %shift_right_logical3A_705 = vector.broadcast %shift_right_logical3A_704 : i32 to vector<16xi32>
        %shift_right_logical3A_706 = arith.shrui %min3A_698, %shift_right_logical3A_705 : vector<16xi32>
        %and3A_707 = arith.constant 127 : i32
        %and3A_708 = vector.broadcast %and3A_707 : i32 to vector<16xi32>
        %and3A_709 = arith.andi %min3A_698, %and3A_708 : vector<16xi32>
        %gather3A_710 = tpu.vector_load_idx %arg15[%shift_right_logical3A_706, %and3A_709] : memref<256x128xi32, #tpu.memory_space<vmem>>[vector<16xi32>, vector<16xi32>], vector<16xi32>,
        tpu.vector_store_idx %arg17[%add3A_701, %add3A_504], %gather3A_710 : memref<64x128xi32, #tpu.memory_space<vmem>>[vector<16xi32>, vector<16xi32>], vector<16xi32>,
        %add3A_711 = arith.constant 1 : i32
        %add3A_712 = vector.broadcast %add3A_711 : i32 to vector<16xi32>
        %add3A_713 = arith.addi %min3A_698, %add3A_712 : vector<16xi32>
        %min3A_714 = arith.minsi %add3A_713, %get3A_506 : vector<16xi32>
        %add3A_715 = arith.constant 1 : i32
        %add3A_716 = vector.broadcast %add3A_715 : i32 to vector<16xi32>
        %add3A_717 = arith.addi %add3A_701, %add3A_716 : vector<16xi32>
        %scan3A_718 = arith.constant 5 : i32
        %scan3A_719 = arith.addi %scan3A_639, %scan3A_718 : i32
        %shift_right_logical3A_720 = arith.constant 7 : i32
        %shift_right_logical3A_721 = vector.broadcast %shift_right_logical3A_720 : i32 to vector<16xi32>
        %shift_right_logical3A_722 = arith.shrui %min3A_714, %shift_right_logical3A_721 : vector<16xi32>
        %and3A_723 = arith.constant 127 : i32
        %and3A_724 = vector.broadcast %and3A_723 : i32 to vector<16xi32>
        %and3A_725 = arith.andi %min3A_714, %and3A_724 : vector<16xi32>
        %gather3A_726 = tpu.vector_load_idx %arg15[%shift_right_logical3A_722, %and3A_725] : memref<256x128xi32, #tpu.memory_space<vmem>>[vector<16xi32>, vector<16xi32>], vector<16xi32>,
        tpu.vector_store_idx %arg17[%add3A_717, %add3A_504], %gather3A_726 : memref<64x128xi32, #tpu.memory_space<vmem>>[vector<16xi32>, vector<16xi32>], vector<16xi32>,
        %add3A_727 = arith.constant 1 : i32
        %add3A_728 = vector.broadcast %add3A_727 : i32 to vector<16xi32>
        %add3A_729 = arith.addi %min3A_714, %add3A_728 : vector<16xi32>
        %min3A_730 = arith.minsi %add3A_729, %get3A_506 : vector<16xi32>
        %add3A_731 = arith.constant 1 : i32
        %add3A_732 = vector.broadcast %add3A_731 : i32 to vector<16xi32>
        %add3A_733 = arith.addi %add3A_717, %add3A_732 : vector<16xi32>
        %scan3A_734 = arith.constant 6 : i32
        %scan3A_735 = arith.addi %scan3A_639, %scan3A_734 : i32
        %shift_right_logical3A_736 = arith.constant 7 : i32
        %shift_right_logical3A_737 = vector.broadcast %shift_right_logical3A_736 : i32 to vector<16xi32>
        %shift_right_logical3A_738 = arith.shrui %min3A_730, %shift_right_logical3A_737 : vector<16xi32>
        %and3A_739 = arith.constant 127 : i32
        %and3A_740 = vector.broadcast %and3A_739 : i32 to vector<16xi32>
        %and3A_741 = arith.andi %min3A_730, %and3A_740 : vector<16xi32>
        %gather3A_742 = tpu.vector_load_idx %arg15[%shift_right_logical3A_738, %and3A_741] : memref<256x128xi32, #tpu.memory_space<vmem>>[vector<16xi32>, vector<16xi32>], vector<16xi32>,
        tpu.vector_store_idx %arg17[%add3A_733, %add3A_504], %gather3A_742 : memref<64x128xi32, #tpu.memory_space<vmem>>[vector<16xi32>, vector<16xi32>], vector<16xi32>,
        %add3A_743 = arith.constant 1 : i32
        %add3A_744 = vector.broadcast %add3A_743 : i32 to vector<16xi32>
        %add3A_745 = arith.addi %min3A_730, %add3A_744 : vector<16xi32>
        %min3A_746 = arith.minsi %add3A_745, %get3A_506 : vector<16xi32>
        %add3A_747 = arith.constant 1 : i32
        %add3A_748 = vector.broadcast %add3A_747 : i32 to vector<16xi32>
        %add3A_749 = arith.addi %add3A_733, %add3A_748 : vector<16xi32>
        %scan3A_750 = arith.constant 7 : i32
        %scan3A_751 = arith.addi %scan3A_639, %scan3A_750 : i32
        %shift_right_logical3A_752 = arith.constant 7 : i32
        %shift_right_logical3A_753 = vector.broadcast %shift_right_logical3A_752 : i32 to vector<16xi32>
        %shift_right_logical3A_754 = arith.shrui %min3A_746, %shift_right_logical3A_753 : vector<16xi32>
        %and3A_755 = arith.constant 127 : i32
        %and3A_756 = vector.broadcast %and3A_755 : i32 to vector<16xi32>
        %and3A_757 = arith.andi %min3A_746, %and3A_756 : vector<16xi32>
        %gather3A_758 = tpu.vector_load_idx %arg15[%shift_right_logical3A_754, %and3A_757] : memref<256x128xi32, #tpu.memory_space<vmem>>[vector<16xi32>, vector<16xi32>], vector<16xi32>,
        tpu.vector_store_idx %arg17[%add3A_749, %add3A_504], %gather3A_758 : memref<64x128xi32, #tpu.memory_space<vmem>>[vector<16xi32>, vector<16xi32>], vector<16xi32>,
        %add3A_759 = arith.constant 1 : i32
        %add3A_760 = vector.broadcast %add3A_759 : i32 to vector<16xi32>
        %add3A_761 = arith.addi %min3A_746, %add3A_760 : vector<16xi32>
        %min3A_762 = arith.minsi %add3A_761, %get3A_506 : vector<16xi32>
        %add3A_763 = arith.constant 1 : i32
        %add3A_764 = vector.broadcast %add3A_763 : i32 to vector<16xi32>
        %add3A_765 = arith.addi %add3A_749, %add3A_764 : vector<16xi32>
        scf.yield %min3A_762, %add3A_765 : vector<16xi32>, vector<16xi32>
      }
      %scan3A_515 = arith.constant 64 : i32
      %add3A_516 = arith.constant 16 : i32
      %add3A_517 = vector.broadcast %add3A_516 : i32 to vector<16xi32>
      %add3A_518 = arith.addi %iota3A, %add3A_517 : vector<16xi32>
      %get3A_519 = arith.constant 16 : index
      %get3A_520 = tpu.vector_load %arg13[%get3A_519] {strides = array<i32>} : memref<64xi32, #tpu.memory_space<vmem>>, vector<16xi32>,
      %get3A_521 = arith.constant 16 : index
      %get3A_522 = tpu.vector_load %arg11[%get3A_521] {strides = array<i32>} : memref<64xi32, #tpu.memory_space<vmem>>, vector<16xi32>,
      %broadcast_in_dim3A_523 = arith.constant 0 : i32
      %broadcast_in_dim3A_524 = vector.broadcast %broadcast_in_dim3A_523 : i32 to vector<16xi32>
      %scan3A_525 = arith.constant 0 : i32
      %scan3A_526 = arith.constant 64 : i32
      %scan3A_527 = arith.addi %scan3A_525, %scan3A_526 : i32
      %scan3A_528 = arith.constant 8 : i32
      %scan3A_529:2 = scf.for %scan3A_639 = %scan3A_525 to %scan3A_527 step %scan3A_528 iter_args(%scan3A_640 = %get3A_522, %scan3A_641 = %broadcast_in_dim3A_524) -> (vector<16xi32>, vector<16xi32>)  : i32 {
        %shift_right_logical3A_642 = arith.constant 7 : i32
        %shift_right_logical3A_643 = vector.broadcast %shift_right_logical3A_642 : i32 to vector<16xi32>
        %shift_right_logical3A_644 = arith.shrui %scan3A_640, %shift_right_logical3A_643 : vector<16xi32>
        %and3A = arith.constant 127 : i32
        %and3A_645 = vector.broadcast %and3A : i32 to vector<16xi32>
        %and3A_646 = arith.andi %scan3A_640, %and3A_645 : vector<16xi32>
        %gather3A = tpu.vector_load_idx %arg15[%shift_right_logical3A_644, %and3A_646] : memref<256x128xi32, #tpu.memory_space<vmem>>[vector<16xi32>, vector<16xi32>], vector<16xi32>,
        tpu.vector_store_idx %arg17[%scan3A_641, %add3A_518], %gather3A : memref<64x128xi32, #tpu.memory_space<vmem>>[vector<16xi32>, vector<16xi32>], vector<16xi32>,
        %add3A_647 = arith.constant 1 : i32
        %add3A_648 = vector.broadcast %add3A_647 : i32 to vector<16xi32>
        %add3A_649 = arith.addi %scan3A_640, %add3A_648 : vector<16xi32>
        %min3A_650 = arith.minsi %add3A_649, %get3A_520 : vector<16xi32>
        %add3A_651 = arith.constant 1 : i32
        %add3A_652 = vector.broadcast %add3A_651 : i32 to vector<16xi32>
        %add3A_653 = arith.addi %scan3A_641, %add3A_652 : vector<16xi32>
        %scan3A_654 = arith.constant 1 : i32
        %scan3A_655 = arith.addi %scan3A_639, %scan3A_654 : i32
        %shift_right_logical3A_656 = arith.constant 7 : i32
        %shift_right_logical3A_657 = vector.broadcast %shift_right_logical3A_656 : i32 to vector<16xi32>
        %shift_right_logical3A_658 = arith.shrui %min3A_650, %shift_right_logical3A_657 : vector<16xi32>
        %and3A_659 = arith.constant 127 : i32
        %and3A_660 = vector.broadcast %and3A_659 : i32 to vector<16xi32>
        %and3A_661 = arith.andi %min3A_650, %and3A_660 : vector<16xi32>
        %gather3A_662 = tpu.vector_load_idx %arg15[%shift_right_logical3A_658, %and3A_661] : memref<256x128xi32, #tpu.memory_space<vmem>>[vector<16xi32>, vector<16xi32>], vector<16xi32>,
        tpu.vector_store_idx %arg17[%add3A_653, %add3A_518], %gather3A_662 : memref<64x128xi32, #tpu.memory_space<vmem>>[vector<16xi32>, vector<16xi32>], vector<16xi32>,
        %add3A_663 = arith.constant 1 : i32
        %add3A_664 = vector.broadcast %add3A_663 : i32 to vector<16xi32>
        %add3A_665 = arith.addi %min3A_650, %add3A_664 : vector<16xi32>
        %min3A_666 = arith.minsi %add3A_665, %get3A_520 : vector<16xi32>
        %add3A_667 = arith.constant 1 : i32
        %add3A_668 = vector.broadcast %add3A_667 : i32 to vector<16xi32>
        %add3A_669 = arith.addi %add3A_653, %add3A_668 : vector<16xi32>
        %scan3A_670 = arith.constant 2 : i32
        %scan3A_671 = arith.addi %scan3A_639, %scan3A_670 : i32
        %shift_right_logical3A_672 = arith.constant 7 : i32
        %shift_right_logical3A_673 = vector.broadcast %shift_right_logical3A_672 : i32 to vector<16xi32>
        %shift_right_logical3A_674 = arith.shrui %min3A_666, %shift_right_logical3A_673 : vector<16xi32>
        %and3A_675 = arith.constant 127 : i32
        %and3A_676 = vector.broadcast %and3A_675 : i32 to vector<16xi32>
        %and3A_677 = arith.andi %min3A_666, %and3A_676 : vector<16xi32>
        %gather3A_678 = tpu.vector_load_idx %arg15[%shift_right_logical3A_674, %and3A_677] : memref<256x128xi32, #tpu.memory_space<vmem>>[vector<16xi32>, vector<16xi32>], vector<16xi32>,
        tpu.vector_store_idx %arg17[%add3A_669, %add3A_518], %gather3A_678 : memref<64x128xi32, #tpu.memory_space<vmem>>[vector<16xi32>, vector<16xi32>], vector<16xi32>,
        %add3A_679 = arith.constant 1 : i32
        %add3A_680 = vector.broadcast %add3A_679 : i32 to vector<16xi32>
        %add3A_681 = arith.addi %min3A_666, %add3A_680 : vector<16xi32>
        %min3A_682 = arith.minsi %add3A_681, %get3A_520 : vector<16xi32>
        %add3A_683 = arith.constant 1 : i32
        %add3A_684 = vector.broadcast %add3A_683 : i32 to vector<16xi32>
        %add3A_685 = arith.addi %add3A_669, %add3A_684 : vector<16xi32>
        %scan3A_686 = arith.constant 3 : i32
        %scan3A_687 = arith.addi %scan3A_639, %scan3A_686 : i32
        %shift_right_logical3A_688 = arith.constant 7 : i32
        %shift_right_logical3A_689 = vector.broadcast %shift_right_logical3A_688 : i32 to vector<16xi32>
        %shift_right_logical3A_690 = arith.shrui %min3A_682, %shift_right_logical3A_689 : vector<16xi32>
        %and3A_691 = arith.constant 127 : i32
        %and3A_692 = vector.broadcast %and3A_691 : i32 to vector<16xi32>
        %and3A_693 = arith.andi %min3A_682, %and3A_692 : vector<16xi32>
        %gather3A_694 = tpu.vector_load_idx %arg15[%shift_right_logical3A_690, %and3A_693] : memref<256x128xi32, #tpu.memory_space<vmem>>[vector<16xi32>, vector<16xi32>], vector<16xi32>,
        tpu.vector_store_idx %arg17[%add3A_685, %add3A_518], %gather3A_694 : memref<64x128xi32, #tpu.memory_space<vmem>>[vector<16xi32>, vector<16xi32>], vector<16xi32>,
        %add3A_695 = arith.constant 1 : i32
        %add3A_696 = vector.broadcast %add3A_695 : i32 to vector<16xi32>
        %add3A_697 = arith.addi %min3A_682, %add3A_696 : vector<16xi32>
        %min3A_698 = arith.minsi %add3A_697, %get3A_520 : vector<16xi32>
        %add3A_699 = arith.constant 1 : i32
        %add3A_700 = vector.broadcast %add3A_699 : i32 to vector<16xi32>
        %add3A_701 = arith.addi %add3A_685, %add3A_700 : vector<16xi32>
        %scan3A_702 = arith.constant 4 : i32
        %scan3A_703 = arith.addi %scan3A_639, %scan3A_702 : i32
        %shift_right_logical3A_704 = arith.constant 7 : i32
        %shift_right_logical3A_705 = vector.broadcast %shift_right_logical3A_704 : i32 to vector<16xi32>
        %shift_right_logical3A_706 = arith.shrui %min3A_698, %shift_right_logical3A_705 : vector<16xi32>
        %and3A_707 = arith.constant 127 : i32
        %and3A_708 = vector.broadcast %and3A_707 : i32 to vector<16xi32>
        %and3A_709 = arith.andi %min3A_698, %and3A_708 : vector<16xi32>
        %gather3A_710 = tpu.vector_load_idx %arg15[%shift_right_logical3A_706, %and3A_709] : memref<256x128xi32, #tpu.memory_space<vmem>>[vector<16xi32>, vector<16xi32>], vector<16xi32>,
        tpu.vector_store_idx %arg17[%add3A_701, %add3A_518], %gather3A_710 : memref<64x128xi32, #tpu.memory_space<vmem>>[vector<16xi32>, vector<16xi32>], vector<16xi32>,
        %add3A_711 = arith.constant 1 : i32
        %add3A_712 = vector.broadcast %add3A_711 : i32 to vector<16xi32>
        %add3A_713 = arith.addi %min3A_698, %add3A_712 : vector<16xi32>
        %min3A_714 = arith.minsi %add3A_713, %get3A_520 : vector<16xi32>
        %add3A_715 = arith.constant 1 : i32
        %add3A_716 = vector.broadcast %add3A_715 : i32 to vector<16xi32>
        %add3A_717 = arith.addi %add3A_701, %add3A_716 : vector<16xi32>
        %scan3A_718 = arith.constant 5 : i32
        %scan3A_719 = arith.addi %scan3A_639, %scan3A_718 : i32
        %shift_right_logical3A_720 = arith.constant 7 : i32
        %shift_right_logical3A_721 = vector.broadcast %shift_right_logical3A_720 : i32 to vector<16xi32>
        %shift_right_logical3A_722 = arith.shrui %min3A_714, %shift_right_logical3A_721 : vector<16xi32>
        %and3A_723 = arith.constant 127 : i32
        %and3A_724 = vector.broadcast %and3A_723 : i32 to vector<16xi32>
        %and3A_725 = arith.andi %min3A_714, %and3A_724 : vector<16xi32>
        %gather3A_726 = tpu.vector_load_idx %arg15[%shift_right_logical3A_722, %and3A_725] : memref<256x128xi32, #tpu.memory_space<vmem>>[vector<16xi32>, vector<16xi32>], vector<16xi32>,
        tpu.vector_store_idx %arg17[%add3A_717, %add3A_518], %gather3A_726 : memref<64x128xi32, #tpu.memory_space<vmem>>[vector<16xi32>, vector<16xi32>], vector<16xi32>,
        %add3A_727 = arith.constant 1 : i32
        %add3A_728 = vector.broadcast %add3A_727 : i32 to vector<16xi32>
        %add3A_729 = arith.addi %min3A_714, %add3A_728 : vector<16xi32>
        %min3A_730 = arith.minsi %add3A_729, %get3A_520 : vector<16xi32>
        %add3A_731 = arith.constant 1 : i32
        %add3A_732 = vector.broadcast %add3A_731 : i32 to vector<16xi32>
        %add3A_733 = arith.addi %add3A_717, %add3A_732 : vector<16xi32>
        %scan3A_734 = arith.constant 6 : i32
        %scan3A_735 = arith.addi %scan3A_639, %scan3A_734 : i32
        %shift_right_logical3A_736 = arith.constant 7 : i32
        %shift_right_logical3A_737 = vector.broadcast %shift_right_logical3A_736 : i32 to vector<16xi32>
        %shift_right_logical3A_738 = arith.shrui %min3A_730, %shift_right_logical3A_737 : vector<16xi32>
        %and3A_739 = arith.constant 127 : i32
        %and3A_740 = vector.broadcast %and3A_739 : i32 to vector<16xi32>
        %and3A_741 = arith.andi %min3A_730, %and3A_740 : vector<16xi32>
        %gather3A_742 = tpu.vector_load_idx %arg15[%shift_right_logical3A_738, %and3A_741] : memref<256x128xi32, #tpu.memory_space<vmem>>[vector<16xi32>, vector<16xi32>], vector<16xi32>,
        tpu.vector_store_idx %arg17[%add3A_733, %add3A_518], %gather3A_742 : memref<64x128xi32, #tpu.memory_space<vmem>>[vector<16xi32>, vector<16xi32>], vector<16xi32>,
        %add3A_743 = arith.constant 1 : i32
        %add3A_744 = vector.broadcast %add3A_743 : i32 to vector<16xi32>
        %add3A_745 = arith.addi %min3A_730, %add3A_744 : vector<16xi32>
        %min3A_746 = arith.minsi %add3A_745, %get3A_520 : vector<16xi32>
        %add3A_747 = arith.constant 1 : i32
        %add3A_748 = vector.broadcast %add3A_747 : i32 to vector<16xi32>
        %add3A_749 = arith.addi %add3A_733, %add3A_748 : vector<16xi32>
        %scan3A_750 = arith.constant 7 : i32
        %scan3A_751 = arith.addi %scan3A_639, %scan3A_750 : i32
        %shift_right_logical3A_752 = arith.constant 7 : i32
        %shift_right_logical3A_753 = vector.broadcast %shift_right_logical3A_752 : i32 to vector<16xi32>
        %shift_right_logical3A_754 = arith.shrui %min3A_746, %shift_right_logical3A_753 : vector<16xi32>
        %and3A_755 = arith.constant 127 : i32
        %and3A_756 = vector.broadcast %and3A_755 : i32 to vector<16xi32>
        %and3A_757 = arith.andi %min3A_746, %and3A_756 : vector<16xi32>
        %gather3A_758 = tpu.vector_load_idx %arg15[%shift_right_logical3A_754, %and3A_757] : memref<256x128xi32, #tpu.memory_space<vmem>>[vector<16xi32>, vector<16xi32>], vector<16xi32>,
        tpu.vector_store_idx %arg17[%add3A_749, %add3A_518], %gather3A_758 : memref<64x128xi32, #tpu.memory_space<vmem>>[vector<16xi32>, vector<16xi32>], vector<16xi32>,
        %add3A_759 = arith.constant 1 : i32
        %add3A_760 = vector.broadcast %add3A_759 : i32 to vector<16xi32>
        %add3A_761 = arith.addi %min3A_746, %add3A_760 : vector<16xi32>
        %min3A_762 = arith.minsi %add3A_761, %get3A_520 : vector<16xi32>
        %add3A_763 = arith.constant 1 : i32
        %add3A_764 = vector.broadcast %add3A_763 : i32 to vector<16xi32>
        %add3A_765 = arith.addi %add3A_749, %add3A_764 : vector<16xi32>
        scf.yield %min3A_762, %add3A_765 : vector<16xi32>, vector<16xi32>
      }
      %scan3A_530 = arith.constant 64 : i32
      %add3A_531 = arith.constant 32 : i32
      %add3A_532 = vector.broadcast %add3A_531 : i32 to vector<16xi32>
      %add3A_533 = arith.addi %iota3A, %add3A_532 : vector<16xi32>
      %get3A_534 = arith.constant 32 : index
      %get3A_535 = tpu.vector_load %arg13[%get3A_534] {strides = array<i32>} : memref<64xi32, #tpu.memory_space<vmem>>, vector<16xi32>,
      %get3A_536 = arith.constant 32 : index
      %get3A_537 = tpu.vector_load %arg11[%get3A_536] {strides = array<i32>} : memref<64xi32, #tpu.memory_space<vmem>>, vector<16xi32>,
      %broadcast_in_dim3A_538 = arith.constant 0 : i32
      %broadcast_in_dim3A_539 = vector.broadcast %broadcast_in_dim3A_538 : i32 to vector<16xi32>
      %scan3A_540 = arith.constant 0 : i32
      %scan3A_541 = arith.constant 64 : i32
      %scan3A_542 = arith.addi %scan3A_540, %scan3A_541 : i32
      %scan3A_543 = arith.constant 8 : i32
      %scan3A_544:2 = scf.for %scan3A_639 = %scan3A_540 to %scan3A_542 step %scan3A_543 iter_args(%scan3A_640 = %get3A_537, %scan3A_641 = %broadcast_in_dim3A_539) -> (vector<16xi32>, vector<16xi32>)  : i32 {
        %shift_right_logical3A_642 = arith.constant 7 : i32
        %shift_right_logical3A_643 = vector.broadcast %shift_right_logical3A_642 : i32 to vector<16xi32>
        %shift_right_logical3A_644 = arith.shrui %scan3A_640, %shift_right_logical3A_643 : vector<16xi32>
        %and3A = arith.constant 127 : i32
        %and3A_645 = vector.broadcast %and3A : i32 to vector<16xi32>
        %and3A_646 = arith.andi %scan3A_640, %and3A_645 : vector<16xi32>
        %gather3A = tpu.vector_load_idx %arg15[%shift_right_logical3A_644, %and3A_646] : memref<256x128xi32, #tpu.memory_space<vmem>>[vector<16xi32>, vector<16xi32>], vector<16xi32>,
        tpu.vector_store_idx %arg17[%scan3A_641, %add3A_533], %gather3A : memref<64x128xi32, #tpu.memory_space<vmem>>[vector<16xi32>, vector<16xi32>], vector<16xi32>,
        %add3A_647 = arith.constant 1 : i32
        %add3A_648 = vector.broadcast %add3A_647 : i32 to vector<16xi32>
        %add3A_649 = arith.addi %scan3A_640, %add3A_648 : vector<16xi32>
        %min3A_650 = arith.minsi %add3A_649, %get3A_535 : vector<16xi32>
        %add3A_651 = arith.constant 1 : i32
        %add3A_652 = vector.broadcast %add3A_651 : i32 to vector<16xi32>
        %add3A_653 = arith.addi %scan3A_641, %add3A_652 : vector<16xi32>
        %scan3A_654 = arith.constant 1 : i32
        %scan3A_655 = arith.addi %scan3A_639, %scan3A_654 : i32
        %shift_right_logical3A_656 = arith.constant 7 : i32
        %shift_right_logical3A_657 = vector.broadcast %shift_right_logical3A_656 : i32 to vector<16xi32>
        %shift_right_logical3A_658 = arith.shrui %min3A_650, %shift_right_logical3A_657 : vector<16xi32>
        %and3A_659 = arith.constant 127 : i32
        %and3A_660 = vector.broadcast %and3A_659 : i32 to vector<16xi32>
        %and3A_661 = arith.andi %min3A_650, %and3A_660 : vector<16xi32>
        %gather3A_662 = tpu.vector_load_idx %arg15[%shift_right_logical3A_658, %and3A_661] : memref<256x128xi32, #tpu.memory_space<vmem>>[vector<16xi32>, vector<16xi32>], vector<16xi32>,
        tpu.vector_store_idx %arg17[%add3A_653, %add3A_533], %gather3A_662 : memref<64x128xi32, #tpu.memory_space<vmem>>[vector<16xi32>, vector<16xi32>], vector<16xi32>,
        %add3A_663 = arith.constant 1 : i32
        %add3A_664 = vector.broadcast %add3A_663 : i32 to vector<16xi32>
        %add3A_665 = arith.addi %min3A_650, %add3A_664 : vector<16xi32>
        %min3A_666 = arith.minsi %add3A_665, %get3A_535 : vector<16xi32>
        %add3A_667 = arith.constant 1 : i32
        %add3A_668 = vector.broadcast %add3A_667 : i32 to vector<16xi32>
        %add3A_669 = arith.addi %add3A_653, %add3A_668 : vector<16xi32>
        %scan3A_670 = arith.constant 2 : i32
        %scan3A_671 = arith.addi %scan3A_639, %scan3A_670 : i32
        %shift_right_logical3A_672 = arith.constant 7 : i32
        %shift_right_logical3A_673 = vector.broadcast %shift_right_logical3A_672 : i32 to vector<16xi32>
        %shift_right_logical3A_674 = arith.shrui %min3A_666, %shift_right_logical3A_673 : vector<16xi32>
        %and3A_675 = arith.constant 127 : i32
        %and3A_676 = vector.broadcast %and3A_675 : i32 to vector<16xi32>
        %and3A_677 = arith.andi %min3A_666, %and3A_676 : vector<16xi32>
        %gather3A_678 = tpu.vector_load_idx %arg15[%shift_right_logical3A_674, %and3A_677] : memref<256x128xi32, #tpu.memory_space<vmem>>[vector<16xi32>, vector<16xi32>], vector<16xi32>,
        tpu.vector_store_idx %arg17[%add3A_669, %add3A_533], %gather3A_678 : memref<64x128xi32, #tpu.memory_space<vmem>>[vector<16xi32>, vector<16xi32>], vector<16xi32>,
        %add3A_679 = arith.constant 1 : i32
        %add3A_680 = vector.broadcast %add3A_679 : i32 to vector<16xi32>
        %add3A_681 = arith.addi %min3A_666, %add3A_680 : vector<16xi32>
        %min3A_682 = arith.minsi %add3A_681, %get3A_535 : vector<16xi32>
        %add3A_683 = arith.constant 1 : i32
        %add3A_684 = vector.broadcast %add3A_683 : i32 to vector<16xi32>
        %add3A_685 = arith.addi %add3A_669, %add3A_684 : vector<16xi32>
        %scan3A_686 = arith.constant 3 : i32
        %scan3A_687 = arith.addi %scan3A_639, %scan3A_686 : i32
        %shift_right_logical3A_688 = arith.constant 7 : i32
        %shift_right_logical3A_689 = vector.broadcast %shift_right_logical3A_688 : i32 to vector<16xi32>
        %shift_right_logical3A_690 = arith.shrui %min3A_682, %shift_right_logical3A_689 : vector<16xi32>
        %and3A_691 = arith.constant 127 : i32
        %and3A_692 = vector.broadcast %and3A_691 : i32 to vector<16xi32>
        %and3A_693 = arith.andi %min3A_682, %and3A_692 : vector<16xi32>
        %gather3A_694 = tpu.vector_load_idx %arg15[%shift_right_logical3A_690, %and3A_693] : memref<256x128xi32, #tpu.memory_space<vmem>>[vector<16xi32>, vector<16xi32>], vector<16xi32>,
        tpu.vector_store_idx %arg17[%add3A_685, %add3A_533], %gather3A_694 : memref<64x128xi32, #tpu.memory_space<vmem>>[vector<16xi32>, vector<16xi32>], vector<16xi32>,
        %add3A_695 = arith.constant 1 : i32
        %add3A_696 = vector.broadcast %add3A_695 : i32 to vector<16xi32>
        %add3A_697 = arith.addi %min3A_682, %add3A_696 : vector<16xi32>
        %min3A_698 = arith.minsi %add3A_697, %get3A_535 : vector<16xi32>
        %add3A_699 = arith.constant 1 : i32
        %add3A_700 = vector.broadcast %add3A_699 : i32 to vector<16xi32>
        %add3A_701 = arith.addi %add3A_685, %add3A_700 : vector<16xi32>
        %scan3A_702 = arith.constant 4 : i32
        %scan3A_703 = arith.addi %scan3A_639, %scan3A_702 : i32
        %shift_right_logical3A_704 = arith.constant 7 : i32
        %shift_right_logical3A_705 = vector.broadcast %shift_right_logical3A_704 : i32 to vector<16xi32>
        %shift_right_logical3A_706 = arith.shrui %min3A_698, %shift_right_logical3A_705 : vector<16xi32>
        %and3A_707 = arith.constant 127 : i32
        %and3A_708 = vector.broadcast %and3A_707 : i32 to vector<16xi32>
        %and3A_709 = arith.andi %min3A_698, %and3A_708 : vector<16xi32>
        %gather3A_710 = tpu.vector_load_idx %arg15[%shift_right_logical3A_706, %and3A_709] : memref<256x128xi32, #tpu.memory_space<vmem>>[vector<16xi32>, vector<16xi32>], vector<16xi32>,
        tpu.vector_store_idx %arg17[%add3A_701, %add3A_533], %gather3A_710 : memref<64x128xi32, #tpu.memory_space<vmem>>[vector<16xi32>, vector<16xi32>], vector<16xi32>,
        %add3A_711 = arith.constant 1 : i32
        %add3A_712 = vector.broadcast %add3A_711 : i32 to vector<16xi32>
        %add3A_713 = arith.addi %min3A_698, %add3A_712 : vector<16xi32>
        %min3A_714 = arith.minsi %add3A_713, %get3A_535 : vector<16xi32>
        %add3A_715 = arith.constant 1 : i32
        %add3A_716 = vector.broadcast %add3A_715 : i32 to vector<16xi32>
        %add3A_717 = arith.addi %add3A_701, %add3A_716 : vector<16xi32>
        %scan3A_718 = arith.constant 5 : i32
        %scan3A_719 = arith.addi %scan3A_639, %scan3A_718 : i32
        %shift_right_logical3A_720 = arith.constant 7 : i32
        %shift_right_logical3A_721 = vector.broadcast %shift_right_logical3A_720 : i32 to vector<16xi32>
        %shift_right_logical3A_722 = arith.shrui %min3A_714, %shift_right_logical3A_721 : vector<16xi32>
        %and3A_723 = arith.constant 127 : i32
        %and3A_724 = vector.broadcast %and3A_723 : i32 to vector<16xi32>
        %and3A_725 = arith.andi %min3A_714, %and3A_724 : vector<16xi32>
        %gather3A_726 = tpu.vector_load_idx %arg15[%shift_right_logical3A_722, %and3A_725] : memref<256x128xi32, #tpu.memory_space<vmem>>[vector<16xi32>, vector<16xi32>], vector<16xi32>,
        tpu.vector_store_idx %arg17[%add3A_717, %add3A_533], %gather3A_726 : memref<64x128xi32, #tpu.memory_space<vmem>>[vector<16xi32>, vector<16xi32>], vector<16xi32>,
        %add3A_727 = arith.constant 1 : i32
        %add3A_728 = vector.broadcast %add3A_727 : i32 to vector<16xi32>
        %add3A_729 = arith.addi %min3A_714, %add3A_728 : vector<16xi32>
        %min3A_730 = arith.minsi %add3A_729, %get3A_535 : vector<16xi32>
        %add3A_731 = arith.constant 1 : i32
        %add3A_732 = vector.broadcast %add3A_731 : i32 to vector<16xi32>
        %add3A_733 = arith.addi %add3A_717, %add3A_732 : vector<16xi32>
        %scan3A_734 = arith.constant 6 : i32
        %scan3A_735 = arith.addi %scan3A_639, %scan3A_734 : i32
        %shift_right_logical3A_736 = arith.constant 7 : i32
        %shift_right_logical3A_737 = vector.broadcast %shift_right_logical3A_736 : i32 to vector<16xi32>
        %shift_right_logical3A_738 = arith.shrui %min3A_730, %shift_right_logical3A_737 : vector<16xi32>
        %and3A_739 = arith.constant 127 : i32
        %and3A_740 = vector.broadcast %and3A_739 : i32 to vector<16xi32>
        %and3A_741 = arith.andi %min3A_730, %and3A_740 : vector<16xi32>
        %gather3A_742 = tpu.vector_load_idx %arg15[%shift_right_logical3A_738, %and3A_741] : memref<256x128xi32, #tpu.memory_space<vmem>>[vector<16xi32>, vector<16xi32>], vector<16xi32>,
        tpu.vector_store_idx %arg17[%add3A_733, %add3A_533], %gather3A_742 : memref<64x128xi32, #tpu.memory_space<vmem>>[vector<16xi32>, vector<16xi32>], vector<16xi32>,
        %add3A_743 = arith.constant 1 : i32
        %add3A_744 = vector.broadcast %add3A_743 : i32 to vector<16xi32>
        %add3A_745 = arith.addi %min3A_730, %add3A_744 : vector<16xi32>
        %min3A_746 = arith.minsi %add3A_745, %get3A_535 : vector<16xi32>
        %add3A_747 = arith.constant 1 : i32
        %add3A_748 = vector.broadcast %add3A_747 : i32 to vector<16xi32>
        %add3A_749 = arith.addi %add3A_733, %add3A_748 : vector<16xi32>
        %scan3A_750 = arith.constant 7 : i32
        %scan3A_751 = arith.addi %scan3A_639, %scan3A_750 : i32
        %shift_right_logical3A_752 = arith.constant 7 : i32
        %shift_right_logical3A_753 = vector.broadcast %shift_right_logical3A_752 : i32 to vector<16xi32>
        %shift_right_logical3A_754 = arith.shrui %min3A_746, %shift_right_logical3A_753 : vector<16xi32>
        %and3A_755 = arith.constant 127 : i32
        %and3A_756 = vector.broadcast %and3A_755 : i32 to vector<16xi32>
        %and3A_757 = arith.andi %min3A_746, %and3A_756 : vector<16xi32>
        %gather3A_758 = tpu.vector_load_idx %arg15[%shift_right_logical3A_754, %and3A_757] : memref<256x128xi32, #tpu.memory_space<vmem>>[vector<16xi32>, vector<16xi32>], vector<16xi32>,
        tpu.vector_store_idx %arg17[%add3A_749, %add3A_533], %gather3A_758 : memref<64x128xi32, #tpu.memory_space<vmem>>[vector<16xi32>, vector<16xi32>], vector<16xi32>,
        %add3A_759 = arith.constant 1 : i32
        %add3A_760 = vector.broadcast %add3A_759 : i32 to vector<16xi32>
        %add3A_761 = arith.addi %min3A_746, %add3A_760 : vector<16xi32>
        %min3A_762 = arith.minsi %add3A_761, %get3A_535 : vector<16xi32>
        %add3A_763 = arith.constant 1 : i32
        %add3A_764 = vector.broadcast %add3A_763 : i32 to vector<16xi32>
        %add3A_765 = arith.addi %add3A_749, %add3A_764 : vector<16xi32>
        scf.yield %min3A_762, %add3A_765 : vector<16xi32>, vector<16xi32>
      }
      %scan3A_545 = arith.constant 64 : i32
      %add3A_546 = arith.constant 48 : i32
      %add3A_547 = vector.broadcast %add3A_546 : i32 to vector<16xi32>
      %add3A_548 = arith.addi %iota3A, %add3A_547 : vector<16xi32>
      %get3A_549 = arith.constant 48 : index
      %get3A_550 = tpu.vector_load %arg13[%get3A_549] {strides = array<i32>} : memref<64xi32, #tpu.memory_space<vmem>>, vector<16xi32>,
      %get3A_551 = arith.constant 48 : index
      %get3A_552 = tpu.vector_load %arg11[%get3A_551] {strides = array<i32>} : memref<64xi32, #tpu.memory_space<vmem>>, vector<16xi32>,
      %broadcast_in_dim3A_553 = arith.constant 0 : i32
      %broadcast_in_dim3A_554 = vector.broadcast %broadcast_in_dim3A_553 : i32 to vector<16xi32>
      %scan3A_555 = arith.constant 0 : i32
      %scan3A_556 = arith.constant 64 : i32
      %scan3A_557 = arith.addi %scan3A_555, %scan3A_556 : i32
      %scan3A_558 = arith.constant 8 : i32
      %scan3A_559:2 = scf.for %scan3A_639 = %scan3A_555 to %scan3A_557 step %scan3A_558 iter_args(%scan3A_640 = %get3A_552, %scan3A_641 = %broadcast_in_dim3A_554) -> (vector<16xi32>, vector<16xi32>)  : i32 {
        %shift_right_logical3A_642 = arith.constant 7 : i32
        %shift_right_logical3A_643 = vector.broadcast %shift_right_logical3A_642 : i32 to vector<16xi32>
        %shift_right_logical3A_644 = arith.shrui %scan3A_640, %shift_right_logical3A_643 : vector<16xi32>
        %and3A = arith.constant 127 : i32
        %and3A_645 = vector.broadcast %and3A : i32 to vector<16xi32>
        %and3A_646 = arith.andi %scan3A_640, %and3A_645 : vector<16xi32>
        %gather3A = tpu.vector_load_idx %arg15[%shift_right_logical3A_644, %and3A_646] : memref<256x128xi32, #tpu.memory_space<vmem>>[vector<16xi32>, vector<16xi32>], vector<16xi32>,
        tpu.vector_store_idx %arg17[%scan3A_641, %add3A_548], %gather3A : memref<64x128xi32, #tpu.memory_space<vmem>>[vector<16xi32>, vector<16xi32>], vector<16xi32>,
        %add3A_647 = arith.constant 1 : i32
        %add3A_648 = vector.broadcast %add3A_647 : i32 to vector<16xi32>
        %add3A_649 = arith.addi %scan3A_640, %add3A_648 : vector<16xi32>
        %min3A_650 = arith.minsi %add3A_649, %get3A_550 : vector<16xi32>
        %add3A_651 = arith.constant 1 : i32
        %add3A_652 = vector.broadcast %add3A_651 : i32 to vector<16xi32>
        %add3A_653 = arith.addi %scan3A_641, %add3A_652 : vector<16xi32>
        %scan3A_654 = arith.constant 1 : i32
        %scan3A_655 = arith.addi %scan3A_639, %scan3A_654 : i32
        %shift_right_logical3A_656 = arith.constant 7 : i32
        %shift_right_logical3A_657 = vector.broadcast %shift_right_logical3A_656 : i32 to vector<16xi32>
        %shift_right_logical3A_658 = arith.shrui %min3A_650, %shift_right_logical3A_657 : vector<16xi32>
        %and3A_659 = arith.constant 127 : i32
        %and3A_660 = vector.broadcast %and3A_659 : i32 to vector<16xi32>
        %and3A_661 = arith.andi %min3A_650, %and3A_660 : vector<16xi32>
        %gather3A_662 = tpu.vector_load_idx %arg15[%shift_right_logical3A_658, %and3A_661] : memref<256x128xi32, #tpu.memory_space<vmem>>[vector<16xi32>, vector<16xi32>], vector<16xi32>,
        tpu.vector_store_idx %arg17[%add3A_653, %add3A_548], %gather3A_662 : memref<64x128xi32, #tpu.memory_space<vmem>>[vector<16xi32>, vector<16xi32>], vector<16xi32>,
        %add3A_663 = arith.constant 1 : i32
        %add3A_664 = vector.broadcast %add3A_663 : i32 to vector<16xi32>
        %add3A_665 = arith.addi %min3A_650, %add3A_664 : vector<16xi32>
        %min3A_666 = arith.minsi %add3A_665, %get3A_550 : vector<16xi32>
        %add3A_667 = arith.constant 1 : i32
        %add3A_668 = vector.broadcast %add3A_667 : i32 to vector<16xi32>
        %add3A_669 = arith.addi %add3A_653, %add3A_668 : vector<16xi32>
        %scan3A_670 = arith.constant 2 : i32
        %scan3A_671 = arith.addi %scan3A_639, %scan3A_670 : i32
        %shift_right_logical3A_672 = arith.constant 7 : i32
        %shift_right_logical3A_673 = vector.broadcast %shift_right_logical3A_672 : i32 to vector<16xi32>
        %shift_right_logical3A_674 = arith.shrui %min3A_666, %shift_right_logical3A_673 : vector<16xi32>
        %and3A_675 = arith.constant 127 : i32
        %and3A_676 = vector.broadcast %and3A_675 : i32 to vector<16xi32>
        %and3A_677 = arith.andi %min3A_666, %and3A_676 : vector<16xi32>
        %gather3A_678 = tpu.vector_load_idx %arg15[%shift_right_logical3A_674, %and3A_677] : memref<256x128xi32, #tpu.memory_space<vmem>>[vector<16xi32>, vector<16xi32>], vector<16xi32>,
        tpu.vector_store_idx %arg17[%add3A_669, %add3A_548], %gather3A_678 : memref<64x128xi32, #tpu.memory_space<vmem>>[vector<16xi32>, vector<16xi32>], vector<16xi32>,
        %add3A_679 = arith.constant 1 : i32
        %add3A_680 = vector.broadcast %add3A_679 : i32 to vector<16xi32>
        %add3A_681 = arith.addi %min3A_666, %add3A_680 : vector<16xi32>
        %min3A_682 = arith.minsi %add3A_681, %get3A_550 : vector<16xi32>
        %add3A_683 = arith.constant 1 : i32
        %add3A_684 = vector.broadcast %add3A_683 : i32 to vector<16xi32>
        %add3A_685 = arith.addi %add3A_669, %add3A_684 : vector<16xi32>
        %scan3A_686 = arith.constant 3 : i32
        %scan3A_687 = arith.addi %scan3A_639, %scan3A_686 : i32
        %shift_right_logical3A_688 = arith.constant 7 : i32
        %shift_right_logical3A_689 = vector.broadcast %shift_right_logical3A_688 : i32 to vector<16xi32>
        %shift_right_logical3A_690 = arith.shrui %min3A_682, %shift_right_logical3A_689 : vector<16xi32>
        %and3A_691 = arith.constant 127 : i32
        %and3A_692 = vector.broadcast %and3A_691 : i32 to vector<16xi32>
        %and3A_693 = arith.andi %min3A_682, %and3A_692 : vector<16xi32>
        %gather3A_694 = tpu.vector_load_idx %arg15[%shift_right_logical3A_690, %and3A_693] : memref<256x128xi32, #tpu.memory_space<vmem>>[vector<16xi32>, vector<16xi32>], vector<16xi32>,
        tpu.vector_store_idx %arg17[%add3A_685, %add3A_548], %gather3A_694 : memref<64x128xi32, #tpu.memory_space<vmem>>[vector<16xi32>, vector<16xi32>], vector<16xi32>,
        %add3A_695 = arith.constant 1 : i32
        %add3A_696 = vector.broadcast %add3A_695 : i32 to vector<16xi32>
        %add3A_697 = arith.addi %min3A_682, %add3A_696 : vector<16xi32>
        %min3A_698 = arith.minsi %add3A_697, %get3A_550 : vector<16xi32>
        %add3A_699 = arith.constant 1 : i32
        %add3A_700 = vector.broadcast %add3A_699 : i32 to vector<16xi32>
        %add3A_701 = arith.addi %add3A_685, %add3A_700 : vector<16xi32>
        %scan3A_702 = arith.constant 4 : i32
        %scan3A_703 = arith.addi %scan3A_639, %scan3A_702 : i32
        %shift_right_logical3A_704 = arith.constant 7 : i32
        %shift_right_logical3A_705 = vector.broadcast %shift_right_logical3A_704 : i32 to vector<16xi32>
        %shift_right_logical3A_706 = arith.shrui %min3A_698, %shift_right_logical3A_705 : vector<16xi32>
        %and3A_707 = arith.constant 127 : i32
        %and3A_708 = vector.broadcast %and3A_707 : i32 to vector<16xi32>
        %and3A_709 = arith.andi %min3A_698, %and3A_708 : vector<16xi32>
        %gather3A_710 = tpu.vector_load_idx %arg15[%shift_right_logical3A_706, %and3A_709] : memref<256x128xi32, #tpu.memory_space<vmem>>[vector<16xi32>, vector<16xi32>], vector<16xi32>,
        tpu.vector_store_idx %arg17[%add3A_701, %add3A_548], %gather3A_710 : memref<64x128xi32, #tpu.memory_space<vmem>>[vector<16xi32>, vector<16xi32>], vector<16xi32>,
        %add3A_711 = arith.constant 1 : i32
        %add3A_712 = vector.broadcast %add3A_711 : i32 to vector<16xi32>
        %add3A_713 = arith.addi %min3A_698, %add3A_712 : vector<16xi32>
        %min3A_714 = arith.minsi %add3A_713, %get3A_550 : vector<16xi32>
        %add3A_715 = arith.constant 1 : i32
        %add3A_716 = vector.broadcast %add3A_715 : i32 to vector<16xi32>
        %add3A_717 = arith.addi %add3A_701, %add3A_716 : vector<16xi32>
        %scan3A_718 = arith.constant 5 : i32
        %scan3A_719 = arith.addi %scan3A_639, %scan3A_718 : i32
        %shift_right_logical3A_720 = arith.constant 7 : i32
        %shift_right_logical3A_721 = vector.broadcast %shift_right_logical3A_720 : i32 to vector<16xi32>
        %shift_right_logical3A_722 = arith.shrui %min3A_714, %shift_right_logical3A_721 : vector<16xi32>
        %and3A_723 = arith.constant 127 : i32
        %and3A_724 = vector.broadcast %and3A_723 : i32 to vector<16xi32>
        %and3A_725 = arith.andi %min3A_714, %and3A_724 : vector<16xi32>
        %gather3A_726 = tpu.vector_load_idx %arg15[%shift_right_logical3A_722, %and3A_725] : memref<256x128xi32, #tpu.memory_space<vmem>>[vector<16xi32>, vector<16xi32>], vector<16xi32>,
        tpu.vector_store_idx %arg17[%add3A_717, %add3A_548], %gather3A_726 : memref<64x128xi32, #tpu.memory_space<vmem>>[vector<16xi32>, vector<16xi32>], vector<16xi32>,
        %add3A_727 = arith.constant 1 : i32
        %add3A_728 = vector.broadcast %add3A_727 : i32 to vector<16xi32>
        %add3A_729 = arith.addi %min3A_714, %add3A_728 : vector<16xi32>
        %min3A_730 = arith.minsi %add3A_729, %get3A_550 : vector<16xi32>
        %add3A_731 = arith.constant 1 : i32
        %add3A_732 = vector.broadcast %add3A_731 : i32 to vector<16xi32>
        %add3A_733 = arith.addi %add3A_717, %add3A_732 : vector<16xi32>
        %scan3A_734 = arith.constant 6 : i32
        %scan3A_735 = arith.addi %scan3A_639, %scan3A_734 : i32
        %shift_right_logical3A_736 = arith.constant 7 : i32
        %shift_right_logical3A_737 = vector.broadcast %shift_right_logical3A_736 : i32 to vector<16xi32>
        %shift_right_logical3A_738 = arith.shrui %min3A_730, %shift_right_logical3A_737 : vector<16xi32>
        %and3A_739 = arith.constant 127 : i32
        %and3A_740 = vector.broadcast %and3A_739 : i32 to vector<16xi32>
        %and3A_741 = arith.andi %min3A_730, %and3A_740 : vector<16xi32>
        %gather3A_742 = tpu.vector_load_idx %arg15[%shift_right_logical3A_738, %and3A_741] : memref<256x128xi32, #tpu.memory_space<vmem>>[vector<16xi32>, vector<16xi32>], vector<16xi32>,
        tpu.vector_store_idx %arg17[%add3A_733, %add3A_548], %gather3A_742 : memref<64x128xi32, #tpu.memory_space<vmem>>[vector<16xi32>, vector<16xi32>], vector<16xi32>,
        %add3A_743 = arith.constant 1 : i32
        %add3A_744 = vector.broadcast %add3A_743 : i32 to vector<16xi32>
        %add3A_745 = arith.addi %min3A_730, %add3A_744 : vector<16xi32>
        %min3A_746 = arith.minsi %add3A_745, %get3A_550 : vector<16xi32>
        %add3A_747 = arith.constant 1 : i32
        %add3A_748 = vector.broadcast %add3A_747 : i32 to vector<16xi32>
        %add3A_749 = arith.addi %add3A_733, %add3A_748 : vector<16xi32>
        %scan3A_750 = arith.constant 7 : i32
        %scan3A_751 = arith.addi %scan3A_639, %scan3A_750 : i32
        %shift_right_logical3A_752 = arith.constant 7 : i32
        %shift_right_logical3A_753 = vector.broadcast %shift_right_logical3A_752 : i32 to vector<16xi32>
        %shift_right_logical3A_754 = arith.shrui %min3A_746, %shift_right_logical3A_753 : vector<16xi32>
        %and3A_755 = arith.constant 127 : i32
        %and3A_756 = vector.broadcast %and3A_755 : i32 to vector<16xi32>
        %and3A_757 = arith.andi %min3A_746, %and3A_756 : vector<16xi32>
        %gather3A_758 = tpu.vector_load_idx %arg15[%shift_right_logical3A_754, %and3A_757] : memref<256x128xi32, #tpu.memory_space<vmem>>[vector<16xi32>, vector<16xi32>], vector<16xi32>,
        tpu.vector_store_idx %arg17[%add3A_749, %add3A_548], %gather3A_758 : memref<64x128xi32, #tpu.memory_space<vmem>>[vector<16xi32>, vector<16xi32>], vector<16xi32>,
        %add3A_759 = arith.constant 1 : i32
        %add3A_760 = vector.broadcast %add3A_759 : i32 to vector<16xi32>
        %add3A_761 = arith.addi %min3A_746, %add3A_760 : vector<16xi32>
        %min3A_762 = arith.minsi %add3A_761, %get3A_550 : vector<16xi32>
        %add3A_763 = arith.constant 1 : i32
        %add3A_764 = vector.broadcast %add3A_763 : i32 to vector<16xi32>
        %add3A_765 = arith.addi %add3A_749, %add3A_764 : vector<16xi32>
        scf.yield %min3A_762, %add3A_765 : vector<16xi32>, vector<16xi32>
      }
      %scan3A_560 = arith.constant 64 : i32
      %add3A_561 = arith.constant 1 : i32
      %add3A_562 = arith.addi %add3A_250, %add3A_561 : i32
      %lt3A = arith.constant 32 : i32
      %lt3A_563 = arith.cmpi slt, %add3A_562, %lt3A : i32
      %convert_element_type3A_564 = arith.extui %lt3A_563 : i1 to i32
      %cond3A_565 = arith.constant 0 : i32
      %cond3A_566 = arith.cmpi ne, %convert_element_type3A_564, %cond3A_565 : i32
      scf.if %cond3A_566 {
        %add3A_639 = arith.constant 1 : i32
        %add3A_640 = arith.addi %add3A_250, %add3A_639 : i32
        %mul3A_641 = arith.constant 64 : i32
        %mul3A_642 = arith.muli %add3A_640, %mul3A_641 : i32
        %add3A_643 = arith.constant 0 : i32
        %add3A_644 = arith.addi %mul3A_642, %add3A_643 : i32
        %get3A_645 = arith.index_cast %add3A_644 : i32 to index
        %get3A_646 = tpu.vector_load %arg7[%get3A_645] {strides = array<i32>} : memref<2048xi32, #tpu.memory_space<vmem>>, vector<16xi32>,
        %ne3A_647 = arith.constant 0 : i32
        %ne3A_648 = vector.broadcast %ne3A_647 : i32 to vector<16xi32>
        %ne3A_649 = arith.cmpi ne, %get3A_646, %ne3A_648 : vector<16xi32>
        %add3A_650 = arith.constant 0 : i32
        %add3A_651 = arith.addi %mul3A_642, %add3A_650 : i32
        %get3A_652 = arith.index_cast %add3A_651 : i32 to index
        %get3A_653 = tpu.vector_load %arg8[%get3A_652] {strides = array<i32>} : memref<2048xi32, #tpu.memory_space<vmem>>, vector<16xi32>,
        %min3A_654 = arith.constant 1599999 : i32
        %min3A_655 = vector.broadcast %min3A_654 : i32 to vector<16xi32>
        %min3A_656 = arith.minsi %get3A_653, %min3A_655 : vector<16xi32>
        %shift_right_logical3A_657 = arith.constant 7 : i32
        %shift_right_logical3A_658 = vector.broadcast %shift_right_logical3A_657 : i32 to vector<16xi32>
        %shift_right_logical3A_659 = arith.shrui %min3A_656, %shift_right_logical3A_658 : vector<16xi32>
        %min3A_660 = arith.constant 12498 : i32
        %min3A_661 = vector.broadcast %min3A_660 : i32 to vector<16xi32>
        %min3A_662 = arith.minsi %shift_right_logical3A_659, %min3A_661 : vector<16xi32>
        %add3A_663 = arith.constant 0 : i32
        %add3A_664 = vector.broadcast %add3A_663 : i32 to vector<16xi32>
        %add3A_665 = arith.addi %iota3A, %add3A_664 : vector<16xi32>
        %mul3A_666 = arith.constant 2 : i32
        %mul3A_667 = vector.broadcast %mul3A_666 : i32 to vector<16xi32>
        %mul3A_668 = arith.muli %mul3A_667, %add3A_665 : vector<16xi32>
        tpu.vector_store_idx %arg9[%mul3A_668], %min3A_662 : memref<128xi32, #tpu.memory_space<vmem>>[vector<16xi32>], vector<16xi32>,
        %mul3A_669 = arith.constant 2 : i32
        %mul3A_670 = vector.broadcast %mul3A_669 : i32 to vector<16xi32>
        %mul3A_671 = arith.muli %mul3A_670, %add3A_665 : vector<16xi32>
        %add3A_672 = arith.constant 1 : i32
        %add3A_673 = vector.broadcast %add3A_672 : i32 to vector<16xi32>
        %add3A_674 = arith.addi %mul3A_671, %add3A_673 : vector<16xi32>
        %add3A_675 = arith.constant 1 : i32
        %add3A_676 = vector.broadcast %add3A_675 : i32 to vector<16xi32>
        %add3A_677 = arith.addi %min3A_662, %add3A_676 : vector<16xi32>
        tpu.vector_store_idx %arg9[%add3A_674], %add3A_677 : memref<128xi32, #tpu.memory_space<vmem>>[vector<16xi32>], vector<16xi32>,
        %jit3A_678 = arith.constant 16384 : i32
        %jit3A_679 = arith.constant 0 : i32
        %broadcast_in_dim3A_680 = vector.broadcast %jit3A_678 : i32 to vector<16xi32>
        %broadcast_in_dim3A_681 = vector.broadcast %jit3A_679 : i32 to vector<16xi32>
        %select_n3A_682 = arith.select %ne3A_649, %broadcast_in_dim3A_680, %broadcast_in_dim3A_681 : vector<16xi1>, vector<16xi32>
        %mul3A_683 = arith.constant 256 : i32
        %mul3A_684 = vector.broadcast %mul3A_683 : i32 to vector<16xi32>
        %mul3A_685 = arith.muli %add3A_665, %mul3A_684 : vector<16xi32>
        %add3A_686 = arith.addi %select_n3A_682, %mul3A_685 : vector<16xi32>
        %mul3A_687 = arith.constant 128 : i32
        %mul3A_688 = vector.broadcast %mul3A_687 : i32 to vector<16xi32>
        %mul3A_689 = arith.muli %mul3A_688, %min3A_662 : vector<16xi32>
        %sub3A_690 = arith.subi %add3A_686, %mul3A_689 : vector<16xi32>
        %add3A_691 = arith.addi %sub3A_690, %min3A_656 : vector<16xi32>
        %swap3A_692 = arith.constant 0 : index
        %swap3A_693 = tpu.vector_load %arg11[%swap3A_692] {strides = array<i32>} : memref<64xi32, #tpu.memory_space<vmem>>, vector<16xi32>,
        tpu.vector_store %arg11[%swap3A_692], %add3A_691 {strides = array<i32>} : memref<64xi32, #tpu.memory_space<vmem>>, vector<16xi32>,
        %add3A_694 = arith.constant 1599999 : i32
        %add3A_695 = vector.broadcast %add3A_694 : i32 to vector<16xi32>
        %add3A_696 = arith.addi %sub3A_690, %add3A_695 : vector<16xi32>
        %swap3A_697 = arith.constant 0 : index
        %swap3A_698 = tpu.vector_load %arg13[%swap3A_697] {strides = array<i32>} : memref<64xi32, #tpu.memory_space<vmem>>, vector<16xi32>,
        tpu.vector_store %arg13[%swap3A_697], %add3A_696 {strides = array<i32>} : memref<64xi32, #tpu.memory_space<vmem>>, vector<16xi32>,
        %add3A_699 = arith.constant 16 : i32
        %add3A_700 = arith.addi %mul3A_642, %add3A_699 : i32
        %get3A_701 = arith.index_cast %add3A_700 : i32 to index
        %get3A_702 = tpu.vector_load %arg7[%get3A_701] {strides = array<i32>} : memref<2048xi32, #tpu.memory_space<vmem>>, vector<16xi32>,
        %ne3A_703 = arith.constant 0 : i32
        %ne3A_704 = vector.broadcast %ne3A_703 : i32 to vector<16xi32>
        %ne3A_705 = arith.cmpi ne, %get3A_702, %ne3A_704 : vector<16xi32>
        %add3A_706 = arith.constant 16 : i32
        %add3A_707 = arith.addi %mul3A_642, %add3A_706 : i32
        %get3A_708 = arith.index_cast %add3A_707 : i32 to index
        %get3A_709 = tpu.vector_load %arg8[%get3A_708] {strides = array<i32>} : memref<2048xi32, #tpu.memory_space<vmem>>, vector<16xi32>,
        %min3A_710 = arith.constant 1599999 : i32
        %min3A_711 = vector.broadcast %min3A_710 : i32 to vector<16xi32>
        %min3A_712 = arith.minsi %get3A_709, %min3A_711 : vector<16xi32>
        %shift_right_logical3A_713 = arith.constant 7 : i32
        %shift_right_logical3A_714 = vector.broadcast %shift_right_logical3A_713 : i32 to vector<16xi32>
        %shift_right_logical3A_715 = arith.shrui %min3A_712, %shift_right_logical3A_714 : vector<16xi32>
        %min3A_716 = arith.constant 12498 : i32
        %min3A_717 = vector.broadcast %min3A_716 : i32 to vector<16xi32>
        %min3A_718 = arith.minsi %shift_right_logical3A_715, %min3A_717 : vector<16xi32>
        %add3A_719 = arith.constant 16 : i32
        %add3A_720 = vector.broadcast %add3A_719 : i32 to vector<16xi32>
        %add3A_721 = arith.addi %iota3A, %add3A_720 : vector<16xi32>
        %mul3A_722 = arith.constant 2 : i32
        %mul3A_723 = vector.broadcast %mul3A_722 : i32 to vector<16xi32>
        %mul3A_724 = arith.muli %mul3A_723, %add3A_721 : vector<16xi32>
        tpu.vector_store_idx %arg9[%mul3A_724], %min3A_718 : memref<128xi32, #tpu.memory_space<vmem>>[vector<16xi32>], vector<16xi32>,
        %mul3A_725 = arith.constant 2 : i32
        %mul3A_726 = vector.broadcast %mul3A_725 : i32 to vector<16xi32>
        %mul3A_727 = arith.muli %mul3A_726, %add3A_721 : vector<16xi32>
        %add3A_728 = arith.constant 1 : i32
        %add3A_729 = vector.broadcast %add3A_728 : i32 to vector<16xi32>
        %add3A_730 = arith.addi %mul3A_727, %add3A_729 : vector<16xi32>
        %add3A_731 = arith.constant 1 : i32
        %add3A_732 = vector.broadcast %add3A_731 : i32 to vector<16xi32>
        %add3A_733 = arith.addi %min3A_718, %add3A_732 : vector<16xi32>
        tpu.vector_store_idx %arg9[%add3A_730], %add3A_733 : memref<128xi32, #tpu.memory_space<vmem>>[vector<16xi32>], vector<16xi32>,
        %jit3A_734 = arith.constant 16384 : i32
        %jit3A_735 = arith.constant 0 : i32
        %broadcast_in_dim3A_736 = vector.broadcast %jit3A_734 : i32 to vector<16xi32>
        %broadcast_in_dim3A_737 = vector.broadcast %jit3A_735 : i32 to vector<16xi32>
        %select_n3A_738 = arith.select %ne3A_705, %broadcast_in_dim3A_736, %broadcast_in_dim3A_737 : vector<16xi1>, vector<16xi32>
        %mul3A_739 = arith.constant 256 : i32
        %mul3A_740 = vector.broadcast %mul3A_739 : i32 to vector<16xi32>
        %mul3A_741 = arith.muli %add3A_721, %mul3A_740 : vector<16xi32>
        %add3A_742 = arith.addi %select_n3A_738, %mul3A_741 : vector<16xi32>
        %mul3A_743 = arith.constant 128 : i32
        %mul3A_744 = vector.broadcast %mul3A_743 : i32 to vector<16xi32>
        %mul3A_745 = arith.muli %mul3A_744, %min3A_718 : vector<16xi32>
        %sub3A_746 = arith.subi %add3A_742, %mul3A_745 : vector<16xi32>
        %add3A_747 = arith.addi %sub3A_746, %min3A_712 : vector<16xi32>
        %swap3A_748 = arith.constant 16 : index
        %swap3A_749 = tpu.vector_load %arg11[%swap3A_748] {strides = array<i32>} : memref<64xi32, #tpu.memory_space<vmem>>, vector<16xi32>,
        tpu.vector_store %arg11[%swap3A_748], %add3A_747 {strides = array<i32>} : memref<64xi32, #tpu.memory_space<vmem>>, vector<16xi32>,
        %add3A_750 = arith.constant 1599999 : i32
        %add3A_751 = vector.broadcast %add3A_750 : i32 to vector<16xi32>
        %add3A_752 = arith.addi %sub3A_746, %add3A_751 : vector<16xi32>
        %swap3A_753 = arith.constant 16 : index
        %swap3A_754 = tpu.vector_load %arg13[%swap3A_753] {strides = array<i32>} : memref<64xi32, #tpu.memory_space<vmem>>, vector<16xi32>,
        tpu.vector_store %arg13[%swap3A_753], %add3A_752 {strides = array<i32>} : memref<64xi32, #tpu.memory_space<vmem>>, vector<16xi32>,
        %add3A_755 = arith.constant 32 : i32
        %add3A_756 = arith.addi %mul3A_642, %add3A_755 : i32
        %get3A_757 = arith.index_cast %add3A_756 : i32 to index
        %get3A_758 = tpu.vector_load %arg7[%get3A_757] {strides = array<i32>} : memref<2048xi32, #tpu.memory_space<vmem>>, vector<16xi32>,
        %ne3A_759 = arith.constant 0 : i32
        %ne3A_760 = vector.broadcast %ne3A_759 : i32 to vector<16xi32>
        %ne3A_761 = arith.cmpi ne, %get3A_758, %ne3A_760 : vector<16xi32>
        %add3A_762 = arith.constant 32 : i32
        %add3A_763 = arith.addi %mul3A_642, %add3A_762 : i32
        %get3A_764 = arith.index_cast %add3A_763 : i32 to index
        %get3A_765 = tpu.vector_load %arg8[%get3A_764] {strides = array<i32>} : memref<2048xi32, #tpu.memory_space<vmem>>, vector<16xi32>,
        %min3A_766 = arith.constant 1599999 : i32
        %min3A_767 = vector.broadcast %min3A_766 : i32 to vector<16xi32>
        %min3A_768 = arith.minsi %get3A_765, %min3A_767 : vector<16xi32>
        %shift_right_logical3A_769 = arith.constant 7 : i32
        %shift_right_logical3A_770 = vector.broadcast %shift_right_logical3A_769 : i32 to vector<16xi32>
        %shift_right_logical3A_771 = arith.shrui %min3A_768, %shift_right_logical3A_770 : vector<16xi32>
        %min3A_772 = arith.constant 12498 : i32
        %min3A_773 = vector.broadcast %min3A_772 : i32 to vector<16xi32>
        %min3A_774 = arith.minsi %shift_right_logical3A_771, %min3A_773 : vector<16xi32>
        %add3A_775 = arith.constant 32 : i32
        %add3A_776 = vector.broadcast %add3A_775 : i32 to vector<16xi32>
        %add3A_777 = arith.addi %iota3A, %add3A_776 : vector<16xi32>
        %mul3A_778 = arith.constant 2 : i32
        %mul3A_779 = vector.broadcast %mul3A_778 : i32 to vector<16xi32>
        %mul3A_780 = arith.muli %mul3A_779, %add3A_777 : vector<16xi32>
        tpu.vector_store_idx %arg9[%mul3A_780], %min3A_774 : memref<128xi32, #tpu.memory_space<vmem>>[vector<16xi32>], vector<16xi32>,
        %mul3A_781 = arith.constant 2 : i32
        %mul3A_782 = vector.broadcast %mul3A_781 : i32 to vector<16xi32>
        %mul3A_783 = arith.muli %mul3A_782, %add3A_777 : vector<16xi32>
        %add3A_784 = arith.constant 1 : i32
        %add3A_785 = vector.broadcast %add3A_784 : i32 to vector<16xi32>
        %add3A_786 = arith.addi %mul3A_783, %add3A_785 : vector<16xi32>
        %add3A_787 = arith.constant 1 : i32
        %add3A_788 = vector.broadcast %add3A_787 : i32 to vector<16xi32>
        %add3A_789 = arith.addi %min3A_774, %add3A_788 : vector<16xi32>
        tpu.vector_store_idx %arg9[%add3A_786], %add3A_789 : memref<128xi32, #tpu.memory_space<vmem>>[vector<16xi32>], vector<16xi32>,
        %jit3A_790 = arith.constant 16384 : i32
        %jit3A_791 = arith.constant 0 : i32
        %broadcast_in_dim3A_792 = vector.broadcast %jit3A_790 : i32 to vector<16xi32>
        %broadcast_in_dim3A_793 = vector.broadcast %jit3A_791 : i32 to vector<16xi32>
        %select_n3A_794 = arith.select %ne3A_761, %broadcast_in_dim3A_792, %broadcast_in_dim3A_793 : vector<16xi1>, vector<16xi32>
        %mul3A_795 = arith.constant 256 : i32
        %mul3A_796 = vector.broadcast %mul3A_795 : i32 to vector<16xi32>
        %mul3A_797 = arith.muli %add3A_777, %mul3A_796 : vector<16xi32>
        %add3A_798 = arith.addi %select_n3A_794, %mul3A_797 : vector<16xi32>
        %mul3A_799 = arith.constant 128 : i32
        %mul3A_800 = vector.broadcast %mul3A_799 : i32 to vector<16xi32>
        %mul3A_801 = arith.muli %mul3A_800, %min3A_774 : vector<16xi32>
        %sub3A_802 = arith.subi %add3A_798, %mul3A_801 : vector<16xi32>
        %add3A_803 = arith.addi %sub3A_802, %min3A_768 : vector<16xi32>
        %swap3A_804 = arith.constant 32 : index
        %swap3A_805 = tpu.vector_load %arg11[%swap3A_804] {strides = array<i32>} : memref<64xi32, #tpu.memory_space<vmem>>, vector<16xi32>,
        tpu.vector_store %arg11[%swap3A_804], %add3A_803 {strides = array<i32>} : memref<64xi32, #tpu.memory_space<vmem>>, vector<16xi32>,
        %add3A_806 = arith.constant 1599999 : i32
        %add3A_807 = vector.broadcast %add3A_806 : i32 to vector<16xi32>
        %add3A_808 = arith.addi %sub3A_802, %add3A_807 : vector<16xi32>
        %swap3A_809 = arith.constant 32 : index
        %swap3A_810 = tpu.vector_load %arg13[%swap3A_809] {strides = array<i32>} : memref<64xi32, #tpu.memory_space<vmem>>, vector<16xi32>,
        tpu.vector_store %arg13[%swap3A_809], %add3A_808 {strides = array<i32>} : memref<64xi32, #tpu.memory_space<vmem>>, vector<16xi32>,
        %add3A_811 = arith.constant 48 : i32
        %add3A_812 = arith.addi %mul3A_642, %add3A_811 : i32
        %get3A_813 = arith.index_cast %add3A_812 : i32 to index
        %get3A_814 = tpu.vector_load %arg7[%get3A_813] {strides = array<i32>} : memref<2048xi32, #tpu.memory_space<vmem>>, vector<16xi32>,
        %ne3A_815 = arith.constant 0 : i32
        %ne3A_816 = vector.broadcast %ne3A_815 : i32 to vector<16xi32>
        %ne3A_817 = arith.cmpi ne, %get3A_814, %ne3A_816 : vector<16xi32>
        %add3A_818 = arith.constant 48 : i32
        %add3A_819 = arith.addi %mul3A_642, %add3A_818 : i32
        %get3A_820 = arith.index_cast %add3A_819 : i32 to index
        %get3A_821 = tpu.vector_load %arg8[%get3A_820] {strides = array<i32>} : memref<2048xi32, #tpu.memory_space<vmem>>, vector<16xi32>,
        %min3A_822 = arith.constant 1599999 : i32
        %min3A_823 = vector.broadcast %min3A_822 : i32 to vector<16xi32>
        %min3A_824 = arith.minsi %get3A_821, %min3A_823 : vector<16xi32>
        %shift_right_logical3A_825 = arith.constant 7 : i32
        %shift_right_logical3A_826 = vector.broadcast %shift_right_logical3A_825 : i32 to vector<16xi32>
        %shift_right_logical3A_827 = arith.shrui %min3A_824, %shift_right_logical3A_826 : vector<16xi32>
        %min3A_828 = arith.constant 12498 : i32
        %min3A_829 = vector.broadcast %min3A_828 : i32 to vector<16xi32>
        %min3A_830 = arith.minsi %shift_right_logical3A_827, %min3A_829 : vector<16xi32>
        %add3A_831 = arith.constant 48 : i32
        %add3A_832 = vector.broadcast %add3A_831 : i32 to vector<16xi32>
        %add3A_833 = arith.addi %iota3A, %add3A_832 : vector<16xi32>
        %mul3A_834 = arith.constant 2 : i32
        %mul3A_835 = vector.broadcast %mul3A_834 : i32 to vector<16xi32>
        %mul3A_836 = arith.muli %mul3A_835, %add3A_833 : vector<16xi32>
        tpu.vector_store_idx %arg9[%mul3A_836], %min3A_830 : memref<128xi32, #tpu.memory_space<vmem>>[vector<16xi32>], vector<16xi32>,
        %mul3A_837 = arith.constant 2 : i32
        %mul3A_838 = vector.broadcast %mul3A_837 : i32 to vector<16xi32>
        %mul3A_839 = arith.muli %mul3A_838, %add3A_833 : vector<16xi32>
        %add3A_840 = arith.constant 1 : i32
        %add3A_841 = vector.broadcast %add3A_840 : i32 to vector<16xi32>
        %add3A_842 = arith.addi %mul3A_839, %add3A_841 : vector<16xi32>
        %add3A_843 = arith.constant 1 : i32
        %add3A_844 = vector.broadcast %add3A_843 : i32 to vector<16xi32>
        %add3A_845 = arith.addi %min3A_830, %add3A_844 : vector<16xi32>
        tpu.vector_store_idx %arg9[%add3A_842], %add3A_845 : memref<128xi32, #tpu.memory_space<vmem>>[vector<16xi32>], vector<16xi32>,
        %jit3A_846 = arith.constant 16384 : i32
        %jit3A_847 = arith.constant 0 : i32
        %broadcast_in_dim3A_848 = vector.broadcast %jit3A_846 : i32 to vector<16xi32>
        %broadcast_in_dim3A_849 = vector.broadcast %jit3A_847 : i32 to vector<16xi32>
        %select_n3A_850 = arith.select %ne3A_817, %broadcast_in_dim3A_848, %broadcast_in_dim3A_849 : vector<16xi1>, vector<16xi32>
        %mul3A_851 = arith.constant 256 : i32
        %mul3A_852 = vector.broadcast %mul3A_851 : i32 to vector<16xi32>
        %mul3A_853 = arith.muli %add3A_833, %mul3A_852 : vector<16xi32>
        %add3A_854 = arith.addi %select_n3A_850, %mul3A_853 : vector<16xi32>
        %mul3A_855 = arith.constant 128 : i32
        %mul3A_856 = vector.broadcast %mul3A_855 : i32 to vector<16xi32>
        %mul3A_857 = arith.muli %mul3A_856, %min3A_830 : vector<16xi32>
        %sub3A_858 = arith.subi %add3A_854, %mul3A_857 : vector<16xi32>
        %add3A_859 = arith.addi %sub3A_858, %min3A_824 : vector<16xi32>
        %swap3A_860 = arith.constant 48 : index
        %swap3A_861 = tpu.vector_load %arg11[%swap3A_860] {strides = array<i32>} : memref<64xi32, #tpu.memory_space<vmem>>, vector<16xi32>,
        tpu.vector_store %arg11[%swap3A_860], %add3A_859 {strides = array<i32>} : memref<64xi32, #tpu.memory_space<vmem>>, vector<16xi32>,
        %add3A_862 = arith.constant 1599999 : i32
        %add3A_863 = vector.broadcast %add3A_862 : i32 to vector<16xi32>
        %add3A_864 = arith.addi %sub3A_858, %add3A_863 : vector<16xi32>
        %swap3A_865 = arith.constant 48 : index
        %swap3A_866 = tpu.vector_load %arg13[%swap3A_865] {strides = array<i32>} : memref<64xi32, #tpu.memory_space<vmem>>, vector<16xi32>,
        tpu.vector_store %arg13[%swap3A_865], %add3A_864 {strides = array<i32>} : memref<64xi32, #tpu.memory_space<vmem>>, vector<16xi32>,
        %dma_start3A_867 = arith.constant 0 : i32
        %dma_start3A_868 = arith.constant 0 : i32
        %dma_start3A_869 = tpu.memref_slice %arg15[%dma_start3A_867, %dma_start3A_868] : memref<256x128xi32, #tpu.memory_space<vmem>> -> memref<128x128xi32, #tpu.memory_space<vmem>>
        %dma_start3A_870 = arith.constant 0 : i32
        %dma_start3A_871 = arith.constant 0 : i32
        %dma_start3A_872 = tpu.memref_slice %arg4[%dma_start3A_870, %dma_start3A_871] : memref<12500x128xi32, #tpu.memory_space<hbm>> -> memref<12500x128xi32, #tpu.memory_space<hbm>>
        tpu.enqueue_indirect_dma source(%dma_start3A_872 : memref<12500x128xi32, #tpu.memory_space<hbm>>) target(%dma_start3A_869 : memref<128x128xi32, #tpu.memory_space<vmem>>) offsets(%arg9 : memref<128xi32, #tpu.memory_space<vmem>>) semaphore(%arg18 : memref<!tpu.dma_semaphore, #tpu.memory_space<semaphore_mem>>)
        %dma_start3A_873 = arith.constant 128 : i32
        %dma_start3A_874 = arith.constant 0 : i32
        %dma_start3A_875 = tpu.memref_slice %arg15[%dma_start3A_873, %dma_start3A_874] : memref<256x128xi32, #tpu.memory_space<vmem>> -> memref<128x128xi32, #tpu.memory_space<vmem>>
        %dma_start3A_876 = arith.constant 0 : i32
        %dma_start3A_877 = arith.constant 0 : i32
        %dma_start3A_878 = tpu.memref_slice %arg5[%dma_start3A_876, %dma_start3A_877] : memref<12500x128xi32, #tpu.memory_space<hbm>> -> memref<12500x128xi32, #tpu.memory_space<hbm>>
        tpu.enqueue_indirect_dma source(%dma_start3A_878 : memref<12500x128xi32, #tpu.memory_space<hbm>>) target(%dma_start3A_875 : memref<128x128xi32, #tpu.memory_space<vmem>>) offsets(%arg9 : memref<128xi32, #tpu.memory_space<vmem>>) semaphore(%arg18 : memref<!tpu.dma_semaphore, #tpu.memory_space<semaphore_mem>>)
      } else {
      }
      %dma_wait3A_567 = arith.constant 0 : i32
      %dma_wait3A_568 = arith.constant 0 : i32
      %dma_wait3A_569 = tpu.memref_slice %arg16[%dma_wait3A_567, %dma_wait3A_568] : memref<256x128xi32, #tpu.memory_space<vmem>> -> memref<128x128xi32, #tpu.memory_space<vmem>>
      %dma_wait3A_570 = arith.constant 0 : i32
      %dma_wait3A_571 = arith.constant 0 : i32
      %dma_wait3A_572 = tpu.memref_slice %arg4[%dma_wait3A_570, %dma_wait3A_571] : memref<12500x128xi32, #tpu.memory_space<hbm>> -> memref<12500x128xi32, #tpu.memory_space<hbm>>
      tpu.wait_indirect_dma semaphore(%arg19 : memref<!tpu.dma_semaphore, #tpu.memory_space<semaphore_mem>>) src(%dma_wait3A_572 : memref<12500x128xi32, #tpu.memory_space<hbm>>) dst(%dma_wait3A_569 : memref<128x128xi32, #tpu.memory_space<vmem>>)
      %dma_wait3A_573 = arith.constant 128 : i32
      %dma_wait3A_574 = arith.constant 0 : i32
      %dma_wait3A_575 = tpu.memref_slice %arg16[%dma_wait3A_573, %dma_wait3A_574] : memref<256x128xi32, #tpu.memory_space<vmem>> -> memref<128x128xi32, #tpu.memory_space<vmem>>
      %dma_wait3A_576 = arith.constant 0 : i32
      %dma_wait3A_577 = arith.constant 0 : i32
      %dma_wait3A_578 = tpu.memref_slice %arg5[%dma_wait3A_576, %dma_wait3A_577] : memref<12500x128xi32, #tpu.memory_space<hbm>> -> memref<12500x128xi32, #tpu.memory_space<hbm>>
      tpu.wait_indirect_dma semaphore(%arg19 : memref<!tpu.dma_semaphore, #tpu.memory_space<semaphore_mem>>) src(%dma_wait3A_578 : memref<12500x128xi32, #tpu.memory_space<hbm>>) dst(%dma_wait3A_575 : memref<128x128xi32, #tpu.memory_space<vmem>>)
      %add3A_579 = arith.constant 64 : i32
      %add3A_580 = vector.broadcast %add3A_579 : i32 to vector<16xi32>
      %add3A_581 = arith.addi %iota3A, %add3A_580 : vector<16xi32>
      %get3A_582 = arith.constant 0 : index
      %get3A_583 = tpu.vector_load %arg14[%get3A_582] {strides = array<i32>} : memref<64xi32, #tpu.memory_space<vmem>>, vector<16xi32>,
      %get3A_584 = arith.constant 0 : index
      %get3A_585 = tpu.vector_load %arg12[%get3A_584] {strides = array<i32>} : memref<64xi32, #tpu.memory_space<vmem>>, vector<16xi32>,
      %broadcast_in_dim3A_586 = arith.constant 0 : i32
      %broadcast_in_dim3A_587 = vector.broadcast %broadcast_in_dim3A_586 : i32 to vector<16xi32>
      %scan3A_588 = arith.constant 0 : i32
      %scan3A_589 = arith.constant 64 : i32
      %scan3A_590 = arith.addi %scan3A_588, %scan3A_589 : i32
      %scan3A_591 = arith.constant 8 : i32
      %scan3A_592:2 = scf.for %scan3A_639 = %scan3A_588 to %scan3A_590 step %scan3A_591 iter_args(%scan3A_640 = %get3A_585, %scan3A_641 = %broadcast_in_dim3A_587) -> (vector<16xi32>, vector<16xi32>)  : i32 {
        %shift_right_logical3A_642 = arith.constant 7 : i32
        %shift_right_logical3A_643 = vector.broadcast %shift_right_logical3A_642 : i32 to vector<16xi32>
        %shift_right_logical3A_644 = arith.shrui %scan3A_640, %shift_right_logical3A_643 : vector<16xi32>
        %and3A = arith.constant 127 : i32
        %and3A_645 = vector.broadcast %and3A : i32 to vector<16xi32>
        %and3A_646 = arith.andi %scan3A_640, %and3A_645 : vector<16xi32>
        %gather3A = tpu.vector_load_idx %arg16[%shift_right_logical3A_644, %and3A_646] : memref<256x128xi32, #tpu.memory_space<vmem>>[vector<16xi32>, vector<16xi32>], vector<16xi32>,
        tpu.vector_store_idx %arg17[%scan3A_641, %add3A_581], %gather3A : memref<64x128xi32, #tpu.memory_space<vmem>>[vector<16xi32>, vector<16xi32>], vector<16xi32>,
        %add3A_647 = arith.constant 1 : i32
        %add3A_648 = vector.broadcast %add3A_647 : i32 to vector<16xi32>
        %add3A_649 = arith.addi %scan3A_640, %add3A_648 : vector<16xi32>
        %min3A_650 = arith.minsi %add3A_649, %get3A_583 : vector<16xi32>
        %add3A_651 = arith.constant 1 : i32
        %add3A_652 = vector.broadcast %add3A_651 : i32 to vector<16xi32>
        %add3A_653 = arith.addi %scan3A_641, %add3A_652 : vector<16xi32>
        %scan3A_654 = arith.constant 1 : i32
        %scan3A_655 = arith.addi %scan3A_639, %scan3A_654 : i32
        %shift_right_logical3A_656 = arith.constant 7 : i32
        %shift_right_logical3A_657 = vector.broadcast %shift_right_logical3A_656 : i32 to vector<16xi32>
        %shift_right_logical3A_658 = arith.shrui %min3A_650, %shift_right_logical3A_657 : vector<16xi32>
        %and3A_659 = arith.constant 127 : i32
        %and3A_660 = vector.broadcast %and3A_659 : i32 to vector<16xi32>
        %and3A_661 = arith.andi %min3A_650, %and3A_660 : vector<16xi32>
        %gather3A_662 = tpu.vector_load_idx %arg16[%shift_right_logical3A_658, %and3A_661] : memref<256x128xi32, #tpu.memory_space<vmem>>[vector<16xi32>, vector<16xi32>], vector<16xi32>,
        tpu.vector_store_idx %arg17[%add3A_653, %add3A_581], %gather3A_662 : memref<64x128xi32, #tpu.memory_space<vmem>>[vector<16xi32>, vector<16xi32>], vector<16xi32>,
        %add3A_663 = arith.constant 1 : i32
        %add3A_664 = vector.broadcast %add3A_663 : i32 to vector<16xi32>
        %add3A_665 = arith.addi %min3A_650, %add3A_664 : vector<16xi32>
        %min3A_666 = arith.minsi %add3A_665, %get3A_583 : vector<16xi32>
        %add3A_667 = arith.constant 1 : i32
        %add3A_668 = vector.broadcast %add3A_667 : i32 to vector<16xi32>
        %add3A_669 = arith.addi %add3A_653, %add3A_668 : vector<16xi32>
        %scan3A_670 = arith.constant 2 : i32
        %scan3A_671 = arith.addi %scan3A_639, %scan3A_670 : i32
        %shift_right_logical3A_672 = arith.constant 7 : i32
        %shift_right_logical3A_673 = vector.broadcast %shift_right_logical3A_672 : i32 to vector<16xi32>
        %shift_right_logical3A_674 = arith.shrui %min3A_666, %shift_right_logical3A_673 : vector<16xi32>
        %and3A_675 = arith.constant 127 : i32
        %and3A_676 = vector.broadcast %and3A_675 : i32 to vector<16xi32>
        %and3A_677 = arith.andi %min3A_666, %and3A_676 : vector<16xi32>
        %gather3A_678 = tpu.vector_load_idx %arg16[%shift_right_logical3A_674, %and3A_677] : memref<256x128xi32, #tpu.memory_space<vmem>>[vector<16xi32>, vector<16xi32>], vector<16xi32>,
        tpu.vector_store_idx %arg17[%add3A_669, %add3A_581], %gather3A_678 : memref<64x128xi32, #tpu.memory_space<vmem>>[vector<16xi32>, vector<16xi32>], vector<16xi32>,
        %add3A_679 = arith.constant 1 : i32
        %add3A_680 = vector.broadcast %add3A_679 : i32 to vector<16xi32>
        %add3A_681 = arith.addi %min3A_666, %add3A_680 : vector<16xi32>
        %min3A_682 = arith.minsi %add3A_681, %get3A_583 : vector<16xi32>
        %add3A_683 = arith.constant 1 : i32
        %add3A_684 = vector.broadcast %add3A_683 : i32 to vector<16xi32>
        %add3A_685 = arith.addi %add3A_669, %add3A_684 : vector<16xi32>
        %scan3A_686 = arith.constant 3 : i32
        %scan3A_687 = arith.addi %scan3A_639, %scan3A_686 : i32
        %shift_right_logical3A_688 = arith.constant 7 : i32
        %shift_right_logical3A_689 = vector.broadcast %shift_right_logical3A_688 : i32 to vector<16xi32>
        %shift_right_logical3A_690 = arith.shrui %min3A_682, %shift_right_logical3A_689 : vector<16xi32>
        %and3A_691 = arith.constant 127 : i32
        %and3A_692 = vector.broadcast %and3A_691 : i32 to vector<16xi32>
        %and3A_693 = arith.andi %min3A_682, %and3A_692 : vector<16xi32>
        %gather3A_694 = tpu.vector_load_idx %arg16[%shift_right_logical3A_690, %and3A_693] : memref<256x128xi32, #tpu.memory_space<vmem>>[vector<16xi32>, vector<16xi32>], vector<16xi32>,
        tpu.vector_store_idx %arg17[%add3A_685, %add3A_581], %gather3A_694 : memref<64x128xi32, #tpu.memory_space<vmem>>[vector<16xi32>, vector<16xi32>], vector<16xi32>,
        %add3A_695 = arith.constant 1 : i32
        %add3A_696 = vector.broadcast %add3A_695 : i32 to vector<16xi32>
        %add3A_697 = arith.addi %min3A_682, %add3A_696 : vector<16xi32>
        %min3A_698 = arith.minsi %add3A_697, %get3A_583 : vector<16xi32>
        %add3A_699 = arith.constant 1 : i32
        %add3A_700 = vector.broadcast %add3A_699 : i32 to vector<16xi32>
        %add3A_701 = arith.addi %add3A_685, %add3A_700 : vector<16xi32>
        %scan3A_702 = arith.constant 4 : i32
        %scan3A_703 = arith.addi %scan3A_639, %scan3A_702 : i32
        %shift_right_logical3A_704 = arith.constant 7 : i32
        %shift_right_logical3A_705 = vector.broadcast %shift_right_logical3A_704 : i32 to vector<16xi32>
        %shift_right_logical3A_706 = arith.shrui %min3A_698, %shift_right_logical3A_705 : vector<16xi32>
        %and3A_707 = arith.constant 127 : i32
        %and3A_708 = vector.broadcast %and3A_707 : i32 to vector<16xi32>
        %and3A_709 = arith.andi %min3A_698, %and3A_708 : vector<16xi32>
        %gather3A_710 = tpu.vector_load_idx %arg16[%shift_right_logical3A_706, %and3A_709] : memref<256x128xi32, #tpu.memory_space<vmem>>[vector<16xi32>, vector<16xi32>], vector<16xi32>,
        tpu.vector_store_idx %arg17[%add3A_701, %add3A_581], %gather3A_710 : memref<64x128xi32, #tpu.memory_space<vmem>>[vector<16xi32>, vector<16xi32>], vector<16xi32>,
        %add3A_711 = arith.constant 1 : i32
        %add3A_712 = vector.broadcast %add3A_711 : i32 to vector<16xi32>
        %add3A_713 = arith.addi %min3A_698, %add3A_712 : vector<16xi32>
        %min3A_714 = arith.minsi %add3A_713, %get3A_583 : vector<16xi32>
        %add3A_715 = arith.constant 1 : i32
        %add3A_716 = vector.broadcast %add3A_715 : i32 to vector<16xi32>
        %add3A_717 = arith.addi %add3A_701, %add3A_716 : vector<16xi32>
        %scan3A_718 = arith.constant 5 : i32
        %scan3A_719 = arith.addi %scan3A_639, %scan3A_718 : i32
        %shift_right_logical3A_720 = arith.constant 7 : i32
        %shift_right_logical3A_721 = vector.broadcast %shift_right_logical3A_720 : i32 to vector<16xi32>
        %shift_right_logical3A_722 = arith.shrui %min3A_714, %shift_right_logical3A_721 : vector<16xi32>
        %and3A_723 = arith.constant 127 : i32
        %and3A_724 = vector.broadcast %and3A_723 : i32 to vector<16xi32>
        %and3A_725 = arith.andi %min3A_714, %and3A_724 : vector<16xi32>
        %gather3A_726 = tpu.vector_load_idx %arg16[%shift_right_logical3A_722, %and3A_725] : memref<256x128xi32, #tpu.memory_space<vmem>>[vector<16xi32>, vector<16xi32>], vector<16xi32>,
        tpu.vector_store_idx %arg17[%add3A_717, %add3A_581], %gather3A_726 : memref<64x128xi32, #tpu.memory_space<vmem>>[vector<16xi32>, vector<16xi32>], vector<16xi32>,
        %add3A_727 = arith.constant 1 : i32
        %add3A_728 = vector.broadcast %add3A_727 : i32 to vector<16xi32>
        %add3A_729 = arith.addi %min3A_714, %add3A_728 : vector<16xi32>
        %min3A_730 = arith.minsi %add3A_729, %get3A_583 : vector<16xi32>
        %add3A_731 = arith.constant 1 : i32
        %add3A_732 = vector.broadcast %add3A_731 : i32 to vector<16xi32>
        %add3A_733 = arith.addi %add3A_717, %add3A_732 : vector<16xi32>
        %scan3A_734 = arith.constant 6 : i32
        %scan3A_735 = arith.addi %scan3A_639, %scan3A_734 : i32
        %shift_right_logical3A_736 = arith.constant 7 : i32
        %shift_right_logical3A_737 = vector.broadcast %shift_right_logical3A_736 : i32 to vector<16xi32>
        %shift_right_logical3A_738 = arith.shrui %min3A_730, %shift_right_logical3A_737 : vector<16xi32>
        %and3A_739 = arith.constant 127 : i32
        %and3A_740 = vector.broadcast %and3A_739 : i32 to vector<16xi32>
        %and3A_741 = arith.andi %min3A_730, %and3A_740 : vector<16xi32>
        %gather3A_742 = tpu.vector_load_idx %arg16[%shift_right_logical3A_738, %and3A_741] : memref<256x128xi32, #tpu.memory_space<vmem>>[vector<16xi32>, vector<16xi32>], vector<16xi32>,
        tpu.vector_store_idx %arg17[%add3A_733, %add3A_581], %gather3A_742 : memref<64x128xi32, #tpu.memory_space<vmem>>[vector<16xi32>, vector<16xi32>], vector<16xi32>,
        %add3A_743 = arith.constant 1 : i32
        %add3A_744 = vector.broadcast %add3A_743 : i32 to vector<16xi32>
        %add3A_745 = arith.addi %min3A_730, %add3A_744 : vector<16xi32>
        %min3A_746 = arith.minsi %add3A_745, %get3A_583 : vector<16xi32>
        %add3A_747 = arith.constant 1 : i32
        %add3A_748 = vector.broadcast %add3A_747 : i32 to vector<16xi32>
        %add3A_749 = arith.addi %add3A_733, %add3A_748 : vector<16xi32>
        %scan3A_750 = arith.constant 7 : i32
        %scan3A_751 = arith.addi %scan3A_639, %scan3A_750 : i32
        %shift_right_logical3A_752 = arith.constant 7 : i32
        %shift_right_logical3A_753 = vector.broadcast %shift_right_logical3A_752 : i32 to vector<16xi32>
        %shift_right_logical3A_754 = arith.shrui %min3A_746, %shift_right_logical3A_753 : vector<16xi32>
        %and3A_755 = arith.constant 127 : i32
        %and3A_756 = vector.broadcast %and3A_755 : i32 to vector<16xi32>
        %and3A_757 = arith.andi %min3A_746, %and3A_756 : vector<16xi32>
        %gather3A_758 = tpu.vector_load_idx %arg16[%shift_right_logical3A_754, %and3A_757] : memref<256x128xi32, #tpu.memory_space<vmem>>[vector<16xi32>, vector<16xi32>], vector<16xi32>,
        tpu.vector_store_idx %arg17[%add3A_749, %add3A_581], %gather3A_758 : memref<64x128xi32, #tpu.memory_space<vmem>>[vector<16xi32>, vector<16xi32>], vector<16xi32>,
        %add3A_759 = arith.constant 1 : i32
        %add3A_760 = vector.broadcast %add3A_759 : i32 to vector<16xi32>
        %add3A_761 = arith.addi %min3A_746, %add3A_760 : vector<16xi32>
        %min3A_762 = arith.minsi %add3A_761, %get3A_583 : vector<16xi32>
        %add3A_763 = arith.constant 1 : i32
        %add3A_764 = vector.broadcast %add3A_763 : i32 to vector<16xi32>
        %add3A_765 = arith.addi %add3A_749, %add3A_764 : vector<16xi32>
        scf.yield %min3A_762, %add3A_765 : vector<16xi32>, vector<16xi32>
      }
      %scan3A_593 = arith.constant 64 : i32
      %add3A_594 = arith.constant 80 : i32
      %add3A_595 = vector.broadcast %add3A_594 : i32 to vector<16xi32>
      %add3A_596 = arith.addi %iota3A, %add3A_595 : vector<16xi32>
      %get3A_597 = arith.constant 16 : index
      %get3A_598 = tpu.vector_load %arg14[%get3A_597] {strides = array<i32>} : memref<64xi32, #tpu.memory_space<vmem>>, vector<16xi32>,
      %get3A_599 = arith.constant 16 : index
      %get3A_600 = tpu.vector_load %arg12[%get3A_599] {strides = array<i32>} : memref<64xi32, #tpu.memory_space<vmem>>, vector<16xi32>,
      %broadcast_in_dim3A_601 = arith.constant 0 : i32
      %broadcast_in_dim3A_602 = vector.broadcast %broadcast_in_dim3A_601 : i32 to vector<16xi32>
      %scan3A_603 = arith.constant 0 : i32
      %scan3A_604 = arith.constant 64 : i32
      %scan3A_605 = arith.addi %scan3A_603, %scan3A_604 : i32
      %scan3A_606 = arith.constant 8 : i32
      %scan3A_607:2 = scf.for %scan3A_639 = %scan3A_603 to %scan3A_605 step %scan3A_606 iter_args(%scan3A_640 = %get3A_600, %scan3A_641 = %broadcast_in_dim3A_602) -> (vector<16xi32>, vector<16xi32>)  : i32 {
        %shift_right_logical3A_642 = arith.constant 7 : i32
        %shift_right_logical3A_643 = vector.broadcast %shift_right_logical3A_642 : i32 to vector<16xi32>
        %shift_right_logical3A_644 = arith.shrui %scan3A_640, %shift_right_logical3A_643 : vector<16xi32>
        %and3A = arith.constant 127 : i32
        %and3A_645 = vector.broadcast %and3A : i32 to vector<16xi32>
        %and3A_646 = arith.andi %scan3A_640, %and3A_645 : vector<16xi32>
        %gather3A = tpu.vector_load_idx %arg16[%shift_right_logical3A_644, %and3A_646] : memref<256x128xi32, #tpu.memory_space<vmem>>[vector<16xi32>, vector<16xi32>], vector<16xi32>,
        tpu.vector_store_idx %arg17[%scan3A_641, %add3A_596], %gather3A : memref<64x128xi32, #tpu.memory_space<vmem>>[vector<16xi32>, vector<16xi32>], vector<16xi32>,
        %add3A_647 = arith.constant 1 : i32
        %add3A_648 = vector.broadcast %add3A_647 : i32 to vector<16xi32>
        %add3A_649 = arith.addi %scan3A_640, %add3A_648 : vector<16xi32>
        %min3A_650 = arith.minsi %add3A_649, %get3A_598 : vector<16xi32>
        %add3A_651 = arith.constant 1 : i32
        %add3A_652 = vector.broadcast %add3A_651 : i32 to vector<16xi32>
        %add3A_653 = arith.addi %scan3A_641, %add3A_652 : vector<16xi32>
        %scan3A_654 = arith.constant 1 : i32
        %scan3A_655 = arith.addi %scan3A_639, %scan3A_654 : i32
        %shift_right_logical3A_656 = arith.constant 7 : i32
        %shift_right_logical3A_657 = vector.broadcast %shift_right_logical3A_656 : i32 to vector<16xi32>
        %shift_right_logical3A_658 = arith.shrui %min3A_650, %shift_right_logical3A_657 : vector<16xi32>
        %and3A_659 = arith.constant 127 : i32
        %and3A_660 = vector.broadcast %and3A_659 : i32 to vector<16xi32>
        %and3A_661 = arith.andi %min3A_650, %and3A_660 : vector<16xi32>
        %gather3A_662 = tpu.vector_load_idx %arg16[%shift_right_logical3A_658, %and3A_661] : memref<256x128xi32, #tpu.memory_space<vmem>>[vector<16xi32>, vector<16xi32>], vector<16xi32>,
        tpu.vector_store_idx %arg17[%add3A_653, %add3A_596], %gather3A_662 : memref<64x128xi32, #tpu.memory_space<vmem>>[vector<16xi32>, vector<16xi32>], vector<16xi32>,
        %add3A_663 = arith.constant 1 : i32
        %add3A_664 = vector.broadcast %add3A_663 : i32 to vector<16xi32>
        %add3A_665 = arith.addi %min3A_650, %add3A_664 : vector<16xi32>
        %min3A_666 = arith.minsi %add3A_665, %get3A_598 : vector<16xi32>
        %add3A_667 = arith.constant 1 : i32
        %add3A_668 = vector.broadcast %add3A_667 : i32 to vector<16xi32>
        %add3A_669 = arith.addi %add3A_653, %add3A_668 : vector<16xi32>
        %scan3A_670 = arith.constant 2 : i32
        %scan3A_671 = arith.addi %scan3A_639, %scan3A_670 : i32
        %shift_right_logical3A_672 = arith.constant 7 : i32
        %shift_right_logical3A_673 = vector.broadcast %shift_right_logical3A_672 : i32 to vector<16xi32>
        %shift_right_logical3A_674 = arith.shrui %min3A_666, %shift_right_logical3A_673 : vector<16xi32>
        %and3A_675 = arith.constant 127 : i32
        %and3A_676 = vector.broadcast %and3A_675 : i32 to vector<16xi32>
        %and3A_677 = arith.andi %min3A_666, %and3A_676 : vector<16xi32>
        %gather3A_678 = tpu.vector_load_idx %arg16[%shift_right_logical3A_674, %and3A_677] : memref<256x128xi32, #tpu.memory_space<vmem>>[vector<16xi32>, vector<16xi32>], vector<16xi32>,
        tpu.vector_store_idx %arg17[%add3A_669, %add3A_596], %gather3A_678 : memref<64x128xi32, #tpu.memory_space<vmem>>[vector<16xi32>, vector<16xi32>], vector<16xi32>,
        %add3A_679 = arith.constant 1 : i32
        %add3A_680 = vector.broadcast %add3A_679 : i32 to vector<16xi32>
        %add3A_681 = arith.addi %min3A_666, %add3A_680 : vector<16xi32>
        %min3A_682 = arith.minsi %add3A_681, %get3A_598 : vector<16xi32>
        %add3A_683 = arith.constant 1 : i32
        %add3A_684 = vector.broadcast %add3A_683 : i32 to vector<16xi32>
        %add3A_685 = arith.addi %add3A_669, %add3A_684 : vector<16xi32>
        %scan3A_686 = arith.constant 3 : i32
        %scan3A_687 = arith.addi %scan3A_639, %scan3A_686 : i32
        %shift_right_logical3A_688 = arith.constant 7 : i32
        %shift_right_logical3A_689 = vector.broadcast %shift_right_logical3A_688 : i32 to vector<16xi32>
        %shift_right_logical3A_690 = arith.shrui %min3A_682, %shift_right_logical3A_689 : vector<16xi32>
        %and3A_691 = arith.constant 127 : i32
        %and3A_692 = vector.broadcast %and3A_691 : i32 to vector<16xi32>
        %and3A_693 = arith.andi %min3A_682, %and3A_692 : vector<16xi32>
        %gather3A_694 = tpu.vector_load_idx %arg16[%shift_right_logical3A_690, %and3A_693] : memref<256x128xi32, #tpu.memory_space<vmem>>[vector<16xi32>, vector<16xi32>], vector<16xi32>,
        tpu.vector_store_idx %arg17[%add3A_685, %add3A_596], %gather3A_694 : memref<64x128xi32, #tpu.memory_space<vmem>>[vector<16xi32>, vector<16xi32>], vector<16xi32>,
        %add3A_695 = arith.constant 1 : i32
        %add3A_696 = vector.broadcast %add3A_695 : i32 to vector<16xi32>
        %add3A_697 = arith.addi %min3A_682, %add3A_696 : vector<16xi32>
        %min3A_698 = arith.minsi %add3A_697, %get3A_598 : vector<16xi32>
        %add3A_699 = arith.constant 1 : i32
        %add3A_700 = vector.broadcast %add3A_699 : i32 to vector<16xi32>
        %add3A_701 = arith.addi %add3A_685, %add3A_700 : vector<16xi32>
        %scan3A_702 = arith.constant 4 : i32
        %scan3A_703 = arith.addi %scan3A_639, %scan3A_702 : i32
        %shift_right_logical3A_704 = arith.constant 7 : i32
        %shift_right_logical3A_705 = vector.broadcast %shift_right_logical3A_704 : i32 to vector<16xi32>
        %shift_right_logical3A_706 = arith.shrui %min3A_698, %shift_right_logical3A_705 : vector<16xi32>
        %and3A_707 = arith.constant 127 : i32
        %and3A_708 = vector.broadcast %and3A_707 : i32 to vector<16xi32>
        %and3A_709 = arith.andi %min3A_698, %and3A_708 : vector<16xi32>
        %gather3A_710 = tpu.vector_load_idx %arg16[%shift_right_logical3A_706, %and3A_709] : memref<256x128xi32, #tpu.memory_space<vmem>>[vector<16xi32>, vector<16xi32>], vector<16xi32>,
        tpu.vector_store_idx %arg17[%add3A_701, %add3A_596], %gather3A_710 : memref<64x128xi32, #tpu.memory_space<vmem>>[vector<16xi32>, vector<16xi32>], vector<16xi32>,
        %add3A_711 = arith.constant 1 : i32
        %add3A_712 = vector.broadcast %add3A_711 : i32 to vector<16xi32>
        %add3A_713 = arith.addi %min3A_698, %add3A_712 : vector<16xi32>
        %min3A_714 = arith.minsi %add3A_713, %get3A_598 : vector<16xi32>
        %add3A_715 = arith.constant 1 : i32
        %add3A_716 = vector.broadcast %add3A_715 : i32 to vector<16xi32>
        %add3A_717 = arith.addi %add3A_701, %add3A_716 : vector<16xi32>
        %scan3A_718 = arith.constant 5 : i32
        %scan3A_719 = arith.addi %scan3A_639, %scan3A_718 : i32
        %shift_right_logical3A_720 = arith.constant 7 : i32
        %shift_right_logical3A_721 = vector.broadcast %shift_right_logical3A_720 : i32 to vector<16xi32>
        %shift_right_logical3A_722 = arith.shrui %min3A_714, %shift_right_logical3A_721 : vector<16xi32>
        %and3A_723 = arith.constant 127 : i32
        %and3A_724 = vector.broadcast %and3A_723 : i32 to vector<16xi32>
        %and3A_725 = arith.andi %min3A_714, %and3A_724 : vector<16xi32>
        %gather3A_726 = tpu.vector_load_idx %arg16[%shift_right_logical3A_722, %and3A_725] : memref<256x128xi32, #tpu.memory_space<vmem>>[vector<16xi32>, vector<16xi32>], vector<16xi32>,
        tpu.vector_store_idx %arg17[%add3A_717, %add3A_596], %gather3A_726 : memref<64x128xi32, #tpu.memory_space<vmem>>[vector<16xi32>, vector<16xi32>], vector<16xi32>,
        %add3A_727 = arith.constant 1 : i32
        %add3A_728 = vector.broadcast %add3A_727 : i32 to vector<16xi32>
        %add3A_729 = arith.addi %min3A_714, %add3A_728 : vector<16xi32>
        %min3A_730 = arith.minsi %add3A_729, %get3A_598 : vector<16xi32>
        %add3A_731 = arith.constant 1 : i32
        %add3A_732 = vector.broadcast %add3A_731 : i32 to vector<16xi32>
        %add3A_733 = arith.addi %add3A_717, %add3A_732 : vector<16xi32>
        %scan3A_734 = arith.constant 6 : i32
        %scan3A_735 = arith.addi %scan3A_639, %scan3A_734 : i32
        %shift_right_logical3A_736 = arith.constant 7 : i32
        %shift_right_logical3A_737 = vector.broadcast %shift_right_logical3A_736 : i32 to vector<16xi32>
        %shift_right_logical3A_738 = arith.shrui %min3A_730, %shift_right_logical3A_737 : vector<16xi32>
        %and3A_739 = arith.constant 127 : i32
        %and3A_740 = vector.broadcast %and3A_739 : i32 to vector<16xi32>
        %and3A_741 = arith.andi %min3A_730, %and3A_740 : vector<16xi32>
        %gather3A_742 = tpu.vector_load_idx %arg16[%shift_right_logical3A_738, %and3A_741] : memref<256x128xi32, #tpu.memory_space<vmem>>[vector<16xi32>, vector<16xi32>], vector<16xi32>,
        tpu.vector_store_idx %arg17[%add3A_733, %add3A_596], %gather3A_742 : memref<64x128xi32, #tpu.memory_space<vmem>>[vector<16xi32>, vector<16xi32>], vector<16xi32>,
        %add3A_743 = arith.constant 1 : i32
        %add3A_744 = vector.broadcast %add3A_743 : i32 to vector<16xi32>
        %add3A_745 = arith.addi %min3A_730, %add3A_744 : vector<16xi32>
        %min3A_746 = arith.minsi %add3A_745, %get3A_598 : vector<16xi32>
        %add3A_747 = arith.constant 1 : i32
        %add3A_748 = vector.broadcast %add3A_747 : i32 to vector<16xi32>
        %add3A_749 = arith.addi %add3A_733, %add3A_748 : vector<16xi32>
        %scan3A_750 = arith.constant 7 : i32
        %scan3A_751 = arith.addi %scan3A_639, %scan3A_750 : i32
        %shift_right_logical3A_752 = arith.constant 7 : i32
        %shift_right_logical3A_753 = vector.broadcast %shift_right_logical3A_752 : i32 to vector<16xi32>
        %shift_right_logical3A_754 = arith.shrui %min3A_746, %shift_right_logical3A_753 : vector<16xi32>
        %and3A_755 = arith.constant 127 : i32
        %and3A_756 = vector.broadcast %and3A_755 : i32 to vector<16xi32>
        %and3A_757 = arith.andi %min3A_746, %and3A_756 : vector<16xi32>
        %gather3A_758 = tpu.vector_load_idx %arg16[%shift_right_logical3A_754, %and3A_757] : memref<256x128xi32, #tpu.memory_space<vmem>>[vector<16xi32>, vector<16xi32>], vector<16xi32>,
        tpu.vector_store_idx %arg17[%add3A_749, %add3A_596], %gather3A_758 : memref<64x128xi32, #tpu.memory_space<vmem>>[vector<16xi32>, vector<16xi32>], vector<16xi32>,
        %add3A_759 = arith.constant 1 : i32
        %add3A_760 = vector.broadcast %add3A_759 : i32 to vector<16xi32>
        %add3A_761 = arith.addi %min3A_746, %add3A_760 : vector<16xi32>
        %min3A_762 = arith.minsi %add3A_761, %get3A_598 : vector<16xi32>
        %add3A_763 = arith.constant 1 : i32
        %add3A_764 = vector.broadcast %add3A_763 : i32 to vector<16xi32>
        %add3A_765 = arith.addi %add3A_749, %add3A_764 : vector<16xi32>
        scf.yield %min3A_762, %add3A_765 : vector<16xi32>, vector<16xi32>
      }
      %scan3A_608 = arith.constant 64 : i32
      %add3A_609 = arith.constant 96 : i32
      %add3A_610 = vector.broadcast %add3A_609 : i32 to vector<16xi32>
      %add3A_611 = arith.addi %iota3A, %add3A_610 : vector<16xi32>
      %get3A_612 = arith.constant 32 : index
      %get3A_613 = tpu.vector_load %arg14[%get3A_612] {strides = array<i32>} : memref<64xi32, #tpu.memory_space<vmem>>, vector<16xi32>,
      %get3A_614 = arith.constant 32 : index
      %get3A_615 = tpu.vector_load %arg12[%get3A_614] {strides = array<i32>} : memref<64xi32, #tpu.memory_space<vmem>>, vector<16xi32>,
      %broadcast_in_dim3A_616 = arith.constant 0 : i32
      %broadcast_in_dim3A_617 = vector.broadcast %broadcast_in_dim3A_616 : i32 to vector<16xi32>
      %scan3A_618 = arith.constant 0 : i32
      %scan3A_619 = arith.constant 64 : i32
      %scan3A_620 = arith.addi %scan3A_618, %scan3A_619 : i32
      %scan3A_621 = arith.constant 8 : i32
      %scan3A_622:2 = scf.for %scan3A_639 = %scan3A_618 to %scan3A_620 step %scan3A_621 iter_args(%scan3A_640 = %get3A_615, %scan3A_641 = %broadcast_in_dim3A_617) -> (vector<16xi32>, vector<16xi32>)  : i32 {
        %shift_right_logical3A_642 = arith.constant 7 : i32
        %shift_right_logical3A_643 = vector.broadcast %shift_right_logical3A_642 : i32 to vector<16xi32>
        %shift_right_logical3A_644 = arith.shrui %scan3A_640, %shift_right_logical3A_643 : vector<16xi32>
        %and3A = arith.constant 127 : i32
        %and3A_645 = vector.broadcast %and3A : i32 to vector<16xi32>
        %and3A_646 = arith.andi %scan3A_640, %and3A_645 : vector<16xi32>
        %gather3A = tpu.vector_load_idx %arg16[%shift_right_logical3A_644, %and3A_646] : memref<256x128xi32, #tpu.memory_space<vmem>>[vector<16xi32>, vector<16xi32>], vector<16xi32>,
        tpu.vector_store_idx %arg17[%scan3A_641, %add3A_611], %gather3A : memref<64x128xi32, #tpu.memory_space<vmem>>[vector<16xi32>, vector<16xi32>], vector<16xi32>,
        %add3A_647 = arith.constant 1 : i32
        %add3A_648 = vector.broadcast %add3A_647 : i32 to vector<16xi32>
        %add3A_649 = arith.addi %scan3A_640, %add3A_648 : vector<16xi32>
        %min3A_650 = arith.minsi %add3A_649, %get3A_613 : vector<16xi32>
        %add3A_651 = arith.constant 1 : i32
        %add3A_652 = vector.broadcast %add3A_651 : i32 to vector<16xi32>
        %add3A_653 = arith.addi %scan3A_641, %add3A_652 : vector<16xi32>
        %scan3A_654 = arith.constant 1 : i32
        %scan3A_655 = arith.addi %scan3A_639, %scan3A_654 : i32
        %shift_right_logical3A_656 = arith.constant 7 : i32
        %shift_right_logical3A_657 = vector.broadcast %shift_right_logical3A_656 : i32 to vector<16xi32>
        %shift_right_logical3A_658 = arith.shrui %min3A_650, %shift_right_logical3A_657 : vector<16xi32>
        %and3A_659 = arith.constant 127 : i32
        %and3A_660 = vector.broadcast %and3A_659 : i32 to vector<16xi32>
        %and3A_661 = arith.andi %min3A_650, %and3A_660 : vector<16xi32>
        %gather3A_662 = tpu.vector_load_idx %arg16[%shift_right_logical3A_658, %and3A_661] : memref<256x128xi32, #tpu.memory_space<vmem>>[vector<16xi32>, vector<16xi32>], vector<16xi32>,
        tpu.vector_store_idx %arg17[%add3A_653, %add3A_611], %gather3A_662 : memref<64x128xi32, #tpu.memory_space<vmem>>[vector<16xi32>, vector<16xi32>], vector<16xi32>,
        %add3A_663 = arith.constant 1 : i32
        %add3A_664 = vector.broadcast %add3A_663 : i32 to vector<16xi32>
        %add3A_665 = arith.addi %min3A_650, %add3A_664 : vector<16xi32>
        %min3A_666 = arith.minsi %add3A_665, %get3A_613 : vector<16xi32>
        %add3A_667 = arith.constant 1 : i32
        %add3A_668 = vector.broadcast %add3A_667 : i32 to vector<16xi32>
        %add3A_669 = arith.addi %add3A_653, %add3A_668 : vector<16xi32>
        %scan3A_670 = arith.constant 2 : i32
        %scan3A_671 = arith.addi %scan3A_639, %scan3A_670 : i32
        %shift_right_logical3A_672 = arith.constant 7 : i32
        %shift_right_logical3A_673 = vector.broadcast %shift_right_logical3A_672 : i32 to vector<16xi32>
        %shift_right_logical3A_674 = arith.shrui %min3A_666, %shift_right_logical3A_673 : vector<16xi32>
        %and3A_675 = arith.constant 127 : i32
        %and3A_676 = vector.broadcast %and3A_675 : i32 to vector<16xi32>
        %and3A_677 = arith.andi %min3A_666, %and3A_676 : vector<16xi32>
        %gather3A_678 = tpu.vector_load_idx %arg16[%shift_right_logical3A_674, %and3A_677] : memref<256x128xi32, #tpu.memory_space<vmem>>[vector<16xi32>, vector<16xi32>], vector<16xi32>,
        tpu.vector_store_idx %arg17[%add3A_669, %add3A_611], %gather3A_678 : memref<64x128xi32, #tpu.memory_space<vmem>>[vector<16xi32>, vector<16xi32>], vector<16xi32>,
        %add3A_679 = arith.constant 1 : i32
        %add3A_680 = vector.broadcast %add3A_679 : i32 to vector<16xi32>
        %add3A_681 = arith.addi %min3A_666, %add3A_680 : vector<16xi32>
        %min3A_682 = arith.minsi %add3A_681, %get3A_613 : vector<16xi32>
        %add3A_683 = arith.constant 1 : i32
        %add3A_684 = vector.broadcast %add3A_683 : i32 to vector<16xi32>
        %add3A_685 = arith.addi %add3A_669, %add3A_684 : vector<16xi32>
        %scan3A_686 = arith.constant 3 : i32
        %scan3A_687 = arith.addi %scan3A_639, %scan3A_686 : i32
        %shift_right_logical3A_688 = arith.constant 7 : i32
        %shift_right_logical3A_689 = vector.broadcast %shift_right_logical3A_688 : i32 to vector<16xi32>
        %shift_right_logical3A_690 = arith.shrui %min3A_682, %shift_right_logical3A_689 : vector<16xi32>
        %and3A_691 = arith.constant 127 : i32
        %and3A_692 = vector.broadcast %and3A_691 : i32 to vector<16xi32>
        %and3A_693 = arith.andi %min3A_682, %and3A_692 : vector<16xi32>
        %gather3A_694 = tpu.vector_load_idx %arg16[%shift_right_logical3A_690, %and3A_693] : memref<256x128xi32, #tpu.memory_space<vmem>>[vector<16xi32>, vector<16xi32>], vector<16xi32>,
        tpu.vector_store_idx %arg17[%add3A_685, %add3A_611], %gather3A_694 : memref<64x128xi32, #tpu.memory_space<vmem>>[vector<16xi32>, vector<16xi32>], vector<16xi32>,
        %add3A_695 = arith.constant 1 : i32
        %add3A_696 = vector.broadcast %add3A_695 : i32 to vector<16xi32>
        %add3A_697 = arith.addi %min3A_682, %add3A_696 : vector<16xi32>
        %min3A_698 = arith.minsi %add3A_697, %get3A_613 : vector<16xi32>
        %add3A_699 = arith.constant 1 : i32
        %add3A_700 = vector.broadcast %add3A_699 : i32 to vector<16xi32>
        %add3A_701 = arith.addi %add3A_685, %add3A_700 : vector<16xi32>
        %scan3A_702 = arith.constant 4 : i32
        %scan3A_703 = arith.addi %scan3A_639, %scan3A_702 : i32
        %shift_right_logical3A_704 = arith.constant 7 : i32
        %shift_right_logical3A_705 = vector.broadcast %shift_right_logical3A_704 : i32 to vector<16xi32>
        %shift_right_logical3A_706 = arith.shrui %min3A_698, %shift_right_logical3A_705 : vector<16xi32>
        %and3A_707 = arith.constant 127 : i32
        %and3A_708 = vector.broadcast %and3A_707 : i32 to vector<16xi32>
        %and3A_709 = arith.andi %min3A_698, %and3A_708 : vector<16xi32>
        %gather3A_710 = tpu.vector_load_idx %arg16[%shift_right_logical3A_706, %and3A_709] : memref<256x128xi32, #tpu.memory_space<vmem>>[vector<16xi32>, vector<16xi32>], vector<16xi32>,
        tpu.vector_store_idx %arg17[%add3A_701, %add3A_611], %gather3A_710 : memref<64x128xi32, #tpu.memory_space<vmem>>[vector<16xi32>, vector<16xi32>], vector<16xi32>,
        %add3A_711 = arith.constant 1 : i32
        %add3A_712 = vector.broadcast %add3A_711 : i32 to vector<16xi32>
        %add3A_713 = arith.addi %min3A_698, %add3A_712 : vector<16xi32>
        %min3A_714 = arith.minsi %add3A_713, %get3A_613 : vector<16xi32>
        %add3A_715 = arith.constant 1 : i32
        %add3A_716 = vector.broadcast %add3A_715 : i32 to vector<16xi32>
        %add3A_717 = arith.addi %add3A_701, %add3A_716 : vector<16xi32>
        %scan3A_718 = arith.constant 5 : i32
        %scan3A_719 = arith.addi %scan3A_639, %scan3A_718 : i32
        %shift_right_logical3A_720 = arith.constant 7 : i32
        %shift_right_logical3A_721 = vector.broadcast %shift_right_logical3A_720 : i32 to vector<16xi32>
        %shift_right_logical3A_722 = arith.shrui %min3A_714, %shift_right_logical3A_721 : vector<16xi32>
        %and3A_723 = arith.constant 127 : i32
        %and3A_724 = vector.broadcast %and3A_723 : i32 to vector<16xi32>
        %and3A_725 = arith.andi %min3A_714, %and3A_724 : vector<16xi32>
        %gather3A_726 = tpu.vector_load_idx %arg16[%shift_right_logical3A_722, %and3A_725] : memref<256x128xi32, #tpu.memory_space<vmem>>[vector<16xi32>, vector<16xi32>], vector<16xi32>,
        tpu.vector_store_idx %arg17[%add3A_717, %add3A_611], %gather3A_726 : memref<64x128xi32, #tpu.memory_space<vmem>>[vector<16xi32>, vector<16xi32>], vector<16xi32>,
        %add3A_727 = arith.constant 1 : i32
        %add3A_728 = vector.broadcast %add3A_727 : i32 to vector<16xi32>
        %add3A_729 = arith.addi %min3A_714, %add3A_728 : vector<16xi32>
        %min3A_730 = arith.minsi %add3A_729, %get3A_613 : vector<16xi32>
        %add3A_731 = arith.constant 1 : i32
        %add3A_732 = vector.broadcast %add3A_731 : i32 to vector<16xi32>
        %add3A_733 = arith.addi %add3A_717, %add3A_732 : vector<16xi32>
        %scan3A_734 = arith.constant 6 : i32
        %scan3A_735 = arith.addi %scan3A_639, %scan3A_734 : i32
        %shift_right_logical3A_736 = arith.constant 7 : i32
        %shift_right_logical3A_737 = vector.broadcast %shift_right_logical3A_736 : i32 to vector<16xi32>
        %shift_right_logical3A_738 = arith.shrui %min3A_730, %shift_right_logical3A_737 : vector<16xi32>
        %and3A_739 = arith.constant 127 : i32
        %and3A_740 = vector.broadcast %and3A_739 : i32 to vector<16xi32>
        %and3A_741 = arith.andi %min3A_730, %and3A_740 : vector<16xi32>
        %gather3A_742 = tpu.vector_load_idx %arg16[%shift_right_logical3A_738, %and3A_741] : memref<256x128xi32, #tpu.memory_space<vmem>>[vector<16xi32>, vector<16xi32>], vector<16xi32>,
        tpu.vector_store_idx %arg17[%add3A_733, %add3A_611], %gather3A_742 : memref<64x128xi32, #tpu.memory_space<vmem>>[vector<16xi32>, vector<16xi32>], vector<16xi32>,
        %add3A_743 = arith.constant 1 : i32
        %add3A_744 = vector.broadcast %add3A_743 : i32 to vector<16xi32>
        %add3A_745 = arith.addi %min3A_730, %add3A_744 : vector<16xi32>
        %min3A_746 = arith.minsi %add3A_745, %get3A_613 : vector<16xi32>
        %add3A_747 = arith.constant 1 : i32
        %add3A_748 = vector.broadcast %add3A_747 : i32 to vector<16xi32>
        %add3A_749 = arith.addi %add3A_733, %add3A_748 : vector<16xi32>
        %scan3A_750 = arith.constant 7 : i32
        %scan3A_751 = arith.addi %scan3A_639, %scan3A_750 : i32
        %shift_right_logical3A_752 = arith.constant 7 : i32
        %shift_right_logical3A_753 = vector.broadcast %shift_right_logical3A_752 : i32 to vector<16xi32>
        %shift_right_logical3A_754 = arith.shrui %min3A_746, %shift_right_logical3A_753 : vector<16xi32>
        %and3A_755 = arith.constant 127 : i32
        %and3A_756 = vector.broadcast %and3A_755 : i32 to vector<16xi32>
        %and3A_757 = arith.andi %min3A_746, %and3A_756 : vector<16xi32>
        %gather3A_758 = tpu.vector_load_idx %arg16[%shift_right_logical3A_754, %and3A_757] : memref<256x128xi32, #tpu.memory_space<vmem>>[vector<16xi32>, vector<16xi32>], vector<16xi32>,
        tpu.vector_store_idx %arg17[%add3A_749, %add3A_611], %gather3A_758 : memref<64x128xi32, #tpu.memory_space<vmem>>[vector<16xi32>, vector<16xi32>], vector<16xi32>,
        %add3A_759 = arith.constant 1 : i32
        %add3A_760 = vector.broadcast %add3A_759 : i32 to vector<16xi32>
        %add3A_761 = arith.addi %min3A_746, %add3A_760 : vector<16xi32>
        %min3A_762 = arith.minsi %add3A_761, %get3A_613 : vector<16xi32>
        %add3A_763 = arith.constant 1 : i32
        %add3A_764 = vector.broadcast %add3A_763 : i32 to vector<16xi32>
        %add3A_765 = arith.addi %add3A_749, %add3A_764 : vector<16xi32>
        scf.yield %min3A_762, %add3A_765 : vector<16xi32>, vector<16xi32>
      }
      %scan3A_623 = arith.constant 64 : i32
      %add3A_624 = arith.constant 112 : i32
      %add3A_625 = vector.broadcast %add3A_624 : i32 to vector<16xi32>
      %add3A_626 = arith.addi %iota3A, %add3A_625 : vector<16xi32>
      %get3A_627 = arith.constant 48 : index
      %get3A_628 = tpu.vector_load %arg14[%get3A_627] {strides = array<i32>} : memref<64xi32, #tpu.memory_space<vmem>>, vector<16xi32>,
      %get3A_629 = arith.constant 48 : index
      %get3A_630 = tpu.vector_load %arg12[%get3A_629] {strides = array<i32>} : memref<64xi32, #tpu.memory_space<vmem>>, vector<16xi32>,
      %broadcast_in_dim3A_631 = arith.constant 0 : i32
      %broadcast_in_dim3A_632 = vector.broadcast %broadcast_in_dim3A_631 : i32 to vector<16xi32>
      %scan3A_633 = arith.constant 0 : i32
      %scan3A_634 = arith.constant 64 : i32
      %scan3A_635 = arith.addi %scan3A_633, %scan3A_634 : i32
      %scan3A_636 = arith.constant 8 : i32
      %scan3A_637:2 = scf.for %scan3A_639 = %scan3A_633 to %scan3A_635 step %scan3A_636 iter_args(%scan3A_640 = %get3A_630, %scan3A_641 = %broadcast_in_dim3A_632) -> (vector<16xi32>, vector<16xi32>)  : i32 {
        %shift_right_logical3A_642 = arith.constant 7 : i32
        %shift_right_logical3A_643 = vector.broadcast %shift_right_logical3A_642 : i32 to vector<16xi32>
        %shift_right_logical3A_644 = arith.shrui %scan3A_640, %shift_right_logical3A_643 : vector<16xi32>
        %and3A = arith.constant 127 : i32
        %and3A_645 = vector.broadcast %and3A : i32 to vector<16xi32>
        %and3A_646 = arith.andi %scan3A_640, %and3A_645 : vector<16xi32>
        %gather3A = tpu.vector_load_idx %arg16[%shift_right_logical3A_644, %and3A_646] : memref<256x128xi32, #tpu.memory_space<vmem>>[vector<16xi32>, vector<16xi32>], vector<16xi32>,
        tpu.vector_store_idx %arg17[%scan3A_641, %add3A_626], %gather3A : memref<64x128xi32, #tpu.memory_space<vmem>>[vector<16xi32>, vector<16xi32>], vector<16xi32>,
        %add3A_647 = arith.constant 1 : i32
        %add3A_648 = vector.broadcast %add3A_647 : i32 to vector<16xi32>
        %add3A_649 = arith.addi %scan3A_640, %add3A_648 : vector<16xi32>
        %min3A_650 = arith.minsi %add3A_649, %get3A_628 : vector<16xi32>
        %add3A_651 = arith.constant 1 : i32
        %add3A_652 = vector.broadcast %add3A_651 : i32 to vector<16xi32>
        %add3A_653 = arith.addi %scan3A_641, %add3A_652 : vector<16xi32>
        %scan3A_654 = arith.constant 1 : i32
        %scan3A_655 = arith.addi %scan3A_639, %scan3A_654 : i32
        %shift_right_logical3A_656 = arith.constant 7 : i32
        %shift_right_logical3A_657 = vector.broadcast %shift_right_logical3A_656 : i32 to vector<16xi32>
        %shift_right_logical3A_658 = arith.shrui %min3A_650, %shift_right_logical3A_657 : vector<16xi32>
        %and3A_659 = arith.constant 127 : i32
        %and3A_660 = vector.broadcast %and3A_659 : i32 to vector<16xi32>
        %and3A_661 = arith.andi %min3A_650, %and3A_660 : vector<16xi32>
        %gather3A_662 = tpu.vector_load_idx %arg16[%shift_right_logical3A_658, %and3A_661] : memref<256x128xi32, #tpu.memory_space<vmem>>[vector<16xi32>, vector<16xi32>], vector<16xi32>,
        tpu.vector_store_idx %arg17[%add3A_653, %add3A_626], %gather3A_662 : memref<64x128xi32, #tpu.memory_space<vmem>>[vector<16xi32>, vector<16xi32>], vector<16xi32>,
        %add3A_663 = arith.constant 1 : i32
        %add3A_664 = vector.broadcast %add3A_663 : i32 to vector<16xi32>
        %add3A_665 = arith.addi %min3A_650, %add3A_664 : vector<16xi32>
        %min3A_666 = arith.minsi %add3A_665, %get3A_628 : vector<16xi32>
        %add3A_667 = arith.constant 1 : i32
        %add3A_668 = vector.broadcast %add3A_667 : i32 to vector<16xi32>
        %add3A_669 = arith.addi %add3A_653, %add3A_668 : vector<16xi32>
        %scan3A_670 = arith.constant 2 : i32
        %scan3A_671 = arith.addi %scan3A_639, %scan3A_670 : i32
        %shift_right_logical3A_672 = arith.constant 7 : i32
        %shift_right_logical3A_673 = vector.broadcast %shift_right_logical3A_672 : i32 to vector<16xi32>
        %shift_right_logical3A_674 = arith.shrui %min3A_666, %shift_right_logical3A_673 : vector<16xi32>
        %and3A_675 = arith.constant 127 : i32
        %and3A_676 = vector.broadcast %and3A_675 : i32 to vector<16xi32>
        %and3A_677 = arith.andi %min3A_666, %and3A_676 : vector<16xi32>
        %gather3A_678 = tpu.vector_load_idx %arg16[%shift_right_logical3A_674, %and3A_677] : memref<256x128xi32, #tpu.memory_space<vmem>>[vector<16xi32>, vector<16xi32>], vector<16xi32>,
        tpu.vector_store_idx %arg17[%add3A_669, %add3A_626], %gather3A_678 : memref<64x128xi32, #tpu.memory_space<vmem>>[vector<16xi32>, vector<16xi32>], vector<16xi32>,
        %add3A_679 = arith.constant 1 : i32
        %add3A_680 = vector.broadcast %add3A_679 : i32 to vector<16xi32>
        %add3A_681 = arith.addi %min3A_666, %add3A_680 : vector<16xi32>
        %min3A_682 = arith.minsi %add3A_681, %get3A_628 : vector<16xi32>
        %add3A_683 = arith.constant 1 : i32
        %add3A_684 = vector.broadcast %add3A_683 : i32 to vector<16xi32>
        %add3A_685 = arith.addi %add3A_669, %add3A_684 : vector<16xi32>
        %scan3A_686 = arith.constant 3 : i32
        %scan3A_687 = arith.addi %scan3A_639, %scan3A_686 : i32
        %shift_right_logical3A_688 = arith.constant 7 : i32
        %shift_right_logical3A_689 = vector.broadcast %shift_right_logical3A_688 : i32 to vector<16xi32>
        %shift_right_logical3A_690 = arith.shrui %min3A_682, %shift_right_logical3A_689 : vector<16xi32>
        %and3A_691 = arith.constant 127 : i32
        %and3A_692 = vector.broadcast %and3A_691 : i32 to vector<16xi32>
        %and3A_693 = arith.andi %min3A_682, %and3A_692 : vector<16xi32>
        %gather3A_694 = tpu.vector_load_idx %arg16[%shift_right_logical3A_690, %and3A_693] : memref<256x128xi32, #tpu.memory_space<vmem>>[vector<16xi32>, vector<16xi32>], vector<16xi32>,
        tpu.vector_store_idx %arg17[%add3A_685, %add3A_626], %gather3A_694 : memref<64x128xi32, #tpu.memory_space<vmem>>[vector<16xi32>, vector<16xi32>], vector<16xi32>,
        %add3A_695 = arith.constant 1 : i32
        %add3A_696 = vector.broadcast %add3A_695 : i32 to vector<16xi32>
        %add3A_697 = arith.addi %min3A_682, %add3A_696 : vector<16xi32>
        %min3A_698 = arith.minsi %add3A_697, %get3A_628 : vector<16xi32>
        %add3A_699 = arith.constant 1 : i32
        %add3A_700 = vector.broadcast %add3A_699 : i32 to vector<16xi32>
        %add3A_701 = arith.addi %add3A_685, %add3A_700 : vector<16xi32>
        %scan3A_702 = arith.constant 4 : i32
        %scan3A_703 = arith.addi %scan3A_639, %scan3A_702 : i32
        %shift_right_logical3A_704 = arith.constant 7 : i32
        %shift_right_logical3A_705 = vector.broadcast %shift_right_logical3A_704 : i32 to vector<16xi32>
        %shift_right_logical3A_706 = arith.shrui %min3A_698, %shift_right_logical3A_705 : vector<16xi32>
        %and3A_707 = arith.constant 127 : i32
        %and3A_708 = vector.broadcast %and3A_707 : i32 to vector<16xi32>
        %and3A_709 = arith.andi %min3A_698, %and3A_708 : vector<16xi32>
        %gather3A_710 = tpu.vector_load_idx %arg16[%shift_right_logical3A_706, %and3A_709] : memref<256x128xi32, #tpu.memory_space<vmem>>[vector<16xi32>, vector<16xi32>], vector<16xi32>,
        tpu.vector_store_idx %arg17[%add3A_701, %add3A_626], %gather3A_710 : memref<64x128xi32, #tpu.memory_space<vmem>>[vector<16xi32>, vector<16xi32>], vector<16xi32>,
        %add3A_711 = arith.constant 1 : i32
        %add3A_712 = vector.broadcast %add3A_711 : i32 to vector<16xi32>
        %add3A_713 = arith.addi %min3A_698, %add3A_712 : vector<16xi32>
        %min3A_714 = arith.minsi %add3A_713, %get3A_628 : vector<16xi32>
        %add3A_715 = arith.constant 1 : i32
        %add3A_716 = vector.broadcast %add3A_715 : i32 to vector<16xi32>
        %add3A_717 = arith.addi %add3A_701, %add3A_716 : vector<16xi32>
        %scan3A_718 = arith.constant 5 : i32
        %scan3A_719 = arith.addi %scan3A_639, %scan3A_718 : i32
        %shift_right_logical3A_720 = arith.constant 7 : i32
        %shift_right_logical3A_721 = vector.broadcast %shift_right_logical3A_720 : i32 to vector<16xi32>
        %shift_right_logical3A_722 = arith.shrui %min3A_714, %shift_right_logical3A_721 : vector<16xi32>
        %and3A_723 = arith.constant 127 : i32
        %and3A_724 = vector.broadcast %and3A_723 : i32 to vector<16xi32>
        %and3A_725 = arith.andi %min3A_714, %and3A_724 : vector<16xi32>
        %gather3A_726 = tpu.vector_load_idx %arg16[%shift_right_logical3A_722, %and3A_725] : memref<256x128xi32, #tpu.memory_space<vmem>>[vector<16xi32>, vector<16xi32>], vector<16xi32>,
        tpu.vector_store_idx %arg17[%add3A_717, %add3A_626], %gather3A_726 : memref<64x128xi32, #tpu.memory_space<vmem>>[vector<16xi32>, vector<16xi32>], vector<16xi32>,
        %add3A_727 = arith.constant 1 : i32
        %add3A_728 = vector.broadcast %add3A_727 : i32 to vector<16xi32>
        %add3A_729 = arith.addi %min3A_714, %add3A_728 : vector<16xi32>
        %min3A_730 = arith.minsi %add3A_729, %get3A_628 : vector<16xi32>
        %add3A_731 = arith.constant 1 : i32
        %add3A_732 = vector.broadcast %add3A_731 : i32 to vector<16xi32>
        %add3A_733 = arith.addi %add3A_717, %add3A_732 : vector<16xi32>
        %scan3A_734 = arith.constant 6 : i32
        %scan3A_735 = arith.addi %scan3A_639, %scan3A_734 : i32
        %shift_right_logical3A_736 = arith.constant 7 : i32
        %shift_right_logical3A_737 = vector.broadcast %shift_right_logical3A_736 : i32 to vector<16xi32>
        %shift_right_logical3A_738 = arith.shrui %min3A_730, %shift_right_logical3A_737 : vector<16xi32>
        %and3A_739 = arith.constant 127 : i32
        %and3A_740 = vector.broadcast %and3A_739 : i32 to vector<16xi32>
        %and3A_741 = arith.andi %min3A_730, %and3A_740 : vector<16xi32>
        %gather3A_742 = tpu.vector_load_idx %arg16[%shift_right_logical3A_738, %and3A_741] : memref<256x128xi32, #tpu.memory_space<vmem>>[vector<16xi32>, vector<16xi32>], vector<16xi32>,
        tpu.vector_store_idx %arg17[%add3A_733, %add3A_626], %gather3A_742 : memref<64x128xi32, #tpu.memory_space<vmem>>[vector<16xi32>, vector<16xi32>], vector<16xi32>,
        %add3A_743 = arith.constant 1 : i32
        %add3A_744 = vector.broadcast %add3A_743 : i32 to vector<16xi32>
        %add3A_745 = arith.addi %min3A_730, %add3A_744 : vector<16xi32>
        %min3A_746 = arith.minsi %add3A_745, %get3A_628 : vector<16xi32>
        %add3A_747 = arith.constant 1 : i32
        %add3A_748 = vector.broadcast %add3A_747 : i32 to vector<16xi32>
        %add3A_749 = arith.addi %add3A_733, %add3A_748 : vector<16xi32>
        %scan3A_750 = arith.constant 7 : i32
        %scan3A_751 = arith.addi %scan3A_639, %scan3A_750 : i32
        %shift_right_logical3A_752 = arith.constant 7 : i32
        %shift_right_logical3A_753 = vector.broadcast %shift_right_logical3A_752 : i32 to vector<16xi32>
        %shift_right_logical3A_754 = arith.shrui %min3A_746, %shift_right_logical3A_753 : vector<16xi32>
        %and3A_755 = arith.constant 127 : i32
        %and3A_756 = vector.broadcast %and3A_755 : i32 to vector<16xi32>
        %and3A_757 = arith.andi %min3A_746, %and3A_756 : vector<16xi32>
        %gather3A_758 = tpu.vector_load_idx %arg16[%shift_right_logical3A_754, %and3A_757] : memref<256x128xi32, #tpu.memory_space<vmem>>[vector<16xi32>, vector<16xi32>], vector<16xi32>,
        tpu.vector_store_idx %arg17[%add3A_749, %add3A_626], %gather3A_758 : memref<64x128xi32, #tpu.memory_space<vmem>>[vector<16xi32>, vector<16xi32>], vector<16xi32>,
        %add3A_759 = arith.constant 1 : i32
        %add3A_760 = vector.broadcast %add3A_759 : i32 to vector<16xi32>
        %add3A_761 = arith.addi %min3A_746, %add3A_760 : vector<16xi32>
        %min3A_762 = arith.minsi %add3A_761, %get3A_628 : vector<16xi32>
        %add3A_763 = arith.constant 1 : i32
        %add3A_764 = vector.broadcast %add3A_763 : i32 to vector<16xi32>
        %add3A_765 = arith.addi %add3A_749, %add3A_764 : vector<16xi32>
        scf.yield %min3A_762, %add3A_765 : vector<16xi32>, vector<16xi32>
      }
      %scan3A_638 = arith.constant 64 : i32
    }
    %mul3A_242 = arith.constant 30 : i32
    %mul3A_243 = arith.constant 64 : i32
    %mul3A_244 = arith.muli %mul3A_242, %mul3A_243 : i32
    %add3A_245 = arith.addi %mul3A_2, %mul3A_244 : i32
    %multiple_of3A = tpu.assume_multiple %add3A_245, 128 : i32
    "tpu.region"() ({
      %run_scoped3A = tpu.sem_alloc : memref<!tpu.dma_semaphore, #tpu.memory_space<semaphore_mem>>
      %dma_start3A_246 = arith.constant 0 : i32
      %dma_start3A_247 = tpu.memref_slice %arg6[%dma_start3A_246, %multiple_of3A] : memref<64x65536xi32, #tpu.memory_space<hbm>> -> memref<64x128xi32, #tpu.memory_space<hbm>>
      %dma_start3A_248 = arith.constant 0 : i32
      %dma_start3A_249 = tpu.memref_slice %arg6[%dma_start3A_248, %multiple_of3A] : memref<64x65536xi32, #tpu.memory_space<hbm>> -> memref<64x128xi32, #tpu.memory_space<hbm>>
      tpu.enqueue_dma source(%arg17 : memref<64x128xi32, #tpu.memory_space<vmem>>) target(%dma_start3A_249 : memref<64x128xi32, #tpu.memory_space<hbm>>) target_semaphore(%run_scoped3A : memref<!tpu.dma_semaphore, #tpu.memory_space<semaphore_mem>>)
      %dma_wait3A = arith.constant 0 : i32
      %dma_wait3A_250 = tpu.memref_slice %arg6[%dma_wait3A, %multiple_of3A] : memref<64x65536xi32, #tpu.memory_space<hbm>> -> memref<64x128xi32, #tpu.memory_space<hbm>>
      %dma_wait3A_251 = arith.constant 0 : i32
      %dma_wait3A_252 = tpu.memref_slice %arg6[%dma_wait3A_251, %multiple_of3A] : memref<64x65536xi32, #tpu.memory_space<hbm>> -> memref<64x128xi32, #tpu.memory_space<hbm>>
      tpu.wait_dma2 semaphore(%run_scoped3A : memref<!tpu.dma_semaphore, #tpu.memory_space<semaphore_mem>>) src(%arg17 : memref<64x128xi32, #tpu.memory_space<vmem>>) dst(%dma_wait3A_252 : memref<64x128xi32, #tpu.memory_space<hbm>>)
      tpu.yield
    }) : () -> ()
    return
  }
}

</mosaic_0001>

<sc_bundles>
// kernel: kernel.4.cloned.1.call-start
scs
__scs_entry_jumppad:
0x0: {  	(pc) =	sbr.rel $0x88, $3  }
0x1: {  	(tag) =	ssettag $0x0;
	lr =	simm.s32 $0x1  }
0x2: {  	[smem:$0x3F9A] =	sst lr;
	_ =	strace $0xD0000000  }
0x3: {  	_ = 	snop  }
0x4: {  	_ = 	snop  }
0x5: {  	_ = 	snop  }
0x6: {  	_ = 	snop  }
0x7: {  	_ = 	snop  }
__scs_overlays_trampoline_lowered:
0x8: {  	[smem:$0x3FA9] =	sst s0  }
0x9: {  	[smem:$0x3FAA] =	sst s1  }
0xa: {  	[smem:$0x3FAB] =	sst s2  }
0xb: {  	[smem:$0x3FAC] =	sst s3  }
0xc: {  	[smem:$0x3FAD] =	sst s4  }
0xd: {  	[smem:$0x3FAE] =	sst s5  }
0xe: {  	[smem:$0x3FAF] =	sst s6  }
0xf: {  	[smem:$0x3FB0] =	sst s7  }
0x10: {  	[smem:$0x3FB1] =	sst s8  }
0x11: {  	[smem:$0x3FB2] =	sst s9;
	s0 =	simm.s32 @!p0 $0x0  }
0x12: {  	s1 =	sld [smem:$0x3F98];
	s0 =	simm.s32 @p0 $0x1  }
0x13: {  	[smem:$0x3FB3] =	sst s0;
	s0 =	simm.s32 @!p1 $0x0  }
0x14: {  	s2 =	sld [smem:$0x3F97];
	s0 =	simm.s32 @p1 $0x1  }
0x15: {  	[smem:$0x3FB4] =	sst s0;
	s0 =	simm.s32 @!p2 $0x0  }
0x16: {  	s3 =	sld [smem:$0x3FDB];
	s0 =	simm.s32 @p2 $0x1  }
0x17: {  	s4 =	simm.s32 $0x1BF5;
	[smem:$0x3FB6] =	sst s0  }
0x18: {  	s0 =	sld [smem:$0x3F99];
	_ =	swait.ge [sflag:s4], $0x0  }
0x19: {  	s7 =	sld [smem:$0x3F9A]  }
0x1a: {  	s8 =	sadd.s32 $0xFFFFE003, lr  }
0x1b: {  	s9 =	sadd.s32 $0xFFFFFEF7, lr;
	s5 =	simm.s32 $0xFFFFFFFF;
	p2 =	slt.u32 s8, $0xFFFFF086  }
0x1c: {  	p1 =	slt.u32 s9, $0xF7A;
	s5 =	simm.s32 @!p2 $0x0  }
0x1d: {  	s5 =	simm.s32 @p1 $0x1;
	p0 =	seq.s32 s7, s2  }
0x1e: {  	s7 =	smul.u32 @!p0 $0xF7A, s2;
	p2 =	seq.s32 @!p0 s5, $0x0  }
0x1f: {  	s9 =	smul.u32 $0xF7A, s1;
	s8 =	simm.s32 @!p0 $0x1BF5;
	p2 =	por !p2, p0  }
0x20: {  	[sflag:s8] =	ssyncset.s32 @!p0 $0xFFFFF086;
	s6 =	sadd.s32 @!p0 s3, s7;
	s7 =	simm.s32 @!p0 $0x108  }
0x21: {  	s3 =	sadd.s32 s3, s9;
	s6 =	sadd.s32 @!p0 $0x88, s6;
	s7 =	simm.s32 @p2 $0x1082  }
0x22: {  	[simem:s7], [sflag:s8] =	dma.local @!p0 [hbm:s6], $0xF7A  }
0x23: {  	s9 =	sor.u32 $0xD0000000, s2;
	s6 =	simm.s32 $0x108;
	_ =	swait.ge @!p0 [sflag:s8], $0x0  }
0x24: {  	s3 =	sadd.s32 $0x88, s3;
	s6 =	simm.s32 @!p1 $0x1082;
	[sflag:s4] =	ssyncset.s32 $0xFFFFF086  }
0x25: {  	[simem:s6], [sflag:s4] =	dma.local [hbm:s3], $0xF7A  }
0x26: {  	[smem:$0x3F9A] =	sst s1;
	(tag) =	ssettag s2;
	_ =	strace s9  }
0x27: {  	s1 =	sld [smem:$0x3FAA]  }
0x28: {  	s2 =	sld [smem:$0x3FAB]  }
0x29: {  	s4 =	sld [smem:$0x3FAD]  }
0x2a: {  	p0 =	seq.s32 s5, $0x0;
	s5 =	sld [smem:$0x3FAE]  }
0x2b: {  	s6 =	sld [smem:$0x3FAF]  }
0x2c: {  	s7 =	sld [smem:$0x3FB0]  }
0x2d: {  	s3 =	simm.s32 $0x108;
	s8 =	sld [smem:$0x3FB1]  }
0x2e: {  	s3 =	simm.s32 @!p0 $0x1082;
	s9 =	sld [smem:$0x3FB2]  }
0x2f: {  	lr =	sadd.s32 s0, s3;
	s0 =	sld [smem:$0x3FA9]  }
0x30: {  	s3 =	sld [smem:$0x3FAC]  }
0x31: {  	[smem:$0x3FB5] =	sst s10  }
0x32: {  	s10 =	sld [smem:$0x3FB3];
	_ =	sdelay $0x3  }
0x33: {  	p0 =	seq.s32 s10, $0x1;
	s10 =	sld [smem:$0x3FB5];
	_ =	sdelay $0x3  }
0x34: {  	[smem:$0x3FB5] =	sst s10  }
0x35: {  	s10 =	sld [smem:$0x3FB4];
	_ =	sdelay $0x3  }
0x36: {  	p1 =	seq.s32 s10, $0x1;
	s10 =	sld [smem:$0x3FB5];
	_ =	sdelay $0x3  }
0x37: {  	[smem:$0x3FB5] =	sst s10  }
0x38: {  	s10 =	sld [smem:$0x3FB6]  }
0x39: {  	_ = 	snop;
	(pc) =	sbr.ind lr, $3  }
0x3a: {  	_ = 	snop  }
0x3b: {  	_ = 	snop  }
0x3c: {  	p2 =	seq.s32 s10, $0x1;
	s10 =	sld [smem:$0x3FB5]  }
0x3d: {  	_ =	shalt  }
0x3e: {  	_ =	shalt  }
0x3f: {  	_ =	shalt  }
0x40: {  	_ =	shalt  }
0x41: {  	_ =	shalt  }
0x42: {  	_ =	shalt  }
0x43: {  	_ =	shalt  }
0x44: {  	_ =	shalt  }
0x45: {  	_ =	shalt  }
0x46: {  	_ =	shalt  }
0x47: {  	_ =	shalt  }
0x48: {  	_ =	shalt  }
0x49: {  	_ =	shalt  }
0x4a: {  	_ =	shalt  }
0x4b: {  	_ =	shalt  }
0x4c: {  	_ =	shalt  }
0x4d: {  	_ =	shalt  }
0x4e: {  	_ =	shalt  }
0x4f: {  	_ =	shalt  }
0x50: {  	_ =	shalt  }
0x51: {  	_ =	shalt  }
0x52: {  	_ =	shalt  }
0x53: {  	_ =	shalt  }
0x54: {  	_ =	shalt  }
0x55: {  	_ =	shalt  }
0x56: {  	_ =	shalt  }
0x57: {  	_ =	shalt  }
0x58: {  	_ =	shalt  }
0x59: {  	_ =	shalt  }
0x5a: {  	_ =	shalt  }
0x5b: {  	_ =	shalt  }
0x5c: {  	_ =	shalt  }
0x5d: {  	_ =	shalt  }
0x5e: {  	_ =	shalt  }
0x5f: {  	_ =	shalt  }
0x60: {  	_ =	shalt  }
0x61: {  	_ =	shalt  }
0x62: {  	_ =	shalt  }
0x63: {  	_ =	shalt  }
0x64: {  	_ =	shalt  }
0x65: {  	_ =	shalt  }
0x66: {  	_ =	shalt  }
0x67: {  	_ =	shalt  }
0x68: {  	_ =	shalt  }
0x69: {  	_ =	shalt  }
0x6a: {  	_ =	shalt  }
0x6b: {  	_ =	shalt  }
0x6c: {  	_ =	shalt  }
0x6d: {  	_ =	shalt  }
0x6e: {  	_ =	shalt  }
0x6f: {  	_ =	shalt  }
0x70: {  	_ =	shalt  }
0x71: {  	_ =	shalt  }
0x72: {  	_ =	shalt  }
0x73: {  	_ =	shalt  }
0x74: {  	_ =	shalt  }
0x75: {  	_ =	shalt  }
0x76: {  	_ =	shalt  }
0x77: {  	_ =	shalt  }
0x78: {  	_ =	shalt  }
0x79: {  	_ =	shalt  }
0x7a: {  	_ =	shalt  }
0x7b: {  	_ =	shalt  }
0x7c: {  	_ =	shalt  }
0x7d: {  	_ =	shalt  }
0x7e: {  	_ =	shalt  }
0x7f: {  	_ =	shalt  }
0x80: {  	_ =	shalt  }
0x81: {  	_ =	shalt  }
0x82: {  	_ =	shalt  }
0x83: {  	_ =	shalt  }
0x84: {  	_ =	shalt  }
0x85: {  	_ =	shalt  }
0x86: {  	_ =	shalt  }
0x87: {  	_ =	shalt  }
.Lfunc_end0:
.L_simem_size_0:
called_computation_lowered:
.L_overlay_start_0:
0x88: {  	s2 =	sld [smem:$0x3FD9]  }
0x89: {  	s3 =	sld [smem:$0x3FFE];
	_ =	sdelay $0x1  }
0x8a: {  	s1 =	srdreg.scid  }
0x8b: {  	s0 =	sand.u32 $0x1, s1  }
0x8c: {  	s14 =	sshll.u32 s0, $0xA;
	s2 =	sadd.s32 s3, s2  }
0x8d: {  	s2 =	sadd.s32 s2, s14  }
0x8e: {  	[smem:$0x3FC1] =	sst s2  }
0x8f: {  	_ = 	snop  }
0x90: {  	s2 =	sld [smem:$0x3FD0];
	_ =	sdelay $0x2  }
0x91: {  	s15 =	simm.s32 $0xA;
	s4 =	simm.s32 $0x10  }
0x92: {  	[smem:s4], [sflag:s15] =	dma.local [hbm:s2], $0x1  }
0x93: {  	_ =	swait.eq [sflag:s15], $0x1  }
0x94: {  	[sflag:s15] =	ssyncset.done $0x0  }
0x95: {  	s16 =	sld [smem:$0x10];
	[sflag:s15] =	ssyncadd.s32 $0xFFFFFFFF  }
0x96: {  	s17 =	sld [smem:$0x11];
	(tm) =	ssettm $0x1  }
0x97: {  	s18 =	sld [smem:$0x3FFB];
	_ =	sdelay $0x3  }
0x98: {  	_ =	strace s18  }
0x99: {  	s4 =	sld [smem:$0x3FFC];
	_ =	sdelay $0x3  }
0x9a: {  	_ =	strace s4  }
0x9b: {  	s4 =	sld [smem:$0x3FFD];
	_ =	sdelay $0x3  }
0x9c: {  	_ =	strace s4  }
0x9d: {  	_ =	strace $0x8FFFFFFF  }
0x9e: {  	s19 =	sld [smem:$0x3FDB];
	_ =	sdelay $0x1  }
0x9f: {  	s5 =	simm.s32 $_scs_section_size  }
0xa0: {  	s6 =	simm.s32 $_size__tile_overlayer_lowered;
	s7 =	simm.s32 $_tile_overlayer_lowered  }
0xa1: {  	s22 =	simm.s32 $0x1BFF;
	s21 =	sshll.u32 s7, $0x1;
	s4 =	sadd.s32 s5, s19  }
0xa2: {  	s8 =	simm.s32 $0x0;
	s20 =	sshll.u32 s6, $0x1;
	s6 =	sadd.s32 s21, s4  }
0xa3: {  	[timem:s8], [sflag:s22] =	dma.local [hbm:s6], s20  }
0xa4: {  	_ =	swait.ge [sflag:s22], s20  }
0xa5: {  	s5 =	ssub.s32 $0x0, s20;
	[sflag:s22] =	ssyncset.done $0x0  }
0xa6: {  	[sflag:s22] =	ssyncadd.s32 s5;
	_ =	sdelay $0x1  }
0xa7: {  	s23 =	simm.s32 $0x1B8B  }
0xa8: {  	_ =	swait.ge [sflag:s23], $0x1  }
0xa9: {  	[sflag:s23] =	ssyncset.done $0x0  }
0xaa: {  	s25 =	simm.s32 $0x1B8E;
	s24 =	sld [smem:$0x3FFE];
	[sflag:s23] =	ssyncadd.s32 $0xFFFFFFFF  }
0xab: {  	s26 =	simm.s32 $execute0_lowered;
	[smem:$0x3FD2] =	sst s25  }
0xac: {  	s6 =	sshll.u32 s26, $0x1;
	_ =	strace $0x80000046;
	[dreg:$0x1] =	wrdreg $0xFFFFFFFF  }
0xad: {  	s28 =	simm.s32 $_size_execute0_lowered;
	s4 =	sadd.s32 s4, s6;
	[dreg:$0x0] =	wrdreg $0x0  }
0xae: {  	s6 =	sshll.u32 s28, $0x1;
	[dreg:$0x2] =	wrdreg s4  }
0xaf: {  	[dreg:$0x3] =	wrdreg s6  }
0xb0: {  	[dreg:$0x4] =	wrdreg $0xC0  }
0xb1: {  	_ =	task [dreg:s8], $0x5FFFF  }
0xb2: {  	[dreg:$0x1] =	wrdreg $0xFFFFFFFF  }
0xb3: {  	[dreg:$0x0] =	wrdreg $0x60  }
0xb4: {  	[dreg:$0x2] =	wrdreg s17  }
0xb5: {  	[dreg:$0x3] =	wrdreg s24  }
0xb6: {  	[dreg:$0x4] =	wrdreg s16  }
0xb7: {  	[dreg:$0x5] =	wrdreg $0x9  }
0xb8: {  	_ =	task.clear_ibuf [dreg:s8], $0x6FFFF;
	_ =	strace $0x90000046  }
0xb9: {  	s29 =	simm.s32 $0x9;
	_ =	strace $0x80000048  }
0xba: {  	_ =	swait.ge [sflag:s29], $0x1  }
0xbb: {  	[sflag:s29] =	ssyncadd.s32 $0xFFFFFFFF  }
0xbc: {  	_ =	strace $0x90000048  }
0xbd: {  	_ =	sfence  }
0xbe: {  	s30 =	sld [smem:$0x0];
	_ =	sdelay $0x2  }
0xbf: {  	s31 =	sshll.u32 s1, $0xD;
	s1 =	sshrl.u32 s1, $0x2  }
0xc0: {  	s3 =	sand.u32 $0x4000, s31;
	s1 =	sadd.s32 s1, s30  }
0xc1: {  	s0 =	sor.u32 s3, s0;
	s1 =	sshll.u32 s1, $0x11  }
0xc2: {  	s0 =	sor.u32 s1, s0  }
0xc3: {  	s0 =	sadd.s32 $0x8F2B, s0  }
0xc4: {  	[sflag:s0] =	ssyncadd.remote.s32 $0x1  }
0xc5: {  	_ =	sfence.sel $0xFFFF  }
0xc6: {  	[dreg:$0x0] =	wrdreg $0xFFFFFFFF;
	(pc) =	sbr.abs _section_cstart, $3  }
0xc7: {  	[dreg:$0x1] =	wrdreg $0xFFFFFFFF  }
0xc8: {  	_ =	task.clear_ibuf [dreg:s8], $0x2FFFF;
	_ =	strace $0x9FFFFFFF  }
0xc9: {  	(tm) =	ssettm $0x7FFFFFFF  }
tec
execute0_lowered:
.L_overlay_start_1:
0x0: {  	(tag) =	ssettag $0x1  }
0x1: {  	s5 =	rddreg [dreg:$0x0]  }
0x2: {  	s6 =	rddreg [dreg:$0x1]  }
0x3: {  	s1 =	rddreg [dreg:$0x2]  }
0x4: {  	s0 =	rddreg [dreg:$0x3];
	s3 =	simm.s32 $0x0;
	s4 =	srdreg.scid  }
0x5: {  	s2 =	stileid.u32;
	s12 =	simm.s32 $0x800;
	s13 =	simm.s32 $0x1000  }
0x6: {  	s14 =	simm.s32 $0x80;
	s15 =	simm.s32 $0x2800;
	s16 =	simm.s32 $0x2900  }
0x7: {  	s17 =	simm.s32 $0x2A00;
	s18 =	simm.s32 $0x2880;
	s19 =	simm.s32 $0x2980  }
0x8: {  	s20 =	simm.s32 $0x2A80;
	s21 =	simm.s32 $0x1;
	s22 =	simm.s32 $0x2  }
0x9: {  	s23 =	simm.s32 $0x1800;
	s24 =	simm.s32 $0x2000;
	s25 =	simm.s32 $0x0  }
0xa: {  	[smem:$0x7FF] =	sst s3;
	s4 =	sand.u32 $0x1, s4;
	s7 =	sshll.u32 s2, $0x9  }
0xb: {  	s8 =	sshll.u32 s4, $0x8;
	s9 =	ssub.s32 $0x2, s4;
	_ =	strace $0x80000047  }
0xc: {  	s4 =	sadd.s32 $0x3000, s6;
	s7 =	sor.u32 s8, s7;
	s31 =	sshrl.u32 s9, $0x1  }
0xd: {  	s10 =	sadd.s32 s7, s6;
	s11 =	ssub.s32 s9, s31;
	s5 =	sadd.s32 s5, s7  }
0xe: {  	s6 =	sadd.s32 $0x33E00, s10;
	s7 =	sadd.s32 $0x1000, s10;
	s8 =	sadd.s32 $0x37E00, s10  }
0xf: {  	s9 =	sadd.s32 $0x35E00, s10;
	s10 =	smax.u32 s11, $0x1;
	s11 =	simm.s32 $0x3  }
.LBB2_1:
0x10: {  	[tilespmem:s3], [sflag:$0x3] =	stream.linear.gather [hbm4b:s5+s3], $0x800, $0x38;
	[tilespmem:$0x2B00] =	vst v63  }
0x11: {  	_ =	swait.ge [sflag:s11], $0x800  }
0x12: {  	[sflag:s11] =	ssyncset.done $0x0  }
0x13: {  	[sflag:s11] =	ssyncadd.s32 $0xFFFFF800  }
0x14: {  	[tilespmem:s12], [sflag:$0x3] =	stream.linear.gather [hbm4b:s6+s3], $0x800, $0x38;
	[tilespmem:$0x2B00] =	vst v63  }
0x15: {  	_ =	swait.ge [sflag:s11], $0x800  }
0x16: {  	[sflag:s11] =	ssyncset.done $0x0  }
0x17: {  	[sflag:s11] =	ssyncadd.s32 $0xFFFFF800  }
0x18: {  	[tilespmem:s13], [sflag:$0x3] =	stream.linear.gather [hbm4b:s7+s3], $0x800, $0x38;
	[tilespmem:$0x2B00] =	vst v63  }
0x19: {  	_ =	swait.ge [sflag:s11], $0x800  }
0x1a: {  	[sflag:s11] =	ssyncset.done $0x0  }
0x1b: {  	[sflag:s11] =	ssyncadd.s32 $0xFFFFF800  }
0x1c: {  	v0 =	vld [tilespmem:$0x0]  }
0x1d: {  	v1 =	vld [tilespmem:$0x800]  }
0x1e: {  	v2 =	vld [tilespmem:$0x10]  }
0x1f: {  	v3 =	vld [tilespmem:$0x810]  }
0x20: {  	v4 =	vld [tilespmem:$0x20]  }
0x21: {  	v5 =	vld [tilespmem:$0x820];
	v0 =	vmul.u32 $0xC350, v0  }
0x22: {  	v6 =	vld [tilespmem:$0x30]  }
0x23: {  	v0 =	vadd.s32 v1, v0;
	v1 =	vmul.u32 $0xC350, v2  }
0x24: {  	v2 =	vld [tilespmem:$0x830];
	[tilespmem:$0x2800] =	vst v0;
	v0 =	vadd.s32 $0x1, v0  }
0x25: {  	[tilespmem:$0x2840] =	vst v0;
	v0 =	vadd.s32 v3, v1;
	v1 =	vmul.u32 $0xC350, v4  }
0x26: {  	[tilespmem:$0x2810] =	vst v0;
	v0 =	vadd.s32 $0x1, v0  }
0x27: {  	[tilespmem:$0x2850] =	vst v0;
	v0 =	vadd.s32 v5, v1;
	v1 =	vmul.u32 $0xC350, v6  }
0x28: {  	[tilespmem:$0x2820] =	vst v0;
	v0 =	vadd.s32 $0x1, v0  }
0x29: {  	[tilespmem:$0x2860] =	vst v0;
	v0 =	vadd.s32 v2, v1  }
0x2a: {  	[tilespmem:$0x2830] =	vst v0;
	v0 =	vadd.s32 $0x1, v0  }
0x2b: {  	[tilespmem:$0x2870] =	vst v0  }
0x2c: {  	[tilespmem:s16], [sflag:$0x1] =	stream.indirect.gather [hbm4b:s1+s14], $0x1, s15, s14, $0xb8;
	[tilespmem:$0x2B00] =	vst v63  }
0x2d: {  	s26 =	simm.s32 $0x0  }
0x2e: {  	[tilespmem:s17], [sflag:$0x1] =	stream.indirect.gather [hbm4b:s4+s14], $0x1, s15, s14, $0xb8;
	[tilespmem:$0x2B00] =	vst v63  }
0x2f: {  	v0 =	vld [tilespmem:s26+$0x40];
	_ =	sdelay $0x1  }
0x30: {  	v1 =	vld [tilespmem:s26+$0x840];
	_ =	sdelay $0x2  }
0x31: {  	v0 =	vmul.u32 $0xC350, v0;
	_ =	sdelay $0x1  }
0x32: {  	v0 =	vadd.s32 v1, v0  }
0x33: {  	[tilespmem:$0x2880] =	vst v0;
	v0 =	vadd.s32 $0x1, v0  }
0x34: {  	[tilespmem:$0x28C0] =	vst v0  }
0x35: {  	v0 =	vld [tilespmem:s26+$0x50];
	_ =	sdelay $0x1  }
0x36: {  	v1 =	vld [tilespmem:s26+$0x850];
	_ =	sdelay $0x2  }
0x37: {  	v0 =	vmul.u32 $0xC350, v0;
	_ =	sdelay $0x1  }
0x38: {  	v0 =	vadd.s32 v1, v0  }
0x39: {  	[tilespmem:$0x2890] =	vst v0;
	v0 =	vadd.s32 $0x1, v0  }
0x3a: {  	[tilespmem:$0x28D0] =	vst v0  }
0x3b: {  	v0 =	vld [tilespmem:s26+$0x60];
	_ =	sdelay $0x1  }
0x3c: {  	v1 =	vld [tilespmem:s26+$0x860];
	_ =	sdelay $0x2  }
0x3d: {  	v0 =	vmul.u32 $0xC350, v0;
	_ =	sdelay $0x1  }
0x3e: {  	v0 =	vadd.s32 v1, v0  }
0x3f: {  	[tilespmem:$0x28A0] =	vst v0;
	v0 =	vadd.s32 $0x1, v0  }
0x40: {  	[tilespmem:$0x28E0] =	vst v0  }
0x41: {  	v0 =	vld [tilespmem:s26+$0x70];
	_ =	sdelay $0x1  }
0x42: {  	v1 =	vld [tilespmem:s26+$0x870];
	_ =	sdelay $0x2  }
0x43: {  	v0 =	vmul.u32 $0xC350, v0;
	_ =	sdelay $0x1  }
0x44: {  	v0 =	vadd.s32 v1, v0  }
0x45: {  	[tilespmem:$0x28B0] =	vst v0;
	v0 =	vadd.s32 $0x1, v0  }
0x46: {  	[tilespmem:$0x28F0] =	vst v0  }
0x47: {  	[tilespmem:s19], [sflag:$0x2] =	stream.indirect.gather [hbm4b:s1+s14], $0x1, s18, s14, $0xb8;
	[tilespmem:$0x2B00] =	vst v63  }
0x48: {  	_ = 	snop  }
0x49: {  	[tilespmem:s20], [sflag:$0x2] =	stream.indirect.gather [hbm4b:s4+s14], $0x1, s18, s14, $0xb8;
	[tilespmem:$0x2B00] =	vst v63  }
0x4a: {  	_ =	swait.ge [sflag:s21], $0x80  }
0x4b: {  	[sflag:s21] =	ssyncset.done $0x0  }
0x4c: {  	[sflag:s21] =	ssyncadd.s32 $0xFFFFFF80  }
0x4d: {  	_ =	swait.ge [sflag:s21], $0x80  }
0x4e: {  	[sflag:s21] =	ssyncset.done $0x0  }
0x4f: {  	[sflag:s21] =	ssyncadd.s32 $0xFFFFFF80  }
0x50: {  	v0 =	vld [tilespmem:$0x2940]  }
0x51: {  	v1 =	vld [tilespmem:$0x2A40]  }
0x52: {  	v2 =	vld [tilespmem:$0x2A00]  }
0x53: {  	v3 =	vld [tilespmem:s26+$0x1000]  }
0x54: {  	v4 =	vld [tilespmem:$0x2900];
	_ =	sdelay $0x3  }
0x55: {  	vm0 =	veq.s32 v3, $0x0  }
0x56: {  	v2 =	vsel vm0, v4, v2;
	v0 =	vsel vm0, v0, v1  }
0x57: {  	v0 =	vsub.s32 v0, v2  }
0x58: {  	vm5 =	vgt.s32 v0, $0x0  }
0x59: {  	v0 =	vnsel vm5, $0x0, v0  }
0x5a: {  	[tilespmem:s26+$0x1800] =	vst v2;
	v0 =	vmin.u32 v0, $0x40  }
0x5b: {  	[tilespmem:s26+$0x2000] =	vst v0;
	v0 =	vld [tilespmem:s26+$0x1010]  }
0x5c: {  	v1 =	vld [tilespmem:$0x2910]  }
0x5d: {  	v2 =	vld [tilespmem:$0x2950]  }
0x5e: {  	v3 =	vld [tilespmem:$0x2A10]  }
0x5f: {  	v4 =	vld [tilespmem:$0x2A50];
	_ =	sdelay $0x3  }
0x60: {  	vm6 =	veq.s32 v0, $0x0  }
0x61: {  	v0 =	vsel vm6, v1, v3;
	v1 =	vsel vm6, v2, v4  }
0x62: {  	v1 =	vsub.s32 v1, v0  }
0x63: {  	vm7 =	vgt.s32 v1, $0x0  }
0x64: {  	v1 =	vnsel vm7, $0x0, v1  }
0x65: {  	[tilespmem:s26+$0x1810] =	vst v0;
	v0 =	vmin.u32 v1, $0x40  }
0x66: {  	[tilespmem:s26+$0x2010] =	vst v0;
	v0 =	vld [tilespmem:s26+$0x1020]  }
0x67: {  	v1 =	vld [tilespmem:$0x2920]  }
0x68: {  	v2 =	vld [tilespmem:$0x2960]  }
0x69: {  	v3 =	vld [tilespmem:$0x2A20]  }
0x6a: {  	v4 =	vld [tilespmem:$0x2A60];
	_ =	sdelay $0x3  }
0x6b: {  	vm8 =	veq.s32 v0, $0x0  }
0x6c: {  	v0 =	vsel vm8, v1, v3;
	v1 =	vsel vm8, v2, v4  }
0x6d: {  	v1 =	vsub.s32 v1, v0  }
0x6e: {  	vm9 =	vgt.s32 v1, $0x0  }
0x6f: {  	v1 =	vnsel vm9, $0x0, v1  }
0x70: {  	[tilespmem:s26+$0x1820] =	vst v0;
	v0 =	vmin.u32 v1, $0x40  }
0x71: {  	[tilespmem:s26+$0x2020] =	vst v0;
	v0 =	vld [tilespmem:s26+$0x1030]  }
0x72: {  	v1 =	vld [tilespmem:$0x2A30]  }
0x73: {  	v2 =	vld [tilespmem:$0x2930]  }
0x74: {  	v3 =	vld [tilespmem:$0x2970]  }
0x75: {  	v4 =	vld [tilespmem:$0x2A70];
	_ =	sdelay $0x3  }
0x76: {  	vm10 =	veq.s32 v0, $0x0  }
0x77: {  	v0 =	vsel vm10, v2, v1;
	v1 =	vsel vm10, v3, v4  }
0x78: {  	v1 =	vsub.s32 v1, v0  }
0x79: {  	vm11 =	vgt.s32 v1, $0x0  }
0x7a: {  	v1 =	vnsel vm11, $0x0, v1  }
0x7b: {  	p0 =	por $0x0, $0x0;
	[tilespmem:s26+$0x1830] =	vst v0;
	v0 =	vmin.u32 v1, $0x40  }
0x7c: {  	s28 =	simm.s32 @!p0 $0x0;
	[tilespmem:s26+$0x2030] =	vst v0  }
0x7d: {  	v0 =	vld @!p0 [tilespmem:s28+$0x80];
	_ =	sdelay $0x1  }
0x7e: {  	v1 =	vld @!p0 [tilespmem:s28+$0x880];
	_ =	sdelay $0x2  }
0x7f: {  	v0 =	vmul.u32 @!p0 $0xC350, v0;
	_ =	sdelay $0x1  }
0x80: {  	v0 =	vadd.s32 @!p0 v1, v0  }
0x81: {  	[tilespmem:$0x2800] =	vst @!p0 v0;
	v0 =	vadd.s32 @!p0 $0x1, v0  }
0x82: {  	[tilespmem:$0x2840] =	vst @!p0 v0  }
0x83: {  	v0 =	vld @!p0 [tilespmem:s28+$0x90];
	_ =	sdelay $0x1  }
0x84: {  	v1 =	vld @!p0 [tilespmem:s28+$0x890];
	_ =	sdelay $0x2  }
0x85: {  	v0 =	vmul.u32 @!p0 $0xC350, v0;
	_ =	sdelay $0x1  }
0x86: {  	v0 =	vadd.s32 @!p0 v1, v0  }
0x87: {  	[tilespmem:$0x2810] =	vst @!p0 v0;
	v0 =	vadd.s32 @!p0 $0x1, v0  }
0x88: {  	[tilespmem:$0x2850] =	vst @!p0 v0  }
0x89: {  	v0 =	vld @!p0 [tilespmem:s28+$0xA0];
	_ =	sdelay $0x1  }
0x8a: {  	v1 =	vld @!p0 [tilespmem:s28+$0x8A0];
	_ =	sdelay $0x2  }
0x8b: {  	v0 =	vmul.u32 @!p0 $0xC350, v0;
	_ =	sdelay $0x1  }
0x8c: {  	v0 =	vadd.s32 @!p0 v1, v0  }
0x8d: {  	[tilespmem:$0x2820] =	vst @!p0 v0;
	v0 =	vadd.s32 @!p0 $0x1, v0  }
0x8e: {  	[tilespmem:$0x2860] =	vst @!p0 v0  }
0x8f: {  	v0 =	vld @!p0 [tilespmem:s28+$0xB0];
	_ =	sdelay $0x1  }
0x90: {  	v1 =	vld @!p0 [tilespmem:s28+$0x8B0];
	_ =	sdelay $0x2  }
0x91: {  	v0 =	vmul.u32 @!p0 $0xC350, v0;
	_ =	sdelay $0x1  }
0x92: {  	v0 =	vadd.s32 @!p0 v1, v0  }
0x93: {  	[tilespmem:$0x2830] =	vst @!p0 v0;
	v0 =	vadd.s32 @!p0 $0x1, v0  }
0x94: {  	s29 =	simm.s32 @!p0 $0x2800;
	s30 =	simm.s32 @!p0 $0x2900;
	s28 =	simm.s32 @!p0 $0x80;
	[tilespmem:$0x2870] =	vst @!p0 v0  }
0x95: {  	[tilespmem:s30], [sflag:$0x1] =	stream.indirect.gather @!p0 [hbm4b:s1+s28], $0x1, s29, s28, $0xb8;
	[tilespmem:$0x2B00] =	vst v63  }
0x96: {  	s30 =	simm.s32 @!p0 $0x2A00  }
0x97: {  	[tilespmem:s30], [sflag:$0x1] =	stream.indirect.gather @!p0 [hbm4b:s4+s28], $0x1, s29, s28, $0xb8;
	[tilespmem:$0x2B00] =	vst v63  }
0x98: {  	_ =	swait.ge [sflag:s22], $0x80  }
0x99: {  	[sflag:s22] =	ssyncset.done $0x0  }
0x9a: {  	[sflag:s22] =	ssyncadd.s32 $0xFFFFFF80  }
0x9b: {  	_ =	swait.ge [sflag:s22], $0x80  }
0x9c: {  	[sflag:s22] =	ssyncset.done $0x0  }
0x9d: {  	[sflag:s22] =	ssyncadd.s32 $0xFFFFFF80  }
0x9e: {  	v0 =	vld [tilespmem:$0x29C0]  }
0x9f: {  	v1 =	vld [tilespmem:$0x2AC0]  }
0xa0: {  	v2 =	vld [tilespmem:$0x2980]  }
0xa1: {  	v3 =	vld [tilespmem:s26+$0x1040]  }
0xa2: {  	v4 =	vld [tilespmem:$0x2A80];
	_ =	sdelay $0x3  }
0xa3: {  	vm12 =	veq.s32 v3, $0x0  }
0xa4: {  	v2 =	vsel vm12, v2, v4;
	v0 =	vsel vm12, v0, v1  }
0xa5: {  	v4 =	vsub.s32 v0, v2  }
0xa6: {  	vm13 =	vgt.s32 v4, $0x0  }
0xa7: {  	v4 =	vnsel vm13, $0x0, v4  }
0xa8: {  	[tilespmem:s26+$0x1840] =	vst v2;
	v4 =	vmin.u32 v4, $0x40  }
0xa9: {  	v3 =	vld [tilespmem:s26+$0x1050];
	[tilespmem:s26+$0x2040] =	vst v4  }
0xaa: {  	v2 =	vld [tilespmem:$0x2A90]  }
0xab: {  	v4 =	vld [tilespmem:$0x2990]  }
0xac: {  	v5 =	vld [tilespmem:$0x2AD0]  }
0xad: {  	v6 =	vld [tilespmem:$0x29D0];
	_ =	sdelay $0x3  }
0xae: {  	vm14 =	veq.s32 v3, $0x0  }
0xaf: {  	v2 =	vsel vm14, v4, v2;
	v3 =	vsel vm14, v6, v5  }
0xb0: {  	v3 =	vsub.s32 v3, v2  }
0xb1: {  	vm15 =	vgt.s32 v3, $0x0  }
0xb2: {  	v3 =	vnsel vm15, $0x0, v3  }
0xb3: {  	v1 =	vld [tilespmem:s26+$0x1060];
	[tilespmem:s26+$0x1850] =	vst v2;
	v2 =	vmin.u32 v3, $0x40  }
0xb4: {  	v0 =	vld [tilespmem:s26+$0x1070];
	[tilespmem:s26+$0x2050] =	vst v2  }
0xb5: {  	v2 =	vld [tilespmem:$0x29E0]  }
0xb6: {  	v3 =	vld [tilespmem:$0x2AA0]  }
0xb7: {  	s28 =	simm.s32 $0x200;
	v4 =	vld [tilespmem:$0x29A0]  }
.LBB2_2:
0xb8: {  	v5 =	vld [tilespmem:$0x2AE0];
	s29 =	smov.u32 s28;
	s28 =	sadd.s32 $0x200, s28  }
0xb9: {  	p0 =	sne.s32 s28, $0x2000;
	_ =	sdelay $0x1  }
0xba: {  	vm0 =	veq.s32 v1, $0x0  }
0xbb: {  	v1 =	vsel vm0, v4, v3  }
0xbc: {  	v2 =	vsel vm0, v2, v5;
	[tilespmem:s26+$0x1860] =	vst v1  }
0xbd: {  	v1 =	vsub.s32 v2, v1  }
0xbe: {  	vm0 =	vgt.s32 v1, $0x0  }
0xbf: {  	v1 =	vnsel vm0, $0x0, v1  }
0xc0: {  	v1 =	vmin.u32 v1, $0x40  }
0xc1: {  	[tilespmem:s26+$0x2060] =	vst v1  }
0xc2: {  	v1 =	vld [tilespmem:$0x2AB0]  }
0xc3: {  	v2 =	vld [tilespmem:$0x29B0]  }
0xc4: {  	v3 =	vld [tilespmem:$0x29F0]  }
0xc5: {  	v4 =	vld [tilespmem:$0x2AF0];
	_ =	sdelay $0x1  }
0xc6: {  	s30 =	sshra.s32 s29, $0x2;
	vm0 =	veq.s32 v0, $0x0  }
0xc7: {  	v0 =	vld [tilespmem:s30+$0x40];
	v1 =	vsel vm0, v2, v1  }
0xc8: {  	[tilespmem:s26+$0x1870] =	vst v1  }
0xc9: {  	v2 =	vld [tilespmem:s30+$0x840];
	v3 =	vsel vm0, v3, v4  }
0xca: {  	v1 =	vsub.s32 v3, v1  }
0xcb: {  	vm0 =	vgt.s32 v1, $0x0  }
0xcc: {  	v0 =	vmul.u32 $0xC350, v0;
	v1 =	vnsel vm0, $0x0, v1  }
0xcd: {  	v1 =	vmin.u32 v1, $0x40  }
0xce: {  	v0 =	vadd.s32 v2, v0;
	[tilespmem:s26+$0x2070] =	vst v1;
	s26 =	smov.u32 s30  }
0xcf: {  	[tilespmem:$0x2880] =	vst v0;
	v0 =	vadd.s32 $0x1, v0  }
0xd0: {  	[tilespmem:$0x28C0] =	vst v0  }
0xd1: {  	v0 =	vld [tilespmem:s26+$0x50];
	_ =	sdelay $0x1  }
0xd2: {  	v1 =	vld [tilespmem:s26+$0x850];
	_ =	sdelay $0x2  }
0xd3: {  	v0 =	vmul.u32 $0xC350, v0;
	_ =	sdelay $0x1  }
0xd4: {  	v0 =	vadd.s32 v1, v0  }
0xd5: {  	[tilespmem:$0x2890] =	vst v0;
	v0 =	vadd.s32 $0x1, v0  }
0xd6: {  	[tilespmem:$0x28D0] =	vst v0  }
0xd7: {  	v0 =	vld [tilespmem:s26+$0x60];
	_ =	sdelay $0x1  }
0xd8: {  	v1 =	vld [tilespmem:s26+$0x860];
	_ =	sdelay $0x2  }
0xd9: {  	v0 =	vmul.u32 $0xC350, v0;
	_ =	sdelay $0x1  }
0xda: {  	v0 =	vadd.s32 v1, v0  }
0xdb: {  	[tilespmem:$0x28A0] =	vst v0;
	v0 =	vadd.s32 $0x1, v0  }
0xdc: {  	[tilespmem:$0x28E0] =	vst v0  }
0xdd: {  	v0 =	vld [tilespmem:s26+$0x70]  }
0xde: {  	v1 =	vld [tilespmem:s26+$0x870];
	_ =	sdelay $0x3  }
0xdf: {  	v0 =	vmul.u32 $0xC350, v0;
	_ =	sdelay $0x1  }
0xe0: {  	v0 =	vadd.s32 v1, v0  }
0xe1: {  	[tilespmem:$0x28B0] =	vst v0;
	v0 =	vadd.s32 $0x1, v0  }
0xe2: {  	[tilespmem:$0x28F0] =	vst v0  }
0xe3: {  	[tilespmem:s19], [sflag:$0x2] =	stream.indirect.gather [hbm4b:s1+s14], $0x1, s18, s14, $0xb8;
	[tilespmem:$0x2B00] =	vst v63  }
0xe4: {  	_ = 	snop  }
0xe5: {  	[tilespmem:s20], [sflag:$0x2] =	stream.indirect.gather [hbm4b:s4+s14], $0x1, s18, s14, $0xb8;
	[tilespmem:$0x2B00] =	vst v63  }
0xe6: {  	_ =	swait.ge [sflag:s21], $0x80  }
0xe7: {  	[sflag:s21] =	ssyncset.done $0x0  }
0xe8: {  	[sflag:s21] =	ssyncadd.s32 $0xFFFFFF80  }
0xe9: {  	_ =	swait.ge [sflag:s21], $0x80  }
0xea: {  	[sflag:s21] =	ssyncset.done $0x0  }
0xeb: {  	[sflag:s21] =	ssyncadd.s32 $0xFFFFFF80  }
0xec: {  	v0 =	vld [tilespmem:$0x2940]  }
0xed: {  	v1 =	vld [tilespmem:$0x2A40]  }
0xee: {  	v2 =	vld [tilespmem:$0x2A00]  }
0xef: {  	v3 =	vld [tilespmem:s26+$0x1000]  }
0xf0: {  	v4 =	vld [tilespmem:$0x2900];
	_ =	sdelay $0x3  }
0xf1: {  	vm0 =	veq.s32 v3, $0x0  }
0xf2: {  	v2 =	vsel vm0, v4, v2;
	v0 =	vsel vm0, v0, v1  }
0xf3: {  	v0 =	vsub.s32 v0, v2;
	[tilespmem:s26+$0x1800] =	vst v2  }
0xf4: {  	vm0 =	vgt.s32 v0, $0x0  }
0xf5: {  	v0 =	vnsel vm0, $0x0, v0  }
0xf6: {  	v0 =	vmin.u32 v0, $0x40  }
0xf7: {  	[tilespmem:s26+$0x2000] =	vst v0;
	v0 =	vld [tilespmem:s26+$0x1010]  }
0xf8: {  	v1 =	vld [tilespmem:$0x2910]  }
0xf9: {  	v2 =	vld [tilespmem:$0x2950]  }
0xfa: {  	v3 =	vld [tilespmem:$0x2A10]  }
0xfb: {  	v4 =	vld [tilespmem:$0x2A50];
	_ =	sdelay $0x2  }
0xfc: {  	vm0 =	veq.s32 v0, $0x0  }
0xfd: {  	v0 =	vsel vm0, v1, v3  }
0xfe: {  	v1 =	vsel vm0, v2, v4;
	[tilespmem:s26+$0x1810] =	vst v0  }
0xff: {  	v0 =	vsub.s32 v1, v0  }
0x100: {  	vm0 =	vgt.s32 v0, $0x0  }
0x101: {  	v0 =	vnsel vm0, $0x0, v0  }
0x102: {  	v0 =	vmin.u32 v0, $0x40  }
0x103: {  	[tilespmem:s26+$0x2010] =	vst v0;
	v0 =	vld [tilespmem:s26+$0x1020]  }
0x104: {  	v1 =	vld [tilespmem:$0x2920]  }
0x105: {  	v2 =	vld [tilespmem:$0x2960]  }
0x106: {  	v3 =	vld [tilespmem:$0x2A20]  }
0x107: {  	v4 =	vld [tilespmem:$0x2A60];
	_ =	sdelay $0x2  }
0x108: {  	vm0 =	veq.s32 v0, $0x0  }
0x109: {  	v0 =	vsel vm0, v1, v3  }
0x10a: {  	v1 =	vsel vm0, v2, v4;
	[tilespmem:s26+$0x1820] =	vst v0  }
0x10b: {  	v0 =	vsub.s32 v1, v0  }
0x10c: {  	vm0 =	vgt.s32 v0, $0x0  }
0x10d: {  	v0 =	vnsel vm0, $0x0, v0  }
0x10e: {  	v0 =	vmin.u32 v0, $0x40  }
0x10f: {  	[tilespmem:s26+$0x2020] =	vst v0;
	v0 =	vld [tilespmem:s26+$0x1030]  }
0x110: {  	v1 =	vld [tilespmem:$0x2A30]  }
0x111: {  	v2 =	vld [tilespmem:$0x2930]  }
0x112: {  	v3 =	vld [tilespmem:$0x2970]  }
0x113: {  	v4 =	vld [tilespmem:$0x2A70];
	_ =	sdelay $0x1  }
0x114: {  	vm0 =	veq.s32 v0, $0x0  }
0x115: {  	v0 =	vsel vm0, v2, v1  }
0x116: {  	[tilespmem:s26+$0x1830] =	vst v0  }
0x117: {  	v1 =	vsel vm0, v3, v4  }
0x118: {  	v0 =	vsub.s32 v1, v0  }
0x119: {  	vm0 =	vgt.s32 v0, $0x0  }
0x11a: {  	v0 =	vnsel vm0, $0x0, v0  }
0x11b: {  	p1 =	seq.s32 s29, $0x1E00;
	v0 =	vmin.u32 v0, $0x40  }
0x11c: {  	s29 =	sshra.s32 @!p1 s29, $0x2;
	[tilespmem:s26+$0x2030] =	vst v0  }
0x11d: {  	v0 =	vld @!p1 [tilespmem:s29+$0x80]  }
0x11e: {  	v1 =	vld @!p1 [tilespmem:s29+$0x880];
	_ =	sdelay $0x3  }
0x11f: {  	v0 =	vmul.u32 @!p1 $0xC350, v0;
	_ =	sdelay $0x1  }
0x120: {  	v0 =	vadd.s32 @!p1 v1, v0  }
0x121: {  	[tilespmem:$0x2800] =	vst @!p1 v0;
	v0 =	vadd.s32 @!p1 $0x1, v0  }
0x122: {  	[tilespmem:$0x2840] =	vst @!p1 v0  }
0x123: {  	v0 =	vld @!p1 [tilespmem:s29+$0x90]  }
0x124: {  	v1 =	vld @!p1 [tilespmem:s29+$0x890];
	_ =	sdelay $0x3  }
0x125: {  	v0 =	vmul.u32 @!p1 $0xC350, v0;
	_ =	sdelay $0x1  }
0x126: {  	v0 =	vadd.s32 @!p1 v1, v0  }
0x127: {  	[tilespmem:$0x2810] =	vst @!p1 v0;
	v0 =	vadd.s32 @!p1 $0x1, v0  }
0x128: {  	[tilespmem:$0x2850] =	vst @!p1 v0  }
0x129: {  	v0 =	vld @!p1 [tilespmem:s29+$0xA0]  }
0x12a: {  	v1 =	vld @!p1 [tilespmem:s29+$0x8A0];
	_ =	sdelay $0x3  }
0x12b: {  	v0 =	vmul.u32 @!p1 $0xC350, v0;
	_ =	sdelay $0x1  }
0x12c: {  	v0 =	vadd.s32 @!p1 v1, v0  }
0x12d: {  	[tilespmem:$0x2820] =	vst @!p1 v0;
	v0 =	vadd.s32 @!p1 $0x1, v0  }
0x12e: {  	[tilespmem:$0x2860] =	vst @!p1 v0  }
0x12f: {  	v0 =	vld @!p1 [tilespmem:s29+$0xB0]  }
0x130: {  	v1 =	vld @!p1 [tilespmem:s29+$0x8B0];
	_ =	sdelay $0x3  }
0x131: {  	v0 =	vmul.u32 @!p1 $0xC350, v0;
	_ =	sdelay $0x1  }
0x132: {  	v0 =	vadd.s32 @!p1 v1, v0  }
0x133: {  	[tilespmem:$0x2830] =	vst @!p1 v0;
	v0 =	vadd.s32 @!p1 $0x1, v0  }
0x134: {  	s31 =	simm.s32 @!p1 $0x2900;
	s30 =	simm.s32 @!p1 $0x2800;
	s29 =	simm.s32 @!p1 $0x80;
	[tilespmem:$0x2870] =	vst @!p1 v0  }
0x135: {  	[tilespmem:s31], [sflag:$0x1] =	stream.indirect.gather @!p1 [hbm4b:s1+s29], $0x1, s30, s29, $0xb8;
	[tilespmem:$0x2B00] =	vst v63  }
0x136: {  	s31 =	simm.s32 @!p1 $0x2A00  }
0x137: {  	[tilespmem:s31], [sflag:$0x1] =	stream.indirect.gather @!p1 [hbm4b:s4+s29], $0x1, s30, s29, $0xb8;
	[tilespmem:$0x2B00] =	vst v63  }
0x138: {  	_ =	swait.ge [sflag:s22], $0x80  }
0x139: {  	[sflag:s22] =	ssyncset.done $0x0  }
0x13a: {  	[sflag:s22] =	ssyncadd.s32 $0xFFFFFF80  }
0x13b: {  	_ =	swait.ge [sflag:s22], $0x80  }
0x13c: {  	[sflag:s22] =	ssyncset.done $0x0  }
0x13d: {  	[sflag:s22] =	ssyncadd.s32 $0xFFFFFF80  }
0x13e: {  	v2 =	vld [tilespmem:$0x29C0]  }
0x13f: {  	v3 =	vld [tilespmem:$0x2AC0]  }
0x140: {  	v4 =	vld [tilespmem:$0x2980]  }
0x141: {  	v5 =	vld [tilespmem:s26+$0x1040]  }
0x142: {  	v6 =	vld [tilespmem:$0x2A80]  }
0x143: {  	v7 =	vld [tilespmem:s26+$0x1050]  }
0x144: {  	v1 =	vld [tilespmem:s26+$0x1060]  }
0x145: {  	v0 =	vld [tilespmem:s26+$0x1070]  }
0x146: {  	vm0 =	veq.s32 v5, $0x0  }
0x147: {  	v4 =	vsel vm0, v4, v6;
	v2 =	vsel vm0, v2, v3  }
0x148: {  	v2 =	vsub.s32 v2, v4  }
0x149: {  	vm0 =	vgt.s32 v2, $0x0  }
0x14a: {  	v2 =	vnsel vm0, $0x0, v2  }
0x14b: {  	v2 =	vmin.u32 v2, $0x40;
	[tilespmem:s26+$0x1840] =	vst v4  }
0x14c: {  	[tilespmem:s26+$0x2040] =	vst v2  }
0x14d: {  	v2 =	vld [tilespmem:$0x2A90]  }
0x14e: {  	v3 =	vld [tilespmem:$0x2990]  }
0x14f: {  	v4 =	vld [tilespmem:$0x2AD0]  }
0x150: {  	v5 =	vld [tilespmem:$0x29D0];
	_ =	sdelay $0x1  }
0x151: {  	vm0 =	veq.s32 v7, $0x0  }
0x152: {  	v2 =	vsel vm0, v3, v2  }
0x153: {  	[tilespmem:s26+$0x1850] =	vst v2  }
0x154: {  	v3 =	vsel vm0, v5, v4  }
0x155: {  	v2 =	vsub.s32 v3, v2  }
0x156: {  	vm0 =	vgt.s32 v2, $0x0  }
0x157: {  	v2 =	vnsel vm0, $0x0, v2  }
.Ltmp0:
0x158: {  	v2 =	vmin.u32 v2, $0x40;
	(pc) =	sbr.rel @p0 .LBB2_2-.Ltmp0, $4  }
0x159: {  	[tilespmem:s26+$0x2050] =	vst v2  }
0x15a: {  	v2 =	vld [tilespmem:$0x29E0]  }
0x15b: {  	v3 =	vld [tilespmem:$0x2AA0]  }
0x15c: {  	v4 =	vld [tilespmem:$0x29A0]  }
0x15d: {  	v5 =	vld [tilespmem:$0x2AE0];
	_ =	sdelay $0x3  }
0x15e: {  	vm0 =	veq.s32 v1, $0x0  }
0x15f: {  	v1 =	vsel vm0, v4, v3;
	v2 =	vsel vm0, v2, v5  }
0x160: {  	v2 =	vsub.s32 v2, v1  }
0x161: {  	vm13 =	vgt.s32 v2, $0x0  }
0x162: {  	v2 =	vnsel vm13, $0x0, v2  }
0x163: {  	[tilespmem:s26+$0x1860] =	vst v1;
	v58 =	vmin.u32 v2, $0x40  }
0x164: {  	[tilespmem:s26+$0x2060] =	vst v58  }
0x165: {  	v1 =	vld [tilespmem:$0x2AB0]  }
0x166: {  	v59 =	vld [tilespmem:$0x29B0]  }
0x167: {  	v60 =	vld [tilespmem:$0x29F0]  }
0x168: {  	v61 =	vld [tilespmem:$0x2AF0];
	_ =	sdelay $0x3  }
0x169: {  	vm14 =	veq.s32 v0, $0x0  }
0x16a: {  	v0 =	vsel vm14, v59, v1;
	v62 =	vsel vm14, v60, v61  }
0x16b: {  	v1 =	vsub.s32 v62, v0  }
0x16c: {  	vm15 =	vgt.s32 v1, $0x0  }
0x16d: {  	v1 =	vnsel vm15, $0x0, v1  }
0x16e: {  	[tilespmem:s26+$0x1870] =	vst v0;
	v63 =	vmin.u32 v1, $0x40  }
0x16f: {  	[tilespmem:s26+$0x2070] =	vst v63  }
0x170: {  	[hbm4b:s8+s3] =	stream.linear.scatter [tilespmem:s23], [sflag:$0x3], $0x800, $0x38;
	[tilespmem:$0x2B00] =	vst v63  }
0x171: {  	s25 =	sadd.s32 $0x1, s25;
	_ =	swait.ge [sflag:s11], $0x800  }
0x172: {  	p0 =	sne.s32 s25, s10;
	[sflag:s11] =	ssyncset.done $0x0  }
.Ltmp1:
0x173: {  	[sflag:s11] =	ssyncadd.s32 $0xFFFFF800;
	(pc) =	sbr.rel @p0 .LBB2_1-.Ltmp1, $4  }
0x174: {  	[hbm4b:s9+s3] =	stream.linear.scatter [tilespmem:s24], [sflag:$0x3], $0x800, $0x38;
	[tilespmem:$0x2B00] =	vst v63  }
0x175: {  	_ =	swait.ge [sflag:s11], $0x800  }
0x176: {  	[sflag:s11] =	ssyncset.done $0x0  }
0x177: {  	[sflag:s11] =	ssyncadd.s32 $0xFFFFF800  }
0x178: {  	_ =	sfence.sel $0x180000  }
0x179: {  	[bflag:$0x0] =	sbarrier.arrive $0xFFFF  }
0x17a: {  	p0 =	sne.s32 s2, $0x0;
	_ =	strace $0x90000047  }
0x17b: {  	s0 =	sadd.s32 @!p0 $0x100000, s0;
	[bflag:$0x2] =	sbarrier.arrive $0xFFFF  }
0x17c: {  	[sflag:s0] =	ssyncadd.tile.s32 @!p0 $0x1;
	_ =	shalt  }
.Lfunc_end2:
_tile_overlayer_lowered:
.L_overlay_start_2:
0x17d: {  	(tag) =	ssettag $0x2  }
0x17e: {  	s0 =	rddreg [dreg:$0x0];
	s2 =	stileid.u32  }
0x17f: {  	s1 =	rddreg [dreg:$0x1];
	p0 =	sne.s32 s2, $0x0  }
0x180: {  	s3 =	rddreg [dreg:$0x2];
	[bflag:$0x3] =	sbarrier.arrive $0xFFFF;
	s2 =	simm.s32 @!p0 $0x1C03  }
0x181: {  	[timem:s3], [sflag:s2] =	dma.local @!p0 [hbm:s0], s1  }
0x182: {  	s0 =	simm.s32 @!p0 $0x3  }
0x183: {  	_ =	swait.ge @!p0 [sflag:s0], s1  }
0x184: {  	s1 =	ssub.s32 @!p0 $0x0, s1;
	[sflag:s0] =	ssyncset.done @!p0 $0x0  }
0x185: {  	[sflag:s0] =	ssyncadd.s32 @!p0 s1  }
0x186: {  	[bflag:$0x3] =	sbarrier.arrive $0xFFFF  }
0x187: {  	_ =	shalt  }

// kernel: kernel.7.cloned.1.call-start
scs
__scs_entry_jumppad:
0x0: {  	(pc) =	sbr.rel $0x88, $3  }
0x1: {  	(tag) =	ssettag $0x0;
	lr =	simm.s32 $0x1  }
0x2: {  	[smem:$0x3F9A] =	sst lr;
	_ =	strace $0xD0000000  }
0x3: {  	_ = 	snop  }
0x4: {  	_ = 	snop  }
0x5: {  	_ = 	snop  }
0x6: {  	_ = 	snop  }
0x7: {  	_ = 	snop  }
__scs_overlays_trampoline_lowered:
0x8: {  	[smem:$0x3FA9] =	sst s0  }
0x9: {  	[smem:$0x3FAA] =	sst s1  }
0xa: {  	[smem:$0x3FAB] =	sst s2  }
0xb: {  	[smem:$0x3FAC] =	sst s3  }
0xc: {  	[smem:$0x3FAD] =	sst s4  }
0xd: {  	[smem:$0x3FAE] =	sst s5  }
0xe: {  	[smem:$0x3FAF] =	sst s6  }
0xf: {  	[smem:$0x3FB0] =	sst s7  }
0x10: {  	[smem:$0x3FB1] =	sst s8  }
0x11: {  	[smem:$0x3FB2] =	sst s9;
	s0 =	simm.s32 @!p0 $0x0  }
0x12: {  	s1 =	sld [smem:$0x3F98];
	s0 =	simm.s32 @p0 $0x1  }
0x13: {  	[smem:$0x3FB3] =	sst s0;
	s0 =	simm.s32 @!p1 $0x0  }
0x14: {  	s2 =	sld [smem:$0x3F97];
	s0 =	simm.s32 @p1 $0x1  }
0x15: {  	[smem:$0x3FB4] =	sst s0;
	s0 =	simm.s32 @!p2 $0x0  }
0x16: {  	s3 =	sld [smem:$0x3FDB];
	s0 =	simm.s32 @p2 $0x1  }
0x17: {  	s4 =	simm.s32 $0x1BF5;
	[smem:$0x3FB6] =	sst s0  }
0x18: {  	s0 =	sld [smem:$0x3F99];
	_ =	swait.ge [sflag:s4], $0x0  }
0x19: {  	s7 =	sld [smem:$0x3F9A]  }
0x1a: {  	s8 =	sadd.s32 $0xFFFFE003, lr  }
0x1b: {  	s9 =	sadd.s32 $0xFFFFFEF7, lr;
	s5 =	simm.s32 $0xFFFFFFFF;
	p2 =	slt.u32 s8, $0xFFFFF086  }
0x1c: {  	p1 =	slt.u32 s9, $0xF7A;
	s5 =	simm.s32 @!p2 $0x0  }
0x1d: {  	s5 =	simm.s32 @p1 $0x1;
	p0 =	seq.s32 s7, s2  }
0x1e: {  	s7 =	smul.u32 @!p0 $0xF7A, s2;
	p2 =	seq.s32 @!p0 s5, $0x0  }
0x1f: {  	s9 =	smul.u32 $0xF7A, s1;
	s8 =	simm.s32 @!p0 $0x1BF5;
	p2 =	por !p2, p0  }
0x20: {  	[sflag:s8] =	ssyncset.s32 @!p0 $0xFFFFF086;
	s6 =	sadd.s32 @!p0 s3, s7;
	s7 =	simm.s32 @!p0 $0x108  }
0x21: {  	s3 =	sadd.s32 s3, s9;
	s6 =	sadd.s32 @!p0 $0x88, s6;
	s7 =	simm.s32 @p2 $0x1082  }
0x22: {  	[simem:s7], [sflag:s8] =	dma.local @!p0 [hbm:s6], $0xF7A  }
0x23: {  	s9 =	sor.u32 $0xD0000000, s2;
	s6 =	simm.s32 $0x108;
	_ =	swait.ge @!p0 [sflag:s8], $0x0  }
0x24: {  	s3 =	sadd.s32 $0x88, s3;
	s6 =	simm.s32 @!p1 $0x1082;
	[sflag:s4] =	ssyncset.s32 $0xFFFFF086  }
0x25: {  	[simem:s6], [sflag:s4] =	dma.local [hbm:s3], $0xF7A  }
0x26: {  	[smem:$0x3F9A] =	sst s1;
	(tag) =	ssettag s2;
	_ =	strace s9  }
0x27: {  	s1 =	sld [smem:$0x3FAA]  }
0x28: {  	s2 =	sld [smem:$0x3FAB]  }
0x29: {  	s4 =	sld [smem:$0x3FAD]  }
0x2a: {  	p0 =	seq.s32 s5, $0x0;
	s5 =	sld [smem:$0x3FAE]  }
0x2b: {  	s6 =	sld [smem:$0x3FAF]  }
0x2c: {  	s7 =	sld [smem:$0x3FB0]  }
0x2d: {  	s3 =	simm.s32 $0x108;
	s8 =	sld [smem:$0x3FB1]  }
0x2e: {  	s3 =	simm.s32 @!p0 $0x1082;
	s9 =	sld [smem:$0x3FB2]  }
0x2f: {  	lr =	sadd.s32 s0, s3;
	s0 =	sld [smem:$0x3FA9]  }
0x30: {  	s3 =	sld [smem:$0x3FAC]  }
0x31: {  	[smem:$0x3FB5] =	sst s10  }
0x32: {  	s10 =	sld [smem:$0x3FB3];
	_ =	sdelay $0x3  }
0x33: {  	p0 =	seq.s32 s10, $0x1;
	s10 =	sld [smem:$0x3FB5];
	_ =	sdelay $0x3  }
0x34: {  	[smem:$0x3FB5] =	sst s10  }
0x35: {  	s10 =	sld [smem:$0x3FB4];
	_ =	sdelay $0x3  }
0x36: {  	p1 =	seq.s32 s10, $0x1;
	s10 =	sld [smem:$0x3FB5];
	_ =	sdelay $0x3  }
0x37: {  	[smem:$0x3FB5] =	sst s10  }
0x38: {  	s10 =	sld [smem:$0x3FB6]  }
0x39: {  	_ = 	snop;
	(pc) =	sbr.ind lr, $3  }
0x3a: {  	_ = 	snop  }
0x3b: {  	_ = 	snop  }
0x3c: {  	p2 =	seq.s32 s10, $0x1;
	s10 =	sld [smem:$0x3FB5]  }
0x3d: {  	_ =	shalt  }
0x3e: {  	_ =	shalt  }
0x3f: {  	_ =	shalt  }
0x40: {  	_ =	shalt  }
0x41: {  	_ =	shalt  }
0x42: {  	_ =	shalt  }
0x43: {  	_ =	shalt  }
0x44: {  	_ =	shalt  }
0x45: {  	_ =	shalt  }
0x46: {  	_ =	shalt  }
0x47: {  	_ =	shalt  }
0x48: {  	_ =	shalt  }
0x49: {  	_ =	shalt  }
0x4a: {  	_ =	shalt  }
0x4b: {  	_ =	shalt  }
0x4c: {  	_ =	shalt  }
0x4d: {  	_ =	shalt  }
0x4e: {  	_ =	shalt  }
0x4f: {  	_ =	shalt  }
0x50: {  	_ =	shalt  }
0x51: {  	_ =	shalt  }
0x52: {  	_ =	shalt  }
0x53: {  	_ =	shalt  }
0x54: {  	_ =	shalt  }
0x55: {  	_ =	shalt  }
0x56: {  	_ =	shalt  }
0x57: {  	_ =	shalt  }
0x58: {  	_ =	shalt  }
0x59: {  	_ =	shalt  }
0x5a: {  	_ =	shalt  }
0x5b: {  	_ =	shalt  }
0x5c: {  	_ =	shalt  }
0x5d: {  	_ =	shalt  }
0x5e: {  	_ =	shalt  }
0x5f: {  	_ =	shalt  }
0x60: {  	_ =	shalt  }
0x61: {  	_ =	shalt  }
0x62: {  	_ =	shalt  }
0x63: {  	_ =	shalt  }
0x64: {  	_ =	shalt  }
0x65: {  	_ =	shalt  }
0x66: {  	_ =	shalt  }
0x67: {  	_ =	shalt  }
0x68: {  	_ =	shalt  }
0x69: {  	_ =	shalt  }
0x6a: {  	_ =	shalt  }
0x6b: {  	_ =	shalt  }
0x6c: {  	_ =	shalt  }
0x6d: {  	_ =	shalt  }
0x6e: {  	_ =	shalt  }
0x6f: {  	_ =	shalt  }
0x70: {  	_ =	shalt  }
0x71: {  	_ =	shalt  }
0x72: {  	_ =	shalt  }
0x73: {  	_ =	shalt  }
0x74: {  	_ =	shalt  }
0x75: {  	_ =	shalt  }
0x76: {  	_ =	shalt  }
0x77: {  	_ =	shalt  }
0x78: {  	_ =	shalt  }
0x79: {  	_ =	shalt  }
0x7a: {  	_ =	shalt  }
0x7b: {  	_ =	shalt  }
0x7c: {  	_ =	shalt  }
0x7d: {  	_ =	shalt  }
0x7e: {  	_ =	shalt  }
0x7f: {  	_ =	shalt  }
0x80: {  	_ =	shalt  }
0x81: {  	_ =	shalt  }
0x82: {  	_ =	shalt  }
0x83: {  	_ =	shalt  }
0x84: {  	_ =	shalt  }
0x85: {  	_ =	shalt  }
0x86: {  	_ =	shalt  }
0x87: {  	_ =	shalt  }
.Lfunc_end0:
.L_simem_size_0:
called_computation.1_lowered:
.L_overlay_start_0:
0x88: {  	s2 =	sld [smem:$0x3FD9]  }
0x89: {  	s3 =	sld [smem:$0x3FFE];
	_ =	sdelay $0x1  }
0x8a: {  	s1 =	srdreg.scid  }
0x8b: {  	s0 =	sand.u32 $0x1, s1  }
0x8c: {  	s14 =	sshll.u32 s0, $0xA;
	s2 =	sadd.s32 s3, s2  }
0x8d: {  	s2 =	sadd.s32 s2, s14  }
0x8e: {  	[smem:$0x3FC1] =	sst s2  }
0x8f: {  	_ = 	snop  }
0x90: {  	s2 =	sld [smem:$0x3FD0];
	_ =	sdelay $0x2  }
0x91: {  	s15 =	simm.s32 $0xA;
	s4 =	simm.s32 $0x10  }
0x92: {  	[smem:s4], [sflag:s15] =	dma.local [hbm:s2], $0x1  }
0x93: {  	_ =	swait.eq [sflag:s15], $0x1  }
0x94: {  	[sflag:s15] =	ssyncset.done $0x0  }
0x95: {  	[sflag:s15] =	ssyncadd.s32 $0xFFFFFFFF  }
0x96: {  	s16 =	sld [smem:$0x10];
	(tm) =	ssettm $0x1  }
0x97: {  	s17 =	sld [smem:$0x3FFB];
	_ =	sdelay $0x3  }
0x98: {  	_ =	strace s17  }
0x99: {  	s3 =	sld [smem:$0x3FFC];
	_ =	sdelay $0x3  }
0x9a: {  	_ =	strace s3  }
0x9b: {  	s3 =	sld [smem:$0x3FFD];
	_ =	sdelay $0x3  }
0x9c: {  	_ =	strace s3  }
0x9d: {  	_ =	strace $0x8FFFFFFF  }
0x9e: {  	s18 =	sld [smem:$0x3FDB];
	_ =	sdelay $0x1  }
0x9f: {  	s19 =	simm.s32 $_scs_section_size  }
0xa0: {  	s5 =	simm.s32 $_size__tile_overlayer_lowered;
	s6 =	simm.s32 $_tile_overlayer_lowered  }
0xa1: {  	s22 =	simm.s32 $0x1BFF;
	s21 =	sshll.u32 s6, $0x1;
	s3 =	sadd.s32 s19, s18  }
0xa2: {  	s7 =	simm.s32 $0x0;
	s20 =	sshll.u32 s5, $0x1;
	s5 =	sadd.s32 s21, s3  }
0xa3: {  	[timem:s7], [sflag:s22] =	dma.local [hbm:s5], s20  }
0xa4: {  	_ =	swait.ge [sflag:s22], s20  }
0xa5: {  	s4 =	ssub.s32 $0x0, s20;
	[sflag:s22] =	ssyncset.done $0x0  }
0xa6: {  	[sflag:s22] =	ssyncadd.s32 s4;
	_ =	sdelay $0x1  }
0xa7: {  	s23 =	simm.s32 $0x1B8B  }
0xa8: {  	_ =	swait.ge [sflag:s23], $0x1  }
0xa9: {  	[sflag:s23] =	ssyncset.done $0x0  }
0xaa: {  	s25 =	simm.s32 $0x1B8E;
	s24 =	sld [smem:$0x3FFE];
	[sflag:s23] =	ssyncadd.s32 $0xFFFFFFFF  }
0xab: {  	s26 =	simm.s32 $execute0_lowered;
	[smem:$0x3FD2] =	sst s25  }
0xac: {  	s5 =	sshll.u32 s26, $0x1;
	_ =	strace $0x80000049;
	[dreg:$0x1] =	wrdreg $0xFFFFFFFF  }
0xad: {  	s28 =	simm.s32 $_size_execute0_lowered;
	s3 =	sadd.s32 s3, s5;
	[dreg:$0x0] =	wrdreg $0x0  }
0xae: {  	s5 =	sshll.u32 s28, $0x1;
	[dreg:$0x2] =	wrdreg s3  }
0xaf: {  	[dreg:$0x3] =	wrdreg s5  }
0xb0: {  	[dreg:$0x4] =	wrdreg $0xC0  }
0xb1: {  	_ =	task [dreg:s7], $0x5FFFF  }
0xb2: {  	[dreg:$0x1] =	wrdreg $0xFFFFFFFF  }
0xb3: {  	[dreg:$0x0] =	wrdreg $0x60  }
0xb4: {  	[dreg:$0x2] =	wrdreg s24  }
0xb5: {  	[dreg:$0x3] =	wrdreg s16  }
0xb6: {  	[dreg:$0x4] =	wrdreg $0x9  }
0xb7: {  	_ =	task.clear_ibuf [dreg:s7], $0x5FFFF;
	_ =	strace $0x90000049  }
0xb8: {  	s29 =	simm.s32 $0x9;
	_ =	strace $0x8000004B  }
0xb9: {  	_ =	swait.ge [sflag:s29], $0x1  }
0xba: {  	[sflag:s29] =	ssyncadd.s32 $0xFFFFFFFF  }
0xbb: {  	_ =	strace $0x9000004B  }
0xbc: {  	_ =	sfence  }
0xbd: {  	s30 =	sld [smem:$0x0];
	_ =	sdelay $0x2  }
0xbe: {  	s31 =	sshll.u32 s1, $0xD;
	s1 =	sshrl.u32 s1, $0x2  }
0xbf: {  	s3 =	sand.u32 $0x4000, s31;
	s1 =	sadd.s32 s1, s30  }
0xc0: {  	s0 =	sor.u32 s3, s0;
	s1 =	sshll.u32 s1, $0x11  }
0xc1: {  	s0 =	sor.u32 s1, s0  }
0xc2: {  	s0 =	sadd.s32 $0x8F2B, s0  }
0xc3: {  	[sflag:s0] =	ssyncadd.remote.s32 $0x1  }
0xc4: {  	_ =	sfence.sel $0xFFFF  }
0xc5: {  	[dreg:$0x0] =	wrdreg $0xFFFFFFFF;
	(pc) =	sbr.abs _section_cstart, $3  }
0xc6: {  	[dreg:$0x1] =	wrdreg $0xFFFFFFFF  }
0xc7: {  	_ =	task.clear_ibuf [dreg:s7], $0x2FFFF;
	_ =	strace $0x9FFFFFFF  }
0xc8: {  	(tm) =	ssettm $0x7FFFFFFF  }
0xc9: {  	_ =	shalt  }
tec
execute0_lowered:
.L_overlay_start_1:
0x0: {  	(tag) =	ssettag $0x1  }
0x1: {  	s1 =	srdreg.scid;
	s4 =	rddreg [dreg:$0x0]  }
0x2: {  	s0 =	stileid.u32;
	s7 =	rddreg [dreg:$0x1]  }
0x3: {  	s2 =	simm.s32 $0x0;
	s11 =	simm.s32 $0x800;
	s12 =	simm.s32 $0x1000  }
0x4: {  	s13 =	simm.s32 $0x80;
	s14 =	simm.s32 $0x1300;
	s15 =	simm.s32 $0x5300  }
0x5: {  	v0 =	vlaneseq.u32;
	s16 =	simm.s32 $0x1080;
	s17 =	simm.s32 $0x9300;
	s18 =	simm.s32 $0xD300  }
0x6: {  	s19 =	simm.s32 $0x1;
	s20 =	simm.s32 $0x11300;
	s21 =	simm.s32 $0x2;
	v1 =	vmul.u32 $0x2, v0;
	v2 =	vmul.u32 $0x100, v0  }
0x7: {  	s22 =	simm.s32 $0x400;
	s23 =	simm.s32 $0x80000;
	s24 =	simm.s32 $0x0;
	v17 =	vor.u32 $0x80, v0;
	v18 =	vor.u32 $0x100, v0;
	v19 =	vor.u32 $0x180, v0  }
0x8: {  	s3 =	sand.u32 $0x1, s1;
	s5 =	sshll.u32 s0, $0xC;
	s1 =	rddreg [dreg:$0x2];
	v20 =	vor.u32 $0x200, v0;
	v21 =	vor.u32 $0x280, v0;
	v22 =	vor.u32 $0x300, v0  }
0x9: {  	[smem:$0x7FF] =	sst s2;
	v23 =	vor.u32 $0x380, v0;
	v24 =	vor.u32 $0x10, v0;
	v25 =	vor.u32 $0x90, v0;
	s6 =	sshll.u32 s3, $0xB;
	s30 =	ssub.s32 $0x2, s3  }
0xa: {  	v26 =	vor.u32 $0x110, v0;
	_ =	strace $0x8000004A;
	s8 =	sor.u32 s6, s5;
	s31 =	sshrl.u32 s30, $0x1;
	v3 =	vor.u32 $0x1, v1;
	v4 =	vor.u32 $0x4000, v2  }
0xb: {  	s3 =	sadd.s32 $0x6AC00, s4;
	v5 =	vor.u32 $0x20, v1;
	v6 =	vor.u32 $0x21, v1;
	v7 =	vor.u32 $0x5000, v2;
	s5 =	sshrl.u32 s8, $0x3;
	s10 =	ssub.s32 s30, s31  }
0xc: {  	v8 =	vor.u32 $0x1000, v2;
	v9 =	vor.u32 $0x40, v1;
	v10 =	vor.u32 $0x41, v1;
	s8 =	sadd.s32 s8, s7;
	s9 =	sadd.s32 s5, s4;
	s4 =	sadd.s32 $0x39E00, s4  }
0xd: {  	v11 =	vor.u32 $0x6000, v2;
	v12 =	vor.u32 $0x2000, v2;
	v13 =	vor.u32 $0x60, v1;
	s7 =	sadd.s32 $0xFFFFFF80, s8;
	s8 =	sadd.s32 $0x780, s8;
	s5 =	sadd.s32 $0x1000, s9  }
0xe: {  	v14 =	vor.u32 $0x61, v1;
	v15 =	vor.u32 $0x7000, v2;
	v16 =	vor.u32 $0x3000, v2;
	s6 =	sadd.s32 $0x37E00, s9;
	s9 =	smax.u32 s10, $0x1;
	s10 =	simm.s32 $0x3  }
.LBB2_1:
0xf: {  	[tilespmem:s2], [sflag:$0x3] =	stream.linear.gather [hbm4b:s5+s2], $0x800, $0x38;
	[tilespmem:$0x13300] =	vst v63  }
0x10: {  	_ =	swait.ge [sflag:s10], $0x800  }
0x11: {  	[sflag:s10] =	ssyncset.done $0x0  }
0x12: {  	[sflag:s10] =	ssyncadd.s32 $0xFFFFF800  }
0x13: {  	[tilespmem:s11], [sflag:$0x3] =	stream.linear.gather [hbm4b:s6+s2], $0x800, $0x38;
	[tilespmem:$0x13300] =	vst v63  }
0x14: {  	_ =	swait.ge [sflag:s10], $0x800  }
0x15: {  	[sflag:s10] =	ssyncset.done $0x0  }
0x16: {  	[sflag:s10] =	ssyncadd.s32 $0xFFFFF800  }
0x17: {  	v27 =	vld [tilespmem:$0x800];
	_ =	sdelay $0x4  }
0x18: {  	vm0 =	vlt.s32 v27, $0x1869FF  }
0x19: {  	v27 =	vnsel vm0, $0x1869FF, v27  }
0x1a: {  	v28 =	vshrl.u32 v27, $0x7  }
0x1b: {  	v28 =	vmin.u32 v28, $0x30D2  }
0x1c: {  	v29 =	vld [tilespmem:$0x0];
	[tilespmem:v1+s12+$0x0] =	vst.idx.msk $0xffff, v28;
	v30 =	vadd.s32 $0x1, v28  }
0x1d: {  	[tilespmem:v3+s12+$0x0] =	vst.idx.msk $0xffff, v30  }
0x1e: {  	v30 =	vld [tilespmem:$0x810];
	_ =	sdelay $0x2  }
0x1f: {  	vm9 =	veq.s32 v29, $0x0  }
0x20: {  	v29 =	vsel vm9, v2, v4;
	v28 =	vshll.u32 v28, $0x7  }
0x21: {  	v28 =	vsub.s32 v29, v28;
	vm10 =	vlt.s32 v30, $0x1869FF  }
0x22: {  	v27 =	vadd.s32 v27, v28;
	v56 =	vnsel vm10, $0x1869FF, v30  }
0x23: {  	[tilespmem:$0x1100] =	vst v27;
	v27 =	vadd.s32 $0x1869FF, v28;
	v57 =	vshrl.u32 v56, $0x7  }
0x24: {  	[tilespmem:$0x1200] =	vst v27;
	v28 =	vmin.u32 v57, $0x30D2  }
0x25: {  	v27 =	vld [tilespmem:$0x10];
	[tilespmem:v5+s12+$0x0] =	vst.idx.msk $0xffff, v28;
	v58 =	vadd.s32 $0x1, v28  }
0x26: {  	[tilespmem:v6+s12+$0x0] =	vst.idx.msk $0xffff, v58  }
0x27: {  	v30 =	vld [tilespmem:$0x820];
	_ =	sdelay $0x2  }
0x28: {  	vm11 =	veq.s32 v27, $0x0  }
0x29: {  	v27 =	vsel vm11, v8, v7;
	v28 =	vshll.u32 v28, $0x7  }
0x2a: {  	v27 =	vsub.s32 v27, v28;
	vm12 =	vlt.s32 v30, $0x1869FF  }
0x2b: {  	v28 =	vadd.s32 v56, v27;
	v59 =	vnsel vm12, $0x1869FF, v30  }
0x2c: {  	v27 =	vadd.s32 $0x1869FF, v27;
	[tilespmem:$0x1110] =	vst v28;
	v60 =	vshrl.u32 v59, $0x7  }
0x2d: {  	[tilespmem:$0x1210] =	vst v27;
	v28 =	vmin.u32 v60, $0x30D2  }
0x2e: {  	v27 =	vld [tilespmem:$0x20];
	[tilespmem:v9+s12+$0x0] =	vst.idx.msk $0xffff, v28;
	v61 =	vadd.s32 $0x1, v28  }
0x2f: {  	[tilespmem:v10+s12+$0x0] =	vst.idx.msk $0xffff, v61  }
0x30: {  	v30 =	vld [tilespmem:$0x830];
	_ =	sdelay $0x2  }
0x31: {  	v31 =	vld [tilespmem:$0x30]  }
0x32: {  	vm13 =	veq.s32 v27, $0x0  }
0x33: {  	v27 =	vsel vm13, v12, v11;
	v28 =	vshll.u32 v28, $0x7;
	vm14 =	vlt.s32 v30, $0x1869FF  }
0x34: {  	v27 =	vsub.s32 v27, v28;
	v62 =	vnsel vm14, $0x1869FF, v30  }
0x35: {  	v29 =	vadd.s32 v59, v27;
	v30 =	vshrl.u32 v62, $0x7  }
0x36: {  	v27 =	vadd.s32 $0x1869FF, v27;
	[tilespmem:$0x1120] =	vst v29;
	vm15 =	veq.s32 v31, $0x0;
	v63 =	vmin.u32 v30, $0x30D2  }
0x37: {  	[tilespmem:$0x1220] =	vst v27;
	v27 =	vsel vm15, v16, v15;
	v30 =	vshll.u32 v63, $0x7  }
0x38: {  	[tilespmem:v13+s12+$0x0] =	vst.idx.msk $0xffff, v63;
	v29 =	vadd.s32 $0x1, v63;
	v27 =	vsub.s32 v27, v30  }
0x39: {  	[tilespmem:v14+s12+$0x0] =	vst.idx.msk $0xffff, v29;
	v28 =	vadd.s32 v62, v27  }
0x3a: {  	v27 =	vadd.s32 $0x1869FF, v27;
	[tilespmem:$0x1130] =	vst v28  }
0x3b: {  	[tilespmem:$0x1230] =	vst v27  }
0x3c: {  	[tilespmem:s14], [sflag:$0x1] =	stream.indirect.gather [hbm4b:s3+s13], $0x80, s12, s13, $0xb8;
	[tilespmem:$0x13300] =	vst v63  }
0x3d: {  	s25 =	simm.s32 $0x0  }
0x3e: {  	[tilespmem:s15], [sflag:$0x1] =	stream.indirect.gather [hbm4b:s4+s13], $0x80, s12, s13, $0xb8;
	[tilespmem:$0x13300] =	vst v63  }
.LBB2_2:
0x3f: {  	s26 =	sshll.u32 s25, $0x7  }
0x40: {  	v27 =	vld [tilespmem:s26+$0x840];
	_ =	sdelay $0x2  }
0x41: {  	v28 =	vld [tilespmem:s26+$0x40];
	_ =	sdelay $0x1  }
0x42: {  	vm0 =	vlt.s32 v27, $0x1869FF  }
0x43: {  	v27 =	vnsel vm0, $0x1869FF, v27  }
0x44: {  	v29 =	vshrl.u32 v27, $0x7  }
0x45: {  	vm13 =	veq.s32 v28, $0x0;
	v28 =	vmin.u32 v29, $0x30D2  }
0x46: {  	v29 =	vsel vm13, v2, v4;
	v30 =	vshll.u32 v28, $0x7  }
0x47: {  	[tilespmem:v1+s16+$0x0] =	vst.idx.msk $0xffff, v28;
	v28 =	vadd.s32 $0x1, v28;
	v29 =	vsub.s32 v29, v30  }
0x48: {  	[tilespmem:v3+s16+$0x0] =	vst.idx.msk $0xffff, v28;
	v27 =	vadd.s32 v27, v29  }
0x49: {  	[tilespmem:$0x1180] =	vst v27;
	v27 =	vadd.s32 $0x1869FF, v29  }
0x4a: {  	[tilespmem:$0x1280] =	vst v27  }
0x4b: {  	v27 =	vld [tilespmem:s26+$0x850];
	_ =	sdelay $0x2  }
0x4c: {  	v28 =	vld [tilespmem:s26+$0x50];
	_ =	sdelay $0x1  }
0x4d: {  	vm14 =	vlt.s32 v27, $0x1869FF  }
0x4e: {  	v27 =	vnsel vm14, $0x1869FF, v27  }
0x4f: {  	v29 =	vshrl.u32 v27, $0x7  }
0x50: {  	vm15 =	veq.s32 v28, $0x0;
	v28 =	vmin.u32 v29, $0x30D2  }
0x51: {  	v29 =	vsel vm15, v8, v7;
	v30 =	vshll.u32 v28, $0x7  }
0x52: {  	[tilespmem:v5+s16+$0x0] =	vst.idx.msk $0xffff, v28;
	v28 =	vadd.s32 $0x1, v28;
	v29 =	vsub.s32 v29, v30  }
0x53: {  	[tilespmem:v6+s16+$0x0] =	vst.idx.msk $0xffff, v28;
	v27 =	vadd.s32 v27, v29  }
0x54: {  	[tilespmem:$0x1190] =	vst v27;
	v27 =	vadd.s32 $0x1869FF, v29  }
0x55: {  	[tilespmem:$0x1290] =	vst v27  }
0x56: {  	v27 =	vld [tilespmem:s26+$0x860];
	_ =	sdelay $0x2  }
0x57: {  	v28 =	vld [tilespmem:s26+$0x60];
	_ =	sdelay $0x1  }
0x58: {  	vm4 =	vlt.s32 v27, $0x1869FF  }
0x59: {  	v27 =	vnsel vm4, $0x1869FF, v27  }
0x5a: {  	v29 =	vshrl.u32 v27, $0x7  }
0x5b: {  	vm5 =	veq.s32 v28, $0x0;
	v28 =	vmin.u32 v29, $0x30D2  }
0x5c: {  	v29 =	vsel vm5, v12, v11;
	v30 =	vshll.u32 v28, $0x7  }
0x5d: {  	[tilespmem:v9+s16+$0x0] =	vst.idx.msk $0xffff, v28;
	v28 =	vadd.s32 $0x1, v28;
	v29 =	vsub.s32 v29, v30  }
0x5e: {  	[tilespmem:v10+s16+$0x0] =	vst.idx.msk $0xffff, v28;
	v27 =	vadd.s32 v27, v29  }
0x5f: {  	[tilespmem:$0x11A0] =	vst v27;
	v27 =	vadd.s32 $0x1869FF, v29  }
0x60: {  	[tilespmem:$0x12A0] =	vst v27  }
0x61: {  	v27 =	vld [tilespmem:s26+$0x870];
	_ =	sdelay $0x2  }
0x62: {  	v28 =	vld [tilespmem:s26+$0x70];
	_ =	sdelay $0x1  }
0x63: {  	vm6 =	vlt.s32 v27, $0x1869FF  }
0x64: {  	v27 =	vnsel vm6, $0x1869FF, v27  }
0x65: {  	v29 =	vshrl.u32 v27, $0x7  }
0x66: {  	vm7 =	veq.s32 v28, $0x0;
	v28 =	vmin.u32 v29, $0x30D2  }
0x67: {  	v29 =	vsel vm7, v16, v15;
	v30 =	vshll.u32 v28, $0x7  }
0x68: {  	[tilespmem:v13+s16+$0x0] =	vst.idx.msk $0xffff, v28;
	v28 =	vadd.s32 $0x1, v28;
	v29 =	vsub.s32 v29, v30  }
0x69: {  	[tilespmem:v14+s16+$0x0] =	vst.idx.msk $0xffff, v28;
	v27 =	vadd.s32 v27, v29  }
0x6a: {  	[tilespmem:$0x11B0] =	vst v27;
	v27 =	vadd.s32 $0x1869FF, v29  }
0x6b: {  	p0 =	seq.s32 s25, $0x0;
	[tilespmem:$0x12B0] =	vst v27  }
0x6c: {  	[tilespmem:s17], [sflag:$0x2] =	stream.indirect.gather [hbm4b:s3+s13], $0x80, s16, s13, $0xb8;
	[tilespmem:$0x13300] =	vst v63  }
0x6d: {  	s28 =	sadd.s32 @!p0 s26, s7  }
0x6e: {  	[tilespmem:s18], [sflag:$0x2] =	stream.indirect.gather [hbm4b:s4+s13], $0x80, s16, s13, $0xb8;
	[tilespmem:$0x13300] =	vst v63  }
0x6f: {  	s29 =	simm.s32 @!p0 $0x400;
	s30 =	simm.s32 @!p0 $0x80000;
	s31 =	simm.s32 @!p0 $0x11300  }
0x70: {  	[hbm4b:s28+s29] =	stream.strided.scatter @!p0 [tilespmem:s31], [sflag:$0x3], $0x2000, s30, s29, $0x38;
	[tilespmem:$0x13300] =	vst v63  }
0x71: {  	s28 =	simm.s32 @!p0 $0x3  }
0x72: {  	_ =	swait.ge @!p0 [sflag:s28], $0x2000  }
0x73: {  	[sflag:s28] =	ssyncset.done @!p0 $0x0  }
0x74: {  	[sflag:s28] =	ssyncadd.s32 @!p0 $0xFFFFE000  }
0x75: {  	_ =	swait.ge [sflag:s19], $0x4000  }
0x76: {  	[sflag:s19] =	ssyncset.done $0x0  }
0x77: {  	[sflag:s19] =	ssyncadd.s32 $0xFFFFC000  }
0x78: {  	_ =	swait.ge [sflag:s19], $0x4000  }
0x79: {  	[sflag:s19] =	ssyncset.done $0x0  }
0x7a: {  	[sflag:s19] =	ssyncadd.s32 $0xFFFFC000  }
0x7b: {  	v30 =	vld [tilespmem:$0x1100]  }
0x7c: {  	v27 =	vld [tilespmem:$0x1200];
	_ =	sdelay $0x3  }
0x7d: {  	v28 =	vadd.s32 $0x1, v30  }
0x7e: {  	vm8 =	vlt.s32 v28, v27  }
0x7f: {  	v29 =	vimm.s32 $0x0;
	v31 =	vsel vm8, v28, v27  }
0x80: {  	v28 =	vshll.u32 v29, $0x7;
	v32 =	vadd.s32 $0x1, v31  }
0x81: {  	v30 =	vld.idx.msk [tilespmem:v30+s14+$0x0], $0xffff;
	v33 =	vor.u32 v0, v28;
	vm9 =	vlt.s32 v32, v27  }
0x82: {  	v32 =	vsel vm9, v32, v27  }
0x83: {  	v34 =	vadd.s32 $0x1, v32  }
0x84: {  	vm10 =	vlt.s32 v34, v27  }
0x85: {  	v34 =	vsel vm10, v34, v27  }
0x86: {  	[tilespmem:v33+s20+$0x0] =	vst.idx.msk $0xffff, v30;
	v35 =	vadd.s32 $0x1, v34  }
0x87: {  	v36 =	vor.u32 v17, v28;
	v30 =	vld.idx.msk [tilespmem:v31+s14+$0x0], $0xffff;
	vm11 =	vlt.s32 v35, v27  }
0x88: {  	v33 =	vsel vm11, v35, v27  }
0x89: {  	v31 =	vadd.s32 $0x1, v33  }
0x8a: {  	vm12 =	vlt.s32 v31, v27  }
0x8b: {  	v31 =	vsel vm12, v31, v27  }
0x8c: {  	[tilespmem:v36+s20+$0x0] =	vst.idx.msk $0xffff, v30;
	v63 =	vadd.s32 $0x1, v31  }
0x8d: {  	v37 =	vor.u32 v18, v28;
	v36 =	vld.idx.msk [tilespmem:v32+s14+$0x0], $0xffff;
	vm13 =	vlt.s32 v63, v27  }
0x8e: {  	v32 =	vsel vm13, v63, v27  }
0x8f: {  	v30 =	vadd.s32 $0x1, v32  }
0x90: {  	vm14 =	vlt.s32 v30, v27  }
0x91: {  	v30 =	vsel vm14, v30, v27  }
0x92: {  	[tilespmem:v37+s20+$0x0] =	vst.idx.msk $0xffff, v36;
	v38 =	vadd.s32 $0x1, v30  }
0x93: {  	v36 =	vor.u32 v19, v28;
	v35 =	vld.idx.msk [tilespmem:v34+s14+$0x0], $0xffff;
	vm15 =	vlt.s32 v38, v27  }
0x94: {  	s28 =	simm.s32 $0x0;
	v34 =	vsel vm15, v38, v27  }
.LBB2_3:
0x95: {  	s28 =	sadd.s32 $0x8, s28  }
0x96: {  	p0 =	slt.u32 s28, $0x38;
	_ =	sdelay $0x1  }
0x97: {  	[tilespmem:v36+s20+$0x0] =	vst.idx.msk $0xffff, v35  }
0x98: {  	v33 =	vld.idx.msk [tilespmem:v33+s14+$0x0], $0xffff  }
0x99: {  	v35 =	vor.u32 v20, v28;
	_ =	sdelay $0x4  }
0x9a: {  	[tilespmem:v35+s20+$0x0] =	vst.idx.msk $0xffff, v33  }
0x9b: {  	v31 =	vld.idx.msk [tilespmem:v31+s14+$0x0], $0xffff  }
0x9c: {  	v33 =	vor.u32 v21, v28;
	_ =	sdelay $0x4  }
0x9d: {  	[tilespmem:v33+s20+$0x0] =	vst.idx.msk $0xffff, v31  }
0x9e: {  	v31 =	vld.idx.msk [tilespmem:v32+s14+$0x0], $0xffff  }
0x9f: {  	v32 =	vor.u32 v22, v28;
	_ =	sdelay $0x4  }
0xa0: {  	[tilespmem:v32+s20+$0x0] =	vst.idx.msk $0xffff, v31  }
0xa1: {  	v30 =	vld.idx.msk [tilespmem:v30+s14+$0x0], $0xffff  }
0xa2: {  	v28 =	vor.u32 v23, v28;
	_ =	sdelay $0x4  }
0xa3: {  	v29 =	vadd.s32 $0x8, v29;
	[tilespmem:v28+s20+$0x0] =	vst.idx.msk $0xffff, v30  }
0xa4: {  	v31 =	vadd.s32 $0x1, v34;
	v28 =	vshll.u32 v29, $0x7;
	v30 =	vld.idx.msk [tilespmem:v34+s14+$0x0], $0xffff  }
0xa5: {  	vm0 =	vlt.s32 v31, v27;
	v32 =	vor.u32 v0, v28  }
0xa6: {  	v31 =	vsel vm0, v31, v27  }
0xa7: {  	v33 =	vadd.s32 $0x1, v31  }
0xa8: {  	vm0 =	vlt.s32 v33, v27  }
0xa9: {  	v34 =	vsel vm0, v33, v27  }
0xaa: {  	[tilespmem:v32+s20+$0x0] =	vst.idx.msk $0xffff, v30;
	v30 =	vadd.s32 $0x1, v34  }
0xab: {  	v31 =	vld.idx.msk [tilespmem:v31+s14+$0x0], $0xffff;
	vm0 =	vlt.s32 v30, v27  }
0xac: {  	v32 =	vor.u32 v17, v28;
	v35 =	vsel vm0, v30, v27  }
0xad: {  	v30 =	vadd.s32 $0x1, v35  }
0xae: {  	vm0 =	vlt.s32 v30, v27  }
0xaf: {  	v33 =	vsel vm0, v30, v27  }
0xb0: {  	v30 =	vadd.s32 $0x1, v33  }
0xb1: {  	[tilespmem:v32+s20+$0x0] =	vst.idx.msk $0xffff, v31;
	vm0 =	vlt.s32 v30, v27  }
0xb2: {  	v34 =	vld.idx.msk [tilespmem:v34+s14+$0x0], $0xffff;
	v31 =	vsel vm0, v30, v27  }
0xb3: {  	v30 =	vor.u32 v18, v28;
	v32 =	vadd.s32 $0x1, v31  }
0xb4: {  	vm0 =	vlt.s32 v32, v27  }
0xb5: {  	v32 =	vsel vm0, v32, v27  }
0xb6: {  	v36 =	vadd.s32 $0x1, v32  }
.Ltmp0:
0xb7: {  	vm0 =	vlt.s32 v36, v27;
	(pc) =	sbr.rel @p0 .LBB2_3-.Ltmp0, $4  }
0xb8: {  	[tilespmem:v30+s20+$0x0] =	vst.idx.msk $0xffff, v34;
	v30 =	vsel vm0, v36, v27  }
0xb9: {  	v35 =	vld.idx.msk [tilespmem:v35+s14+$0x0], $0xffff;
	v34 =	vadd.s32 $0x1, v30  }
0xba: {  	v36 =	vor.u32 v19, v28;
	vm0 =	vlt.s32 v34, v27  }
0xbb: {  	v34 =	vsel vm0, v34, v27  }
0xbc: {  	_ =	sdelay $0x3  }
0xbd: {  	[tilespmem:v36+s20+$0x0] =	vst.idx.msk $0xffff, v35  }
0xbe: {  	v29 =	vor.u32 v20, v28;
	v27 =	vld.idx.msk [tilespmem:v33+s14+$0x0], $0xffff;
	_ =	sdelay $0x4  }
0xbf: {  	[tilespmem:v29+s20+$0x0] =	vst.idx.msk $0xffff, v27  }
0xc0: {  	v29 =	vor.u32 v21, v28;
	v27 =	vld.idx.msk [tilespmem:v31+s14+$0x0], $0xffff;
	_ =	sdelay $0x4  }
0xc1: {  	[tilespmem:v29+s20+$0x0] =	vst.idx.msk $0xffff, v27  }
0xc2: {  	v29 =	vor.u32 v22, v28;
	v27 =	vld.idx.msk [tilespmem:v32+s14+$0x0], $0xffff;
	_ =	sdelay $0x4  }
0xc3: {  	[tilespmem:v29+s20+$0x0] =	vst.idx.msk $0xffff, v27  }
0xc4: {  	v28 =	vor.u32 v23, v28;
	v27 =	vld.idx.msk [tilespmem:v30+s14+$0x0], $0xffff;
	_ =	sdelay $0x4  }
0xc5: {  	[tilespmem:v28+s20+$0x0] =	vst.idx.msk $0xffff, v27  }
0xc6: {  	v30 =	vld [tilespmem:$0x1110]  }
0xc7: {  	v27 =	vld [tilespmem:$0x1210];
	_ =	sdelay $0x3  }
0xc8: {  	v28 =	vadd.s32 $0x1, v30  }
0xc9: {  	vm0 =	vlt.s32 v28, v27  }
0xca: {  	v29 =	vimm.s32 $0x0;
	v31 =	vsel vm0, v28, v27  }
0xcb: {  	v28 =	vshll.u32 v29, $0x7;
	v59 =	vadd.s32 $0x1, v31  }
0xcc: {  	v30 =	vld.idx.msk [tilespmem:v30+s14+$0x0], $0xffff;
	v60 =	vor.u32 v24, v28;
	vm9 =	vlt.s32 v59, v27  }
0xcd: {  	v32 =	vsel vm9, v59, v27  }
0xce: {  	v34 =	vadd.s32 $0x1, v32  }
0xcf: {  	vm10 =	vlt.s32 v34, v27  }
0xd0: {  	v34 =	vsel vm10, v34, v27  }
0xd1: {  	[tilespmem:v60+s20+$0x0] =	vst.idx.msk $0xffff, v30;
	v61 =	vadd.s32 $0x1, v34  }
0xd2: {  	v30 =	vld.idx.msk [tilespmem:v31+s14+$0x0], $0xffff;
	v31 =	vor.u32 v25, v28;
	vm11 =	vlt.s32 v61, v27  }
0xd3: {  	v38 =	vsel vm11, v61, v27  }
0xd4: {  	v62 =	vadd.s32 $0x1, v38  }
0xd5: {  	vm12 =	vlt.s32 v62, v27  }
0xd6: {  	v37 =	vsel vm12, v62, v27  }
0xd7: {  	[tilespmem:v31+s20+$0x0] =	vst.idx.msk $0xffff, v30;
	v33 =	vadd.s32 $0x1, v37  }
0xd8: {  	v31 =	vor.u32 v26, v28;
	v30 =	vld.idx.msk [tilespmem:v32+s14+$0x0], $0xffff;
	vm13 =	vlt.s32 v33, v27  }
0xd9: {  	v36 =	vsel vm13, v33, v27  }
0xda: {  	v63 =	vadd.s32 $0x1, v36  }
0xdb: {  	vm14 =	vlt.s32 v63, v27  }
0xdc: {  	v35 =	vsel vm14, v63, v27  }
0xdd: {  	[tilespmem:v31+s20+$0x0] =	vst.idx.msk $0xffff, v30;
	v30 =	vor.u32 $0x190, v0;
	v32 =	vadd.s32 $0x1, v35  }
0xde: {  	v40 =	vld.idx.msk [tilespmem:v34+s14+$0x0], $0xffff;
	v41 =	vor.u32 v30, v28;
	vm15 =	vlt.s32 v32, v27  }
0xdf: {  	s28 =	simm.s32 $0x0;
	v39 =	vsel vm15, v32, v27  }
.LBB2_5:
0xe0: {  	s28 =	sadd.s32 $0x8, s28  }
0xe1: {  	p0 =	slt.u32 s28, $0x38;
	_ =	sdelay $0x1  }
0xe2: {  	[tilespmem:v41+s20+$0x0] =	vst.idx.msk $0xffff, v40  }
0xe3: {  	v31 =	vor.u32 $0x210, v0;
	v32 =	vld.idx.msk [tilespmem:v38+s14+$0x0], $0xffff  }
0xe4: {  	v33 =	vor.u32 v31, v28;
	_ =	sdelay $0x4  }
0xe5: {  	[tilespmem:v33+s20+$0x0] =	vst.idx.msk $0xffff, v32  }
0xe6: {  	v32 =	vor.u32 $0x290, v0;
	v33 =	vld.idx.msk [tilespmem:v37+s14+$0x0], $0xffff  }
0xe7: {  	v34 =	vor.u32 v32, v28;
	_ =	sdelay $0x4  }
0xe8: {  	[tilespmem:v34+s20+$0x0] =	vst.idx.msk $0xffff, v33  }
0xe9: {  	v33 =	vor.u32 $0x310, v0;
	v34 =	vld.idx.msk [tilespmem:v36+s14+$0x0], $0xffff  }
0xea: {  	v36 =	vor.u32 v33, v28;
	_ =	sdelay $0x4  }
0xeb: {  	[tilespmem:v36+s20+$0x0] =	vst.idx.msk $0xffff, v34  }
0xec: {  	v34 =	vor.u32 $0x390, v0;
	v35 =	vld.idx.msk [tilespmem:v35+s14+$0x0], $0xffff  }
0xed: {  	v28 =	vor.u32 v34, v28;
	_ =	sdelay $0x4  }
0xee: {  	v29 =	vadd.s32 $0x8, v29;
	[tilespmem:v28+s20+$0x0] =	vst.idx.msk $0xffff, v35  }
0xef: {  	v36 =	vadd.s32 $0x1, v39;
	v28 =	vshll.u32 v29, $0x7;
	v35 =	vld.idx.msk [tilespmem:v39+s14+$0x0], $0xffff  }
0xf0: {  	vm0 =	vlt.s32 v36, v27;
	v37 =	vor.u32 v24, v28  }
0xf1: {  	v36 =	vsel vm0, v36, v27  }
0xf2: {  	v38 =	vadd.s32 $0x1, v36  }
0xf3: {  	vm0 =	vlt.s32 v38, v27  }
0xf4: {  	v39 =	vsel vm0, v38, v27  }
0xf5: {  	[tilespmem:v37+s20+$0x0] =	vst.idx.msk $0xffff, v35;
	v35 =	vadd.s32 $0x1, v39  }
0xf6: {  	v36 =	vld.idx.msk [tilespmem:v36+s14+$0x0], $0xffff;
	vm0 =	vlt.s32 v35, v27  }
0xf7: {  	v37 =	vor.u32 v25, v28;
	v40 =	vsel vm0, v35, v27  }
0xf8: {  	v35 =	vadd.s32 $0x1, v40  }
0xf9: {  	vm0 =	vlt.s32 v35, v27  }
0xfa: {  	v38 =	vsel vm0, v35, v27  }
0xfb: {  	v35 =	vadd.s32 $0x1, v38  }
0xfc: {  	[tilespmem:v37+s20+$0x0] =	vst.idx.msk $0xffff, v36;
	vm0 =	vlt.s32 v35, v27  }
0xfd: {  	v39 =	vld.idx.msk [tilespmem:v39+s14+$0x0], $0xffff;
	v37 =	vsel vm0, v35, v27  }
0xfe: {  	v35 =	vor.u32 v26, v28;
	v36 =	vadd.s32 $0x1, v37  }
0xff: {  	vm0 =	vlt.s32 v36, v27  }
0x100: {  	v36 =	vsel vm0, v36, v27  }
0x101: {  	v41 =	vadd.s32 $0x1, v36  }
.Ltmp1:
0x102: {  	vm0 =	vlt.s32 v41, v27;
	(pc) =	sbr.rel @p0 .LBB2_5-.Ltmp1, $4  }
0x103: {  	[tilespmem:v35+s20+$0x0] =	vst.idx.msk $0xffff, v39;
	v35 =	vsel vm0, v41, v27  }
0x104: {  	v40 =	vld.idx.msk [tilespmem:v40+s14+$0x0], $0xffff;
	v39 =	vadd.s32 $0x1, v35  }
0x105: {  	v41 =	vor.u32 v30, v28;
	vm0 =	vlt.s32 v39, v27  }
0x106: {  	v39 =	vsel vm0, v39, v27  }
0x107: {  	_ =	sdelay $0x3  }
0x108: {  	[tilespmem:v41+s20+$0x0] =	vst.idx.msk $0xffff, v40  }
0x109: {  	v29 =	vor.u32 v31, v28;
	v27 =	vld.idx.msk [tilespmem:v38+s14+$0x0], $0xffff;
	_ =	sdelay $0x4  }
0x10a: {  	[tilespmem:v29+s20+$0x0] =	vst.idx.msk $0xffff, v27  }
0x10b: {  	v29 =	vor.u32 v32, v28;
	v27 =	vld.idx.msk [tilespmem:v37+s14+$0x0], $0xffff;
	_ =	sdelay $0x4  }
0x10c: {  	[tilespmem:v29+s20+$0x0] =	vst.idx.msk $0xffff, v27  }
0x10d: {  	v29 =	vor.u32 v33, v28;
	v27 =	vld.idx.msk [tilespmem:v36+s14+$0x0], $0xffff;
	_ =	sdelay $0x4  }
0x10e: {  	[tilespmem:v29+s20+$0x0] =	vst.idx.msk $0xffff, v27  }
0x10f: {  	v28 =	vor.u32 v34, v28;
	v27 =	vld.idx.msk [tilespmem:v35+s14+$0x0], $0xffff;
	_ =	sdelay $0x4  }
0x110: {  	[tilespmem:v28+s20+$0x0] =	vst.idx.msk $0xffff, v27  }
0x111: {  	v31 =	vld [tilespmem:$0x1120]  }
0x112: {  	v27 =	vld [tilespmem:$0x1220];
	_ =	sdelay $0x3  }
0x113: {  	v28 =	vadd.s32 $0x1, v31  }
0x114: {  	vm0 =	vlt.s32 v28, v27  }
0x115: {  	v29 =	vimm.s32 $0x0;
	v57 =	vsel vm0, v28, v27  }
0x116: {  	v30 =	vor.u32 $0x20, v0;
	v28 =	vshll.u32 v29, $0x7;
	v58 =	vadd.s32 $0x1, v57  }
0x117: {  	v31 =	vld.idx.msk [tilespmem:v31+s14+$0x0], $0xffff;
	v59 =	vor.u32 v30, v28;
	vm9 =	vlt.s32 v58, v27  }
0x118: {  	v33 =	vsel vm9, v58, v27  }
0x119: {  	v60 =	vadd.s32 $0x1, v33  }
0x11a: {  	vm10 =	vlt.s32 v60, v27  }
0x11b: {  	v35 =	vsel vm10, v60, v27  }
0x11c: {  	[tilespmem:v59+s20+$0x0] =	vst.idx.msk $0xffff, v31;
	v31 =	vor.u32 $0xA0, v0;
	v61 =	vadd.s32 $0x1, v35  }
0x11d: {  	v32 =	vld.idx.msk [tilespmem:v57+s14+$0x0], $0xffff;
	v62 =	vor.u32 v31, v28;
	vm11 =	vlt.s32 v61, v27  }
0x11e: {  	v41 =	vsel vm11, v61, v27  }
0x11f: {  	v36 =	vadd.s32 $0x1, v41  }
0x120: {  	vm12 =	vlt.s32 v36, v27  }
0x121: {  	v39 =	vsel vm12, v36, v27  }
0x122: {  	[tilespmem:v62+s20+$0x0] =	vst.idx.msk $0xffff, v32;
	v32 =	vor.u32 $0x120, v0;
	v36 =	vadd.s32 $0x1, v39  }
0x123: {  	v33 =	vld.idx.msk [tilespmem:v33+s14+$0x0], $0xffff;
	v63 =	vor.u32 v32, v28;
	vm13 =	vlt.s32 v36, v27  }
0x124: {  	v40 =	vsel vm13, v36, v27  }
0x125: {  	v36 =	vadd.s32 $0x1, v40  }
0x126: {  	vm14 =	vlt.s32 v36, v27  }
0x127: {  	v38 =	vsel vm14, v36, v27  }
0x128: {  	[tilespmem:v63+s20+$0x0] =	vst.idx.msk $0xffff, v33;
	v33 =	vor.u32 $0x1A0, v0;
	v36 =	vadd.s32 $0x1, v38  }
0x129: {  	v43 =	vld.idx.msk [tilespmem:v35+s14+$0x0], $0xffff;
	v44 =	vor.u32 v33, v28;
	vm15 =	vlt.s32 v36, v27  }
0x12a: {  	s28 =	simm.s32 $0x0;
	v42 =	vsel vm15, v36, v27  }
.LBB2_7:
0x12b: {  	s28 =	sadd.s32 $0x8, s28  }
0x12c: {  	p0 =	slt.u32 s28, $0x38;
	_ =	sdelay $0x1  }
0x12d: {  	[tilespmem:v44+s20+$0x0] =	vst.idx.msk $0xffff, v43  }
0x12e: {  	v34 =	vor.u32 $0x220, v0;
	v35 =	vld.idx.msk [tilespmem:v41+s14+$0x0], $0xffff  }
0x12f: {  	v36 =	vor.u32 v34, v28;
	_ =	sdelay $0x4  }
0x130: {  	[tilespmem:v36+s20+$0x0] =	vst.idx.msk $0xffff, v35  }
0x131: {  	v35 =	vor.u32 $0x2A0, v0;
	v36 =	vld.idx.msk [tilespmem:v39+s14+$0x0], $0xffff  }
0x132: {  	v37 =	vor.u32 v35, v28;
	_ =	sdelay $0x4  }
0x133: {  	[tilespmem:v37+s20+$0x0] =	vst.idx.msk $0xffff, v36  }
0x134: {  	v36 =	vor.u32 $0x320, v0;
	v37 =	vld.idx.msk [tilespmem:v40+s14+$0x0], $0xffff  }
0x135: {  	v39 =	vor.u32 v36, v28;
	_ =	sdelay $0x4  }
0x136: {  	[tilespmem:v39+s20+$0x0] =	vst.idx.msk $0xffff, v37  }
0x137: {  	v37 =	vor.u32 $0x3A0, v0;
	v38 =	vld.idx.msk [tilespmem:v38+s14+$0x0], $0xffff  }
0x138: {  	v28 =	vor.u32 v37, v28;
	_ =	sdelay $0x4  }
0x139: {  	v29 =	vadd.s32 $0x8, v29;
	[tilespmem:v28+s20+$0x0] =	vst.idx.msk $0xffff, v38  }
0x13a: {  	v39 =	vadd.s32 $0x1, v42;
	v28 =	vshll.u32 v29, $0x7;
	v38 =	vld.idx.msk [tilespmem:v42+s14+$0x0], $0xffff  }
0x13b: {  	vm0 =	vlt.s32 v39, v27;
	v40 =	vor.u32 v30, v28  }
0x13c: {  	v39 =	vsel vm0, v39, v27  }
0x13d: {  	v41 =	vadd.s32 $0x1, v39  }
0x13e: {  	vm0 =	vlt.s32 v41, v27  }
0x13f: {  	v42 =	vsel vm0, v41, v27  }
0x140: {  	[tilespmem:v40+s20+$0x0] =	vst.idx.msk $0xffff, v38;
	v38 =	vadd.s32 $0x1, v42  }
0x141: {  	v39 =	vld.idx.msk [tilespmem:v39+s14+$0x0], $0xffff;
	vm0 =	vlt.s32 v38, v27  }
0x142: {  	v40 =	vor.u32 v31, v28;
	v43 =	vsel vm0, v38, v27  }
0x143: {  	v38 =	vadd.s32 $0x1, v43  }
0x144: {  	vm0 =	vlt.s32 v38, v27  }
0x145: {  	v41 =	vsel vm0, v38, v27  }
0x146: {  	v38 =	vadd.s32 $0x1, v41  }
0x147: {  	[tilespmem:v40+s20+$0x0] =	vst.idx.msk $0xffff, v39;
	vm0 =	vlt.s32 v38, v27  }
0x148: {  	v42 =	vld.idx.msk [tilespmem:v42+s14+$0x0], $0xffff;
	v39 =	vsel vm0, v38, v27  }
0x149: {  	v38 =	vor.u32 v32, v28;
	v40 =	vadd.s32 $0x1, v39  }
0x14a: {  	vm0 =	vlt.s32 v40, v27  }
0x14b: {  	v40 =	vsel vm0, v40, v27  }
0x14c: {  	v44 =	vadd.s32 $0x1, v40  }
.Ltmp2:
0x14d: {  	vm0 =	vlt.s32 v44, v27;
	(pc) =	sbr.rel @p0 .LBB2_7-.Ltmp2, $4  }
0x14e: {  	[tilespmem:v38+s20+$0x0] =	vst.idx.msk $0xffff, v42;
	v38 =	vsel vm0, v44, v27  }
0x14f: {  	v43 =	vld.idx.msk [tilespmem:v43+s14+$0x0], $0xffff;
	v42 =	vadd.s32 $0x1, v38  }
0x150: {  	v44 =	vor.u32 v33, v28;
	vm0 =	vlt.s32 v42, v27  }
0x151: {  	v42 =	vsel vm0, v42, v27  }
0x152: {  	_ =	sdelay $0x3  }
0x153: {  	[tilespmem:v44+s20+$0x0] =	vst.idx.msk $0xffff, v43  }
0x154: {  	v29 =	vor.u32 v34, v28;
	v27 =	vld.idx.msk [tilespmem:v41+s14+$0x0], $0xffff;
	_ =	sdelay $0x4  }
0x155: {  	[tilespmem:v29+s20+$0x0] =	vst.idx.msk $0xffff, v27  }
0x156: {  	v29 =	vor.u32 v35, v28;
	v27 =	vld.idx.msk [tilespmem:v39+s14+$0x0], $0xffff;
	_ =	sdelay $0x4  }
0x157: {  	[tilespmem:v29+s20+$0x0] =	vst.idx.msk $0xffff, v27  }
0x158: {  	v29 =	vor.u32 v36, v28;
	v27 =	vld.idx.msk [tilespmem:v40+s14+$0x0], $0xffff;
	_ =	sdelay $0x4  }
0x159: {  	[tilespmem:v29+s20+$0x0] =	vst.idx.msk $0xffff, v27  }
0x15a: {  	v28 =	vor.u32 v37, v28;
	v27 =	vld.idx.msk [tilespmem:v38+s14+$0x0], $0xffff;
	_ =	sdelay $0x4  }
0x15b: {  	[tilespmem:v28+s20+$0x0] =	vst.idx.msk $0xffff, v27  }
0x15c: {  	v31 =	vld [tilespmem:$0x1130]  }
0x15d: {  	v27 =	vld [tilespmem:$0x1230];
	_ =	sdelay $0x3  }
0x15e: {  	v28 =	vadd.s32 $0x1, v31  }
0x15f: {  	vm0 =	vlt.s32 v28, v27  }
0x160: {  	v29 =	vimm.s32 $0x0;
	v32 =	vsel vm0, v28, v27  }
0x161: {  	v30 =	vor.u32 $0x30, v0;
	v28 =	vshll.u32 v29, $0x7;
	v33 =	vadd.s32 $0x1, v32  }
0x162: {  	v31 =	vld.idx.msk [tilespmem:v31+s14+$0x0], $0xffff;
	v59 =	vor.u32 v30, v28;
	vm9 =	vlt.s32 v33, v27  }
0x163: {  	v33 =	vsel vm9, v33, v27  }
0x164: {  	v60 =	vadd.s32 $0x1, v33  }
0x165: {  	vm10 =	vlt.s32 v60, v27  }
0x166: {  	v35 =	vsel vm10, v60, v27  }
0x167: {  	[tilespmem:v59+s20+$0x0] =	vst.idx.msk $0xffff, v31;
	v31 =	vor.u32 $0xB0, v0;
	v61 =	vadd.s32 $0x1, v35  }
0x168: {  	v32 =	vld.idx.msk [tilespmem:v32+s14+$0x0], $0xffff;
	v62 =	vor.u32 v31, v28;
	vm11 =	vlt.s32 v61, v27  }
0x169: {  	v41 =	vsel vm11, v61, v27  }
0x16a: {  	v36 =	vadd.s32 $0x1, v41  }
0x16b: {  	vm12 =	vlt.s32 v36, v27  }
0x16c: {  	v39 =	vsel vm12, v36, v27  }
0x16d: {  	[tilespmem:v62+s20+$0x0] =	vst.idx.msk $0xffff, v32;
	v32 =	vor.u32 $0x130, v0;
	v36 =	vadd.s32 $0x1, v39  }
0x16e: {  	v33 =	vld.idx.msk [tilespmem:v33+s14+$0x0], $0xffff;
	v63 =	vor.u32 v32, v28;
	vm13 =	vlt.s32 v36, v27  }
0x16f: {  	v40 =	vsel vm13, v36, v27  }
0x170: {  	v36 =	vadd.s32 $0x1, v40  }
0x171: {  	vm14 =	vlt.s32 v36, v27  }
0x172: {  	v38 =	vsel vm14, v36, v27  }
0x173: {  	[tilespmem:v63+s20+$0x0] =	vst.idx.msk $0xffff, v33;
	v33 =	vor.u32 $0x1B0, v0;
	v36 =	vadd.s32 $0x1, v38  }
0x174: {  	v43 =	vld.idx.msk [tilespmem:v35+s14+$0x0], $0xffff;
	v44 =	vor.u32 v33, v28;
	vm15 =	vlt.s32 v36, v27  }
0x175: {  	s28 =	simm.s32 $0x0;
	v42 =	vsel vm15, v36, v27  }
.LBB2_9:
0x176: {  	s28 =	sadd.s32 $0x8, s28  }
0x177: {  	p0 =	slt.u32 s28, $0x38;
	_ =	sdelay $0x1  }
0x178: {  	[tilespmem:v44+s20+$0x0] =	vst.idx.msk $0xffff, v43  }
0x179: {  	v34 =	vor.u32 $0x230, v0;
	v35 =	vld.idx.msk [tilespmem:v41+s14+$0x0], $0xffff  }
0x17a: {  	v36 =	vor.u32 v34, v28;
	_ =	sdelay $0x4  }
0x17b: {  	[tilespmem:v36+s20+$0x0] =	vst.idx.msk $0xffff, v35  }
0x17c: {  	v35 =	vor.u32 $0x2B0, v0;
	v36 =	vld.idx.msk [tilespmem:v39+s14+$0x0], $0xffff  }
0x17d: {  	v37 =	vor.u32 v35, v28;
	_ =	sdelay $0x4  }
0x17e: {  	[tilespmem:v37+s20+$0x0] =	vst.idx.msk $0xffff, v36  }
0x17f: {  	v36 =	vor.u32 $0x330, v0;
	v37 =	vld.idx.msk [tilespmem:v40+s14+$0x0], $0xffff  }
0x180: {  	v39 =	vor.u32 v36, v28;
	_ =	sdelay $0x4  }
0x181: {  	[tilespmem:v39+s20+$0x0] =	vst.idx.msk $0xffff, v37  }
0x182: {  	v37 =	vor.u32 $0x3B0, v0;
	v38 =	vld.idx.msk [tilespmem:v38+s14+$0x0], $0xffff  }
0x183: {  	v28 =	vor.u32 v37, v28;
	_ =	sdelay $0x4  }
0x184: {  	v29 =	vadd.s32 $0x8, v29;
	[tilespmem:v28+s20+$0x0] =	vst.idx.msk $0xffff, v38  }
0x185: {  	v39 =	vadd.s32 $0x1, v42;
	v28 =	vshll.u32 v29, $0x7;
	v38 =	vld.idx.msk [tilespmem:v42+s14+$0x0], $0xffff  }
0x186: {  	vm0 =	vlt.s32 v39, v27;
	v40 =	vor.u32 v30, v28  }
0x187: {  	v39 =	vsel vm0, v39, v27  }
0x188: {  	v41 =	vadd.s32 $0x1, v39  }
0x189: {  	vm0 =	vlt.s32 v41, v27  }
0x18a: {  	v42 =	vsel vm0, v41, v27  }
0x18b: {  	[tilespmem:v40+s20+$0x0] =	vst.idx.msk $0xffff, v38;
	v38 =	vadd.s32 $0x1, v42  }
0x18c: {  	v39 =	vld.idx.msk [tilespmem:v39+s14+$0x0], $0xffff;
	vm0 =	vlt.s32 v38, v27  }
0x18d: {  	v40 =	vor.u32 v31, v28;
	v43 =	vsel vm0, v38, v27  }
0x18e: {  	v38 =	vadd.s32 $0x1, v43  }
0x18f: {  	vm0 =	vlt.s32 v38, v27  }
0x190: {  	v41 =	vsel vm0, v38, v27  }
0x191: {  	v38 =	vadd.s32 $0x1, v41  }
0x192: {  	[tilespmem:v40+s20+$0x0] =	vst.idx.msk $0xffff, v39;
	vm0 =	vlt.s32 v38, v27  }
0x193: {  	v42 =	vld.idx.msk [tilespmem:v42+s14+$0x0], $0xffff;
	v39 =	vsel vm0, v38, v27  }
0x194: {  	v38 =	vor.u32 v32, v28;
	v40 =	vadd.s32 $0x1, v39  }
0x195: {  	vm0 =	vlt.s32 v40, v27  }
0x196: {  	v40 =	vsel vm0, v40, v27  }
0x197: {  	v44 =	vadd.s32 $0x1, v40  }
.Ltmp3:
0x198: {  	vm0 =	vlt.s32 v44, v27;
	(pc) =	sbr.rel @p0 .LBB2_9-.Ltmp3, $4  }
0x199: {  	[tilespmem:v38+s20+$0x0] =	vst.idx.msk $0xffff, v42;
	v38 =	vsel vm0, v44, v27  }
0x19a: {  	v43 =	vld.idx.msk [tilespmem:v43+s14+$0x0], $0xffff;
	v42 =	vadd.s32 $0x1, v38  }
0x19b: {  	v44 =	vor.u32 v33, v28;
	vm0 =	vlt.s32 v42, v27  }
0x19c: {  	v42 =	vsel vm0, v42, v27  }
0x19d: {  	_ =	sdelay $0x3  }
0x19e: {  	[tilespmem:v44+s20+$0x0] =	vst.idx.msk $0xffff, v43  }
0x19f: {  	v29 =	vor.u32 v34, v28;
	v27 =	vld.idx.msk [tilespmem:v41+s14+$0x0], $0xffff;
	_ =	sdelay $0x4  }
0x1a0: {  	[tilespmem:v29+s20+$0x0] =	vst.idx.msk $0xffff, v27  }
0x1a1: {  	v61 =	vor.u32 v35, v28;
	v27 =	vld.idx.msk [tilespmem:v39+s14+$0x0], $0xffff;
	_ =	sdelay $0x4  }
0x1a2: {  	[tilespmem:v61+s20+$0x0] =	vst.idx.msk $0xffff, v27  }
0x1a3: {  	v62 =	vor.u32 v36, v28;
	v27 =	vld.idx.msk [tilespmem:v40+s14+$0x0], $0xffff;
	_ =	sdelay $0x4  }
0x1a4: {  	[tilespmem:v62+s20+$0x0] =	vst.idx.msk $0xffff, v27  }
0x1a5: {  	v63 =	vor.u32 v37, v28;
	p0 =	seq.s32 s25, $0xF;
	v27 =	vld.idx.msk [tilespmem:v38+s14+$0x0], $0xffff  }
.Ltmp4:
0x1a6: {  	_ = 	snop;
	(pc) =	sbr.rel @p0 .LBB2_12-.Ltmp4, $2  }
0x1a7: {  	_ =	sdelay $0x2  }
0x1a8: {  	[tilespmem:v63+s20+$0x0] =	vst.idx.msk $0xffff, v27  }
0x1a9: {  	v27 =	vld [tilespmem:s26+$0x880];
	_ =	sdelay $0x2  }
0x1aa: {  	v28 =	vld [tilespmem:s26+$0x80];
	_ =	sdelay $0x1  }
0x1ab: {  	vm0 =	vlt.s32 v27, $0x1869FF  }
0x1ac: {  	v27 =	vnsel vm0, $0x1869FF, v27  }
0x1ad: {  	v29 =	vshrl.u32 v27, $0x7  }
0x1ae: {  	vm9 =	veq.s32 v28, $0x0;
	v50 =	vmin.u32 v29, $0x30D2  }
0x1af: {  	v51 =	vsel vm9, v2, v4;
	v30 =	vshll.u32 v50, $0x7  }
0x1b0: {  	[tilespmem:v1+s12+$0x0] =	vst.idx.msk $0xffff, v50;
	v28 =	vadd.s32 $0x1, v50;
	v29 =	vsub.s32 v51, v30  }
0x1b1: {  	[tilespmem:v3+s12+$0x0] =	vst.idx.msk $0xffff, v28;
	v27 =	vadd.s32 v27, v29  }
0x1b2: {  	[tilespmem:$0x1100] =	vst v27;
	v27 =	vadd.s32 $0x1869FF, v29  }
0x1b3: {  	[tilespmem:$0x1200] =	vst v27  }
0x1b4: {  	v27 =	vld [tilespmem:s26+$0x890];
	_ =	sdelay $0x2  }
0x1b5: {  	v28 =	vld [tilespmem:s26+$0x90];
	_ =	sdelay $0x1  }
0x1b6: {  	vm10 =	vlt.s32 v27, $0x1869FF  }
0x1b7: {  	v27 =	vnsel vm10, $0x1869FF, v27  }
0x1b8: {  	v52 =	vshrl.u32 v27, $0x7  }
0x1b9: {  	vm11 =	veq.s32 v28, $0x0;
	v53 =	vmin.u32 v52, $0x30D2  }
0x1ba: {  	v54 =	vsel vm11, v8, v7;
	v55 =	vshll.u32 v53, $0x7  }
0x1bb: {  	[tilespmem:v5+s12+$0x0] =	vst.idx.msk $0xffff, v53;
	v28 =	vadd.s32 $0x1, v53;
	v29 =	vsub.s32 v54, v55  }
0x1bc: {  	[tilespmem:v6+s12+$0x0] =	vst.idx.msk $0xffff, v28;
	v27 =	vadd.s32 v27, v29  }
0x1bd: {  	[tilespmem:$0x1110] =	vst v27;
	v27 =	vadd.s32 $0x1869FF, v29  }
0x1be: {  	[tilespmem:$0x1210] =	vst v27  }
0x1bf: {  	v27 =	vld [tilespmem:s26+$0x8A0];
	_ =	sdelay $0x2  }
0x1c0: {  	v28 =	vld [tilespmem:s26+$0xA0];
	_ =	sdelay $0x1  }
0x1c1: {  	vm12 =	vlt.s32 v27, $0x1869FF  }
0x1c2: {  	v27 =	vnsel vm12, $0x1869FF, v27  }
0x1c3: {  	v56 =	vshrl.u32 v27, $0x7  }
0x1c4: {  	vm13 =	veq.s32 v28, $0x0;
	v57 =	vmin.u32 v56, $0x30D2  }
0x1c5: {  	v58 =	vsel vm13, v12, v11;
	v59 =	vshll.u32 v57, $0x7  }
0x1c6: {  	[tilespmem:v9+s12+$0x0] =	vst.idx.msk $0xffff, v57;
	v28 =	vadd.s32 $0x1, v57;
	v29 =	vsub.s32 v58, v59  }
0x1c7: {  	[tilespmem:v10+s12+$0x0] =	vst.idx.msk $0xffff, v28;
	v27 =	vadd.s32 v27, v29  }
0x1c8: {  	[tilespmem:$0x1120] =	vst v27;
	v27 =	vadd.s32 $0x1869FF, v29  }
0x1c9: {  	[tilespmem:$0x1220] =	vst v27  }
0x1ca: {  	v27 =	vld [tilespmem:s26+$0x8B0];
	_ =	sdelay $0x2  }
0x1cb: {  	v28 =	vld [tilespmem:s26+$0xB0];
	_ =	sdelay $0x1  }
0x1cc: {  	vm14 =	vlt.s32 v27, $0x1869FF  }
0x1cd: {  	v27 =	vnsel vm14, $0x1869FF, v27  }
0x1ce: {  	v60 =	vshrl.u32 v27, $0x7  }
0x1cf: {  	vm15 =	veq.s32 v28, $0x0;
	v61 =	vmin.u32 v60, $0x30D2  }
0x1d0: {  	v62 =	vsel vm15, v16, v15;
	v63 =	vshll.u32 v61, $0x7  }
0x1d1: {  	[tilespmem:v13+s12+$0x0] =	vst.idx.msk $0xffff, v61;
	v28 =	vadd.s32 $0x1, v61;
	v29 =	vsub.s32 v62, v63  }
0x1d2: {  	[tilespmem:v14+s12+$0x0] =	vst.idx.msk $0xffff, v28;
	v27 =	vadd.s32 v27, v29  }
0x1d3: {  	[tilespmem:$0x1130] =	vst v27;
	v27 =	vadd.s32 $0x1869FF, v29  }
0x1d4: {  	[tilespmem:$0x1230] =	vst v27  }
0x1d5: {  	[tilespmem:s14], [sflag:$0x1] =	stream.indirect.gather [hbm4b:s3+s13], $0x80, s12, s13, $0xb8;
	[tilespmem:$0x13300] =	vst v63  }
0x1d6: {  	_ = 	snop  }
0x1d7: {  	[tilespmem:s15], [sflag:$0x1] =	stream.indirect.gather [hbm4b:s4+s13], $0x80, s12, s13, $0xb8;
	[tilespmem:$0x13300] =	vst v63  }
.LBB2_12:
0x1d8: {  	_ =	swait.ge [sflag:s21], $0x4000  }
0x1d9: {  	[sflag:s21] =	ssyncset.done $0x0  }
0x1da: {  	[sflag:s21] =	ssyncadd.s32 $0xFFFFC000  }
0x1db: {  	_ =	swait.ge [sflag:s21], $0x4000  }
0x1dc: {  	[sflag:s21] =	ssyncset.done $0x0  }
0x1dd: {  	[sflag:s21] =	ssyncadd.s32 $0xFFFFC000  }
0x1de: {  	v31 =	vld [tilespmem:$0x1180]  }
0x1df: {  	v27 =	vld [tilespmem:$0x1280];
	_ =	sdelay $0x3  }
0x1e0: {  	v28 =	vadd.s32 $0x1, v31  }
0x1e1: {  	vm0 =	vlt.s32 v28, v27  }
0x1e2: {  	v29 =	vimm.s32 $0x0;
	v32 =	vsel vm0, v28, v27  }
0x1e3: {  	v30 =	vor.u32 $0x40, v0;
	v28 =	vshll.u32 v29, $0x7;
	v33 =	vadd.s32 $0x1, v32  }
0x1e4: {  	v31 =	vld.idx.msk [tilespmem:v31+s17+$0x0], $0xffff;
	v34 =	vor.u32 v30, v28;
	vm9 =	vlt.s32 v33, v27  }
0x1e5: {  	v33 =	vsel vm9, v33, v27  }
0x1e6: {  	v35 =	vadd.s32 $0x1, v33  }
0x1e7: {  	vm10 =	vlt.s32 v35, v27  }
0x1e8: {  	v35 =	vsel vm10, v35, v27  }
0x1e9: {  	[tilespmem:v34+s20+$0x0] =	vst.idx.msk $0xffff, v31;
	v31 =	vor.u32 $0xC0, v0;
	v36 =	vadd.s32 $0x1, v35  }
0x1ea: {  	v32 =	vld.idx.msk [tilespmem:v32+s17+$0x0], $0xffff;
	v62 =	vor.u32 v31, v28;
	vm11 =	vlt.s32 v36, v27  }
0x1eb: {  	v41 =	vsel vm11, v36, v27  }
0x1ec: {  	v36 =	vadd.s32 $0x1, v41  }
0x1ed: {  	vm12 =	vlt.s32 v36, v27  }
0x1ee: {  	v39 =	vsel vm12, v36, v27  }
0x1ef: {  	[tilespmem:v62+s20+$0x0] =	vst.idx.msk $0xffff, v32;
	v32 =	vor.u32 $0x140, v0;
	v36 =	vadd.s32 $0x1, v39  }
0x1f0: {  	v33 =	vld.idx.msk [tilespmem:v33+s17+$0x0], $0xffff;
	v63 =	vor.u32 v32, v28;
	vm13 =	vlt.s32 v36, v27  }
0x1f1: {  	v40 =	vsel vm13, v36, v27  }
0x1f2: {  	v36 =	vadd.s32 $0x1, v40  }
0x1f3: {  	vm14 =	vlt.s32 v36, v27  }
0x1f4: {  	v38 =	vsel vm14, v36, v27  }
0x1f5: {  	[tilespmem:v63+s20+$0x0] =	vst.idx.msk $0xffff, v33;
	v33 =	vor.u32 $0x1C0, v0;
	v36 =	vadd.s32 $0x1, v38  }
0x1f6: {  	v43 =	vld.idx.msk [tilespmem:v35+s17+$0x0], $0xffff;
	v44 =	vor.u32 v33, v28;
	vm15 =	vlt.s32 v36, v27  }
0x1f7: {  	s26 =	simm.s32 $0x0;
	v42 =	vsel vm15, v36, v27  }
.LBB2_13:
0x1f8: {  	s26 =	sadd.s32 $0x8, s26  }
0x1f9: {  	p0 =	slt.u32 s26, $0x38;
	_ =	sdelay $0x1  }
0x1fa: {  	[tilespmem:v44+s20+$0x0] =	vst.idx.msk $0xffff, v43  }
0x1fb: {  	v34 =	vor.u32 $0x240, v0;
	v35 =	vld.idx.msk [tilespmem:v41+s17+$0x0], $0xffff  }
0x1fc: {  	v36 =	vor.u32 v34, v28;
	_ =	sdelay $0x4  }
0x1fd: {  	[tilespmem:v36+s20+$0x0] =	vst.idx.msk $0xffff, v35  }
0x1fe: {  	v35 =	vor.u32 $0x2C0, v0;
	v36 =	vld.idx.msk [tilespmem:v39+s17+$0x0], $0xffff  }
0x1ff: {  	v37 =	vor.u32 v35, v28;
	_ =	sdelay $0x4  }
0x200: {  	[tilespmem:v37+s20+$0x0] =	vst.idx.msk $0xffff, v36  }
0x201: {  	v36 =	vor.u32 $0x340, v0;
	v37 =	vld.idx.msk [tilespmem:v40+s17+$0x0], $0xffff  }
0x202: {  	v39 =	vor.u32 v36, v28;
	_ =	sdelay $0x4  }
0x203: {  	[tilespmem:v39+s20+$0x0] =	vst.idx.msk $0xffff, v37  }
0x204: {  	v37 =	vor.u32 $0x3C0, v0;
	v38 =	vld.idx.msk [tilespmem:v38+s17+$0x0], $0xffff  }
0x205: {  	v28 =	vor.u32 v37, v28;
	_ =	sdelay $0x4  }
0x206: {  	v29 =	vadd.s32 $0x8, v29;
	[tilespmem:v28+s20+$0x0] =	vst.idx.msk $0xffff, v38  }
0x207: {  	v39 =	vadd.s32 $0x1, v42;
	v28 =	vshll.u32 v29, $0x7;
	v38 =	vld.idx.msk [tilespmem:v42+s17+$0x0], $0xffff  }
0x208: {  	vm0 =	vlt.s32 v39, v27;
	v40 =	vor.u32 v30, v28  }
0x209: {  	v39 =	vsel vm0, v39, v27  }
0x20a: {  	v41 =	vadd.s32 $0x1, v39  }
0x20b: {  	vm0 =	vlt.s32 v41, v27  }
0x20c: {  	v42 =	vsel vm0, v41, v27  }
0x20d: {  	[tilespmem:v40+s20+$0x0] =	vst.idx.msk $0xffff, v38;
	v38 =	vadd.s32 $0x1, v42  }
0x20e: {  	v39 =	vld.idx.msk [tilespmem:v39+s17+$0x0], $0xffff;
	vm0 =	vlt.s32 v38, v27  }
0x20f: {  	v40 =	vor.u32 v31, v28;
	v43 =	vsel vm0, v38, v27  }
0x210: {  	v38 =	vadd.s32 $0x1, v43  }
0x211: {  	vm0 =	vlt.s32 v38, v27  }
0x212: {  	v41 =	vsel vm0, v38, v27  }
0x213: {  	v38 =	vadd.s32 $0x1, v41  }
0x214: {  	[tilespmem:v40+s20+$0x0] =	vst.idx.msk $0xffff, v39;
	vm0 =	vlt.s32 v38, v27  }
0x215: {  	v42 =	vld.idx.msk [tilespmem:v42+s17+$0x0], $0xffff;
	v39 =	vsel vm0, v38, v27  }
0x216: {  	v38 =	vor.u32 v32, v28;
	v40 =	vadd.s32 $0x1, v39  }
0x217: {  	vm0 =	vlt.s32 v40, v27  }
0x218: {  	v40 =	vsel vm0, v40, v27  }
0x219: {  	v44 =	vadd.s32 $0x1, v40  }
.Ltmp5:
0x21a: {  	vm0 =	vlt.s32 v44, v27;
	(pc) =	sbr.rel @p0 .LBB2_13-.Ltmp5, $4  }
0x21b: {  	[tilespmem:v38+s20+$0x0] =	vst.idx.msk $0xffff, v42;
	v38 =	vsel vm0, v44, v27  }
0x21c: {  	v43 =	vld.idx.msk [tilespmem:v43+s17+$0x0], $0xffff;
	v42 =	vadd.s32 $0x1, v38  }
0x21d: {  	v44 =	vor.u32 v33, v28;
	vm0 =	vlt.s32 v42, v27  }
0x21e: {  	v42 =	vsel vm0, v42, v27  }
0x21f: {  	_ =	sdelay $0x3  }
0x220: {  	[tilespmem:v44+s20+$0x0] =	vst.idx.msk $0xffff, v43  }
0x221: {  	v29 =	vor.u32 v34, v28;
	v27 =	vld.idx.msk [tilespmem:v41+s17+$0x0], $0xffff;
	_ =	sdelay $0x4  }
0x222: {  	[tilespmem:v29+s20+$0x0] =	vst.idx.msk $0xffff, v27  }
0x223: {  	v29 =	vor.u32 v35, v28;
	v27 =	vld.idx.msk [tilespmem:v39+s17+$0x0], $0xffff;
	_ =	sdelay $0x4  }
0x224: {  	[tilespmem:v29+s20+$0x0] =	vst.idx.msk $0xffff, v27  }
0x225: {  	v29 =	vor.u32 v36, v28;
	v27 =	vld.idx.msk [tilespmem:v40+s17+$0x0], $0xffff;
	_ =	sdelay $0x4  }
0x226: {  	[tilespmem:v29+s20+$0x0] =	vst.idx.msk $0xffff, v27  }
0x227: {  	v28 =	vor.u32 v37, v28;
	v27 =	vld.idx.msk [tilespmem:v38+s17+$0x0], $0xffff;
	_ =	sdelay $0x4  }
0x228: {  	[tilespmem:v28+s20+$0x0] =	vst.idx.msk $0xffff, v27  }
0x229: {  	v31 =	vld [tilespmem:$0x1190]  }
0x22a: {  	v27 =	vld [tilespmem:$0x1290];
	_ =	sdelay $0x3  }
0x22b: {  	v28 =	vadd.s32 $0x1, v31  }
0x22c: {  	vm0 =	vlt.s32 v28, v27  }
0x22d: {  	v29 =	vimm.s32 $0x0;
	v32 =	vsel vm0, v28, v27  }
0x22e: {  	v30 =	vor.u32 $0x50, v0;
	v28 =	vshll.u32 v29, $0x7;
	v33 =	vadd.s32 $0x1, v32  }
0x22f: {  	v31 =	vld.idx.msk [tilespmem:v31+s17+$0x0], $0xffff;
	v59 =	vor.u32 v30, v28;
	vm9 =	vlt.s32 v33, v27  }
0x230: {  	v33 =	vsel vm9, v33, v27  }
0x231: {  	v60 =	vadd.s32 $0x1, v33  }
0x232: {  	vm10 =	vlt.s32 v60, v27  }
0x233: {  	v35 =	vsel vm10, v60, v27  }
0x234: {  	[tilespmem:v59+s20+$0x0] =	vst.idx.msk $0xffff, v31;
	v31 =	vor.u32 $0xD0, v0;
	v61 =	vadd.s32 $0x1, v35  }
0x235: {  	v32 =	vld.idx.msk [tilespmem:v32+s17+$0x0], $0xffff;
	v62 =	vor.u32 v31, v28;
	vm11 =	vlt.s32 v61, v27  }
0x236: {  	v41 =	vsel vm11, v61, v27  }
0x237: {  	v36 =	vadd.s32 $0x1, v41  }
0x238: {  	vm12 =	vlt.s32 v36, v27  }
0x239: {  	v39 =	vsel vm12, v36, v27  }
0x23a: {  	[tilespmem:v62+s20+$0x0] =	vst.idx.msk $0xffff, v32;
	v32 =	vor.u32 $0x150, v0;
	v36 =	vadd.s32 $0x1, v39  }
0x23b: {  	v33 =	vld.idx.msk [tilespmem:v33+s17+$0x0], $0xffff;
	v63 =	vor.u32 v32, v28;
	vm13 =	vlt.s32 v36, v27  }
0x23c: {  	v40 =	vsel vm13, v36, v27  }
0x23d: {  	v36 =	vadd.s32 $0x1, v40  }
0x23e: {  	vm14 =	vlt.s32 v36, v27  }
0x23f: {  	v38 =	vsel vm14, v36, v27  }
0x240: {  	[tilespmem:v63+s20+$0x0] =	vst.idx.msk $0xffff, v33;
	v33 =	vor.u32 $0x1D0, v0;
	v36 =	vadd.s32 $0x1, v38  }
0x241: {  	v43 =	vld.idx.msk [tilespmem:v35+s17+$0x0], $0xffff;
	v44 =	vor.u32 v33, v28;
	vm15 =	vlt.s32 v36, v27  }
0x242: {  	s26 =	simm.s32 $0x0;
	v42 =	vsel vm15, v36, v27  }
.LBB2_15:
0x243: {  	s26 =	sadd.s32 $0x8, s26  }
0x244: {  	p0 =	slt.u32 s26, $0x38;
	_ =	sdelay $0x1  }
0x245: {  	[tilespmem:v44+s20+$0x0] =	vst.idx.msk $0xffff, v43  }
0x246: {  	v34 =	vor.u32 $0x250, v0;
	v35 =	vld.idx.msk [tilespmem:v41+s17+$0x0], $0xffff  }
0x247: {  	v36 =	vor.u32 v34, v28;
	_ =	sdelay $0x4  }
0x248: {  	[tilespmem:v36+s20+$0x0] =	vst.idx.msk $0xffff, v35  }
0x249: {  	v35 =	vor.u32 $0x2D0, v0;
	v36 =	vld.idx.msk [tilespmem:v39+s17+$0x0], $0xffff  }
0x24a: {  	v37 =	vor.u32 v35, v28;
	_ =	sdelay $0x4  }
0x24b: {  	[tilespmem:v37+s20+$0x0] =	vst.idx.msk $0xffff, v36  }
0x24c: {  	v36 =	vor.u32 $0x350, v0;
	v37 =	vld.idx.msk [tilespmem:v40+s17+$0x0], $0xffff  }
0x24d: {  	v39 =	vor.u32 v36, v28;
	_ =	sdelay $0x4  }
0x24e: {  	[tilespmem:v39+s20+$0x0] =	vst.idx.msk $0xffff, v37  }
0x24f: {  	v37 =	vor.u32 $0x3D0, v0;
	v38 =	vld.idx.msk [tilespmem:v38+s17+$0x0], $0xffff  }
0x250: {  	v28 =	vor.u32 v37, v28;
	_ =	sdelay $0x4  }
0x251: {  	v29 =	vadd.s32 $0x8, v29;
	[tilespmem:v28+s20+$0x0] =	vst.idx.msk $0xffff, v38  }
0x252: {  	v39 =	vadd.s32 $0x1, v42;
	v28 =	vshll.u32 v29, $0x7;
	v38 =	vld.idx.msk [tilespmem:v42+s17+$0x0], $0xffff  }
0x253: {  	vm0 =	vlt.s32 v39, v27;
	v40 =	vor.u32 v30, v28  }
0x254: {  	v39 =	vsel vm0, v39, v27  }
0x255: {  	v41 =	vadd.s32 $0x1, v39  }
0x256: {  	vm0 =	vlt.s32 v41, v27  }
0x257: {  	v42 =	vsel vm0, v41, v27  }
0x258: {  	[tilespmem:v40+s20+$0x0] =	vst.idx.msk $0xffff, v38;
	v38 =	vadd.s32 $0x1, v42  }
0x259: {  	v39 =	vld.idx.msk [tilespmem:v39+s17+$0x0], $0xffff;
	vm0 =	vlt.s32 v38, v27  }
0x25a: {  	v40 =	vor.u32 v31, v28;
	v43 =	vsel vm0, v38, v27  }
0x25b: {  	v38 =	vadd.s32 $0x1, v43  }
0x25c: {  	vm0 =	vlt.s32 v38, v27  }
0x25d: {  	v41 =	vsel vm0, v38, v27  }
0x25e: {  	v38 =	vadd.s32 $0x1, v41  }
0x25f: {  	[tilespmem:v40+s20+$0x0] =	vst.idx.msk $0xffff, v39;
	vm0 =	vlt.s32 v38, v27  }
0x260: {  	v42 =	vld.idx.msk [tilespmem:v42+s17+$0x0], $0xffff;
	v39 =	vsel vm0, v38, v27  }
0x261: {  	v38 =	vor.u32 v32, v28;
	v40 =	vadd.s32 $0x1, v39  }
0x262: {  	vm0 =	vlt.s32 v40, v27  }
0x263: {  	v40 =	vsel vm0, v40, v27  }
0x264: {  	v44 =	vadd.s32 $0x1, v40  }
.Ltmp6:
0x265: {  	vm0 =	vlt.s32 v44, v27;
	(pc) =	sbr.rel @p0 .LBB2_15-.Ltmp6, $4  }
0x266: {  	[tilespmem:v38+s20+$0x0] =	vst.idx.msk $0xffff, v42;
	v38 =	vsel vm0, v44, v27  }
0x267: {  	v43 =	vld.idx.msk [tilespmem:v43+s17+$0x0], $0xffff;
	v42 =	vadd.s32 $0x1, v38  }
0x268: {  	v44 =	vor.u32 v33, v28;
	vm0 =	vlt.s32 v42, v27  }
0x269: {  	v42 =	vsel vm0, v42, v27  }
0x26a: {  	_ =	sdelay $0x3  }
0x26b: {  	[tilespmem:v44+s20+$0x0] =	vst.idx.msk $0xffff, v43  }
0x26c: {  	v29 =	vor.u32 v34, v28;
	v27 =	vld.idx.msk [tilespmem:v41+s17+$0x0], $0xffff;
	_ =	sdelay $0x4  }
0x26d: {  	[tilespmem:v29+s20+$0x0] =	vst.idx.msk $0xffff, v27  }
0x26e: {  	v29 =	vor.u32 v35, v28;
	v27 =	vld.idx.msk [tilespmem:v39+s17+$0x0], $0xffff;
	_ =	sdelay $0x4  }
0x26f: {  	[tilespmem:v29+s20+$0x0] =	vst.idx.msk $0xffff, v27  }
0x270: {  	v29 =	vor.u32 v36, v28;
	v27 =	vld.idx.msk [tilespmem:v40+s17+$0x0], $0xffff;
	_ =	sdelay $0x4  }
0x271: {  	[tilespmem:v29+s20+$0x0] =	vst.idx.msk $0xffff, v27  }
0x272: {  	v28 =	vor.u32 v37, v28;
	v27 =	vld.idx.msk [tilespmem:v38+s17+$0x0], $0xffff;
	_ =	sdelay $0x4  }
0x273: {  	[tilespmem:v28+s20+$0x0] =	vst.idx.msk $0xffff, v27  }
0x274: {  	v31 =	vld [tilespmem:$0x11A0]  }
0x275: {  	v27 =	vld [tilespmem:$0x12A0];
	_ =	sdelay $0x3  }
0x276: {  	v28 =	vadd.s32 $0x1, v31  }
0x277: {  	vm0 =	vlt.s32 v28, v27  }
0x278: {  	v29 =	vimm.s32 $0x0;
	v32 =	vsel vm0, v28, v27  }
0x279: {  	v30 =	vor.u32 $0x60, v0;
	v28 =	vshll.u32 v29, $0x7;
	v33 =	vadd.s32 $0x1, v32  }
0x27a: {  	v31 =	vld.idx.msk [tilespmem:v31+s17+$0x0], $0xffff;
	v59 =	vor.u32 v30, v28;
	vm9 =	vlt.s32 v33, v27  }
0x27b: {  	v33 =	vsel vm9, v33, v27  }
0x27c: {  	v60 =	vadd.s32 $0x1, v33  }
0x27d: {  	vm10 =	vlt.s32 v60, v27  }
0x27e: {  	v35 =	vsel vm10, v60, v27  }
0x27f: {  	[tilespmem:v59+s20+$0x0] =	vst.idx.msk $0xffff, v31;
	v31 =	vor.u32 $0xE0, v0;
	v61 =	vadd.s32 $0x1, v35  }
0x280: {  	v32 =	vld.idx.msk [tilespmem:v32+s17+$0x0], $0xffff;
	v62 =	vor.u32 v31, v28;
	vm11 =	vlt.s32 v61, v27  }
0x281: {  	v41 =	vsel vm11, v61, v27  }
0x282: {  	v36 =	vadd.s32 $0x1, v41  }
0x283: {  	vm12 =	vlt.s32 v36, v27  }
0x284: {  	v39 =	vsel vm12, v36, v27  }
0x285: {  	[tilespmem:v62+s20+$0x0] =	vst.idx.msk $0xffff, v32;
	v32 =	vor.u32 $0x160, v0;
	v36 =	vadd.s32 $0x1, v39  }
0x286: {  	v33 =	vld.idx.msk [tilespmem:v33+s17+$0x0], $0xffff;
	v63 =	vor.u32 v32, v28;
	vm13 =	vlt.s32 v36, v27  }
0x287: {  	v40 =	vsel vm13, v36, v27  }
0x288: {  	v36 =	vadd.s32 $0x1, v40  }
0x289: {  	vm14 =	vlt.s32 v36, v27  }
0x28a: {  	v38 =	vsel vm14, v36, v27  }
0x28b: {  	[tilespmem:v63+s20+$0x0] =	vst.idx.msk $0xffff, v33;
	v33 =	vor.u32 $0x1E0, v0;
	v36 =	vadd.s32 $0x1, v38  }
0x28c: {  	v43 =	vld.idx.msk [tilespmem:v35+s17+$0x0], $0xffff;
	v44 =	vor.u32 v33, v28;
	vm15 =	vlt.s32 v36, v27  }
0x28d: {  	s26 =	simm.s32 $0x0;
	v42 =	vsel vm15, v36, v27  }
.LBB2_17:
0x28e: {  	s26 =	sadd.s32 $0x8, s26  }
0x28f: {  	p0 =	slt.u32 s26, $0x38;
	_ =	sdelay $0x1  }
0x290: {  	[tilespmem:v44+s20+$0x0] =	vst.idx.msk $0xffff, v43  }
0x291: {  	v34 =	vor.u32 $0x260, v0;
	v35 =	vld.idx.msk [tilespmem:v41+s17+$0x0], $0xffff  }
0x292: {  	v36 =	vor.u32 v34, v28;
	_ =	sdelay $0x4  }
0x293: {  	[tilespmem:v36+s20+$0x0] =	vst.idx.msk $0xffff, v35  }
0x294: {  	v35 =	vor.u32 $0x2E0, v0;
	v36 =	vld.idx.msk [tilespmem:v39+s17+$0x0], $0xffff  }
0x295: {  	v37 =	vor.u32 v35, v28;
	_ =	sdelay $0x4  }
0x296: {  	[tilespmem:v37+s20+$0x0] =	vst.idx.msk $0xffff, v36  }
0x297: {  	v36 =	vor.u32 $0x360, v0;
	v37 =	vld.idx.msk [tilespmem:v40+s17+$0x0], $0xffff  }
0x298: {  	v39 =	vor.u32 v36, v28;
	_ =	sdelay $0x4  }
0x299: {  	[tilespmem:v39+s20+$0x0] =	vst.idx.msk $0xffff, v37  }
0x29a: {  	v37 =	vor.u32 $0x3E0, v0;
	v38 =	vld.idx.msk [tilespmem:v38+s17+$0x0], $0xffff  }
0x29b: {  	v28 =	vor.u32 v37, v28;
	_ =	sdelay $0x4  }
0x29c: {  	v29 =	vadd.s32 $0x8, v29;
	[tilespmem:v28+s20+$0x0] =	vst.idx.msk $0xffff, v38  }
0x29d: {  	v39 =	vadd.s32 $0x1, v42;
	v28 =	vshll.u32 v29, $0x7;
	v38 =	vld.idx.msk [tilespmem:v42+s17+$0x0], $0xffff  }
0x29e: {  	vm0 =	vlt.s32 v39, v27;
	v40 =	vor.u32 v30, v28  }
0x29f: {  	v39 =	vsel vm0, v39, v27  }
0x2a0: {  	v41 =	vadd.s32 $0x1, v39  }
0x2a1: {  	vm0 =	vlt.s32 v41, v27  }
0x2a2: {  	v42 =	vsel vm0, v41, v27  }
0x2a3: {  	[tilespmem:v40+s20+$0x0] =	vst.idx.msk $0xffff, v38;
	v38 =	vadd.s32 $0x1, v42  }
0x2a4: {  	v39 =	vld.idx.msk [tilespmem:v39+s17+$0x0], $0xffff;
	vm0 =	vlt.s32 v38, v27  }
0x2a5: {  	v40 =	vor.u32 v31, v28;
	v43 =	vsel vm0, v38, v27  }
0x2a6: {  	v38 =	vadd.s32 $0x1, v43  }
0x2a7: {  	vm0 =	vlt.s32 v38, v27  }
0x2a8: {  	v41 =	vsel vm0, v38, v27  }
0x2a9: {  	v38 =	vadd.s32 $0x1, v41  }
0x2aa: {  	[tilespmem:v40+s20+$0x0] =	vst.idx.msk $0xffff, v39;
	vm0 =	vlt.s32 v38, v27  }
0x2ab: {  	v42 =	vld.idx.msk [tilespmem:v42+s17+$0x0], $0xffff;
	v39 =	vsel vm0, v38, v27  }
0x2ac: {  	v38 =	vor.u32 v32, v28;
	v40 =	vadd.s32 $0x1, v39  }
0x2ad: {  	vm0 =	vlt.s32 v40, v27  }
0x2ae: {  	v40 =	vsel vm0, v40, v27  }
0x2af: {  	v44 =	vadd.s32 $0x1, v40  }
.Ltmp7:
0x2b0: {  	vm0 =	vlt.s32 v44, v27;
	(pc) =	sbr.rel @p0 .LBB2_17-.Ltmp7, $4  }
0x2b1: {  	[tilespmem:v38+s20+$0x0] =	vst.idx.msk $0xffff, v42;
	v38 =	vsel vm0, v44, v27  }
0x2b2: {  	v43 =	vld.idx.msk [tilespmem:v43+s17+$0x0], $0xffff;
	v42 =	vadd.s32 $0x1, v38  }
0x2b3: {  	v44 =	vor.u32 v33, v28;
	vm0 =	vlt.s32 v42, v27  }
0x2b4: {  	v42 =	vsel vm0, v42, v27  }
0x2b5: {  	_ =	sdelay $0x3  }
0x2b6: {  	[tilespmem:v44+s20+$0x0] =	vst.idx.msk $0xffff, v43  }
0x2b7: {  	v29 =	vor.u32 v34, v28;
	v27 =	vld.idx.msk [tilespmem:v41+s17+$0x0], $0xffff;
	_ =	sdelay $0x4  }
0x2b8: {  	[tilespmem:v29+s20+$0x0] =	vst.idx.msk $0xffff, v27  }
0x2b9: {  	v29 =	vor.u32 v35, v28;
	v27 =	vld.idx.msk [tilespmem:v39+s17+$0x0], $0xffff;
	_ =	sdelay $0x4  }
0x2ba: {  	[tilespmem:v29+s20+$0x0] =	vst.idx.msk $0xffff, v27  }
0x2bb: {  	v29 =	vor.u32 v36, v28;
	v27 =	vld.idx.msk [tilespmem:v40+s17+$0x0], $0xffff;
	_ =	sdelay $0x4  }
0x2bc: {  	[tilespmem:v29+s20+$0x0] =	vst.idx.msk $0xffff, v27  }
0x2bd: {  	v28 =	vor.u32 v37, v28;
	v27 =	vld.idx.msk [tilespmem:v38+s17+$0x0], $0xffff;
	_ =	sdelay $0x4  }
0x2be: {  	[tilespmem:v28+s20+$0x0] =	vst.idx.msk $0xffff, v27  }
0x2bf: {  	v31 =	vld [tilespmem:$0x11B0]  }
0x2c0: {  	v27 =	vld [tilespmem:$0x12B0];
	_ =	sdelay $0x3  }
0x2c1: {  	v28 =	vadd.s32 $0x1, v31  }
0x2c2: {  	vm0 =	vlt.s32 v28, v27  }
0x2c3: {  	v29 =	vimm.s32 $0x0;
	v32 =	vsel vm0, v28, v27  }
0x2c4: {  	v30 =	vor.u32 $0x70, v0;
	v28 =	vshll.u32 v29, $0x7;
	v33 =	vadd.s32 $0x1, v32  }
0x2c5: {  	v31 =	vld.idx.msk [tilespmem:v31+s17+$0x0], $0xffff;
	v59 =	vor.u32 v30, v28;
	vm9 =	vlt.s32 v33, v27  }
0x2c6: {  	v33 =	vsel vm9, v33, v27  }
0x2c7: {  	v60 =	vadd.s32 $0x1, v33  }
0x2c8: {  	vm10 =	vlt.s32 v60, v27  }
0x2c9: {  	v35 =	vsel vm10, v60, v27  }
0x2ca: {  	[tilespmem:v59+s20+$0x0] =	vst.idx.msk $0xffff, v31;
	v31 =	vor.u32 $0xF0, v0;
	v61 =	vadd.s32 $0x1, v35  }
0x2cb: {  	v32 =	vld.idx.msk [tilespmem:v32+s17+$0x0], $0xffff;
	v62 =	vor.u32 v31, v28;
	vm11 =	vlt.s32 v61, v27  }
0x2cc: {  	v41 =	vsel vm11, v61, v27  }
0x2cd: {  	v36 =	vadd.s32 $0x1, v41  }
0x2ce: {  	vm12 =	vlt.s32 v36, v27  }
0x2cf: {  	v39 =	vsel vm12, v36, v27  }
0x2d0: {  	[tilespmem:v62+s20+$0x0] =	vst.idx.msk $0xffff, v32;
	v32 =	vor.u32 $0x170, v0;
	v36 =	vadd.s32 $0x1, v39  }
0x2d1: {  	v33 =	vld.idx.msk [tilespmem:v33+s17+$0x0], $0xffff;
	v63 =	vor.u32 v32, v28;
	vm13 =	vlt.s32 v36, v27  }
0x2d2: {  	v40 =	vsel vm13, v36, v27  }
0x2d3: {  	v36 =	vadd.s32 $0x1, v40  }
0x2d4: {  	vm14 =	vlt.s32 v36, v27  }
0x2d5: {  	v38 =	vsel vm14, v36, v27  }
0x2d6: {  	[tilespmem:v63+s20+$0x0] =	vst.idx.msk $0xffff, v33;
	v33 =	vor.u32 $0x1F0, v0;
	v36 =	vadd.s32 $0x1, v38  }
0x2d7: {  	v43 =	vld.idx.msk [tilespmem:v35+s17+$0x0], $0xffff;
	v44 =	vor.u32 v33, v28;
	vm15 =	vlt.s32 v36, v27  }
0x2d8: {  	s26 =	simm.s32 $0x0;
	v42 =	vsel vm15, v36, v27  }
.LBB2_19:
0x2d9: {  	s26 =	sadd.s32 $0x8, s26  }
0x2da: {  	p0 =	slt.u32 s26, $0x38;
	_ =	sdelay $0x1  }
0x2db: {  	[tilespmem:v44+s20+$0x0] =	vst.idx.msk $0xffff, v43  }
0x2dc: {  	v34 =	vor.u32 $0x270, v0;
	v35 =	vld.idx.msk [tilespmem:v41+s17+$0x0], $0xffff  }
0x2dd: {  	v36 =	vor.u32 v34, v28;
	_ =	sdelay $0x4  }
0x2de: {  	[tilespmem:v36+s20+$0x0] =	vst.idx.msk $0xffff, v35  }
0x2df: {  	v35 =	vor.u32 $0x2F0, v0;
	v36 =	vld.idx.msk [tilespmem:v39+s17+$0x0], $0xffff  }
0x2e0: {  	v37 =	vor.u32 v35, v28;
	_ =	sdelay $0x4  }
0x2e1: {  	[tilespmem:v37+s20+$0x0] =	vst.idx.msk $0xffff, v36  }
0x2e2: {  	v36 =	vor.u32 $0x370, v0;
	v37 =	vld.idx.msk [tilespmem:v40+s17+$0x0], $0xffff  }
0x2e3: {  	v39 =	vor.u32 v36, v28;
	_ =	sdelay $0x4  }
0x2e4: {  	[tilespmem:v39+s20+$0x0] =	vst.idx.msk $0xffff, v37  }
0x2e5: {  	v37 =	vor.u32 $0x3F0, v0;
	v38 =	vld.idx.msk [tilespmem:v38+s17+$0x0], $0xffff  }
0x2e6: {  	v28 =	vor.u32 v37, v28;
	_ =	sdelay $0x4  }
0x2e7: {  	v29 =	vadd.s32 $0x8, v29;
	[tilespmem:v28+s20+$0x0] =	vst.idx.msk $0xffff, v38  }
0x2e8: {  	v39 =	vadd.s32 $0x1, v42;
	v28 =	vshll.u32 v29, $0x7;
	v38 =	vld.idx.msk [tilespmem:v42+s17+$0x0], $0xffff  }
0x2e9: {  	vm0 =	vlt.s32 v39, v27;
	v40 =	vor.u32 v30, v28  }
0x2ea: {  	v39 =	vsel vm0, v39, v27  }
0x2eb: {  	v41 =	vadd.s32 $0x1, v39  }
0x2ec: {  	vm0 =	vlt.s32 v41, v27  }
0x2ed: {  	v42 =	vsel vm0, v41, v27  }
0x2ee: {  	[tilespmem:v40+s20+$0x0] =	vst.idx.msk $0xffff, v38;
	v38 =	vadd.s32 $0x1, v42  }
0x2ef: {  	v39 =	vld.idx.msk [tilespmem:v39+s17+$0x0], $0xffff;
	vm0 =	vlt.s32 v38, v27  }
0x2f0: {  	v40 =	vor.u32 v31, v28;
	v43 =	vsel vm0, v38, v27  }
0x2f1: {  	v38 =	vadd.s32 $0x1, v43  }
0x2f2: {  	vm0 =	vlt.s32 v38, v27  }
0x2f3: {  	v41 =	vsel vm0, v38, v27  }
0x2f4: {  	v38 =	vadd.s32 $0x1, v41  }
0x2f5: {  	[tilespmem:v40+s20+$0x0] =	vst.idx.msk $0xffff, v39;
	vm0 =	vlt.s32 v38, v27  }
0x2f6: {  	v42 =	vld.idx.msk [tilespmem:v42+s17+$0x0], $0xffff;
	v39 =	vsel vm0, v38, v27  }
0x2f7: {  	v38 =	vor.u32 v32, v28;
	v40 =	vadd.s32 $0x1, v39  }
0x2f8: {  	vm0 =	vlt.s32 v40, v27  }
0x2f9: {  	v40 =	vsel vm0, v40, v27  }
0x2fa: {  	v44 =	vadd.s32 $0x1, v40  }
.Ltmp8:
0x2fb: {  	vm0 =	vlt.s32 v44, v27;
	(pc) =	sbr.rel @p0 .LBB2_19-.Ltmp8, $4  }
0x2fc: {  	[tilespmem:v38+s20+$0x0] =	vst.idx.msk $0xffff, v42;
	v38 =	vsel vm0, v44, v27  }
0x2fd: {  	v43 =	vld.idx.msk [tilespmem:v43+s17+$0x0], $0xffff;
	v42 =	vadd.s32 $0x1, v38  }
0x2fe: {  	v44 =	vor.u32 v33, v28;
	vm0 =	vlt.s32 v42, v27  }
0x2ff: {  	v42 =	vsel vm0, v42, v27  }
0x300: {  	_ =	sdelay $0x3  }
0x301: {  	[tilespmem:v44+s20+$0x0] =	vst.idx.msk $0xffff, v43  }
0x302: {  	v29 =	vor.u32 v34, v28;
	v27 =	vld.idx.msk [tilespmem:v41+s17+$0x0], $0xffff;
	_ =	sdelay $0x4  }
0x303: {  	[tilespmem:v29+s20+$0x0] =	vst.idx.msk $0xffff, v27  }
0x304: {  	v61 =	vor.u32 v35, v28;
	v27 =	vld.idx.msk [tilespmem:v39+s17+$0x0], $0xffff;
	_ =	sdelay $0x4  }
0x305: {  	[tilespmem:v61+s20+$0x0] =	vst.idx.msk $0xffff, v27  }
0x306: {  	v62 =	vor.u32 v36, v28;
	v27 =	vld.idx.msk [tilespmem:v40+s17+$0x0], $0xffff;
	_ =	sdelay $0x4  }
0x307: {  	s25 =	sadd.s32 $0x1, s25;
	[tilespmem:v62+s20+$0x0] =	vst.idx.msk $0xffff, v27  }
0x308: {  	v63 =	vor.u32 v37, v28;
	p0 =	sne.s32 s25, $0x10;
	v27 =	vld.idx.msk [tilespmem:v38+s17+$0x0], $0xffff  }
.Ltmp9:
0x309: {  	_ = 	snop;
	(pc) =	sbr.rel @p0 .LBB2_2-.Ltmp9, $2  }
0x30a: {  	_ =	sdelay $0x2  }
0x30b: {  	[tilespmem:v63+s20+$0x0] =	vst.idx.msk $0xffff, v27  }
0x30c: {  	s24 =	sadd.s32 $0x1, s24  }
0x30d: {  	p0 =	sne.s32 s24, s9  }
.Ltmp10:
0x30e: {  	_ = 	snop;
	(pc) =	sbr.rel @p0 .LBB2_1-.Ltmp10, $4  }
0x30f: {  	[hbm4b:s8+s22] =	stream.strided.scatter [tilespmem:s20], [sflag:$0x3], $0x2000, s23, s22, $0x38;
	[tilespmem:$0x13300] =	vst v63  }
0x310: {  	_ =	swait.ge [sflag:s10], $0x2000  }
0x311: {  	[sflag:s10] =	ssyncset.done $0x0  }
0x312: {  	[sflag:s10] =	ssyncadd.s32 $0xFFFFE000  }
0x313: {  	_ =	sfence.sel $0x180000  }
0x314: {  	[bflag:$0x0] =	sbarrier.arrive $0xFFFF  }
0x315: {  	p0 =	sne.s32 s0, $0x0;
	_ =	strace $0x9000004A  }
0x316: {  	s0 =	sadd.s32 @!p0 $0x100000, s1;
	[bflag:$0x2] =	sbarrier.arrive $0xFFFF  }
0x317: {  	[sflag:s0] =	ssyncadd.tile.s32 @!p0 $0x1;
	_ =	shalt  }
.Lfunc_end2:
_tile_overlayer_lowered:
.L_overlay_start_2:
0x318: {  	(tag) =	ssettag $0x2  }
0x319: {  	s0 =	rddreg [dreg:$0x0];
	s2 =	stileid.u32  }
0x31a: {  	s1 =	rddreg [dreg:$0x1];
	p0 =	sne.s32 s2, $0x0  }
0x31b: {  	s3 =	rddreg [dreg:$0x2];
	[bflag:$0x3] =	sbarrier.arrive $0xFFFF;
	s2 =	simm.s32 @!p0 $0x1C03  }
0x31c: {  	[timem:s3], [sflag:s2] =	dma.local @!p0 [hbm:s0], s1  }
0x31d: {  	s0 =	simm.s32 @!p0 $0x3  }
0x31e: {  	_ =	swait.ge @!p0 [sflag:s0], s1  }
0x31f: {  	s1 =	ssub.s32 @!p0 $0x0, s1;
	[sflag:s0] =	ssyncset.done @!p0 $0x0  }
0x320: {  	[sflag:s0] =	ssyncadd.s32 @!p0 s1  }
0x321: {  	[bflag:$0x3] =	sbarrier.arrive $0xFFFF  }
0x322: {  	_ =	shalt  }

</sc_bundles>
